<compile_context>
chip_gen: v7x
topology: tpu7x:2x2x1
jax: 0.10.2.dev20260603
libtpu: 0.0.44.dev20260713+nightly
codegen_flags: <defaults>
</compile_context>

<pallas_src>
import functools

import jax
import jax.numpy as jnp
from jax import lax
from jax.experimental import pallas as pl
from jax.experimental.pallas import tpu as pltpu
from jax.experimental.pallas import tpu_sc as plsc

_EPS = 1e-5
_NC = 2
_NS = 16
_NW = _NC * _NS


def _chunk_size(epw, cap=128):
    for k in range(cap, 0, -8):
        if epw % k == 0:
            return k
    raise ValueError(f"per-worker edge count {epw} has no aligned chunk size")


def _padded_rows(N):
    CH = _chunk_size(N)
    ncopy = -(-(N // CH) // _NS)
    return _NS * ncopy * CH


@functools.lru_cache(maxsize=None)
def _make_agg(N, E, W):
    epw = E // _NW
    K = _chunk_size(epw, 80)
    nchunks = epw // K
    CH = _chunk_size(N)
    ncopy = -(-(N // CH) // _NS)
    Np = _NS * ncopy * CH

    mesh = plsc.VectorSubcoreMesh(core_axis_name="c", subcore_axis_name="s")

    @functools.partial(
        pl.kernel, mesh=mesh,
        out_type=(jax.ShapeDtypeStruct((_NC, Np, W), jnp.float32),),
        scratch_types=(
            pltpu.VMEM((epw,), jnp.int32),
            pltpu.VMEM((nchunks, K), jnp.int32),
            pltpu.VMEM((K, W), jnp.float32),
            pltpu.VMEM((CH, W), jnp.float32),
            pltpu.VMEM_SHARED((Np, W), jnp.float32),
            pltpu.SemaphoreType.DMA,
        ),
        name=f"sage_agg_w{W}")
    def agg(table, src3, dst3, zrows, part, src_all, dst_all,
            rows_a, zbuf, agg_sh, sem_a):
        c = lax.axis_index("c")
        s = lax.axis_index("s")
        wid = s * _NC + c
        row0 = s * ncopy * CH

        pltpu.sync_copy(src3.at[wid], src_all)
        pltpu.sync_copy(dst3.at[wid], dst_all)

        pltpu.sync_copy(zrows, zbuf)
        for j in range(ncopy):
            pltpu.sync_copy(zbuf, agg_sh.at[pl.ds(row0 + j * CH, CH)])
        plsc.subcore_barrier()

        def chunk(i, carry):
            pltpu.async_copy(table.at[src_all.at[pl.ds(i * K, K)]], rows_a,
                             sem_a).wait()
            pltpu.sync_copy(rows_a, agg_sh.at[dst_all.at[i]], add=True)
            return carry

        lax.fori_loop(0, nchunks, chunk, 0)
        plsc.subcore_barrier()

        for j in range(ncopy):
            base = row0 + j * CH
            pltpu.sync_copy(agg_sh.at[pl.ds(base, CH)], zbuf)
            pltpu.sync_copy(zbuf, part.at[c, pl.ds(base, CH)])

    return agg


@functools.lru_cache(maxsize=None)
def _make_deg(N, E, W):
    epw = E // _NW
    K = _chunk_size(epw, 80)
    nchunks = epw // K
    CH = _chunk_size(N)
    ncopy = -(-(N // CH) // _NS)
    Np = _NS * ncopy * CH

    mesh = plsc.VectorSubcoreMesh(core_axis_name="c", subcore_axis_name="s")

    @functools.partial(
        pl.kernel, mesh=mesh,
        out_type=(jax.ShapeDtypeStruct((_NC, Np, W), jnp.float32),),
        scratch_types=(
            pltpu.VMEM((nchunks, K), jnp.int32),
            pltpu.VMEM((K, W), jnp.float32),
            pltpu.VMEM((CH, W), jnp.float32),
            pltpu.VMEM_SHARED((Np, W), jnp.float32),
        ),
        name="sage_deg")
    def deg(dst3, zrows, ones_h, dpart, dst_all, ones_v, zbuf, deg_sh):
        c = lax.axis_index("c")
        s = lax.axis_index("s")
        wid = s * _NC + c
        row0 = s * ncopy * CH

        pltpu.sync_copy(dst3.at[wid], dst_all)
        pltpu.sync_copy(zrows, zbuf)
        pltpu.sync_copy(ones_h, ones_v)
        for j in range(ncopy):
            pltpu.sync_copy(zbuf, deg_sh.at[pl.ds(row0 + j * CH, CH)])
        plsc.subcore_barrier()

        def chunk(i, carry):
            pltpu.sync_copy(ones_v, deg_sh.at[dst_all.at[i]], add=True)
            return carry

        lax.fori_loop(0, nchunks, chunk, 0)
        plsc.subcore_barrier()

        for j in range(ncopy):
            base = row0 + j * CH
            pltpu.sync_copy(deg_sh.at[pl.ds(base, CH)], zbuf)
            pltpu.sync_copy(zbuf, dpart.at[c, pl.ds(base, CH)])

    return deg


def _tc_layer(h, part, deg16, w_s, b_s, w_n, b_n, gamma, beta):
    N, F = h.shape
    H = w_s.shape[1]

    def body(h_ref, p_ref, d_ref, ws_ref, bs_ref, wn_ref, bn_ref,
             g_ref, be_ref, y_ref):
        deg = d_ref[0, :N] + d_ref[1, :N]
        inv = 1.0 / jnp.maximum(deg[:, 0:1], 1.0)
        a = (p_ref[0, :N, :F] + p_ref[1, :N, :F]) * inv
        z = (jnp.dot(h_ref[...], ws_ref[...], preferred_element_type=jnp.float32)
             + jnp.dot(a, wn_ref[...], preferred_element_type=jnp.float32)
             + bs_ref[...] + bn_ref[...])
        mu = jnp.mean(z, axis=0, keepdims=True)
        var = jnp.mean((z - mu) ** 2, axis=0, keepdims=True)
        yn = (z - mu) * lax.rsqrt(var + _EPS) * g_ref[...] + be_ref[...]
        y_ref[...] = jnp.maximum(yn, 0.0)

    return pl.pallas_call(
        body,
        out_shape=jax.ShapeDtypeStruct((N, H), jnp.float32),
        name="sage_dense_bn_relu",
    )(h, part, deg16, w_s, b_s.reshape(1, -1), w_n, b_n.reshape(1, -1),
      gamma.reshape(1, -1), beta.reshape(1, -1))


def _tc_layer_final(h, part, deg16, w_s, b_s, w_n, b_n):
    N, F = h.shape
    C = w_s.shape[1]

    def body(h_ref, p_ref, d_ref, ws_ref, bs_ref, wn_ref, bn_ref, y_ref):
        deg = d_ref[0, :N] + d_ref[1, :N]
        inv = 1.0 / jnp.maximum(deg[:, 0:1], 1.0)
        a = (p_ref[0, :N, :F] + p_ref[1, :N, :F]) * inv
        y_ref[...] = (
            jnp.dot(h_ref[...], ws_ref[...], preferred_element_type=jnp.float32)
            + jnp.dot(a, wn_ref[...], preferred_element_type=jnp.float32)
            + bs_ref[...] + bn_ref[...])

    return pl.pallas_call(
        body,
        out_shape=jax.ShapeDtypeStruct((N, C), jnp.float32),
        name="sage_dense_final",
    )(h, part, deg16, w_s, b_s.reshape(1, -1), w_n, b_n.reshape(1, -1))


def kernel(x, edge_index,
           W_self0, b_self0, W_neigh0, b_neigh0, gamma0, beta0,
           W_self1, b_self1, W_neigh1, b_neigh1, gamma1, beta1,
           W_self2, b_self2, W_neigh2, b_neigh2):
    N, D = x.shape
    E = edge_index.shape[1]
    src = edge_index[0]
    dst = edge_index[1]

    CH = _chunk_size(N)
    epw = E // _NW
    K_deg = _chunk_size(epw, 80)
    K_agg = _chunk_size(epw, 80)

    zrows = jnp.zeros((CH, D), jnp.float32)
    ones_h = jnp.ones((K_deg, D), jnp.float32)
    src3 = src.reshape(_NW, epw)
    dst3 = dst.reshape(_NW, epw // K_agg, K_agg)
    dst3d = dst.reshape(_NW, epw // K_deg, K_deg)

    (deg16,) = _make_deg(N, E, D)(dst3d, zrows, ones_h)
    (part0,) = _make_agg(N, E, D)(x, src3, dst3, zrows)
    h1 = _tc_layer(x, part0, deg16, W_self0, b_self0, W_neigh0, b_neigh0,
                   gamma0, beta0)
    (part1,) = _make_agg(N, E, D)(h1, src3, dst3, zrows)
    h2 = _tc_layer(h1, part1, deg16, W_self1, b_self1, W_neigh1, b_neigh1,
                   gamma1, beta1)
    (part2,) = _make_agg(N, E, D)(h2, src3, dst3, zrows)
    return _tc_layer_final(h2, part2, deg16, W_self2, b_self2,
                           W_neigh2, b_neigh2)

# --- scband reference (transcript-rebuilt; emitter-appended) ---
"""Pipeline reference for scband-gnn-69088843923647 (READ-ONLY COPY).

The authoritative reference and input builder live on the scoring server;
editing this copy changes nothing except your own understanding.
"""

import jax, jax.numpy as jnp
import numpy as np

N = 10000
E = 320000
D = 128
H = 128
C = 40
EPS = 1e-5


def setup_inputs(seed: int = 0) -> dict:
    key = jax.random.key(seed)
    ks = jax.random.split(key, 16)
    inp = {}
    inp['x'] = jax.random.normal(ks[0], (N, D), dtype=jnp.float32)
    inp['edge_index'] = jax.random.randint(ks[1], (2, E), 0, N, dtype=jnp.int32)
    # Layer 0: SAGEConv(D -> H), Layer 1: SAGEConv(H -> H), Layer 2: SAGEConv(H -> C)
    inp['W_self0'] = jax.random.normal(ks[2], (D, H), dtype=jnp.float32) * 0.05
    inp['b_self0'] = jnp.zeros((H,), dtype=jnp.float32)
    inp['W_neigh0'] = jax.random.normal(ks[3], (D, H), dtype=jnp.float32) * 0.05
    inp['b_neigh0'] = jnp.zeros((H,), dtype=jnp.float32)
    inp['gamma0'] = jnp.ones((H,), dtype=jnp.float32)
    inp['beta0'] = jnp.zeros((H,), dtype=jnp.float32)
    inp['W_self1'] = jax.random.normal(ks[4], (H, H), dtype=jnp.float32) * 0.05
    inp['b_self1'] = jnp.zeros((H,), dtype=jnp.float32)
    inp['W_neigh1'] = jax.random.normal(ks[5], (H, H), dtype=jnp.float32) * 0.05
    inp['b_neigh1'] = jnp.zeros((H,), dtype=jnp.float32)
    inp['gamma1'] = jnp.ones((H,), dtype=jnp.float32)
    inp['beta1'] = jnp.zeros((H,), dtype=jnp.float32)
    inp['W_self2'] = jax.random.normal(ks[6], (H, C), dtype=jnp.float32) * 0.05
    inp['b_self2'] = jnp.zeros((C,), dtype=jnp.float32)
    inp['W_neigh2'] = jax.random.normal(ks[7], (H, C), dtype=jnp.float32) * 0.05
    inp['b_neigh2'] = jnp.zeros((C,), dtype=jnp.float32)
    return inp


def _sage_conv(h, edge_index, W_self, b_self, W_neigh, b_neigh):
    # DGL SAGEConv with 'mean' aggregator:
    #   rst = fc_self(h_dst) + fc_neigh(mean_{src->dst} h_src)
    src = edge_index[0]
    dst = edge_index[1]
    msg = jnp.take(h, src, axis=0)                                   # gather
    agg = jax.ops.segment_sum(msg, dst, num_segments=N)              # scatter-add
    deg = jax.ops.segment_sum(jnp.ones((msg.shape[0],), dtype=h.dtype), dst, num_segments=N)
    agg = agg / jnp.maximum(deg, 1.0)[:, None]                       # mean
    return h @ W_self + b_self + agg @ W_neigh + b_neigh


def _batch_norm_train(h, gamma, beta):
    mu = jnp.mean(h, axis=0)
    var = jnp.var(h, axis=0)
    return (h - mu) / jnp.sqrt(var + EPS) * gamma + beta


def reference(x, edge_index,
              W_self0, b_self0, W_neigh0, b_neigh0, gamma0, beta0,
              W_self1, b_self1, W_neigh1, b_neigh1, gamma1, beta1,
              W_self2, b_self2, W_neigh2, b_neigh2):
    # fullbatch_forward with dropout p=0.0 (identity) and BatchNorm in train mode
    h = _sage_conv(x, edge_index, W_self0, b_self0, W_neigh0, b_neigh0)
    h = _batch_norm_train(h, gamma0, beta0)
    h = jax.nn.relu(h)
    h = _sage_conv(h, edge_index, W_self1, b_self1, W_neigh1, b_neigh1)
    h = _batch_norm_train(h, gamma1, beta1)
    h = jax.nn.relu(h)
    h = _sage_conv(h, edge_index, W_self2, b_self2, W_neigh2, b_neigh2)
    return h

if __name__ == "__main__":
    import jax
    _d = setup_inputs()
    print(jax.jit(kernel)(*tuple(_d.values())))

</pallas_src>

<mosaic_0001>
#map = affine_map<(d0, d1) -> (0, 0, 0)>
#map1 = affine_map<(d0, d1) -> (0, 0)>
module attributes {stable_mosaic.version = 14 : i64} {
  func.func @sage_deg(%arg0: i32, %arg1: i32, %arg2: memref<32x125x80xi32, #tpu.memory_space<hbm>>, %arg3: memref<80x128xf32, #tpu.memory_space<hbm>>, %arg4: memref<80x128xf32, #tpu.memory_space<hbm>>, %arg5: memref<2x10240x128xf32, #tpu.memory_space<hbm>>, %arg6: memref<125x80xi32, #tpu.memory_space<vmem>>, %arg7: memref<80x128xf32, #tpu.memory_space<vmem>>, %arg8: memref<80x128xf32, #tpu.memory_space<vmem>>, %arg9: memref<10240x128xf32, #tpu.memory_space<vmem_shared>>) attributes {dimension_semantics = [#tpu.dimension_semantics<core_parallel>, #tpu.dimension_semantics<subcore_parallel>], iteration_bounds = array<i64: 2, 16>, scalar_prefetch = 0 : i64, scratch_operands = 4 : i64, tpu.core_type = #tpu.core_type<sc_vector_subcore>, window_params = [{transform_indices = #map}, {transform_indices = #map1}, {transform_indices = #map1}, {transform_indices = #map}]} {
    %mul3A = arith.constant 2 : i32
    %mul3A_0 = arith.muli %arg1, %mul3A : i32
    %add3A = arith.addi %mul3A_0, %arg0 : i32
    %mul3A_1 = arith.constant 8 : i32
    %mul3A_2 = arith.muli %arg1, %mul3A_1 : i32
    %mul3A_3 = arith.constant 80 : i32
    %mul3A_4 = arith.muli %mul3A_2, %mul3A_3 : i32
    "tpu.region"() ({
      %run_scoped3A = tpu.sem_alloc : memref<!tpu.dma_semaphore, #tpu.memory_space<semaphore_mem>>
      %dma_start3A = arith.constant 0 : i32
      %dma_start3A_43 = arith.constant 0 : i32
      %dma_start3A_44 = tpu.memref_slice %arg2[%add3A, %dma_start3A, %dma_start3A_43] : memref<32x125x80xi32, #tpu.memory_space<hbm>> -> memref<1x125x80xi32, #tpu.memory_space<hbm>>
      %dma_start3A_45 = tpu.memref_squeeze %dma_start3A_44 : memref<1x125x80xi32, #tpu.memory_space<hbm>> -> memref<125x80xi32, #tpu.memory_space<hbm>>
      %dma_start3A_46 = arith.constant 0 : i32
      %dma_start3A_47 = arith.constant 0 : i32
      %dma_start3A_48 = tpu.memref_slice %arg2[%add3A, %dma_start3A_46, %dma_start3A_47] : memref<32x125x80xi32, #tpu.memory_space<hbm>> -> memref<1x125x80xi32, #tpu.memory_space<hbm>>
      %dma_start3A_49 = tpu.memref_squeeze %dma_start3A_48 : memref<1x125x80xi32, #tpu.memory_space<hbm>> -> memref<125x80xi32, #tpu.memory_space<hbm>>
      tpu.enqueue_dma source(%dma_start3A_49 : memref<125x80xi32, #tpu.memory_space<hbm>>) target(%arg6 : memref<125x80xi32, #tpu.memory_space<vmem>>) target_semaphore(%run_scoped3A : memref<!tpu.dma_semaphore, #tpu.memory_space<semaphore_mem>>)
      %dma_wait3A = arith.constant 0 : i32
      %dma_wait3A_50 = arith.constant 0 : i32
      %dma_wait3A_51 = tpu.memref_slice %arg2[%add3A, %dma_wait3A, %dma_wait3A_50] : memref<32x125x80xi32, #tpu.memory_space<hbm>> -> memref<1x125x80xi32, #tpu.memory_space<hbm>>
      %dma_wait3A_52 = tpu.memref_squeeze %dma_wait3A_51 : memref<1x125x80xi32, #tpu.memory_space<hbm>> -> memref<125x80xi32, #tpu.memory_space<hbm>>
      %dma_wait3A_53 = arith.constant 0 : i32
      %dma_wait3A_54 = arith.constant 0 : i32
      %dma_wait3A_55 = tpu.memref_slice %arg2[%add3A, %dma_wait3A_53, %dma_wait3A_54] : memref<32x125x80xi32, #tpu.memory_space<hbm>> -> memref<1x125x80xi32, #tpu.memory_space<hbm>>
      %dma_wait3A_56 = tpu.memref_squeeze %dma_wait3A_55 : memref<1x125x80xi32, #tpu.memory_space<hbm>> -> memref<125x80xi32, #tpu.memory_space<hbm>>
      tpu.wait_dma2 semaphore(%run_scoped3A : memref<!tpu.dma_semaphore, #tpu.memory_space<semaphore_mem>>) src(%dma_wait3A_56 : memref<125x80xi32, #tpu.memory_space<hbm>>) dst(%arg6 : memref<125x80xi32, #tpu.memory_space<vmem>>)
      tpu.yield
    }) : () -> ()
    "tpu.region"() ({
      %run_scoped3A = tpu.sem_alloc : memref<!tpu.dma_semaphore, #tpu.memory_space<semaphore_mem>>
      tpu.enqueue_dma source(%arg3 : memref<80x128xf32, #tpu.memory_space<hbm>>) target(%arg8 : memref<80x128xf32, #tpu.memory_space<vmem>>) target_semaphore(%run_scoped3A : memref<!tpu.dma_semaphore, #tpu.memory_space<semaphore_mem>>)
      tpu.wait_dma2 semaphore(%run_scoped3A : memref<!tpu.dma_semaphore, #tpu.memory_space<semaphore_mem>>) src(%arg3 : memref<80x128xf32, #tpu.memory_space<hbm>>) dst(%arg8 : memref<80x128xf32, #tpu.memory_space<vmem>>)
      tpu.yield
    }) : () -> ()
    "tpu.region"() ({
      %run_scoped3A = tpu.sem_alloc : memref<!tpu.dma_semaphore, #tpu.memory_space<semaphore_mem>>
      tpu.enqueue_dma source(%arg4 : memref<80x128xf32, #tpu.memory_space<hbm>>) target(%arg7 : memref<80x128xf32, #tpu.memory_space<vmem>>) target_semaphore(%run_scoped3A : memref<!tpu.dma_semaphore, #tpu.memory_space<semaphore_mem>>)
      tpu.wait_dma2 semaphore(%run_scoped3A : memref<!tpu.dma_semaphore, #tpu.memory_space<semaphore_mem>>) src(%arg4 : memref<80x128xf32, #tpu.memory_space<hbm>>) dst(%arg7 : memref<80x128xf32, #tpu.memory_space<vmem>>)
      tpu.yield
    }) : () -> ()
    %add3A_5 = arith.constant 0 : i32
    %add3A_6 = arith.addi %mul3A_4, %add3A_5 : i32
    "tpu.region"() ({
      %run_scoped3A = tpu.sem_alloc : memref<!tpu.dma_semaphore, #tpu.memory_space<semaphore_mem>>
      %dma_start3A = arith.constant 0 : i32
      %dma_start3A_43 = tpu.memref_slice %arg9[%add3A_6, %dma_start3A] : memref<10240x128xf32, #tpu.memory_space<vmem_shared>> -> memref<80x128xf32, #tpu.memory_space<vmem_shared>>
      %dma_start3A_44 = arith.constant 0 : i32
      %dma_start3A_45 = tpu.memref_slice %arg9[%add3A_6, %dma_start3A_44] : memref<10240x128xf32, #tpu.memory_space<vmem_shared>> -> memref<80x128xf32, #tpu.memory_space<vmem_shared>>
      tpu.enqueue_dma source(%arg8 : memref<80x128xf32, #tpu.memory_space<vmem>>) target(%dma_start3A_45 : memref<80x128xf32, #tpu.memory_space<vmem_shared>>) target_semaphore(%run_scoped3A : memref<!tpu.dma_semaphore, #tpu.memory_space<semaphore_mem>>)
      %dma_wait3A = arith.constant 0 : i32
      %dma_wait3A_46 = tpu.memref_slice %arg9[%add3A_6, %dma_wait3A] : memref<10240x128xf32, #tpu.memory_space<vmem_shared>> -> memref<80x128xf32, #tpu.memory_space<vmem_shared>>
      %dma_wait3A_47 = arith.constant 0 : i32
      %dma_wait3A_48 = tpu.memref_slice %arg9[%add3A_6, %dma_wait3A_47] : memref<10240x128xf32, #tpu.memory_space<vmem_shared>> -> memref<80x128xf32, #tpu.memory_space<vmem_shared>>
      tpu.wait_dma2 semaphore(%run_scoped3A : memref<!tpu.dma_semaphore, #tpu.memory_space<semaphore_mem>>) src(%arg8 : memref<80x128xf32, #tpu.memory_space<vmem>>) dst(%dma_wait3A_48 : memref<80x128xf32, #tpu.memory_space<vmem_shared>>)
      tpu.yield
    }) : () -> ()
    %add3A_7 = arith.constant 80 : i32
    %add3A_8 = arith.addi %mul3A_4, %add3A_7 : i32
    "tpu.region"() ({
      %run_scoped3A = tpu.sem_alloc : memref<!tpu.dma_semaphore, #tpu.memory_space<semaphore_mem>>
      %dma_start3A = arith.constant 0 : i32
      %dma_start3A_43 = tpu.memref_slice %arg9[%add3A_8, %dma_start3A] : memref<10240x128xf32, #tpu.memory_space<vmem_shared>> -> memref<80x128xf32, #tpu.memory_space<vmem_shared>>
      %dma_start3A_44 = arith.constant 0 : i32
      %dma_start3A_45 = tpu.memref_slice %arg9[%add3A_8, %dma_start3A_44] : memref<10240x128xf32, #tpu.memory_space<vmem_shared>> -> memref<80x128xf32, #tpu.memory_space<vmem_shared>>
      tpu.enqueue_dma source(%arg8 : memref<80x128xf32, #tpu.memory_space<vmem>>) target(%dma_start3A_45 : memref<80x128xf32, #tpu.memory_space<vmem_shared>>) target_semaphore(%run_scoped3A : memref<!tpu.dma_semaphore, #tpu.memory_space<semaphore_mem>>)
      %dma_wait3A = arith.constant 0 : i32
      %dma_wait3A_46 = tpu.memref_slice %arg9[%add3A_8, %dma_wait3A] : memref<10240x128xf32, #tpu.memory_space<vmem_shared>> -> memref<80x128xf32, #tpu.memory_space<vmem_shared>>
      %dma_wait3A_47 = arith.constant 0 : i32
      %dma_wait3A_48 = tpu.memref_slice %arg9[%add3A_8, %dma_wait3A_47] : memref<10240x128xf32, #tpu.memory_space<vmem_shared>> -> memref<80x128xf32, #tpu.memory_space<vmem_shared>>
      tpu.wait_dma2 semaphore(%run_scoped3A : memref<!tpu.dma_semaphore, #tpu.memory_space<semaphore_mem>>) src(%arg8 : memref<80x128xf32, #tpu.memory_space<vmem>>) dst(%dma_wait3A_48 : memref<80x128xf32, #tpu.memory_space<vmem_shared>>)
      tpu.yield
    }) : () -> ()
    %add3A_9 = arith.constant 160 : i32
    %add3A_10 = arith.addi %mul3A_4, %add3A_9 : i32
    "tpu.region"() ({
      %run_scoped3A = tpu.sem_alloc : memref<!tpu.dma_semaphore, #tpu.memory_space<semaphore_mem>>
      %dma_start3A = arith.constant 0 : i32
      %dma_start3A_43 = tpu.memref_slice %arg9[%add3A_10, %dma_start3A] : memref<10240x128xf32, #tpu.memory_space<vmem_shared>> -> memref<80x128xf32, #tpu.memory_space<vmem_shared>>
      %dma_start3A_44 = arith.constant 0 : i32
      %dma_start3A_45 = tpu.memref_slice %arg9[%add3A_10, %dma_start3A_44] : memref<10240x128xf32, #tpu.memory_space<vmem_shared>> -> memref<80x128xf32, #tpu.memory_space<vmem_shared>>
      tpu.enqueue_dma source(%arg8 : memref<80x128xf32, #tpu.memory_space<vmem>>) target(%dma_start3A_45 : memref<80x128xf32, #tpu.memory_space<vmem_shared>>) target_semaphore(%run_scoped3A : memref<!tpu.dma_semaphore, #tpu.memory_space<semaphore_mem>>)
      %dma_wait3A = arith.constant 0 : i32
      %dma_wait3A_46 = tpu.memref_slice %arg9[%add3A_10, %dma_wait3A] : memref<10240x128xf32, #tpu.memory_space<vmem_shared>> -> memref<80x128xf32, #tpu.memory_space<vmem_shared>>
      %dma_wait3A_47 = arith.constant 0 : i32
      %dma_wait3A_48 = tpu.memref_slice %arg9[%add3A_10, %dma_wait3A_47] : memref<10240x128xf32, #tpu.memory_space<vmem_shared>> -> memref<80x128xf32, #tpu.memory_space<vmem_shared>>
      tpu.wait_dma2 semaphore(%run_scoped3A : memref<!tpu.dma_semaphore, #tpu.memory_space<semaphore_mem>>) src(%arg8 : memref<80x128xf32, #tpu.memory_space<vmem>>) dst(%dma_wait3A_48 : memref<80x128xf32, #tpu.memory_space<vmem_shared>>)
      tpu.yield
    }) : () -> ()
    %add3A_11 = arith.constant 240 : i32
    %add3A_12 = arith.addi %mul3A_4, %add3A_11 : i32
    "tpu.region"() ({
      %run_scoped3A = tpu.sem_alloc : memref<!tpu.dma_semaphore, #tpu.memory_space<semaphore_mem>>
      %dma_start3A = arith.constant 0 : i32
      %dma_start3A_43 = tpu.memref_slice %arg9[%add3A_12, %dma_start3A] : memref<10240x128xf32, #tpu.memory_space<vmem_shared>> -> memref<80x128xf32, #tpu.memory_space<vmem_shared>>
      %dma_start3A_44 = arith.constant 0 : i32
      %dma_start3A_45 = tpu.memref_slice %arg9[%add3A_12, %dma_start3A_44] : memref<10240x128xf32, #tpu.memory_space<vmem_shared>> -> memref<80x128xf32, #tpu.memory_space<vmem_shared>>
      tpu.enqueue_dma source(%arg8 : memref<80x128xf32, #tpu.memory_space<vmem>>) target(%dma_start3A_45 : memref<80x128xf32, #tpu.memory_space<vmem_shared>>) target_semaphore(%run_scoped3A : memref<!tpu.dma_semaphore, #tpu.memory_space<semaphore_mem>>)
      %dma_wait3A = arith.constant 0 : i32
      %dma_wait3A_46 = tpu.memref_slice %arg9[%add3A_12, %dma_wait3A] : memref<10240x128xf32, #tpu.memory_space<vmem_shared>> -> memref<80x128xf32, #tpu.memory_space<vmem_shared>>
      %dma_wait3A_47 = arith.constant 0 : i32
      %dma_wait3A_48 = tpu.memref_slice %arg9[%add3A_12, %dma_wait3A_47] : memref<10240x128xf32, #tpu.memory_space<vmem_shared>> -> memref<80x128xf32, #tpu.memory_space<vmem_shared>>
      tpu.wait_dma2 semaphore(%run_scoped3A : memref<!tpu.dma_semaphore, #tpu.memory_space<semaphore_mem>>) src(%arg8 : memref<80x128xf32, #tpu.memory_space<vmem>>) dst(%dma_wait3A_48 : memref<80x128xf32, #tpu.memory_space<vmem_shared>>)
      tpu.yield
    }) : () -> ()
    %add3A_13 = arith.constant 320 : i32
    %add3A_14 = arith.addi %mul3A_4, %add3A_13 : i32
    "tpu.region"() ({
      %run_scoped3A = tpu.sem_alloc : memref<!tpu.dma_semaphore, #tpu.memory_space<semaphore_mem>>
      %dma_start3A = arith.constant 0 : i32
      %dma_start3A_43 = tpu.memref_slice %arg9[%add3A_14, %dma_start3A] : memref<10240x128xf32, #tpu.memory_space<vmem_shared>> -> memref<80x128xf32, #tpu.memory_space<vmem_shared>>
      %dma_start3A_44 = arith.constant 0 : i32
      %dma_start3A_45 = tpu.memref_slice %arg9[%add3A_14, %dma_start3A_44] : memref<10240x128xf32, #tpu.memory_space<vmem_shared>> -> memref<80x128xf32, #tpu.memory_space<vmem_shared>>
      tpu.enqueue_dma source(%arg8 : memref<80x128xf32, #tpu.memory_space<vmem>>) target(%dma_start3A_45 : memref<80x128xf32, #tpu.memory_space<vmem_shared>>) target_semaphore(%run_scoped3A : memref<!tpu.dma_semaphore, #tpu.memory_space<semaphore_mem>>)
      %dma_wait3A = arith.constant 0 : i32
      %dma_wait3A_46 = tpu.memref_slice %arg9[%add3A_14, %dma_wait3A] : memref<10240x128xf32, #tpu.memory_space<vmem_shared>> -> memref<80x128xf32, #tpu.memory_space<vmem_shared>>
      %dma_wait3A_47 = arith.constant 0 : i32
      %dma_wait3A_48 = tpu.memref_slice %arg9[%add3A_14, %dma_wait3A_47] : memref<10240x128xf32, #tpu.memory_space<vmem_shared>> -> memref<80x128xf32, #tpu.memory_space<vmem_shared>>
      tpu.wait_dma2 semaphore(%run_scoped3A : memref<!tpu.dma_semaphore, #tpu.memory_space<semaphore_mem>>) src(%arg8 : memref<80x128xf32, #tpu.memory_space<vmem>>) dst(%dma_wait3A_48 : memref<80x128xf32, #tpu.memory_space<vmem_shared>>)
      tpu.yield
    }) : () -> ()
    %add3A_15 = arith.constant 400 : i32
    %add3A_16 = arith.addi %mul3A_4, %add3A_15 : i32
    "tpu.region"() ({
      %run_scoped3A = tpu.sem_alloc : memref<!tpu.dma_semaphore, #tpu.memory_space<semaphore_mem>>
      %dma_start3A = arith.constant 0 : i32
      %dma_start3A_43 = tpu.memref_slice %arg9[%add3A_16, %dma_start3A] : memref<10240x128xf32, #tpu.memory_space<vmem_shared>> -> memref<80x128xf32, #tpu.memory_space<vmem_shared>>
      %dma_start3A_44 = arith.constant 0 : i32
      %dma_start3A_45 = tpu.memref_slice %arg9[%add3A_16, %dma_start3A_44] : memref<10240x128xf32, #tpu.memory_space<vmem_shared>> -> memref<80x128xf32, #tpu.memory_space<vmem_shared>>
      tpu.enqueue_dma source(%arg8 : memref<80x128xf32, #tpu.memory_space<vmem>>) target(%dma_start3A_45 : memref<80x128xf32, #tpu.memory_space<vmem_shared>>) target_semaphore(%run_scoped3A : memref<!tpu.dma_semaphore, #tpu.memory_space<semaphore_mem>>)
      %dma_wait3A = arith.constant 0 : i32
      %dma_wait3A_46 = tpu.memref_slice %arg9[%add3A_16, %dma_wait3A] : memref<10240x128xf32, #tpu.memory_space<vmem_shared>> -> memref<80x128xf32, #tpu.memory_space<vmem_shared>>
      %dma_wait3A_47 = arith.constant 0 : i32
      %dma_wait3A_48 = tpu.memref_slice %arg9[%add3A_16, %dma_wait3A_47] : memref<10240x128xf32, #tpu.memory_space<vmem_shared>> -> memref<80x128xf32, #tpu.memory_space<vmem_shared>>
      tpu.wait_dma2 semaphore(%run_scoped3A : memref<!tpu.dma_semaphore, #tpu.memory_space<semaphore_mem>>) src(%arg8 : memref<80x128xf32, #tpu.memory_space<vmem>>) dst(%dma_wait3A_48 : memref<80x128xf32, #tpu.memory_space<vmem_shared>>)
      tpu.yield
    }) : () -> ()
    %add3A_17 = arith.constant 480 : i32
    %add3A_18 = arith.addi %mul3A_4, %add3A_17 : i32
    "tpu.region"() ({
      %run_scoped3A = tpu.sem_alloc : memref<!tpu.dma_semaphore, #tpu.memory_space<semaphore_mem>>
      %dma_start3A = arith.constant 0 : i32
      %dma_start3A_43 = tpu.memref_slice %arg9[%add3A_18, %dma_start3A] : memref<10240x128xf32, #tpu.memory_space<vmem_shared>> -> memref<80x128xf32, #tpu.memory_space<vmem_shared>>
      %dma_start3A_44 = arith.constant 0 : i32
      %dma_start3A_45 = tpu.memref_slice %arg9[%add3A_18, %dma_start3A_44] : memref<10240x128xf32, #tpu.memory_space<vmem_shared>> -> memref<80x128xf32, #tpu.memory_space<vmem_shared>>
      tpu.enqueue_dma source(%arg8 : memref<80x128xf32, #tpu.memory_space<vmem>>) target(%dma_start3A_45 : memref<80x128xf32, #tpu.memory_space<vmem_shared>>) target_semaphore(%run_scoped3A : memref<!tpu.dma_semaphore, #tpu.memory_space<semaphore_mem>>)
      %dma_wait3A = arith.constant 0 : i32
      %dma_wait3A_46 = tpu.memref_slice %arg9[%add3A_18, %dma_wait3A] : memref<10240x128xf32, #tpu.memory_space<vmem_shared>> -> memref<80x128xf32, #tpu.memory_space<vmem_shared>>
      %dma_wait3A_47 = arith.constant 0 : i32
      %dma_wait3A_48 = tpu.memref_slice %arg9[%add3A_18, %dma_wait3A_47] : memref<10240x128xf32, #tpu.memory_space<vmem_shared>> -> memref<80x128xf32, #tpu.memory_space<vmem_shared>>
      tpu.wait_dma2 semaphore(%run_scoped3A : memref<!tpu.dma_semaphore, #tpu.memory_space<semaphore_mem>>) src(%arg8 : memref<80x128xf32, #tpu.memory_space<vmem>>) dst(%dma_wait3A_48 : memref<80x128xf32, #tpu.memory_space<vmem_shared>>)
      tpu.yield
    }) : () -> ()
    %add3A_19 = arith.constant 560 : i32
    %add3A_20 = arith.addi %mul3A_4, %add3A_19 : i32
    "tpu.region"() ({
      %run_scoped3A = tpu.sem_alloc : memref<!tpu.dma_semaphore, #tpu.memory_space<semaphore_mem>>
      %dma_start3A = arith.constant 0 : i32
      %dma_start3A_43 = tpu.memref_slice %arg9[%add3A_20, %dma_start3A] : memref<10240x128xf32, #tpu.memory_space<vmem_shared>> -> memref<80x128xf32, #tpu.memory_space<vmem_shared>>
      %dma_start3A_44 = arith.constant 0 : i32
      %dma_start3A_45 = tpu.memref_slice %arg9[%add3A_20, %dma_start3A_44] : memref<10240x128xf32, #tpu.memory_space<vmem_shared>> -> memref<80x128xf32, #tpu.memory_space<vmem_shared>>
      tpu.enqueue_dma source(%arg8 : memref<80x128xf32, #tpu.memory_space<vmem>>) target(%dma_start3A_45 : memref<80x128xf32, #tpu.memory_space<vmem_shared>>) target_semaphore(%run_scoped3A : memref<!tpu.dma_semaphore, #tpu.memory_space<semaphore_mem>>)
      %dma_wait3A = arith.constant 0 : i32
      %dma_wait3A_46 = tpu.memref_slice %arg9[%add3A_20, %dma_wait3A] : memref<10240x128xf32, #tpu.memory_space<vmem_shared>> -> memref<80x128xf32, #tpu.memory_space<vmem_shared>>
      %dma_wait3A_47 = arith.constant 0 : i32
      %dma_wait3A_48 = tpu.memref_slice %arg9[%add3A_20, %dma_wait3A_47] : memref<10240x128xf32, #tpu.memory_space<vmem_shared>> -> memref<80x128xf32, #tpu.memory_space<vmem_shared>>
      tpu.wait_dma2 semaphore(%run_scoped3A : memref<!tpu.dma_semaphore, #tpu.memory_space<semaphore_mem>>) src(%arg8 : memref<80x128xf32, #tpu.memory_space<vmem>>) dst(%dma_wait3A_48 : memref<80x128xf32, #tpu.memory_space<vmem_shared>>)
      tpu.yield
    }) : () -> ()
    %barrier3A = arith.constant 0 : index
    tpu.barrier barrier_id(%barrier3A)
    %scan3A = arith.constant 0 : i32
    %scan3A_21 = arith.constant 0 : i32
    %scan3A_22 = arith.constant 125 : i32
    %scan3A_23 = arith.addi %scan3A_21, %scan3A_22 : i32
    %scan3A_24 = arith.constant 1 : i32
    scf.for %scan3A_43 = %scan3A_21 to %scan3A_23 step %scan3A_24  : i32 {
      "tpu.region"() ({
        %run_scoped3A = tpu.sem_alloc : memref<!tpu.dma_semaphore, #tpu.memory_space<semaphore_mem>>
        %dma_start3A = arith.constant 0 : i32
        %dma_start3A_44 = tpu.memref_slice %arg6[%scan3A_43, %dma_start3A] : memref<125x80xi32, #tpu.memory_space<vmem>> -> memref<1x80xi32, #tpu.memory_space<vmem>>
        %dma_start3A_45 = tpu.memref_squeeze %dma_start3A_44 : memref<1x80xi32, #tpu.memory_space<vmem>> -> memref<80xi32, #tpu.memory_space<vmem>>
        %dma_start3A_46 = arith.constant 0 : i32
        %dma_start3A_47 = arith.constant 0 : i32
        %dma_start3A_48 = tpu.memref_slice %arg9[%dma_start3A_46, %dma_start3A_47] : memref<10240x128xf32, #tpu.memory_space<vmem_shared>> -> memref<10240x128xf32, #tpu.memory_space<vmem_shared>>
        tpu.enqueue_indirect_dma source(%arg7 : memref<80x128xf32, #tpu.memory_space<vmem>>) target(%dma_start3A_48 : memref<10240x128xf32, #tpu.memory_space<vmem_shared>>) offsets(%dma_start3A_45 : memref<80xi32, #tpu.memory_space<vmem>>) semaphore(%run_scoped3A : memref<!tpu.dma_semaphore, #tpu.memory_space<semaphore_mem>>) {add = true}
        %dma_wait3A = arith.constant 0 : i32
        %dma_wait3A_49 = tpu.memref_slice %arg6[%scan3A_43, %dma_wait3A] : memref<125x80xi32, #tpu.memory_space<vmem>> -> memref<1x80xi32, #tpu.memory_space<vmem>>
        %dma_wait3A_50 = tpu.memref_squeeze %dma_wait3A_49 : memref<1x80xi32, #tpu.memory_space<vmem>> -> memref<80xi32, #tpu.memory_space<vmem>>
        %dma_wait3A_51 = arith.constant 0 : i32
        %dma_wait3A_52 = arith.constant 0 : i32
        %dma_wait3A_53 = tpu.memref_slice %arg9[%dma_wait3A_51, %dma_wait3A_52] : memref<10240x128xf32, #tpu.memory_space<vmem_shared>> -> memref<10240x128xf32, #tpu.memory_space<vmem_shared>>
        tpu.wait_indirect_dma semaphore(%run_scoped3A : memref<!tpu.dma_semaphore, #tpu.memory_space<semaphore_mem>>) src(%arg7 : memref<80x128xf32, #tpu.memory_space<vmem>>) dst(%dma_wait3A_53 : memref<10240x128xf32, #tpu.memory_space<vmem_shared>>)
        tpu.yield
      }) : () -> ()
    }
    %scan3A_25 = arith.constant 125 : i32
    %barrier3A_26 = arith.constant 0 : index
    tpu.barrier barrier_id(%barrier3A_26)
    %add3A_27 = arith.constant 0 : i32
    %add3A_28 = arith.addi %mul3A_4, %add3A_27 : i32
    "tpu.region"() ({
      %run_scoped3A = tpu.sem_alloc : memref<!tpu.dma_semaphore, #tpu.memory_space<semaphore_mem>>
      %dma_start3A = arith.constant 0 : i32
      %dma_start3A_43 = tpu.memref_slice %arg9[%add3A_28, %dma_start3A] : memref<10240x128xf32, #tpu.memory_space<vmem_shared>> -> memref<80x128xf32, #tpu.memory_space<vmem_shared>>
      %dma_start3A_44 = arith.constant 0 : i32
      %dma_start3A_45 = tpu.memref_slice %arg9[%add3A_28, %dma_start3A_44] : memref<10240x128xf32, #tpu.memory_space<vmem_shared>> -> memref<80x128xf32, #tpu.memory_space<vmem_shared>>
      tpu.enqueue_dma source(%dma_start3A_45 : memref<80x128xf32, #tpu.memory_space<vmem_shared>>) target(%arg8 : memref<80x128xf32, #tpu.memory_space<vmem>>) target_semaphore(%run_scoped3A : memref<!tpu.dma_semaphore, #tpu.memory_space<semaphore_mem>>)
      %dma_wait3A = arith.constant 0 : i32
      %dma_wait3A_46 = tpu.memref_slice %arg9[%add3A_28, %dma_wait3A] : memref<10240x128xf32, #tpu.memory_space<vmem_shared>> -> memref<80x128xf32, #tpu.memory_space<vmem_shared>>
      %dma_wait3A_47 = arith.constant 0 : i32
      %dma_wait3A_48 = tpu.memref_slice %arg9[%add3A_28, %dma_wait3A_47] : memref<10240x128xf32, #tpu.memory_space<vmem_shared>> -> memref<80x128xf32, #tpu.memory_space<vmem_shared>>
      tpu.wait_dma2 semaphore(%run_scoped3A : memref<!tpu.dma_semaphore, #tpu.memory_space<semaphore_mem>>) src(%dma_wait3A_48 : memref<80x128xf32, #tpu.memory_space<vmem_shared>>) dst(%arg8 : memref<80x128xf32, #tpu.memory_space<vmem>>)
      tpu.yield
    }) : () -> ()
    "tpu.region"() ({
      %run_scoped3A = tpu.sem_alloc : memref<!tpu.dma_semaphore, #tpu.memory_space<semaphore_mem>>
      %dma_start3A = arith.constant 0 : i32
      %dma_start3A_43 = tpu.memref_slice %arg5[%arg0, %add3A_28, %dma_start3A] : memref<2x10240x128xf32, #tpu.memory_space<hbm>> -> memref<1x80x128xf32, #tpu.memory_space<hbm>>
      %dma_start3A_44 = tpu.memref_squeeze %dma_start3A_43 : memref<1x80x128xf32, #tpu.memory_space<hbm>> -> memref<80x128xf32, #tpu.memory_space<hbm>>
      %dma_start3A_45 = arith.constant 0 : i32
      %dma_start3A_46 = tpu.memref_slice %arg5[%arg0, %add3A_28, %dma_start3A_45] : memref<2x10240x128xf32, #tpu.memory_space<hbm>> -> memref<1x80x128xf32, #tpu.memory_space<hbm>>
      %dma_start3A_47 = tpu.memref_squeeze %dma_start3A_46 : memref<1x80x128xf32, #tpu.memory_space<hbm>> -> memref<80x128xf32, #tpu.memory_space<hbm>>
      tpu.enqueue_dma source(%arg8 : memref<80x128xf32, #tpu.memory_space<vmem>>) target(%dma_start3A_47 : memref<80x128xf32, #tpu.memory_space<hbm>>) target_semaphore(%run_scoped3A : memref<!tpu.dma_semaphore, #tpu.memory_space<semaphore_mem>>)
      %dma_wait3A = arith.constant 0 : i32
      %dma_wait3A_48 = tpu.memref_slice %arg5[%arg0, %add3A_28, %dma_wait3A] : memref<2x10240x128xf32, #tpu.memory_space<hbm>> -> memref<1x80x128xf32, #tpu.memory_space<hbm>>
      %dma_wait3A_49 = tpu.memref_squeeze %dma_wait3A_48 : memref<1x80x128xf32, #tpu.memory_space<hbm>> -> memref<80x128xf32, #tpu.memory_space<hbm>>
      %dma_wait3A_50 = arith.constant 0 : i32
      %dma_wait3A_51 = tpu.memref_slice %arg5[%arg0, %add3A_28, %dma_wait3A_50] : memref<2x10240x128xf32, #tpu.memory_space<hbm>> -> memref<1x80x128xf32, #tpu.memory_space<hbm>>
      %dma_wait3A_52 = tpu.memref_squeeze %dma_wait3A_51 : memref<1x80x128xf32, #tpu.memory_space<hbm>> -> memref<80x128xf32, #tpu.memory_space<hbm>>
      tpu.wait_dma2 semaphore(%run_scoped3A : memref<!tpu.dma_semaphore, #tpu.memory_space<semaphore_mem>>) src(%arg8 : memref<80x128xf32, #tpu.memory_space<vmem>>) dst(%dma_wait3A_52 : memref<80x128xf32, #tpu.memory_space<hbm>>)
      tpu.yield
    }) : () -> ()
    %add3A_29 = arith.constant 80 : i32
    %add3A_30 = arith.addi %mul3A_4, %add3A_29 : i32
    "tpu.region"() ({
      %run_scoped3A = tpu.sem_alloc : memref<!tpu.dma_semaphore, #tpu.memory_space<semaphore_mem>>
      %dma_start3A = arith.constant 0 : i32
      %dma_start3A_43 = tpu.memref_slice %arg9[%add3A_30, %dma_start3A] : memref<10240x128xf32, #tpu.memory_space<vmem_shared>> -> memref<80x128xf32, #tpu.memory_space<vmem_shared>>
      %dma_start3A_44 = arith.constant 0 : i32
      %dma_start3A_45 = tpu.memref_slice %arg9[%add3A_30, %dma_start3A_44] : memref<10240x128xf32, #tpu.memory_space<vmem_shared>> -> memref<80x128xf32, #tpu.memory_space<vmem_shared>>
      tpu.enqueue_dma source(%dma_start3A_45 : memref<80x128xf32, #tpu.memory_space<vmem_shared>>) target(%arg8 : memref<80x128xf32, #tpu.memory_space<vmem>>) target_semaphore(%run_scoped3A : memref<!tpu.dma_semaphore, #tpu.memory_space<semaphore_mem>>)
      %dma_wait3A = arith.constant 0 : i32
      %dma_wait3A_46 = tpu.memref_slice %arg9[%add3A_30, %dma_wait3A] : memref<10240x128xf32, #tpu.memory_space<vmem_shared>> -> memref<80x128xf32, #tpu.memory_space<vmem_shared>>
      %dma_wait3A_47 = arith.constant 0 : i32
      %dma_wait3A_48 = tpu.memref_slice %arg9[%add3A_30, %dma_wait3A_47] : memref<10240x128xf32, #tpu.memory_space<vmem_shared>> -> memref<80x128xf32, #tpu.memory_space<vmem_shared>>
      tpu.wait_dma2 semaphore(%run_scoped3A : memref<!tpu.dma_semaphore, #tpu.memory_space<semaphore_mem>>) src(%dma_wait3A_48 : memref<80x128xf32, #tpu.memory_space<vmem_shared>>) dst(%arg8 : memref<80x128xf32, #tpu.memory_space<vmem>>)
      tpu.yield
    }) : () -> ()
    "tpu.region"() ({
      %run_scoped3A = tpu.sem_alloc : memref<!tpu.dma_semaphore, #tpu.memory_space<semaphore_mem>>
      %dma_start3A = arith.constant 0 : i32
      %dma_start3A_43 = tpu.memref_slice %arg5[%arg0, %add3A_30, %dma_start3A] : memref<2x10240x128xf32, #tpu.memory_space<hbm>> -> memref<1x80x128xf32, #tpu.memory_space<hbm>>
      %dma_start3A_44 = tpu.memref_squeeze %dma_start3A_43 : memref<1x80x128xf32, #tpu.memory_space<hbm>> -> memref<80x128xf32, #tpu.memory_space<hbm>>
      %dma_start3A_45 = arith.constant 0 : i32
      %dma_start3A_46 = tpu.memref_slice %arg5[%arg0, %add3A_30, %dma_start3A_45] : memref<2x10240x128xf32, #tpu.memory_space<hbm>> -> memref<1x80x128xf32, #tpu.memory_space<hbm>>
      %dma_start3A_47 = tpu.memref_squeeze %dma_start3A_46 : memref<1x80x128xf32, #tpu.memory_space<hbm>> -> memref<80x128xf32, #tpu.memory_space<hbm>>
      tpu.enqueue_dma source(%arg8 : memref<80x128xf32, #tpu.memory_space<vmem>>) target(%dma_start3A_47 : memref<80x128xf32, #tpu.memory_space<hbm>>) target_semaphore(%run_scoped3A : memref<!tpu.dma_semaphore, #tpu.memory_space<semaphore_mem>>)
      %dma_wait3A = arith.constant 0 : i32
      %dma_wait3A_48 = tpu.memref_slice %arg5[%arg0, %add3A_30, %dma_wait3A] : memref<2x10240x128xf32, #tpu.memory_space<hbm>> -> memref<1x80x128xf32, #tpu.memory_space<hbm>>
      %dma_wait3A_49 = tpu.memref_squeeze %dma_wait3A_48 : memref<1x80x128xf32, #tpu.memory_space<hbm>> -> memref<80x128xf32, #tpu.memory_space<hbm>>
      %dma_wait3A_50 = arith.constant 0 : i32
      %dma_wait3A_51 = tpu.memref_slice %arg5[%arg0, %add3A_30, %dma_wait3A_50] : memref<2x10240x128xf32, #tpu.memory_space<hbm>> -> memref<1x80x128xf32, #tpu.memory_space<hbm>>
      %dma_wait3A_52 = tpu.memref_squeeze %dma_wait3A_51 : memref<1x80x128xf32, #tpu.memory_space<hbm>> -> memref<80x128xf32, #tpu.memory_space<hbm>>
      tpu.wait_dma2 semaphore(%run_scoped3A : memref<!tpu.dma_semaphore, #tpu.memory_space<semaphore_mem>>) src(%arg8 : memref<80x128xf32, #tpu.memory_space<vmem>>) dst(%dma_wait3A_52 : memref<80x128xf32, #tpu.memory_space<hbm>>)
      tpu.yield
    }) : () -> ()
    %add3A_31 = arith.constant 160 : i32
    %add3A_32 = arith.addi %mul3A_4, %add3A_31 : i32
    "tpu.region"() ({
      %run_scoped3A = tpu.sem_alloc : memref<!tpu.dma_semaphore, #tpu.memory_space<semaphore_mem>>
      %dma_start3A = arith.constant 0 : i32
      %dma_start3A_43 = tpu.memref_slice %arg9[%add3A_32, %dma_start3A] : memref<10240x128xf32, #tpu.memory_space<vmem_shared>> -> memref<80x128xf32, #tpu.memory_space<vmem_shared>>
      %dma_start3A_44 = arith.constant 0 : i32
      %dma_start3A_45 = tpu.memref_slice %arg9[%add3A_32, %dma_start3A_44] : memref<10240x128xf32, #tpu.memory_space<vmem_shared>> -> memref<80x128xf32, #tpu.memory_space<vmem_shared>>
      tpu.enqueue_dma source(%dma_start3A_45 : memref<80x128xf32, #tpu.memory_space<vmem_shared>>) target(%arg8 : memref<80x128xf32, #tpu.memory_space<vmem>>) target_semaphore(%run_scoped3A : memref<!tpu.dma_semaphore, #tpu.memory_space<semaphore_mem>>)
      %dma_wait3A = arith.constant 0 : i32
      %dma_wait3A_46 = tpu.memref_slice %arg9[%add3A_32, %dma_wait3A] : memref<10240x128xf32, #tpu.memory_space<vmem_shared>> -> memref<80x128xf32, #tpu.memory_space<vmem_shared>>
      %dma_wait3A_47 = arith.constant 0 : i32
      %dma_wait3A_48 = tpu.memref_slice %arg9[%add3A_32, %dma_wait3A_47] : memref<10240x128xf32, #tpu.memory_space<vmem_shared>> -> memref<80x128xf32, #tpu.memory_space<vmem_shared>>
      tpu.wait_dma2 semaphore(%run_scoped3A : memref<!tpu.dma_semaphore, #tpu.memory_space<semaphore_mem>>) src(%dma_wait3A_48 : memref<80x128xf32, #tpu.memory_space<vmem_shared>>) dst(%arg8 : memref<80x128xf32, #tpu.memory_space<vmem>>)
      tpu.yield
    }) : () -> ()
    "tpu.region"() ({
      %run_scoped3A = tpu.sem_alloc : memref<!tpu.dma_semaphore, #tpu.memory_space<semaphore_mem>>
      %dma_start3A = arith.constant 0 : i32
      %dma_start3A_43 = tpu.memref_slice %arg5[%arg0, %add3A_32, %dma_start3A] : memref<2x10240x128xf32, #tpu.memory_space<hbm>> -> memref<1x80x128xf32, #tpu.memory_space<hbm>>
      %dma_start3A_44 = tpu.memref_squeeze %dma_start3A_43 : memref<1x80x128xf32, #tpu.memory_space<hbm>> -> memref<80x128xf32, #tpu.memory_space<hbm>>
      %dma_start3A_45 = arith.constant 0 : i32
      %dma_start3A_46 = tpu.memref_slice %arg5[%arg0, %add3A_32, %dma_start3A_45] : memref<2x10240x128xf32, #tpu.memory_space<hbm>> -> memref<1x80x128xf32, #tpu.memory_space<hbm>>
      %dma_start3A_47 = tpu.memref_squeeze %dma_start3A_46 : memref<1x80x128xf32, #tpu.memory_space<hbm>> -> memref<80x128xf32, #tpu.memory_space<hbm>>
      tpu.enqueue_dma source(%arg8 : memref<80x128xf32, #tpu.memory_space<vmem>>) target(%dma_start3A_47 : memref<80x128xf32, #tpu.memory_space<hbm>>) target_semaphore(%run_scoped3A : memref<!tpu.dma_semaphore, #tpu.memory_space<semaphore_mem>>)
      %dma_wait3A = arith.constant 0 : i32
      %dma_wait3A_48 = tpu.memref_slice %arg5[%arg0, %add3A_32, %dma_wait3A] : memref<2x10240x128xf32, #tpu.memory_space<hbm>> -> memref<1x80x128xf32, #tpu.memory_space<hbm>>
      %dma_wait3A_49 = tpu.memref_squeeze %dma_wait3A_48 : memref<1x80x128xf32, #tpu.memory_space<hbm>> -> memref<80x128xf32, #tpu.memory_space<hbm>>
      %dma_wait3A_50 = arith.constant 0 : i32
      %dma_wait3A_51 = tpu.memref_slice %arg5[%arg0, %add3A_32, %dma_wait3A_50] : memref<2x10240x128xf32, #tpu.memory_space<hbm>> -> memref<1x80x128xf32, #tpu.memory_space<hbm>>
      %dma_wait3A_52 = tpu.memref_squeeze %dma_wait3A_51 : memref<1x80x128xf32, #tpu.memory_space<hbm>> -> memref<80x128xf32, #tpu.memory_space<hbm>>
      tpu.wait_dma2 semaphore(%run_scoped3A : memref<!tpu.dma_semaphore, #tpu.memory_space<semaphore_mem>>) src(%arg8 : memref<80x128xf32, #tpu.memory_space<vmem>>) dst(%dma_wait3A_52 : memref<80x128xf32, #tpu.memory_space<hbm>>)
      tpu.yield
    }) : () -> ()
    %add3A_33 = arith.constant 240 : i32
    %add3A_34 = arith.addi %mul3A_4, %add3A_33 : i32
    "tpu.region"() ({
      %run_scoped3A = tpu.sem_alloc : memref<!tpu.dma_semaphore, #tpu.memory_space<semaphore_mem>>
      %dma_start3A = arith.constant 0 : i32
      %dma_start3A_43 = tpu.memref_slice %arg9[%add3A_34, %dma_start3A] : memref<10240x128xf32, #tpu.memory_space<vmem_shared>> -> memref<80x128xf32, #tpu.memory_space<vmem_shared>>
      %dma_start3A_44 = arith.constant 0 : i32
      %dma_start3A_45 = tpu.memref_slice %arg9[%add3A_34, %dma_start3A_44] : memref<10240x128xf32, #tpu.memory_space<vmem_shared>> -> memref<80x128xf32, #tpu.memory_space<vmem_shared>>
      tpu.enqueue_dma source(%dma_start3A_45 : memref<80x128xf32, #tpu.memory_space<vmem_shared>>) target(%arg8 : memref<80x128xf32, #tpu.memory_space<vmem>>) target_semaphore(%run_scoped3A : memref<!tpu.dma_semaphore, #tpu.memory_space<semaphore_mem>>)
      %dma_wait3A = arith.constant 0 : i32
      %dma_wait3A_46 = tpu.memref_slice %arg9[%add3A_34, %dma_wait3A] : memref<10240x128xf32, #tpu.memory_space<vmem_shared>> -> memref<80x128xf32, #tpu.memory_space<vmem_shared>>
      %dma_wait3A_47 = arith.constant 0 : i32
      %dma_wait3A_48 = tpu.memref_slice %arg9[%add3A_34, %dma_wait3A_47] : memref<10240x128xf32, #tpu.memory_space<vmem_shared>> -> memref<80x128xf32, #tpu.memory_space<vmem_shared>>
      tpu.wait_dma2 semaphore(%run_scoped3A : memref<!tpu.dma_semaphore, #tpu.memory_space<semaphore_mem>>) src(%dma_wait3A_48 : memref<80x128xf32, #tpu.memory_space<vmem_shared>>) dst(%arg8 : memref<80x128xf32, #tpu.memory_space<vmem>>)
      tpu.yield
    }) : () -> ()
    "tpu.region"() ({
      %run_scoped3A = tpu.sem_alloc : memref<!tpu.dma_semaphore, #tpu.memory_space<semaphore_mem>>
      %dma_start3A = arith.constant 0 : i32
      %dma_start3A_43 = tpu.memref_slice %arg5[%arg0, %add3A_34, %dma_start3A] : memref<2x10240x128xf32, #tpu.memory_space<hbm>> -> memref<1x80x128xf32, #tpu.memory_space<hbm>>
      %dma_start3A_44 = tpu.memref_squeeze %dma_start3A_43 : memref<1x80x128xf32, #tpu.memory_space<hbm>> -> memref<80x128xf32, #tpu.memory_space<hbm>>
      %dma_start3A_45 = arith.constant 0 : i32
      %dma_start3A_46 = tpu.memref_slice %arg5[%arg0, %add3A_34, %dma_start3A_45] : memref<2x10240x128xf32, #tpu.memory_space<hbm>> -> memref<1x80x128xf32, #tpu.memory_space<hbm>>
      %dma_start3A_47 = tpu.memref_squeeze %dma_start3A_46 : memref<1x80x128xf32, #tpu.memory_space<hbm>> -> memref<80x128xf32, #tpu.memory_space<hbm>>
      tpu.enqueue_dma source(%arg8 : memref<80x128xf32, #tpu.memory_space<vmem>>) target(%dma_start3A_47 : memref<80x128xf32, #tpu.memory_space<hbm>>) target_semaphore(%run_scoped3A : memref<!tpu.dma_semaphore, #tpu.memory_space<semaphore_mem>>)
      %dma_wait3A = arith.constant 0 : i32
      %dma_wait3A_48 = tpu.memref_slice %arg5[%arg0, %add3A_34, %dma_wait3A] : memref<2x10240x128xf32, #tpu.memory_space<hbm>> -> memref<1x80x128xf32, #tpu.memory_space<hbm>>
      %dma_wait3A_49 = tpu.memref_squeeze %dma_wait3A_48 : memref<1x80x128xf32, #tpu.memory_space<hbm>> -> memref<80x128xf32, #tpu.memory_space<hbm>>
      %dma_wait3A_50 = arith.constant 0 : i32
      %dma_wait3A_51 = tpu.memref_slice %arg5[%arg0, %add3A_34, %dma_wait3A_50] : memref<2x10240x128xf32, #tpu.memory_space<hbm>> -> memref<1x80x128xf32, #tpu.memory_space<hbm>>
      %dma_wait3A_52 = tpu.memref_squeeze %dma_wait3A_51 : memref<1x80x128xf32, #tpu.memory_space<hbm>> -> memref<80x128xf32, #tpu.memory_space<hbm>>
      tpu.wait_dma2 semaphore(%run_scoped3A : memref<!tpu.dma_semaphore, #tpu.memory_space<semaphore_mem>>) src(%arg8 : memref<80x128xf32, #tpu.memory_space<vmem>>) dst(%dma_wait3A_52 : memref<80x128xf32, #tpu.memory_space<hbm>>)
      tpu.yield
    }) : () -> ()
    %add3A_35 = arith.constant 320 : i32
    %add3A_36 = arith.addi %mul3A_4, %add3A_35 : i32
    "tpu.region"() ({
      %run_scoped3A = tpu.sem_alloc : memref<!tpu.dma_semaphore, #tpu.memory_space<semaphore_mem>>
      %dma_start3A = arith.constant 0 : i32
      %dma_start3A_43 = tpu.memref_slice %arg9[%add3A_36, %dma_start3A] : memref<10240x128xf32, #tpu.memory_space<vmem_shared>> -> memref<80x128xf32, #tpu.memory_space<vmem_shared>>
      %dma_start3A_44 = arith.constant 0 : i32
      %dma_start3A_45 = tpu.memref_slice %arg9[%add3A_36, %dma_start3A_44] : memref<10240x128xf32, #tpu.memory_space<vmem_shared>> -> memref<80x128xf32, #tpu.memory_space<vmem_shared>>
      tpu.enqueue_dma source(%dma_start3A_45 : memref<80x128xf32, #tpu.memory_space<vmem_shared>>) target(%arg8 : memref<80x128xf32, #tpu.memory_space<vmem>>) target_semaphore(%run_scoped3A : memref<!tpu.dma_semaphore, #tpu.memory_space<semaphore_mem>>)
      %dma_wait3A = arith.constant 0 : i32
      %dma_wait3A_46 = tpu.memref_slice %arg9[%add3A_36, %dma_wait3A] : memref<10240x128xf32, #tpu.memory_space<vmem_shared>> -> memref<80x128xf32, #tpu.memory_space<vmem_shared>>
      %dma_wait3A_47 = arith.constant 0 : i32
      %dma_wait3A_48 = tpu.memref_slice %arg9[%add3A_36, %dma_wait3A_47] : memref<10240x128xf32, #tpu.memory_space<vmem_shared>> -> memref<80x128xf32, #tpu.memory_space<vmem_shared>>
      tpu.wait_dma2 semaphore(%run_scoped3A : memref<!tpu.dma_semaphore, #tpu.memory_space<semaphore_mem>>) src(%dma_wait3A_48 : memref<80x128xf32, #tpu.memory_space<vmem_shared>>) dst(%arg8 : memref<80x128xf32, #tpu.memory_space<vmem>>)
      tpu.yield
    }) : () -> ()
    "tpu.region"() ({
      %run_scoped3A = tpu.sem_alloc : memref<!tpu.dma_semaphore, #tpu.memory_space<semaphore_mem>>
      %dma_start3A = arith.constant 0 : i32
      %dma_start3A_43 = tpu.memref_slice %arg5[%arg0, %add3A_36, %dma_start3A] : memref<2x10240x128xf32, #tpu.memory_space<hbm>> -> memref<1x80x128xf32, #tpu.memory_space<hbm>>
      %dma_start3A_44 = tpu.memref_squeeze %dma_start3A_43 : memref<1x80x128xf32, #tpu.memory_space<hbm>> -> memref<80x128xf32, #tpu.memory_space<hbm>>
      %dma_start3A_45 = arith.constant 0 : i32
      %dma_start3A_46 = tpu.memref_slice %arg5[%arg0, %add3A_36, %dma_start3A_45] : memref<2x10240x128xf32, #tpu.memory_space<hbm>> -> memref<1x80x128xf32, #tpu.memory_space<hbm>>
      %dma_start3A_47 = tpu.memref_squeeze %dma_start3A_46 : memref<1x80x128xf32, #tpu.memory_space<hbm>> -> memref<80x128xf32, #tpu.memory_space<hbm>>
      tpu.enqueue_dma source(%arg8 : memref<80x128xf32, #tpu.memory_space<vmem>>) target(%dma_start3A_47 : memref<80x128xf32, #tpu.memory_space<hbm>>) target_semaphore(%run_scoped3A : memref<!tpu.dma_semaphore, #tpu.memory_space<semaphore_mem>>)
      %dma_wait3A = arith.constant 0 : i32
      %dma_wait3A_48 = tpu.memref_slice %arg5[%arg0, %add3A_36, %dma_wait3A] : memref<2x10240x128xf32, #tpu.memory_space<hbm>> -> memref<1x80x128xf32, #tpu.memory_space<hbm>>
      %dma_wait3A_49 = tpu.memref_squeeze %dma_wait3A_48 : memref<1x80x128xf32, #tpu.memory_space<hbm>> -> memref<80x128xf32, #tpu.memory_space<hbm>>
      %dma_wait3A_50 = arith.constant 0 : i32
      %dma_wait3A_51 = tpu.memref_slice %arg5[%arg0, %add3A_36, %dma_wait3A_50] : memref<2x10240x128xf32, #tpu.memory_space<hbm>> -> memref<1x80x128xf32, #tpu.memory_space<hbm>>
      %dma_wait3A_52 = tpu.memref_squeeze %dma_wait3A_51 : memref<1x80x128xf32, #tpu.memory_space<hbm>> -> memref<80x128xf32, #tpu.memory_space<hbm>>
      tpu.wait_dma2 semaphore(%run_scoped3A : memref<!tpu.dma_semaphore, #tpu.memory_space<semaphore_mem>>) src(%arg8 : memref<80x128xf32, #tpu.memory_space<vmem>>) dst(%dma_wait3A_52 : memref<80x128xf32, #tpu.memory_space<hbm>>)
      tpu.yield
    }) : () -> ()
    %add3A_37 = arith.constant 400 : i32
    %add3A_38 = arith.addi %mul3A_4, %add3A_37 : i32
    "tpu.region"() ({
      %run_scoped3A = tpu.sem_alloc : memref<!tpu.dma_semaphore, #tpu.memory_space<semaphore_mem>>
      %dma_start3A = arith.constant 0 : i32
      %dma_start3A_43 = tpu.memref_slice %arg9[%add3A_38, %dma_start3A] : memref<10240x128xf32, #tpu.memory_space<vmem_shared>> -> memref<80x128xf32, #tpu.memory_space<vmem_shared>>
      %dma_start3A_44 = arith.constant 0 : i32
      %dma_start3A_45 = tpu.memref_slice %arg9[%add3A_38, %dma_start3A_44] : memref<10240x128xf32, #tpu.memory_space<vmem_shared>> -> memref<80x128xf32, #tpu.memory_space<vmem_shared>>
      tpu.enqueue_dma source(%dma_start3A_45 : memref<80x128xf32, #tpu.memory_space<vmem_shared>>) target(%arg8 : memref<80x128xf32, #tpu.memory_space<vmem>>) target_semaphore(%run_scoped3A : memref<!tpu.dma_semaphore, #tpu.memory_space<semaphore_mem>>)
      %dma_wait3A = arith.constant 0 : i32
      %dma_wait3A_46 = tpu.memref_slice %arg9[%add3A_38, %dma_wait3A] : memref<10240x128xf32, #tpu.memory_space<vmem_shared>> -> memref<80x128xf32, #tpu.memory_space<vmem_shared>>
      %dma_wait3A_47 = arith.constant 0 : i32
      %dma_wait3A_48 = tpu.memref_slice %arg9[%add3A_38, %dma_wait3A_47] : memref<10240x128xf32, #tpu.memory_space<vmem_shared>> -> memref<80x128xf32, #tpu.memory_space<vmem_shared>>
      tpu.wait_dma2 semaphore(%run_scoped3A : memref<!tpu.dma_semaphore, #tpu.memory_space<semaphore_mem>>) src(%dma_wait3A_48 : memref<80x128xf32, #tpu.memory_space<vmem_shared>>) dst(%arg8 : memref<80x128xf32, #tpu.memory_space<vmem>>)
      tpu.yield
    }) : () -> ()
    "tpu.region"() ({
      %run_scoped3A = tpu.sem_alloc : memref<!tpu.dma_semaphore, #tpu.memory_space<semaphore_mem>>
      %dma_start3A = arith.constant 0 : i32
      %dma_start3A_43 = tpu.memref_slice %arg5[%arg0, %add3A_38, %dma_start3A] : memref<2x10240x128xf32, #tpu.memory_space<hbm>> -> memref<1x80x128xf32, #tpu.memory_space<hbm>>
      %dma_start3A_44 = tpu.memref_squeeze %dma_start3A_43 : memref<1x80x128xf32, #tpu.memory_space<hbm>> -> memref<80x128xf32, #tpu.memory_space<hbm>>
      %dma_start3A_45 = arith.constant 0 : i32
      %dma_start3A_46 = tpu.memref_slice %arg5[%arg0, %add3A_38, %dma_start3A_45] : memref<2x10240x128xf32, #tpu.memory_space<hbm>> -> memref<1x80x128xf32, #tpu.memory_space<hbm>>
      %dma_start3A_47 = tpu.memref_squeeze %dma_start3A_46 : memref<1x80x128xf32, #tpu.memory_space<hbm>> -> memref<80x128xf32, #tpu.memory_space<hbm>>
      tpu.enqueue_dma source(%arg8 : memref<80x128xf32, #tpu.memory_space<vmem>>) target(%dma_start3A_47 : memref<80x128xf32, #tpu.memory_space<hbm>>) target_semaphore(%run_scoped3A : memref<!tpu.dma_semaphore, #tpu.memory_space<semaphore_mem>>)
      %dma_wait3A = arith.constant 0 : i32
      %dma_wait3A_48 = tpu.memref_slice %arg5[%arg0, %add3A_38, %dma_wait3A] : memref<2x10240x128xf32, #tpu.memory_space<hbm>> -> memref<1x80x128xf32, #tpu.memory_space<hbm>>
      %dma_wait3A_49 = tpu.memref_squeeze %dma_wait3A_48 : memref<1x80x128xf32, #tpu.memory_space<hbm>> -> memref<80x128xf32, #tpu.memory_space<hbm>>
      %dma_wait3A_50 = arith.constant 0 : i32
      %dma_wait3A_51 = tpu.memref_slice %arg5[%arg0, %add3A_38, %dma_wait3A_50] : memref<2x10240x128xf32, #tpu.memory_space<hbm>> -> memref<1x80x128xf32, #tpu.memory_space<hbm>>
      %dma_wait3A_52 = tpu.memref_squeeze %dma_wait3A_51 : memref<1x80x128xf32, #tpu.memory_space<hbm>> -> memref<80x128xf32, #tpu.memory_space<hbm>>
      tpu.wait_dma2 semaphore(%run_scoped3A : memref<!tpu.dma_semaphore, #tpu.memory_space<semaphore_mem>>) src(%arg8 : memref<80x128xf32, #tpu.memory_space<vmem>>) dst(%dma_wait3A_52 : memref<80x128xf32, #tpu.memory_space<hbm>>)
      tpu.yield
    }) : () -> ()
    %add3A_39 = arith.constant 480 : i32
    %add3A_40 = arith.addi %mul3A_4, %add3A_39 : i32
    "tpu.region"() ({
      %run_scoped3A = tpu.sem_alloc : memref<!tpu.dma_semaphore, #tpu.memory_space<semaphore_mem>>
      %dma_start3A = arith.constant 0 : i32
      %dma_start3A_43 = tpu.memref_slice %arg9[%add3A_40, %dma_start3A] : memref<10240x128xf32, #tpu.memory_space<vmem_shared>> -> memref<80x128xf32, #tpu.memory_space<vmem_shared>>
      %dma_start3A_44 = arith.constant 0 : i32
      %dma_start3A_45 = tpu.memref_slice %arg9[%add3A_40, %dma_start3A_44] : memref<10240x128xf32, #tpu.memory_space<vmem_shared>> -> memref<80x128xf32, #tpu.memory_space<vmem_shared>>
      tpu.enqueue_dma source(%dma_start3A_45 : memref<80x128xf32, #tpu.memory_space<vmem_shared>>) target(%arg8 : memref<80x128xf32, #tpu.memory_space<vmem>>) target_semaphore(%run_scoped3A : memref<!tpu.dma_semaphore, #tpu.memory_space<semaphore_mem>>)
      %dma_wait3A = arith.constant 0 : i32
      %dma_wait3A_46 = tpu.memref_slice %arg9[%add3A_40, %dma_wait3A] : memref<10240x128xf32, #tpu.memory_space<vmem_shared>> -> memref<80x128xf32, #tpu.memory_space<vmem_shared>>
      %dma_wait3A_47 = arith.constant 0 : i32
      %dma_wait3A_48 = tpu.memref_slice %arg9[%add3A_40, %dma_wait3A_47] : memref<10240x128xf32, #tpu.memory_space<vmem_shared>> -> memref<80x128xf32, #tpu.memory_space<vmem_shared>>
      tpu.wait_dma2 semaphore(%run_scoped3A : memref<!tpu.dma_semaphore, #tpu.memory_space<semaphore_mem>>) src(%dma_wait3A_48 : memref<80x128xf32, #tpu.memory_space<vmem_shared>>) dst(%arg8 : memref<80x128xf32, #tpu.memory_space<vmem>>)
      tpu.yield
    }) : () -> ()
    "tpu.region"() ({
      %run_scoped3A = tpu.sem_alloc : memref<!tpu.dma_semaphore, #tpu.memory_space<semaphore_mem>>
      %dma_start3A = arith.constant 0 : i32
      %dma_start3A_43 = tpu.memref_slice %arg5[%arg0, %add3A_40, %dma_start3A] : memref<2x10240x128xf32, #tpu.memory_space<hbm>> -> memref<1x80x128xf32, #tpu.memory_space<hbm>>
      %dma_start3A_44 = tpu.memref_squeeze %dma_start3A_43 : memref<1x80x128xf32, #tpu.memory_space<hbm>> -> memref<80x128xf32, #tpu.memory_space<hbm>>
      %dma_start3A_45 = arith.constant 0 : i32
      %dma_start3A_46 = tpu.memref_slice %arg5[%arg0, %add3A_40, %dma_start3A_45] : memref<2x10240x128xf32, #tpu.memory_space<hbm>> -> memref<1x80x128xf32, #tpu.memory_space<hbm>>
      %dma_start3A_47 = tpu.memref_squeeze %dma_start3A_46 : memref<1x80x128xf32, #tpu.memory_space<hbm>> -> memref<80x128xf32, #tpu.memory_space<hbm>>
      tpu.enqueue_dma source(%arg8 : memref<80x128xf32, #tpu.memory_space<vmem>>) target(%dma_start3A_47 : memref<80x128xf32, #tpu.memory_space<hbm>>) target_semaphore(%run_scoped3A : memref<!tpu.dma_semaphore, #tpu.memory_space<semaphore_mem>>)
      %dma_wait3A = arith.constant 0 : i32
      %dma_wait3A_48 = tpu.memref_slice %arg5[%arg0, %add3A_40, %dma_wait3A] : memref<2x10240x128xf32, #tpu.memory_space<hbm>> -> memref<1x80x128xf32, #tpu.memory_space<hbm>>
      %dma_wait3A_49 = tpu.memref_squeeze %dma_wait3A_48 : memref<1x80x128xf32, #tpu.memory_space<hbm>> -> memref<80x128xf32, #tpu.memory_space<hbm>>
      %dma_wait3A_50 = arith.constant 0 : i32
      %dma_wait3A_51 = tpu.memref_slice %arg5[%arg0, %add3A_40, %dma_wait3A_50] : memref<2x10240x128xf32, #tpu.memory_space<hbm>> -> memref<1x80x128xf32, #tpu.memory_space<hbm>>
      %dma_wait3A_52 = tpu.memref_squeeze %dma_wait3A_51 : memref<1x80x128xf32, #tpu.memory_space<hbm>> -> memref<80x128xf32, #tpu.memory_space<hbm>>
      tpu.wait_dma2 semaphore(%run_scoped3A : memref<!tpu.dma_semaphore, #tpu.memory_space<semaphore_mem>>) src(%arg8 : memref<80x128xf32, #tpu.memory_space<vmem>>) dst(%dma_wait3A_52 : memref<80x128xf32, #tpu.memory_space<hbm>>)
      tpu.yield
    }) : () -> ()
    %add3A_41 = arith.constant 560 : i32
    %add3A_42 = arith.addi %mul3A_4, %add3A_41 : i32
    "tpu.region"() ({
      %run_scoped3A = tpu.sem_alloc : memref<!tpu.dma_semaphore, #tpu.memory_space<semaphore_mem>>
      %dma_start3A = arith.constant 0 : i32
      %dma_start3A_43 = tpu.memref_slice %arg9[%add3A_42, %dma_start3A] : memref<10240x128xf32, #tpu.memory_space<vmem_shared>> -> memref<80x128xf32, #tpu.memory_space<vmem_shared>>
      %dma_start3A_44 = arith.constant 0 : i32
      %dma_start3A_45 = tpu.memref_slice %arg9[%add3A_42, %dma_start3A_44] : memref<10240x128xf32, #tpu.memory_space<vmem_shared>> -> memref<80x128xf32, #tpu.memory_space<vmem_shared>>
      tpu.enqueue_dma source(%dma_start3A_45 : memref<80x128xf32, #tpu.memory_space<vmem_shared>>) target(%arg8 : memref<80x128xf32, #tpu.memory_space<vmem>>) target_semaphore(%run_scoped3A : memref<!tpu.dma_semaphore, #tpu.memory_space<semaphore_mem>>)
      %dma_wait3A = arith.constant 0 : i32
      %dma_wait3A_46 = tpu.memref_slice %arg9[%add3A_42, %dma_wait3A] : memref<10240x128xf32, #tpu.memory_space<vmem_shared>> -> memref<80x128xf32, #tpu.memory_space<vmem_shared>>
      %dma_wait3A_47 = arith.constant 0 : i32
      %dma_wait3A_48 = tpu.memref_slice %arg9[%add3A_42, %dma_wait3A_47] : memref<10240x128xf32, #tpu.memory_space<vmem_shared>> -> memref<80x128xf32, #tpu.memory_space<vmem_shared>>
      tpu.wait_dma2 semaphore(%run_scoped3A : memref<!tpu.dma_semaphore, #tpu.memory_space<semaphore_mem>>) src(%dma_wait3A_48 : memref<80x128xf32, #tpu.memory_space<vmem_shared>>) dst(%arg8 : memref<80x128xf32, #tpu.memory_space<vmem>>)
      tpu.yield
    }) : () -> ()
    "tpu.region"() ({
      %run_scoped3A = tpu.sem_alloc : memref<!tpu.dma_semaphore, #tpu.memory_space<semaphore_mem>>
      %dma_start3A = arith.constant 0 : i32
      %dma_start3A_43 = tpu.memref_slice %arg5[%arg0, %add3A_42, %dma_start3A] : memref<2x10240x128xf32, #tpu.memory_space<hbm>> -> memref<1x80x128xf32, #tpu.memory_space<hbm>>
      %dma_start3A_44 = tpu.memref_squeeze %dma_start3A_43 : memref<1x80x128xf32, #tpu.memory_space<hbm>> -> memref<80x128xf32, #tpu.memory_space<hbm>>
      %dma_start3A_45 = arith.constant 0 : i32
      %dma_start3A_46 = tpu.memref_slice %arg5[%arg0, %add3A_42, %dma_start3A_45] : memref<2x10240x128xf32, #tpu.memory_space<hbm>> -> memref<1x80x128xf32, #tpu.memory_space<hbm>>
      %dma_start3A_47 = tpu.memref_squeeze %dma_start3A_46 : memref<1x80x128xf32, #tpu.memory_space<hbm>> -> memref<80x128xf32, #tpu.memory_space<hbm>>
      tpu.enqueue_dma source(%arg8 : memref<80x128xf32, #tpu.memory_space<vmem>>) target(%dma_start3A_47 : memref<80x128xf32, #tpu.memory_space<hbm>>) target_semaphore(%run_scoped3A : memref<!tpu.dma_semaphore, #tpu.memory_space<semaphore_mem>>)
      %dma_wait3A = arith.constant 0 : i32
      %dma_wait3A_48 = tpu.memref_slice %arg5[%arg0, %add3A_42, %dma_wait3A] : memref<2x10240x128xf32, #tpu.memory_space<hbm>> -> memref<1x80x128xf32, #tpu.memory_space<hbm>>
      %dma_wait3A_49 = tpu.memref_squeeze %dma_wait3A_48 : memref<1x80x128xf32, #tpu.memory_space<hbm>> -> memref<80x128xf32, #tpu.memory_space<hbm>>
      %dma_wait3A_50 = arith.constant 0 : i32
      %dma_wait3A_51 = tpu.memref_slice %arg5[%arg0, %add3A_42, %dma_wait3A_50] : memref<2x10240x128xf32, #tpu.memory_space<hbm>> -> memref<1x80x128xf32, #tpu.memory_space<hbm>>
      %dma_wait3A_52 = tpu.memref_squeeze %dma_wait3A_51 : memref<1x80x128xf32, #tpu.memory_space<hbm>> -> memref<80x128xf32, #tpu.memory_space<hbm>>
      tpu.wait_dma2 semaphore(%run_scoped3A : memref<!tpu.dma_semaphore, #tpu.memory_space<semaphore_mem>>) src(%arg8 : memref<80x128xf32, #tpu.memory_space<vmem>>) dst(%dma_wait3A_52 : memref<80x128xf32, #tpu.memory_space<hbm>>)
      tpu.yield
    }) : () -> ()
    return
  }
}

#map = affine_map<(d0, d1) -> (0, 0)>
#map1 = affine_map<(d0, d1) -> (0, 0, 0)>
module attributes {stable_mosaic.version = 14 : i64} {
  func.func @sage_agg_w128(%arg0: i32, %arg1: i32, %arg2: memref<10000x128xf32, #tpu.memory_space<hbm>>, %arg3: memref<32x10000xi32, #tpu.memory_space<hbm>>, %arg4: memref<32x125x80xi32, #tpu.memory_space<hbm>>, %arg5: memref<80x128xf32, #tpu.memory_space<hbm>>, %arg6: memref<2x10240x128xf32, #tpu.memory_space<hbm>>, %arg7: memref<10000xi32, #tpu.memory_space<vmem>>, %arg8: memref<125x80xi32, #tpu.memory_space<vmem>>, %arg9: memref<80x128xf32, #tpu.memory_space<vmem>>, %arg10: memref<80x128xf32, #tpu.memory_space<vmem>>, %arg11: memref<10240x128xf32, #tpu.memory_space<vmem_shared>>, %arg12: memref<!tpu.dma_semaphore, #tpu.memory_space<semaphore_mem>>) attributes {dimension_semantics = [#tpu.dimension_semantics<core_parallel>, #tpu.dimension_semantics<subcore_parallel>], iteration_bounds = array<i64: 2, 16>, scalar_prefetch = 0 : i64, scratch_operands = 6 : i64, tpu.core_type = #tpu.core_type<sc_vector_subcore>, window_params = [{transform_indices = #map}, {transform_indices = #map}, {transform_indices = #map1}, {transform_indices = #map}, {transform_indices = #map1}]} {
    %mul3A = arith.constant 2 : i32
    %mul3A_0 = arith.muli %arg1, %mul3A : i32
    %add3A = arith.addi %mul3A_0, %arg0 : i32
    %mul3A_1 = arith.constant 8 : i32
    %mul3A_2 = arith.muli %arg1, %mul3A_1 : i32
    %mul3A_3 = arith.constant 80 : i32
    %mul3A_4 = arith.muli %mul3A_2, %mul3A_3 : i32
    "tpu.region"() ({
      %run_scoped3A = tpu.sem_alloc : memref<!tpu.dma_semaphore, #tpu.memory_space<semaphore_mem>>
      %dma_start3A = arith.constant 0 : i32
      %dma_start3A_43 = tpu.memref_slice %arg3[%add3A, %dma_start3A] : memref<32x10000xi32, #tpu.memory_space<hbm>> -> memref<1x10000xi32, #tpu.memory_space<hbm>>
      %dma_start3A_44 = tpu.memref_squeeze %dma_start3A_43 : memref<1x10000xi32, #tpu.memory_space<hbm>> -> memref<10000xi32, #tpu.memory_space<hbm>>
      %dma_start3A_45 = arith.constant 0 : i32
      %dma_start3A_46 = tpu.memref_slice %arg3[%add3A, %dma_start3A_45] : memref<32x10000xi32, #tpu.memory_space<hbm>> -> memref<1x10000xi32, #tpu.memory_space<hbm>>
      %dma_start3A_47 = tpu.memref_squeeze %dma_start3A_46 : memref<1x10000xi32, #tpu.memory_space<hbm>> -> memref<10000xi32, #tpu.memory_space<hbm>>
      tpu.enqueue_dma source(%dma_start3A_47 : memref<10000xi32, #tpu.memory_space<hbm>>) target(%arg7 : memref<10000xi32, #tpu.memory_space<vmem>>) target_semaphore(%run_scoped3A : memref<!tpu.dma_semaphore, #tpu.memory_space<semaphore_mem>>)
      %dma_wait3A = arith.constant 0 : i32
      %dma_wait3A_48 = tpu.memref_slice %arg3[%add3A, %dma_wait3A] : memref<32x10000xi32, #tpu.memory_space<hbm>> -> memref<1x10000xi32, #tpu.memory_space<hbm>>
      %dma_wait3A_49 = tpu.memref_squeeze %dma_wait3A_48 : memref<1x10000xi32, #tpu.memory_space<hbm>> -> memref<10000xi32, #tpu.memory_space<hbm>>
      %dma_wait3A_50 = arith.constant 0 : i32
      %dma_wait3A_51 = tpu.memref_slice %arg3[%add3A, %dma_wait3A_50] : memref<32x10000xi32, #tpu.memory_space<hbm>> -> memref<1x10000xi32, #tpu.memory_space<hbm>>
      %dma_wait3A_52 = tpu.memref_squeeze %dma_wait3A_51 : memref<1x10000xi32, #tpu.memory_space<hbm>> -> memref<10000xi32, #tpu.memory_space<hbm>>
      tpu.wait_dma2 semaphore(%run_scoped3A : memref<!tpu.dma_semaphore, #tpu.memory_space<semaphore_mem>>) src(%dma_wait3A_52 : memref<10000xi32, #tpu.memory_space<hbm>>) dst(%arg7 : memref<10000xi32, #tpu.memory_space<vmem>>)
      tpu.yield
    }) : () -> ()
    "tpu.region"() ({
      %run_scoped3A = tpu.sem_alloc : memref<!tpu.dma_semaphore, #tpu.memory_space<semaphore_mem>>
      %dma_start3A = arith.constant 0 : i32
      %dma_start3A_43 = arith.constant 0 : i32
      %dma_start3A_44 = tpu.memref_slice %arg4[%add3A, %dma_start3A, %dma_start3A_43] : memref<32x125x80xi32, #tpu.memory_space<hbm>> -> memref<1x125x80xi32, #tpu.memory_space<hbm>>
      %dma_start3A_45 = tpu.memref_squeeze %dma_start3A_44 : memref<1x125x80xi32, #tpu.memory_space<hbm>> -> memref<125x80xi32, #tpu.memory_space<hbm>>
      %dma_start3A_46 = arith.constant 0 : i32
      %dma_start3A_47 = arith.constant 0 : i32
      %dma_start3A_48 = tpu.memref_slice %arg4[%add3A, %dma_start3A_46, %dma_start3A_47] : memref<32x125x80xi32, #tpu.memory_space<hbm>> -> memref<1x125x80xi32, #tpu.memory_space<hbm>>
      %dma_start3A_49 = tpu.memref_squeeze %dma_start3A_48 : memref<1x125x80xi32, #tpu.memory_space<hbm>> -> memref<125x80xi32, #tpu.memory_space<hbm>>
      tpu.enqueue_dma source(%dma_start3A_49 : memref<125x80xi32, #tpu.memory_space<hbm>>) target(%arg8 : memref<125x80xi32, #tpu.memory_space<vmem>>) target_semaphore(%run_scoped3A : memref<!tpu.dma_semaphore, #tpu.memory_space<semaphore_mem>>)
      %dma_wait3A = arith.constant 0 : i32
      %dma_wait3A_50 = arith.constant 0 : i32
      %dma_wait3A_51 = tpu.memref_slice %arg4[%add3A, %dma_wait3A, %dma_wait3A_50] : memref<32x125x80xi32, #tpu.memory_space<hbm>> -> memref<1x125x80xi32, #tpu.memory_space<hbm>>
      %dma_wait3A_52 = tpu.memref_squeeze %dma_wait3A_51 : memref<1x125x80xi32, #tpu.memory_space<hbm>> -> memref<125x80xi32, #tpu.memory_space<hbm>>
      %dma_wait3A_53 = arith.constant 0 : i32
      %dma_wait3A_54 = arith.constant 0 : i32
      %dma_wait3A_55 = tpu.memref_slice %arg4[%add3A, %dma_wait3A_53, %dma_wait3A_54] : memref<32x125x80xi32, #tpu.memory_space<hbm>> -> memref<1x125x80xi32, #tpu.memory_space<hbm>>
      %dma_wait3A_56 = tpu.memref_squeeze %dma_wait3A_55 : memref<1x125x80xi32, #tpu.memory_space<hbm>> -> memref<125x80xi32, #tpu.memory_space<hbm>>
      tpu.wait_dma2 semaphore(%run_scoped3A : memref<!tpu.dma_semaphore, #tpu.memory_space<semaphore_mem>>) src(%dma_wait3A_56 : memref<125x80xi32, #tpu.memory_space<hbm>>) dst(%arg8 : memref<125x80xi32, #tpu.memory_space<vmem>>)
      tpu.yield
    }) : () -> ()
    "tpu.region"() ({
      %run_scoped3A = tpu.sem_alloc : memref<!tpu.dma_semaphore, #tpu.memory_space<semaphore_mem>>
      tpu.enqueue_dma source(%arg5 : memref<80x128xf32, #tpu.memory_space<hbm>>) target(%arg10 : memref<80x128xf32, #tpu.memory_space<vmem>>) target_semaphore(%run_scoped3A : memref<!tpu.dma_semaphore, #tpu.memory_space<semaphore_mem>>)
      tpu.wait_dma2 semaphore(%run_scoped3A : memref<!tpu.dma_semaphore, #tpu.memory_space<semaphore_mem>>) src(%arg5 : memref<80x128xf32, #tpu.memory_space<hbm>>) dst(%arg10 : memref<80x128xf32, #tpu.memory_space<vmem>>)
      tpu.yield
    }) : () -> ()
    %add3A_5 = arith.constant 0 : i32
    %add3A_6 = arith.addi %mul3A_4, %add3A_5 : i32
    "tpu.region"() ({
      %run_scoped3A = tpu.sem_alloc : memref<!tpu.dma_semaphore, #tpu.memory_space<semaphore_mem>>
      %dma_start3A = arith.constant 0 : i32
      %dma_start3A_43 = tpu.memref_slice %arg11[%add3A_6, %dma_start3A] : memref<10240x128xf32, #tpu.memory_space<vmem_shared>> -> memref<80x128xf32, #tpu.memory_space<vmem_shared>>
      %dma_start3A_44 = arith.constant 0 : i32
      %dma_start3A_45 = tpu.memref_slice %arg11[%add3A_6, %dma_start3A_44] : memref<10240x128xf32, #tpu.memory_space<vmem_shared>> -> memref<80x128xf32, #tpu.memory_space<vmem_shared>>
      tpu.enqueue_dma source(%arg10 : memref<80x128xf32, #tpu.memory_space<vmem>>) target(%dma_start3A_45 : memref<80x128xf32, #tpu.memory_space<vmem_shared>>) target_semaphore(%run_scoped3A : memref<!tpu.dma_semaphore, #tpu.memory_space<semaphore_mem>>)
      %dma_wait3A = arith.constant 0 : i32
      %dma_wait3A_46 = tpu.memref_slice %arg11[%add3A_6, %dma_wait3A] : memref<10240x128xf32, #tpu.memory_space<vmem_shared>> -> memref<80x128xf32, #tpu.memory_space<vmem_shared>>
      %dma_wait3A_47 = arith.constant 0 : i32
      %dma_wait3A_48 = tpu.memref_slice %arg11[%add3A_6, %dma_wait3A_47] : memref<10240x128xf32, #tpu.memory_space<vmem_shared>> -> memref<80x128xf32, #tpu.memory_space<vmem_shared>>
      tpu.wait_dma2 semaphore(%run_scoped3A : memref<!tpu.dma_semaphore, #tpu.memory_space<semaphore_mem>>) src(%arg10 : memref<80x128xf32, #tpu.memory_space<vmem>>) dst(%dma_wait3A_48 : memref<80x128xf32, #tpu.memory_space<vmem_shared>>)
      tpu.yield
    }) : () -> ()
    %add3A_7 = arith.constant 80 : i32
    %add3A_8 = arith.addi %mul3A_4, %add3A_7 : i32
    "tpu.region"() ({
      %run_scoped3A = tpu.sem_alloc : memref<!tpu.dma_semaphore, #tpu.memory_space<semaphore_mem>>
      %dma_start3A = arith.constant 0 : i32
      %dma_start3A_43 = tpu.memref_slice %arg11[%add3A_8, %dma_start3A] : memref<10240x128xf32, #tpu.memory_space<vmem_shared>> -> memref<80x128xf32, #tpu.memory_space<vmem_shared>>
      %dma_start3A_44 = arith.constant 0 : i32
      %dma_start3A_45 = tpu.memref_slice %arg11[%add3A_8, %dma_start3A_44] : memref<10240x128xf32, #tpu.memory_space<vmem_shared>> -> memref<80x128xf32, #tpu.memory_space<vmem_shared>>
      tpu.enqueue_dma source(%arg10 : memref<80x128xf32, #tpu.memory_space<vmem>>) target(%dma_start3A_45 : memref<80x128xf32, #tpu.memory_space<vmem_shared>>) target_semaphore(%run_scoped3A : memref<!tpu.dma_semaphore, #tpu.memory_space<semaphore_mem>>)
      %dma_wait3A = arith.constant 0 : i32
      %dma_wait3A_46 = tpu.memref_slice %arg11[%add3A_8, %dma_wait3A] : memref<10240x128xf32, #tpu.memory_space<vmem_shared>> -> memref<80x128xf32, #tpu.memory_space<vmem_shared>>
      %dma_wait3A_47 = arith.constant 0 : i32
      %dma_wait3A_48 = tpu.memref_slice %arg11[%add3A_8, %dma_wait3A_47] : memref<10240x128xf32, #tpu.memory_space<vmem_shared>> -> memref<80x128xf32, #tpu.memory_space<vmem_shared>>
      tpu.wait_dma2 semaphore(%run_scoped3A : memref<!tpu.dma_semaphore, #tpu.memory_space<semaphore_mem>>) src(%arg10 : memref<80x128xf32, #tpu.memory_space<vmem>>) dst(%dma_wait3A_48 : memref<80x128xf32, #tpu.memory_space<vmem_shared>>)
      tpu.yield
    }) : () -> ()
    %add3A_9 = arith.constant 160 : i32
    %add3A_10 = arith.addi %mul3A_4, %add3A_9 : i32
    "tpu.region"() ({
      %run_scoped3A = tpu.sem_alloc : memref<!tpu.dma_semaphore, #tpu.memory_space<semaphore_mem>>
      %dma_start3A = arith.constant 0 : i32
      %dma_start3A_43 = tpu.memref_slice %arg11[%add3A_10, %dma_start3A] : memref<10240x128xf32, #tpu.memory_space<vmem_shared>> -> memref<80x128xf32, #tpu.memory_space<vmem_shared>>
      %dma_start3A_44 = arith.constant 0 : i32
      %dma_start3A_45 = tpu.memref_slice %arg11[%add3A_10, %dma_start3A_44] : memref<10240x128xf32, #tpu.memory_space<vmem_shared>> -> memref<80x128xf32, #tpu.memory_space<vmem_shared>>
      tpu.enqueue_dma source(%arg10 : memref<80x128xf32, #tpu.memory_space<vmem>>) target(%dma_start3A_45 : memref<80x128xf32, #tpu.memory_space<vmem_shared>>) target_semaphore(%run_scoped3A : memref<!tpu.dma_semaphore, #tpu.memory_space<semaphore_mem>>)
      %dma_wait3A = arith.constant 0 : i32
      %dma_wait3A_46 = tpu.memref_slice %arg11[%add3A_10, %dma_wait3A] : memref<10240x128xf32, #tpu.memory_space<vmem_shared>> -> memref<80x128xf32, #tpu.memory_space<vmem_shared>>
      %dma_wait3A_47 = arith.constant 0 : i32
      %dma_wait3A_48 = tpu.memref_slice %arg11[%add3A_10, %dma_wait3A_47] : memref<10240x128xf32, #tpu.memory_space<vmem_shared>> -> memref<80x128xf32, #tpu.memory_space<vmem_shared>>
      tpu.wait_dma2 semaphore(%run_scoped3A : memref<!tpu.dma_semaphore, #tpu.memory_space<semaphore_mem>>) src(%arg10 : memref<80x128xf32, #tpu.memory_space<vmem>>) dst(%dma_wait3A_48 : memref<80x128xf32, #tpu.memory_space<vmem_shared>>)
      tpu.yield
    }) : () -> ()
    %add3A_11 = arith.constant 240 : i32
    %add3A_12 = arith.addi %mul3A_4, %add3A_11 : i32
    "tpu.region"() ({
      %run_scoped3A = tpu.sem_alloc : memref<!tpu.dma_semaphore, #tpu.memory_space<semaphore_mem>>
      %dma_start3A = arith.constant 0 : i32
      %dma_start3A_43 = tpu.memref_slice %arg11[%add3A_12, %dma_start3A] : memref<10240x128xf32, #tpu.memory_space<vmem_shared>> -> memref<80x128xf32, #tpu.memory_space<vmem_shared>>
      %dma_start3A_44 = arith.constant 0 : i32
      %dma_start3A_45 = tpu.memref_slice %arg11[%add3A_12, %dma_start3A_44] : memref<10240x128xf32, #tpu.memory_space<vmem_shared>> -> memref<80x128xf32, #tpu.memory_space<vmem_shared>>
      tpu.enqueue_dma source(%arg10 : memref<80x128xf32, #tpu.memory_space<vmem>>) target(%dma_start3A_45 : memref<80x128xf32, #tpu.memory_space<vmem_shared>>) target_semaphore(%run_scoped3A : memref<!tpu.dma_semaphore, #tpu.memory_space<semaphore_mem>>)
      %dma_wait3A = arith.constant 0 : i32
      %dma_wait3A_46 = tpu.memref_slice %arg11[%add3A_12, %dma_wait3A] : memref<10240x128xf32, #tpu.memory_space<vmem_shared>> -> memref<80x128xf32, #tpu.memory_space<vmem_shared>>
      %dma_wait3A_47 = arith.constant 0 : i32
      %dma_wait3A_48 = tpu.memref_slice %arg11[%add3A_12, %dma_wait3A_47] : memref<10240x128xf32, #tpu.memory_space<vmem_shared>> -> memref<80x128xf32, #tpu.memory_space<vmem_shared>>
      tpu.wait_dma2 semaphore(%run_scoped3A : memref<!tpu.dma_semaphore, #tpu.memory_space<semaphore_mem>>) src(%arg10 : memref<80x128xf32, #tpu.memory_space<vmem>>) dst(%dma_wait3A_48 : memref<80x128xf32, #tpu.memory_space<vmem_shared>>)
      tpu.yield
    }) : () -> ()
    %add3A_13 = arith.constant 320 : i32
    %add3A_14 = arith.addi %mul3A_4, %add3A_13 : i32
    "tpu.region"() ({
      %run_scoped3A = tpu.sem_alloc : memref<!tpu.dma_semaphore, #tpu.memory_space<semaphore_mem>>
      %dma_start3A = arith.constant 0 : i32
      %dma_start3A_43 = tpu.memref_slice %arg11[%add3A_14, %dma_start3A] : memref<10240x128xf32, #tpu.memory_space<vmem_shared>> -> memref<80x128xf32, #tpu.memory_space<vmem_shared>>
      %dma_start3A_44 = arith.constant 0 : i32
      %dma_start3A_45 = tpu.memref_slice %arg11[%add3A_14, %dma_start3A_44] : memref<10240x128xf32, #tpu.memory_space<vmem_shared>> -> memref<80x128xf32, #tpu.memory_space<vmem_shared>>
      tpu.enqueue_dma source(%arg10 : memref<80x128xf32, #tpu.memory_space<vmem>>) target(%dma_start3A_45 : memref<80x128xf32, #tpu.memory_space<vmem_shared>>) target_semaphore(%run_scoped3A : memref<!tpu.dma_semaphore, #tpu.memory_space<semaphore_mem>>)
      %dma_wait3A = arith.constant 0 : i32
      %dma_wait3A_46 = tpu.memref_slice %arg11[%add3A_14, %dma_wait3A] : memref<10240x128xf32, #tpu.memory_space<vmem_shared>> -> memref<80x128xf32, #tpu.memory_space<vmem_shared>>
      %dma_wait3A_47 = arith.constant 0 : i32
      %dma_wait3A_48 = tpu.memref_slice %arg11[%add3A_14, %dma_wait3A_47] : memref<10240x128xf32, #tpu.memory_space<vmem_shared>> -> memref<80x128xf32, #tpu.memory_space<vmem_shared>>
      tpu.wait_dma2 semaphore(%run_scoped3A : memref<!tpu.dma_semaphore, #tpu.memory_space<semaphore_mem>>) src(%arg10 : memref<80x128xf32, #tpu.memory_space<vmem>>) dst(%dma_wait3A_48 : memref<80x128xf32, #tpu.memory_space<vmem_shared>>)
      tpu.yield
    }) : () -> ()
    %add3A_15 = arith.constant 400 : i32
    %add3A_16 = arith.addi %mul3A_4, %add3A_15 : i32
    "tpu.region"() ({
      %run_scoped3A = tpu.sem_alloc : memref<!tpu.dma_semaphore, #tpu.memory_space<semaphore_mem>>
      %dma_start3A = arith.constant 0 : i32
      %dma_start3A_43 = tpu.memref_slice %arg11[%add3A_16, %dma_start3A] : memref<10240x128xf32, #tpu.memory_space<vmem_shared>> -> memref<80x128xf32, #tpu.memory_space<vmem_shared>>
      %dma_start3A_44 = arith.constant 0 : i32
      %dma_start3A_45 = tpu.memref_slice %arg11[%add3A_16, %dma_start3A_44] : memref<10240x128xf32, #tpu.memory_space<vmem_shared>> -> memref<80x128xf32, #tpu.memory_space<vmem_shared>>
      tpu.enqueue_dma source(%arg10 : memref<80x128xf32, #tpu.memory_space<vmem>>) target(%dma_start3A_45 : memref<80x128xf32, #tpu.memory_space<vmem_shared>>) target_semaphore(%run_scoped3A : memref<!tpu.dma_semaphore, #tpu.memory_space<semaphore_mem>>)
      %dma_wait3A = arith.constant 0 : i32
      %dma_wait3A_46 = tpu.memref_slice %arg11[%add3A_16, %dma_wait3A] : memref<10240x128xf32, #tpu.memory_space<vmem_shared>> -> memref<80x128xf32, #tpu.memory_space<vmem_shared>>
      %dma_wait3A_47 = arith.constant 0 : i32
      %dma_wait3A_48 = tpu.memref_slice %arg11[%add3A_16, %dma_wait3A_47] : memref<10240x128xf32, #tpu.memory_space<vmem_shared>> -> memref<80x128xf32, #tpu.memory_space<vmem_shared>>
      tpu.wait_dma2 semaphore(%run_scoped3A : memref<!tpu.dma_semaphore, #tpu.memory_space<semaphore_mem>>) src(%arg10 : memref<80x128xf32, #tpu.memory_space<vmem>>) dst(%dma_wait3A_48 : memref<80x128xf32, #tpu.memory_space<vmem_shared>>)
      tpu.yield
    }) : () -> ()
    %add3A_17 = arith.constant 480 : i32
    %add3A_18 = arith.addi %mul3A_4, %add3A_17 : i32
    "tpu.region"() ({
      %run_scoped3A = tpu.sem_alloc : memref<!tpu.dma_semaphore, #tpu.memory_space<semaphore_mem>>
      %dma_start3A = arith.constant 0 : i32
      %dma_start3A_43 = tpu.memref_slice %arg11[%add3A_18, %dma_start3A] : memref<10240x128xf32, #tpu.memory_space<vmem_shared>> -> memref<80x128xf32, #tpu.memory_space<vmem_shared>>
      %dma_start3A_44 = arith.constant 0 : i32
      %dma_start3A_45 = tpu.memref_slice %arg11[%add3A_18, %dma_start3A_44] : memref<10240x128xf32, #tpu.memory_space<vmem_shared>> -> memref<80x128xf32, #tpu.memory_space<vmem_shared>>
      tpu.enqueue_dma source(%arg10 : memref<80x128xf32, #tpu.memory_space<vmem>>) target(%dma_start3A_45 : memref<80x128xf32, #tpu.memory_space<vmem_shared>>) target_semaphore(%run_scoped3A : memref<!tpu.dma_semaphore, #tpu.memory_space<semaphore_mem>>)
      %dma_wait3A = arith.constant 0 : i32
      %dma_wait3A_46 = tpu.memref_slice %arg11[%add3A_18, %dma_wait3A] : memref<10240x128xf32, #tpu.memory_space<vmem_shared>> -> memref<80x128xf32, #tpu.memory_space<vmem_shared>>
      %dma_wait3A_47 = arith.constant 0 : i32
      %dma_wait3A_48 = tpu.memref_slice %arg11[%add3A_18, %dma_wait3A_47] : memref<10240x128xf32, #tpu.memory_space<vmem_shared>> -> memref<80x128xf32, #tpu.memory_space<vmem_shared>>
      tpu.wait_dma2 semaphore(%run_scoped3A : memref<!tpu.dma_semaphore, #tpu.memory_space<semaphore_mem>>) src(%arg10 : memref<80x128xf32, #tpu.memory_space<vmem>>) dst(%dma_wait3A_48 : memref<80x128xf32, #tpu.memory_space<vmem_shared>>)
      tpu.yield
    }) : () -> ()
    %add3A_19 = arith.constant 560 : i32
    %add3A_20 = arith.addi %mul3A_4, %add3A_19 : i32
    "tpu.region"() ({
      %run_scoped3A = tpu.sem_alloc : memref<!tpu.dma_semaphore, #tpu.memory_space<semaphore_mem>>
      %dma_start3A = arith.constant 0 : i32
      %dma_start3A_43 = tpu.memref_slice %arg11[%add3A_20, %dma_start3A] : memref<10240x128xf32, #tpu.memory_space<vmem_shared>> -> memref<80x128xf32, #tpu.memory_space<vmem_shared>>
      %dma_start3A_44 = arith.constant 0 : i32
      %dma_start3A_45 = tpu.memref_slice %arg11[%add3A_20, %dma_start3A_44] : memref<10240x128xf32, #tpu.memory_space<vmem_shared>> -> memref<80x128xf32, #tpu.memory_space<vmem_shared>>
      tpu.enqueue_dma source(%arg10 : memref<80x128xf32, #tpu.memory_space<vmem>>) target(%dma_start3A_45 : memref<80x128xf32, #tpu.memory_space<vmem_shared>>) target_semaphore(%run_scoped3A : memref<!tpu.dma_semaphore, #tpu.memory_space<semaphore_mem>>)
      %dma_wait3A = arith.constant 0 : i32
      %dma_wait3A_46 = tpu.memref_slice %arg11[%add3A_20, %dma_wait3A] : memref<10240x128xf32, #tpu.memory_space<vmem_shared>> -> memref<80x128xf32, #tpu.memory_space<vmem_shared>>
      %dma_wait3A_47 = arith.constant 0 : i32
      %dma_wait3A_48 = tpu.memref_slice %arg11[%add3A_20, %dma_wait3A_47] : memref<10240x128xf32, #tpu.memory_space<vmem_shared>> -> memref<80x128xf32, #tpu.memory_space<vmem_shared>>
      tpu.wait_dma2 semaphore(%run_scoped3A : memref<!tpu.dma_semaphore, #tpu.memory_space<semaphore_mem>>) src(%arg10 : memref<80x128xf32, #tpu.memory_space<vmem>>) dst(%dma_wait3A_48 : memref<80x128xf32, #tpu.memory_space<vmem_shared>>)
      tpu.yield
    }) : () -> ()
    %barrier3A = arith.constant 0 : index
    tpu.barrier barrier_id(%barrier3A)
    %scan3A = arith.constant 0 : i32
    %scan3A_21 = arith.constant 0 : i32
    %scan3A_22 = arith.constant 125 : i32
    %scan3A_23 = arith.addi %scan3A_21, %scan3A_22 : i32
    %scan3A_24 = arith.constant 1 : i32
    scf.for %scan3A_43 = %scan3A_21 to %scan3A_23 step %scan3A_24  : i32 {
      %mul3A_44 = arith.constant 80 : i32
      %mul3A_45 = arith.muli %scan3A_43, %mul3A_44 : i32
      %dma_start3A = tpu.memref_slice %arg7[%mul3A_45] : memref<10000xi32, #tpu.memory_space<vmem>> -> memref<80xi32, #tpu.memory_space<vmem>>
      %dma_start3A_46 = arith.constant 0 : i32
      %dma_start3A_47 = arith.constant 0 : i32
      %dma_start3A_48 = tpu.memref_slice %arg2[%dma_start3A_46, %dma_start3A_47] : memref<10000x128xf32, #tpu.memory_space<hbm>> -> memref<10000x128xf32, #tpu.memory_space<hbm>>
      tpu.enqueue_indirect_dma source(%dma_start3A_48 : memref<10000x128xf32, #tpu.memory_space<hbm>>) target(%arg9 : memref<80x128xf32, #tpu.memory_space<vmem>>) offsets(%dma_start3A : memref<80xi32, #tpu.memory_space<vmem>>) semaphore(%arg12 : memref<!tpu.dma_semaphore, #tpu.memory_space<semaphore_mem>>)
      %dma_wait3A = tpu.memref_slice %arg7[%mul3A_45] : memref<10000xi32, #tpu.memory_space<vmem>> -> memref<80xi32, #tpu.memory_space<vmem>>
      %dma_wait3A_49 = arith.constant 0 : i32
      %dma_wait3A_50 = arith.constant 0 : i32
      %dma_wait3A_51 = tpu.memref_slice %arg2[%dma_wait3A_49, %dma_wait3A_50] : memref<10000x128xf32, #tpu.memory_space<hbm>> -> memref<10000x128xf32, #tpu.memory_space<hbm>>
      tpu.wait_indirect_dma semaphore(%arg12 : memref<!tpu.dma_semaphore, #tpu.memory_space<semaphore_mem>>) src(%dma_wait3A_51 : memref<10000x128xf32, #tpu.memory_space<hbm>>) dst(%arg9 : memref<80x128xf32, #tpu.memory_space<vmem>>)
      "tpu.region"() ({
        %run_scoped3A = tpu.sem_alloc : memref<!tpu.dma_semaphore, #tpu.memory_space<semaphore_mem>>
        %dma_start3A_52 = arith.constant 0 : i32
        %dma_start3A_53 = tpu.memref_slice %arg8[%scan3A_43, %dma_start3A_52] : memref<125x80xi32, #tpu.memory_space<vmem>> -> memref<1x80xi32, #tpu.memory_space<vmem>>
        %dma_start3A_54 = tpu.memref_squeeze %dma_start3A_53 : memref<1x80xi32, #tpu.memory_space<vmem>> -> memref<80xi32, #tpu.memory_space<vmem>>
        %dma_start3A_55 = arith.constant 0 : i32
        %dma_start3A_56 = arith.constant 0 : i32
        %dma_start3A_57 = tpu.memref_slice %arg11[%dma_start3A_55, %dma_start3A_56] : memref<10240x128xf32, #tpu.memory_space<vmem_shared>> -> memref<10240x128xf32, #tpu.memory_space<vmem_shared>>
        tpu.enqueue_indirect_dma source(%arg9 : memref<80x128xf32, #tpu.memory_space<vmem>>) target(%dma_start3A_57 : memref<10240x128xf32, #tpu.memory_space<vmem_shared>>) offsets(%dma_start3A_54 : memref<80xi32, #tpu.memory_space<vmem>>) semaphore(%run_scoped3A : memref<!tpu.dma_semaphore, #tpu.memory_space<semaphore_mem>>) {add = true}
        %dma_wait3A_58 = arith.constant 0 : i32
        %dma_wait3A_59 = tpu.memref_slice %arg8[%scan3A_43, %dma_wait3A_58] : memref<125x80xi32, #tpu.memory_space<vmem>> -> memref<1x80xi32, #tpu.memory_space<vmem>>
        %dma_wait3A_60 = tpu.memref_squeeze %dma_wait3A_59 : memref<1x80xi32, #tpu.memory_space<vmem>> -> memref<80xi32, #tpu.memory_space<vmem>>
        %dma_wait3A_61 = arith.constant 0 : i32
        %dma_wait3A_62 = arith.constant 0 : i32
        %dma_wait3A_63 = tpu.memref_slice %arg11[%dma_wait3A_61, %dma_wait3A_62] : memref<10240x128xf32, #tpu.memory_space<vmem_shared>> -> memref<10240x128xf32, #tpu.memory_space<vmem_shared>>
        tpu.wait_indirect_dma semaphore(%run_scoped3A : memref<!tpu.dma_semaphore, #tpu.memory_space<semaphore_mem>>) src(%arg9 : memref<80x128xf32, #tpu.memory_space<vmem>>) dst(%dma_wait3A_63 : memref<10240x128xf32, #tpu.memory_space<vmem_shared>>)
        tpu.yield
      }) : () -> ()
    }
    %scan3A_25 = arith.constant 125 : i32
    %barrier3A_26 = arith.constant 0 : index
    tpu.barrier barrier_id(%barrier3A_26)
    %add3A_27 = arith.constant 0 : i32
    %add3A_28 = arith.addi %mul3A_4, %add3A_27 : i32
    "tpu.region"() ({
      %run_scoped3A = tpu.sem_alloc : memref<!tpu.dma_semaphore, #tpu.memory_space<semaphore_mem>>
      %dma_start3A = arith.constant 0 : i32
      %dma_start3A_43 = tpu.memref_slice %arg11[%add3A_28, %dma_start3A] : memref<10240x128xf32, #tpu.memory_space<vmem_shared>> -> memref<80x128xf32, #tpu.memory_space<vmem_shared>>
      %dma_start3A_44 = arith.constant 0 : i32
      %dma_start3A_45 = tpu.memref_slice %arg11[%add3A_28, %dma_start3A_44] : memref<10240x128xf32, #tpu.memory_space<vmem_shared>> -> memref<80x128xf32, #tpu.memory_space<vmem_shared>>
      tpu.enqueue_dma source(%dma_start3A_45 : memref<80x128xf32, #tpu.memory_space<vmem_shared>>) target(%arg10 : memref<80x128xf32, #tpu.memory_space<vmem>>) target_semaphore(%run_scoped3A : memref<!tpu.dma_semaphore, #tpu.memory_space<semaphore_mem>>)
      %dma_wait3A = arith.constant 0 : i32
      %dma_wait3A_46 = tpu.memref_slice %arg11[%add3A_28, %dma_wait3A] : memref<10240x128xf32, #tpu.memory_space<vmem_shared>> -> memref<80x128xf32, #tpu.memory_space<vmem_shared>>
      %dma_wait3A_47 = arith.constant 0 : i32
      %dma_wait3A_48 = tpu.memref_slice %arg11[%add3A_28, %dma_wait3A_47] : memref<10240x128xf32, #tpu.memory_space<vmem_shared>> -> memref<80x128xf32, #tpu.memory_space<vmem_shared>>
      tpu.wait_dma2 semaphore(%run_scoped3A : memref<!tpu.dma_semaphore, #tpu.memory_space<semaphore_mem>>) src(%dma_wait3A_48 : memref<80x128xf32, #tpu.memory_space<vmem_shared>>) dst(%arg10 : memref<80x128xf32, #tpu.memory_space<vmem>>)
      tpu.yield
    }) : () -> ()
    "tpu.region"() ({
      %run_scoped3A = tpu.sem_alloc : memref<!tpu.dma_semaphore, #tpu.memory_space<semaphore_mem>>
      %dma_start3A = arith.constant 0 : i32
      %dma_start3A_43 = tpu.memref_slice %arg6[%arg0, %add3A_28, %dma_start3A] : memref<2x10240x128xf32, #tpu.memory_space<hbm>> -> memref<1x80x128xf32, #tpu.memory_space<hbm>>
      %dma_start3A_44 = tpu.memref_squeeze %dma_start3A_43 : memref<1x80x128xf32, #tpu.memory_space<hbm>> -> memref<80x128xf32, #tpu.memory_space<hbm>>
      %dma_start3A_45 = arith.constant 0 : i32
      %dma_start3A_46 = tpu.memref_slice %arg6[%arg0, %add3A_28, %dma_start3A_45] : memref<2x10240x128xf32, #tpu.memory_space<hbm>> -> memref<1x80x128xf32, #tpu.memory_space<hbm>>
      %dma_start3A_47 = tpu.memref_squeeze %dma_start3A_46 : memref<1x80x128xf32, #tpu.memory_space<hbm>> -> memref<80x128xf32, #tpu.memory_space<hbm>>
      tpu.enqueue_dma source(%arg10 : memref<80x128xf32, #tpu.memory_space<vmem>>) target(%dma_start3A_47 : memref<80x128xf32, #tpu.memory_space<hbm>>) target_semaphore(%run_scoped3A : memref<!tpu.dma_semaphore, #tpu.memory_space<semaphore_mem>>)
      %dma_wait3A = arith.constant 0 : i32
      %dma_wait3A_48 = tpu.memref_slice %arg6[%arg0, %add3A_28, %dma_wait3A] : memref<2x10240x128xf32, #tpu.memory_space<hbm>> -> memref<1x80x128xf32, #tpu.memory_space<hbm>>
      %dma_wait3A_49 = tpu.memref_squeeze %dma_wait3A_48 : memref<1x80x128xf32, #tpu.memory_space<hbm>> -> memref<80x128xf32, #tpu.memory_space<hbm>>
      %dma_wait3A_50 = arith.constant 0 : i32
      %dma_wait3A_51 = tpu.memref_slice %arg6[%arg0, %add3A_28, %dma_wait3A_50] : memref<2x10240x128xf32, #tpu.memory_space<hbm>> -> memref<1x80x128xf32, #tpu.memory_space<hbm>>
      %dma_wait3A_52 = tpu.memref_squeeze %dma_wait3A_51 : memref<1x80x128xf32, #tpu.memory_space<hbm>> -> memref<80x128xf32, #tpu.memory_space<hbm>>
      tpu.wait_dma2 semaphore(%run_scoped3A : memref<!tpu.dma_semaphore, #tpu.memory_space<semaphore_mem>>) src(%arg10 : memref<80x128xf32, #tpu.memory_space<vmem>>) dst(%dma_wait3A_52 : memref<80x128xf32, #tpu.memory_space<hbm>>)
      tpu.yield
    }) : () -> ()
    %add3A_29 = arith.constant 80 : i32
    %add3A_30 = arith.addi %mul3A_4, %add3A_29 : i32
    "tpu.region"() ({
      %run_scoped3A = tpu.sem_alloc : memref<!tpu.dma_semaphore, #tpu.memory_space<semaphore_mem>>
      %dma_start3A = arith.constant 0 : i32
      %dma_start3A_43 = tpu.memref_slice %arg11[%add3A_30, %dma_start3A] : memref<10240x128xf32, #tpu.memory_space<vmem_shared>> -> memref<80x128xf32, #tpu.memory_space<vmem_shared>>
      %dma_start3A_44 = arith.constant 0 : i32
      %dma_start3A_45 = tpu.memref_slice %arg11[%add3A_30, %dma_start3A_44] : memref<10240x128xf32, #tpu.memory_space<vmem_shared>> -> memref<80x128xf32, #tpu.memory_space<vmem_shared>>
      tpu.enqueue_dma source(%dma_start3A_45 : memref<80x128xf32, #tpu.memory_space<vmem_shared>>) target(%arg10 : memref<80x128xf32, #tpu.memory_space<vmem>>) target_semaphore(%run_scoped3A : memref<!tpu.dma_semaphore, #tpu.memory_space<semaphore_mem>>)
      %dma_wait3A = arith.constant 0 : i32
      %dma_wait3A_46 = tpu.memref_slice %arg11[%add3A_30, %dma_wait3A] : memref<10240x128xf32, #tpu.memory_space<vmem_shared>> -> memref<80x128xf32, #tpu.memory_space<vmem_shared>>
      %dma_wait3A_47 = arith.constant 0 : i32
      %dma_wait3A_48 = tpu.memref_slice %arg11[%add3A_30, %dma_wait3A_47] : memref<10240x128xf32, #tpu.memory_space<vmem_shared>> -> memref<80x128xf32, #tpu.memory_space<vmem_shared>>
      tpu.wait_dma2 semaphore(%run_scoped3A : memref<!tpu.dma_semaphore, #tpu.memory_space<semaphore_mem>>) src(%dma_wait3A_48 : memref<80x128xf32, #tpu.memory_space<vmem_shared>>) dst(%arg10 : memref<80x128xf32, #tpu.memory_space<vmem>>)
      tpu.yield
    }) : () -> ()
    "tpu.region"() ({
      %run_scoped3A = tpu.sem_alloc : memref<!tpu.dma_semaphore, #tpu.memory_space<semaphore_mem>>
      %dma_start3A = arith.constant 0 : i32
      %dma_start3A_43 = tpu.memref_slice %arg6[%arg0, %add3A_30, %dma_start3A] : memref<2x10240x128xf32, #tpu.memory_space<hbm>> -> memref<1x80x128xf32, #tpu.memory_space<hbm>>
      %dma_start3A_44 = tpu.memref_squeeze %dma_start3A_43 : memref<1x80x128xf32, #tpu.memory_space<hbm>> -> memref<80x128xf32, #tpu.memory_space<hbm>>
      %dma_start3A_45 = arith.constant 0 : i32
      %dma_start3A_46 = tpu.memref_slice %arg6[%arg0, %add3A_30, %dma_start3A_45] : memref<2x10240x128xf32, #tpu.memory_space<hbm>> -> memref<1x80x128xf32, #tpu.memory_space<hbm>>
      %dma_start3A_47 = tpu.memref_squeeze %dma_start3A_46 : memref<1x80x128xf32, #tpu.memory_space<hbm>> -> memref<80x128xf32, #tpu.memory_space<hbm>>
      tpu.enqueue_dma source(%arg10 : memref<80x128xf32, #tpu.memory_space<vmem>>) target(%dma_start3A_47 : memref<80x128xf32, #tpu.memory_space<hbm>>) target_semaphore(%run_scoped3A : memref<!tpu.dma_semaphore, #tpu.memory_space<semaphore_mem>>)
      %dma_wait3A = arith.constant 0 : i32
      %dma_wait3A_48 = tpu.memref_slice %arg6[%arg0, %add3A_30, %dma_wait3A] : memref<2x10240x128xf32, #tpu.memory_space<hbm>> -> memref<1x80x128xf32, #tpu.memory_space<hbm>>
      %dma_wait3A_49 = tpu.memref_squeeze %dma_wait3A_48 : memref<1x80x128xf32, #tpu.memory_space<hbm>> -> memref<80x128xf32, #tpu.memory_space<hbm>>
      %dma_wait3A_50 = arith.constant 0 : i32
      %dma_wait3A_51 = tpu.memref_slice %arg6[%arg0, %add3A_30, %dma_wait3A_50] : memref<2x10240x128xf32, #tpu.memory_space<hbm>> -> memref<1x80x128xf32, #tpu.memory_space<hbm>>
      %dma_wait3A_52 = tpu.memref_squeeze %dma_wait3A_51 : memref<1x80x128xf32, #tpu.memory_space<hbm>> -> memref<80x128xf32, #tpu.memory_space<hbm>>
      tpu.wait_dma2 semaphore(%run_scoped3A : memref<!tpu.dma_semaphore, #tpu.memory_space<semaphore_mem>>) src(%arg10 : memref<80x128xf32, #tpu.memory_space<vmem>>) dst(%dma_wait3A_52 : memref<80x128xf32, #tpu.memory_space<hbm>>)
      tpu.yield
    }) : () -> ()
    %add3A_31 = arith.constant 160 : i32
    %add3A_32 = arith.addi %mul3A_4, %add3A_31 : i32
    "tpu.region"() ({
      %run_scoped3A = tpu.sem_alloc : memref<!tpu.dma_semaphore, #tpu.memory_space<semaphore_mem>>
      %dma_start3A = arith.constant 0 : i32
      %dma_start3A_43 = tpu.memref_slice %arg11[%add3A_32, %dma_start3A] : memref<10240x128xf32, #tpu.memory_space<vmem_shared>> -> memref<80x128xf32, #tpu.memory_space<vmem_shared>>
      %dma_start3A_44 = arith.constant 0 : i32
      %dma_start3A_45 = tpu.memref_slice %arg11[%add3A_32, %dma_start3A_44] : memref<10240x128xf32, #tpu.memory_space<vmem_shared>> -> memref<80x128xf32, #tpu.memory_space<vmem_shared>>
      tpu.enqueue_dma source(%dma_start3A_45 : memref<80x128xf32, #tpu.memory_space<vmem_shared>>) target(%arg10 : memref<80x128xf32, #tpu.memory_space<vmem>>) target_semaphore(%run_scoped3A : memref<!tpu.dma_semaphore, #tpu.memory_space<semaphore_mem>>)
      %dma_wait3A = arith.constant 0 : i32
      %dma_wait3A_46 = tpu.memref_slice %arg11[%add3A_32, %dma_wait3A] : memref<10240x128xf32, #tpu.memory_space<vmem_shared>> -> memref<80x128xf32, #tpu.memory_space<vmem_shared>>
      %dma_wait3A_47 = arith.constant 0 : i32
      %dma_wait3A_48 = tpu.memref_slice %arg11[%add3A_32, %dma_wait3A_47] : memref<10240x128xf32, #tpu.memory_space<vmem_shared>> -> memref<80x128xf32, #tpu.memory_space<vmem_shared>>
      tpu.wait_dma2 semaphore(%run_scoped3A : memref<!tpu.dma_semaphore, #tpu.memory_space<semaphore_mem>>) src(%dma_wait3A_48 : memref<80x128xf32, #tpu.memory_space<vmem_shared>>) dst(%arg10 : memref<80x128xf32, #tpu.memory_space<vmem>>)
      tpu.yield
    }) : () -> ()
    "tpu.region"() ({
      %run_scoped3A = tpu.sem_alloc : memref<!tpu.dma_semaphore, #tpu.memory_space<semaphore_mem>>
      %dma_start3A = arith.constant 0 : i32
      %dma_start3A_43 = tpu.memref_slice %arg6[%arg0, %add3A_32, %dma_start3A] : memref<2x10240x128xf32, #tpu.memory_space<hbm>> -> memref<1x80x128xf32, #tpu.memory_space<hbm>>
      %dma_start3A_44 = tpu.memref_squeeze %dma_start3A_43 : memref<1x80x128xf32, #tpu.memory_space<hbm>> -> memref<80x128xf32, #tpu.memory_space<hbm>>
      %dma_start3A_45 = arith.constant 0 : i32
      %dma_start3A_46 = tpu.memref_slice %arg6[%arg0, %add3A_32, %dma_start3A_45] : memref<2x10240x128xf32, #tpu.memory_space<hbm>> -> memref<1x80x128xf32, #tpu.memory_space<hbm>>
      %dma_start3A_47 = tpu.memref_squeeze %dma_start3A_46 : memref<1x80x128xf32, #tpu.memory_space<hbm>> -> memref<80x128xf32, #tpu.memory_space<hbm>>
      tpu.enqueue_dma source(%arg10 : memref<80x128xf32, #tpu.memory_space<vmem>>) target(%dma_start3A_47 : memref<80x128xf32, #tpu.memory_space<hbm>>) target_semaphore(%run_scoped3A : memref<!tpu.dma_semaphore, #tpu.memory_space<semaphore_mem>>)
      %dma_wait3A = arith.constant 0 : i32
      %dma_wait3A_48 = tpu.memref_slice %arg6[%arg0, %add3A_32, %dma_wait3A] : memref<2x10240x128xf32, #tpu.memory_space<hbm>> -> memref<1x80x128xf32, #tpu.memory_space<hbm>>
      %dma_wait3A_49 = tpu.memref_squeeze %dma_wait3A_48 : memref<1x80x128xf32, #tpu.memory_space<hbm>> -> memref<80x128xf32, #tpu.memory_space<hbm>>
      %dma_wait3A_50 = arith.constant 0 : i32
      %dma_wait3A_51 = tpu.memref_slice %arg6[%arg0, %add3A_32, %dma_wait3A_50] : memref<2x10240x128xf32, #tpu.memory_space<hbm>> -> memref<1x80x128xf32, #tpu.memory_space<hbm>>
      %dma_wait3A_52 = tpu.memref_squeeze %dma_wait3A_51 : memref<1x80x128xf32, #tpu.memory_space<hbm>> -> memref<80x128xf32, #tpu.memory_space<hbm>>
      tpu.wait_dma2 semaphore(%run_scoped3A : memref<!tpu.dma_semaphore, #tpu.memory_space<semaphore_mem>>) src(%arg10 : memref<80x128xf32, #tpu.memory_space<vmem>>) dst(%dma_wait3A_52 : memref<80x128xf32, #tpu.memory_space<hbm>>)
      tpu.yield
    }) : () -> ()
    %add3A_33 = arith.constant 240 : i32
    %add3A_34 = arith.addi %mul3A_4, %add3A_33 : i32
    "tpu.region"() ({
      %run_scoped3A = tpu.sem_alloc : memref<!tpu.dma_semaphore, #tpu.memory_space<semaphore_mem>>
      %dma_start3A = arith.constant 0 : i32
      %dma_start3A_43 = tpu.memref_slice %arg11[%add3A_34, %dma_start3A] : memref<10240x128xf32, #tpu.memory_space<vmem_shared>> -> memref<80x128xf32, #tpu.memory_space<vmem_shared>>
      %dma_start3A_44 = arith.constant 0 : i32
      %dma_start3A_45 = tpu.memref_slice %arg11[%add3A_34, %dma_start3A_44] : memref<10240x128xf32, #tpu.memory_space<vmem_shared>> -> memref<80x128xf32, #tpu.memory_space<vmem_shared>>
      tpu.enqueue_dma source(%dma_start3A_45 : memref<80x128xf32, #tpu.memory_space<vmem_shared>>) target(%arg10 : memref<80x128xf32, #tpu.memory_space<vmem>>) target_semaphore(%run_scoped3A : memref<!tpu.dma_semaphore, #tpu.memory_space<semaphore_mem>>)
      %dma_wait3A = arith.constant 0 : i32
      %dma_wait3A_46 = tpu.memref_slice %arg11[%add3A_34, %dma_wait3A] : memref<10240x128xf32, #tpu.memory_space<vmem_shared>> -> memref<80x128xf32, #tpu.memory_space<vmem_shared>>
      %dma_wait3A_47 = arith.constant 0 : i32
      %dma_wait3A_48 = tpu.memref_slice %arg11[%add3A_34, %dma_wait3A_47] : memref<10240x128xf32, #tpu.memory_space<vmem_shared>> -> memref<80x128xf32, #tpu.memory_space<vmem_shared>>
      tpu.wait_dma2 semaphore(%run_scoped3A : memref<!tpu.dma_semaphore, #tpu.memory_space<semaphore_mem>>) src(%dma_wait3A_48 : memref<80x128xf32, #tpu.memory_space<vmem_shared>>) dst(%arg10 : memref<80x128xf32, #tpu.memory_space<vmem>>)
      tpu.yield
    }) : () -> ()
    "tpu.region"() ({
      %run_scoped3A = tpu.sem_alloc : memref<!tpu.dma_semaphore, #tpu.memory_space<semaphore_mem>>
      %dma_start3A = arith.constant 0 : i32
      %dma_start3A_43 = tpu.memref_slice %arg6[%arg0, %add3A_34, %dma_start3A] : memref<2x10240x128xf32, #tpu.memory_space<hbm>> -> memref<1x80x128xf32, #tpu.memory_space<hbm>>
      %dma_start3A_44 = tpu.memref_squeeze %dma_start3A_43 : memref<1x80x128xf32, #tpu.memory_space<hbm>> -> memref<80x128xf32, #tpu.memory_space<hbm>>
      %dma_start3A_45 = arith.constant 0 : i32
      %dma_start3A_46 = tpu.memref_slice %arg6[%arg0, %add3A_34, %dma_start3A_45] : memref<2x10240x128xf32, #tpu.memory_space<hbm>> -> memref<1x80x128xf32, #tpu.memory_space<hbm>>
      %dma_start3A_47 = tpu.memref_squeeze %dma_start3A_46 : memref<1x80x128xf32, #tpu.memory_space<hbm>> -> memref<80x128xf32, #tpu.memory_space<hbm>>
      tpu.enqueue_dma source(%arg10 : memref<80x128xf32, #tpu.memory_space<vmem>>) target(%dma_start3A_47 : memref<80x128xf32, #tpu.memory_space<hbm>>) target_semaphore(%run_scoped3A : memref<!tpu.dma_semaphore, #tpu.memory_space<semaphore_mem>>)
      %dma_wait3A = arith.constant 0 : i32
      %dma_wait3A_48 = tpu.memref_slice %arg6[%arg0, %add3A_34, %dma_wait3A] : memref<2x10240x128xf32, #tpu.memory_space<hbm>> -> memref<1x80x128xf32, #tpu.memory_space<hbm>>
      %dma_wait3A_49 = tpu.memref_squeeze %dma_wait3A_48 : memref<1x80x128xf32, #tpu.memory_space<hbm>> -> memref<80x128xf32, #tpu.memory_space<hbm>>
      %dma_wait3A_50 = arith.constant 0 : i32
      %dma_wait3A_51 = tpu.memref_slice %arg6[%arg0, %add3A_34, %dma_wait3A_50] : memref<2x10240x128xf32, #tpu.memory_space<hbm>> -> memref<1x80x128xf32, #tpu.memory_space<hbm>>
      %dma_wait3A_52 = tpu.memref_squeeze %dma_wait3A_51 : memref<1x80x128xf32, #tpu.memory_space<hbm>> -> memref<80x128xf32, #tpu.memory_space<hbm>>
      tpu.wait_dma2 semaphore(%run_scoped3A : memref<!tpu.dma_semaphore, #tpu.memory_space<semaphore_mem>>) src(%arg10 : memref<80x128xf32, #tpu.memory_space<vmem>>) dst(%dma_wait3A_52 : memref<80x128xf32, #tpu.memory_space<hbm>>)
      tpu.yield
    }) : () -> ()
    %add3A_35 = arith.constant 320 : i32
    %add3A_36 = arith.addi %mul3A_4, %add3A_35 : i32
    "tpu.region"() ({
      %run_scoped3A = tpu.sem_alloc : memref<!tpu.dma_semaphore, #tpu.memory_space<semaphore_mem>>
      %dma_start3A = arith.constant 0 : i32
      %dma_start3A_43 = tpu.memref_slice %arg11[%add3A_36, %dma_start3A] : memref<10240x128xf32, #tpu.memory_space<vmem_shared>> -> memref<80x128xf32, #tpu.memory_space<vmem_shared>>
      %dma_start3A_44 = arith.constant 0 : i32
      %dma_start3A_45 = tpu.memref_slice %arg11[%add3A_36, %dma_start3A_44] : memref<10240x128xf32, #tpu.memory_space<vmem_shared>> -> memref<80x128xf32, #tpu.memory_space<vmem_shared>>
      tpu.enqueue_dma source(%dma_start3A_45 : memref<80x128xf32, #tpu.memory_space<vmem_shared>>) target(%arg10 : memref<80x128xf32, #tpu.memory_space<vmem>>) target_semaphore(%run_scoped3A : memref<!tpu.dma_semaphore, #tpu.memory_space<semaphore_mem>>)
      %dma_wait3A = arith.constant 0 : i32
      %dma_wait3A_46 = tpu.memref_slice %arg11[%add3A_36, %dma_wait3A] : memref<10240x128xf32, #tpu.memory_space<vmem_shared>> -> memref<80x128xf32, #tpu.memory_space<vmem_shared>>
      %dma_wait3A_47 = arith.constant 0 : i32
      %dma_wait3A_48 = tpu.memref_slice %arg11[%add3A_36, %dma_wait3A_47] : memref<10240x128xf32, #tpu.memory_space<vmem_shared>> -> memref<80x128xf32, #tpu.memory_space<vmem_shared>>
      tpu.wait_dma2 semaphore(%run_scoped3A : memref<!tpu.dma_semaphore, #tpu.memory_space<semaphore_mem>>) src(%dma_wait3A_48 : memref<80x128xf32, #tpu.memory_space<vmem_shared>>) dst(%arg10 : memref<80x128xf32, #tpu.memory_space<vmem>>)
      tpu.yield
    }) : () -> ()
    "tpu.region"() ({
      %run_scoped3A = tpu.sem_alloc : memref<!tpu.dma_semaphore, #tpu.memory_space<semaphore_mem>>
      %dma_start3A = arith.constant 0 : i32
      %dma_start3A_43 = tpu.memref_slice %arg6[%arg0, %add3A_36, %dma_start3A] : memref<2x10240x128xf32, #tpu.memory_space<hbm>> -> memref<1x80x128xf32, #tpu.memory_space<hbm>>
      %dma_start3A_44 = tpu.memref_squeeze %dma_start3A_43 : memref<1x80x128xf32, #tpu.memory_space<hbm>> -> memref<80x128xf32, #tpu.memory_space<hbm>>
      %dma_start3A_45 = arith.constant 0 : i32
      %dma_start3A_46 = tpu.memref_slice %arg6[%arg0, %add3A_36, %dma_start3A_45] : memref<2x10240x128xf32, #tpu.memory_space<hbm>> -> memref<1x80x128xf32, #tpu.memory_space<hbm>>
      %dma_start3A_47 = tpu.memref_squeeze %dma_start3A_46 : memref<1x80x128xf32, #tpu.memory_space<hbm>> -> memref<80x128xf32, #tpu.memory_space<hbm>>
      tpu.enqueue_dma source(%arg10 : memref<80x128xf32, #tpu.memory_space<vmem>>) target(%dma_start3A_47 : memref<80x128xf32, #tpu.memory_space<hbm>>) target_semaphore(%run_scoped3A : memref<!tpu.dma_semaphore, #tpu.memory_space<semaphore_mem>>)
      %dma_wait3A = arith.constant 0 : i32
      %dma_wait3A_48 = tpu.memref_slice %arg6[%arg0, %add3A_36, %dma_wait3A] : memref<2x10240x128xf32, #tpu.memory_space<hbm>> -> memref<1x80x128xf32, #tpu.memory_space<hbm>>
      %dma_wait3A_49 = tpu.memref_squeeze %dma_wait3A_48 : memref<1x80x128xf32, #tpu.memory_space<hbm>> -> memref<80x128xf32, #tpu.memory_space<hbm>>
      %dma_wait3A_50 = arith.constant 0 : i32
      %dma_wait3A_51 = tpu.memref_slice %arg6[%arg0, %add3A_36, %dma_wait3A_50] : memref<2x10240x128xf32, #tpu.memory_space<hbm>> -> memref<1x80x128xf32, #tpu.memory_space<hbm>>
      %dma_wait3A_52 = tpu.memref_squeeze %dma_wait3A_51 : memref<1x80x128xf32, #tpu.memory_space<hbm>> -> memref<80x128xf32, #tpu.memory_space<hbm>>
      tpu.wait_dma2 semaphore(%run_scoped3A : memref<!tpu.dma_semaphore, #tpu.memory_space<semaphore_mem>>) src(%arg10 : memref<80x128xf32, #tpu.memory_space<vmem>>) dst(%dma_wait3A_52 : memref<80x128xf32, #tpu.memory_space<hbm>>)
      tpu.yield
    }) : () -> ()
    %add3A_37 = arith.constant 400 : i32
    %add3A_38 = arith.addi %mul3A_4, %add3A_37 : i32
    "tpu.region"() ({
      %run_scoped3A = tpu.sem_alloc : memref<!tpu.dma_semaphore, #tpu.memory_space<semaphore_mem>>
      %dma_start3A = arith.constant 0 : i32
      %dma_start3A_43 = tpu.memref_slice %arg11[%add3A_38, %dma_start3A] : memref<10240x128xf32, #tpu.memory_space<vmem_shared>> -> memref<80x128xf32, #tpu.memory_space<vmem_shared>>
      %dma_start3A_44 = arith.constant 0 : i32
      %dma_start3A_45 = tpu.memref_slice %arg11[%add3A_38, %dma_start3A_44] : memref<10240x128xf32, #tpu.memory_space<vmem_shared>> -> memref<80x128xf32, #tpu.memory_space<vmem_shared>>
      tpu.enqueue_dma source(%dma_start3A_45 : memref<80x128xf32, #tpu.memory_space<vmem_shared>>) target(%arg10 : memref<80x128xf32, #tpu.memory_space<vmem>>) target_semaphore(%run_scoped3A : memref<!tpu.dma_semaphore, #tpu.memory_space<semaphore_mem>>)
      %dma_wait3A = arith.constant 0 : i32
      %dma_wait3A_46 = tpu.memref_slice %arg11[%add3A_38, %dma_wait3A] : memref<10240x128xf32, #tpu.memory_space<vmem_shared>> -> memref<80x128xf32, #tpu.memory_space<vmem_shared>>
      %dma_wait3A_47 = arith.constant 0 : i32
      %dma_wait3A_48 = tpu.memref_slice %arg11[%add3A_38, %dma_wait3A_47] : memref<10240x128xf32, #tpu.memory_space<vmem_shared>> -> memref<80x128xf32, #tpu.memory_space<vmem_shared>>
      tpu.wait_dma2 semaphore(%run_scoped3A : memref<!tpu.dma_semaphore, #tpu.memory_space<semaphore_mem>>) src(%dma_wait3A_48 : memref<80x128xf32, #tpu.memory_space<vmem_shared>>) dst(%arg10 : memref<80x128xf32, #tpu.memory_space<vmem>>)
      tpu.yield
    }) : () -> ()
    "tpu.region"() ({
      %run_scoped3A = tpu.sem_alloc : memref<!tpu.dma_semaphore, #tpu.memory_space<semaphore_mem>>
      %dma_start3A = arith.constant 0 : i32
      %dma_start3A_43 = tpu.memref_slice %arg6[%arg0, %add3A_38, %dma_start3A] : memref<2x10240x128xf32, #tpu.memory_space<hbm>> -> memref<1x80x128xf32, #tpu.memory_space<hbm>>
      %dma_start3A_44 = tpu.memref_squeeze %dma_start3A_43 : memref<1x80x128xf32, #tpu.memory_space<hbm>> -> memref<80x128xf32, #tpu.memory_space<hbm>>
      %dma_start3A_45 = arith.constant 0 : i32
      %dma_start3A_46 = tpu.memref_slice %arg6[%arg0, %add3A_38, %dma_start3A_45] : memref<2x10240x128xf32, #tpu.memory_space<hbm>> -> memref<1x80x128xf32, #tpu.memory_space<hbm>>
      %dma_start3A_47 = tpu.memref_squeeze %dma_start3A_46 : memref<1x80x128xf32, #tpu.memory_space<hbm>> -> memref<80x128xf32, #tpu.memory_space<hbm>>
      tpu.enqueue_dma source(%arg10 : memref<80x128xf32, #tpu.memory_space<vmem>>) target(%dma_start3A_47 : memref<80x128xf32, #tpu.memory_space<hbm>>) target_semaphore(%run_scoped3A : memref<!tpu.dma_semaphore, #tpu.memory_space<semaphore_mem>>)
      %dma_wait3A = arith.constant 0 : i32
      %dma_wait3A_48 = tpu.memref_slice %arg6[%arg0, %add3A_38, %dma_wait3A] : memref<2x10240x128xf32, #tpu.memory_space<hbm>> -> memref<1x80x128xf32, #tpu.memory_space<hbm>>
      %dma_wait3A_49 = tpu.memref_squeeze %dma_wait3A_48 : memref<1x80x128xf32, #tpu.memory_space<hbm>> -> memref<80x128xf32, #tpu.memory_space<hbm>>
      %dma_wait3A_50 = arith.constant 0 : i32
      %dma_wait3A_51 = tpu.memref_slice %arg6[%arg0, %add3A_38, %dma_wait3A_50] : memref<2x10240x128xf32, #tpu.memory_space<hbm>> -> memref<1x80x128xf32, #tpu.memory_space<hbm>>
      %dma_wait3A_52 = tpu.memref_squeeze %dma_wait3A_51 : memref<1x80x128xf32, #tpu.memory_space<hbm>> -> memref<80x128xf32, #tpu.memory_space<hbm>>
      tpu.wait_dma2 semaphore(%run_scoped3A : memref<!tpu.dma_semaphore, #tpu.memory_space<semaphore_mem>>) src(%arg10 : memref<80x128xf32, #tpu.memory_space<vmem>>) dst(%dma_wait3A_52 : memref<80x128xf32, #tpu.memory_space<hbm>>)
      tpu.yield
    }) : () -> ()
    %add3A_39 = arith.constant 480 : i32
    %add3A_40 = arith.addi %mul3A_4, %add3A_39 : i32
    "tpu.region"() ({
      %run_scoped3A = tpu.sem_alloc : memref<!tpu.dma_semaphore, #tpu.memory_space<semaphore_mem>>
      %dma_start3A = arith.constant 0 : i32
      %dma_start3A_43 = tpu.memref_slice %arg11[%add3A_40, %dma_start3A] : memref<10240x128xf32, #tpu.memory_space<vmem_shared>> -> memref<80x128xf32, #tpu.memory_space<vmem_shared>>
      %dma_start3A_44 = arith.constant 0 : i32
      %dma_start3A_45 = tpu.memref_slice %arg11[%add3A_40, %dma_start3A_44] : memref<10240x128xf32, #tpu.memory_space<vmem_shared>> -> memref<80x128xf32, #tpu.memory_space<vmem_shared>>
      tpu.enqueue_dma source(%dma_start3A_45 : memref<80x128xf32, #tpu.memory_space<vmem_shared>>) target(%arg10 : memref<80x128xf32, #tpu.memory_space<vmem>>) target_semaphore(%run_scoped3A : memref<!tpu.dma_semaphore, #tpu.memory_space<semaphore_mem>>)
      %dma_wait3A = arith.constant 0 : i32
      %dma_wait3A_46 = tpu.memref_slice %arg11[%add3A_40, %dma_wait3A] : memref<10240x128xf32, #tpu.memory_space<vmem_shared>> -> memref<80x128xf32, #tpu.memory_space<vmem_shared>>
      %dma_wait3A_47 = arith.constant 0 : i32
      %dma_wait3A_48 = tpu.memref_slice %arg11[%add3A_40, %dma_wait3A_47] : memref<10240x128xf32, #tpu.memory_space<vmem_shared>> -> memref<80x128xf32, #tpu.memory_space<vmem_shared>>
      tpu.wait_dma2 semaphore(%run_scoped3A : memref<!tpu.dma_semaphore, #tpu.memory_space<semaphore_mem>>) src(%dma_wait3A_48 : memref<80x128xf32, #tpu.memory_space<vmem_shared>>) dst(%arg10 : memref<80x128xf32, #tpu.memory_space<vmem>>)
      tpu.yield
    }) : () -> ()
    "tpu.region"() ({
      %run_scoped3A = tpu.sem_alloc : memref<!tpu.dma_semaphore, #tpu.memory_space<semaphore_mem>>
      %dma_start3A = arith.constant 0 : i32
      %dma_start3A_43 = tpu.memref_slice %arg6[%arg0, %add3A_40, %dma_start3A] : memref<2x10240x128xf32, #tpu.memory_space<hbm>> -> memref<1x80x128xf32, #tpu.memory_space<hbm>>
      %dma_start3A_44 = tpu.memref_squeeze %dma_start3A_43 : memref<1x80x128xf32, #tpu.memory_space<hbm>> -> memref<80x128xf32, #tpu.memory_space<hbm>>
      %dma_start3A_45 = arith.constant 0 : i32
      %dma_start3A_46 = tpu.memref_slice %arg6[%arg0, %add3A_40, %dma_start3A_45] : memref<2x10240x128xf32, #tpu.memory_space<hbm>> -> memref<1x80x128xf32, #tpu.memory_space<hbm>>
      %dma_start3A_47 = tpu.memref_squeeze %dma_start3A_46 : memref<1x80x128xf32, #tpu.memory_space<hbm>> -> memref<80x128xf32, #tpu.memory_space<hbm>>
      tpu.enqueue_dma source(%arg10 : memref<80x128xf32, #tpu.memory_space<vmem>>) target(%dma_start3A_47 : memref<80x128xf32, #tpu.memory_space<hbm>>) target_semaphore(%run_scoped3A : memref<!tpu.dma_semaphore, #tpu.memory_space<semaphore_mem>>)
      %dma_wait3A = arith.constant 0 : i32
      %dma_wait3A_48 = tpu.memref_slice %arg6[%arg0, %add3A_40, %dma_wait3A] : memref<2x10240x128xf32, #tpu.memory_space<hbm>> -> memref<1x80x128xf32, #tpu.memory_space<hbm>>
      %dma_wait3A_49 = tpu.memref_squeeze %dma_wait3A_48 : memref<1x80x128xf32, #tpu.memory_space<hbm>> -> memref<80x128xf32, #tpu.memory_space<hbm>>
      %dma_wait3A_50 = arith.constant 0 : i32
      %dma_wait3A_51 = tpu.memref_slice %arg6[%arg0, %add3A_40, %dma_wait3A_50] : memref<2x10240x128xf32, #tpu.memory_space<hbm>> -> memref<1x80x128xf32, #tpu.memory_space<hbm>>
      %dma_wait3A_52 = tpu.memref_squeeze %dma_wait3A_51 : memref<1x80x128xf32, #tpu.memory_space<hbm>> -> memref<80x128xf32, #tpu.memory_space<hbm>>
      tpu.wait_dma2 semaphore(%run_scoped3A : memref<!tpu.dma_semaphore, #tpu.memory_space<semaphore_mem>>) src(%arg10 : memref<80x128xf32, #tpu.memory_space<vmem>>) dst(%dma_wait3A_52 : memref<80x128xf32, #tpu.memory_space<hbm>>)
      tpu.yield
    }) : () -> ()
    %add3A_41 = arith.constant 560 : i32
    %add3A_42 = arith.addi %mul3A_4, %add3A_41 : i32
    "tpu.region"() ({
      %run_scoped3A = tpu.sem_alloc : memref<!tpu.dma_semaphore, #tpu.memory_space<semaphore_mem>>
      %dma_start3A = arith.constant 0 : i32
      %dma_start3A_43 = tpu.memref_slice %arg11[%add3A_42, %dma_start3A] : memref<10240x128xf32, #tpu.memory_space<vmem_shared>> -> memref<80x128xf32, #tpu.memory_space<vmem_shared>>
      %dma_start3A_44 = arith.constant 0 : i32
      %dma_start3A_45 = tpu.memref_slice %arg11[%add3A_42, %dma_start3A_44] : memref<10240x128xf32, #tpu.memory_space<vmem_shared>> -> memref<80x128xf32, #tpu.memory_space<vmem_shared>>
      tpu.enqueue_dma source(%dma_start3A_45 : memref<80x128xf32, #tpu.memory_space<vmem_shared>>) target(%arg10 : memref<80x128xf32, #tpu.memory_space<vmem>>) target_semaphore(%run_scoped3A : memref<!tpu.dma_semaphore, #tpu.memory_space<semaphore_mem>>)
      %dma_wait3A = arith.constant 0 : i32
      %dma_wait3A_46 = tpu.memref_slice %arg11[%add3A_42, %dma_wait3A] : memref<10240x128xf32, #tpu.memory_space<vmem_shared>> -> memref<80x128xf32, #tpu.memory_space<vmem_shared>>
      %dma_wait3A_47 = arith.constant 0 : i32
      %dma_wait3A_48 = tpu.memref_slice %arg11[%add3A_42, %dma_wait3A_47] : memref<10240x128xf32, #tpu.memory_space<vmem_shared>> -> memref<80x128xf32, #tpu.memory_space<vmem_shared>>
      tpu.wait_dma2 semaphore(%run_scoped3A : memref<!tpu.dma_semaphore, #tpu.memory_space<semaphore_mem>>) src(%dma_wait3A_48 : memref<80x128xf32, #tpu.memory_space<vmem_shared>>) dst(%arg10 : memref<80x128xf32, #tpu.memory_space<vmem>>)
      tpu.yield
    }) : () -> ()
    "tpu.region"() ({
      %run_scoped3A = tpu.sem_alloc : memref<!tpu.dma_semaphore, #tpu.memory_space<semaphore_mem>>
      %dma_start3A = arith.constant 0 : i32
      %dma_start3A_43 = tpu.memref_slice %arg6[%arg0, %add3A_42, %dma_start3A] : memref<2x10240x128xf32, #tpu.memory_space<hbm>> -> memref<1x80x128xf32, #tpu.memory_space<hbm>>
      %dma_start3A_44 = tpu.memref_squeeze %dma_start3A_43 : memref<1x80x128xf32, #tpu.memory_space<hbm>> -> memref<80x128xf32, #tpu.memory_space<hbm>>
      %dma_start3A_45 = arith.constant 0 : i32
      %dma_start3A_46 = tpu.memref_slice %arg6[%arg0, %add3A_42, %dma_start3A_45] : memref<2x10240x128xf32, #tpu.memory_space<hbm>> -> memref<1x80x128xf32, #tpu.memory_space<hbm>>
      %dma_start3A_47 = tpu.memref_squeeze %dma_start3A_46 : memref<1x80x128xf32, #tpu.memory_space<hbm>> -> memref<80x128xf32, #tpu.memory_space<hbm>>
      tpu.enqueue_dma source(%arg10 : memref<80x128xf32, #tpu.memory_space<vmem>>) target(%dma_start3A_47 : memref<80x128xf32, #tpu.memory_space<hbm>>) target_semaphore(%run_scoped3A : memref<!tpu.dma_semaphore, #tpu.memory_space<semaphore_mem>>)
      %dma_wait3A = arith.constant 0 : i32
      %dma_wait3A_48 = tpu.memref_slice %arg6[%arg0, %add3A_42, %dma_wait3A] : memref<2x10240x128xf32, #tpu.memory_space<hbm>> -> memref<1x80x128xf32, #tpu.memory_space<hbm>>
      %dma_wait3A_49 = tpu.memref_squeeze %dma_wait3A_48 : memref<1x80x128xf32, #tpu.memory_space<hbm>> -> memref<80x128xf32, #tpu.memory_space<hbm>>
      %dma_wait3A_50 = arith.constant 0 : i32
      %dma_wait3A_51 = tpu.memref_slice %arg6[%arg0, %add3A_42, %dma_wait3A_50] : memref<2x10240x128xf32, #tpu.memory_space<hbm>> -> memref<1x80x128xf32, #tpu.memory_space<hbm>>
      %dma_wait3A_52 = tpu.memref_squeeze %dma_wait3A_51 : memref<1x80x128xf32, #tpu.memory_space<hbm>> -> memref<80x128xf32, #tpu.memory_space<hbm>>
      tpu.wait_dma2 semaphore(%run_scoped3A : memref<!tpu.dma_semaphore, #tpu.memory_space<semaphore_mem>>) src(%arg10 : memref<80x128xf32, #tpu.memory_space<vmem>>) dst(%dma_wait3A_52 : memref<80x128xf32, #tpu.memory_space<hbm>>)
      tpu.yield
    }) : () -> ()
    return
  }
}

#map = affine_map<(d0, d1) -> (0, 0)>
#map1 = affine_map<(d0, d1) -> (0, 0, 0)>
module attributes {stable_mosaic.version = 14 : i64} {
  func.func @sage_agg_w128(%arg0: i32, %arg1: i32, %arg2: memref<10000x128xf32, #tpu.memory_space<hbm>>, %arg3: memref<32x10000xi32, #tpu.memory_space<hbm>>, %arg4: memref<32x125x80xi32, #tpu.memory_space<hbm>>, %arg5: memref<80x128xf32, #tpu.memory_space<hbm>>, %arg6: memref<2x10240x128xf32, #tpu.memory_space<hbm>>, %arg7: memref<10000xi32, #tpu.memory_space<vmem>>, %arg8: memref<125x80xi32, #tpu.memory_space<vmem>>, %arg9: memref<80x128xf32, #tpu.memory_space<vmem>>, %arg10: memref<80x128xf32, #tpu.memory_space<vmem>>, %arg11: memref<10240x128xf32, #tpu.memory_space<vmem_shared>>, %arg12: memref<!tpu.dma_semaphore, #tpu.memory_space<semaphore_mem>>) attributes {dimension_semantics = [#tpu.dimension_semantics<core_parallel>, #tpu.dimension_semantics<subcore_parallel>], iteration_bounds = array<i64: 2, 16>, scalar_prefetch = 0 : i64, scratch_operands = 6 : i64, tpu.core_type = #tpu.core_type<sc_vector_subcore>, window_params = [{transform_indices = #map}, {transform_indices = #map}, {transform_indices = #map1}, {transform_indices = #map}, {transform_indices = #map1}]} {
    %mul3A = arith.constant 2 : i32
    %mul3A_0 = arith.muli %arg1, %mul3A : i32
    %add3A = arith.addi %mul3A_0, %arg0 : i32
    %mul3A_1 = arith.constant 8 : i32
    %mul3A_2 = arith.muli %arg1, %mul3A_1 : i32
    %mul3A_3 = arith.constant 80 : i32
    %mul3A_4 = arith.muli %mul3A_2, %mul3A_3 : i32
    "tpu.region"() ({
      %run_scoped3A = tpu.sem_alloc : memref<!tpu.dma_semaphore, #tpu.memory_space<semaphore_mem>>
      %dma_start3A = arith.constant 0 : i32
      %dma_start3A_43 = tpu.memref_slice %arg3[%add3A, %dma_start3A] : memref<32x10000xi32, #tpu.memory_space<hbm>> -> memref<1x10000xi32, #tpu.memory_space<hbm>>
      %dma_start3A_44 = tpu.memref_squeeze %dma_start3A_43 : memref<1x10000xi32, #tpu.memory_space<hbm>> -> memref<10000xi32, #tpu.memory_space<hbm>>
      %dma_start3A_45 = arith.constant 0 : i32
      %dma_start3A_46 = tpu.memref_slice %arg3[%add3A, %dma_start3A_45] : memref<32x10000xi32, #tpu.memory_space<hbm>> -> memref<1x10000xi32, #tpu.memory_space<hbm>>
      %dma_start3A_47 = tpu.memref_squeeze %dma_start3A_46 : memref<1x10000xi32, #tpu.memory_space<hbm>> -> memref<10000xi32, #tpu.memory_space<hbm>>
      tpu.enqueue_dma source(%dma_start3A_47 : memref<10000xi32, #tpu.memory_space<hbm>>) target(%arg7 : memref<10000xi32, #tpu.memory_space<vmem>>) target_semaphore(%run_scoped3A : memref<!tpu.dma_semaphore, #tpu.memory_space<semaphore_mem>>)
      %dma_wait3A = arith.constant 0 : i32
      %dma_wait3A_48 = tpu.memref_slice %arg3[%add3A, %dma_wait3A] : memref<32x10000xi32, #tpu.memory_space<hbm>> -> memref<1x10000xi32, #tpu.memory_space<hbm>>
      %dma_wait3A_49 = tpu.memref_squeeze %dma_wait3A_48 : memref<1x10000xi32, #tpu.memory_space<hbm>> -> memref<10000xi32, #tpu.memory_space<hbm>>
      %dma_wait3A_50 = arith.constant 0 : i32
      %dma_wait3A_51 = tpu.memref_slice %arg3[%add3A, %dma_wait3A_50] : memref<32x10000xi32, #tpu.memory_space<hbm>> -> memref<1x10000xi32, #tpu.memory_space<hbm>>
      %dma_wait3A_52 = tpu.memref_squeeze %dma_wait3A_51 : memref<1x10000xi32, #tpu.memory_space<hbm>> -> memref<10000xi32, #tpu.memory_space<hbm>>
      tpu.wait_dma2 semaphore(%run_scoped3A : memref<!tpu.dma_semaphore, #tpu.memory_space<semaphore_mem>>) src(%dma_wait3A_52 : memref<10000xi32, #tpu.memory_space<hbm>>) dst(%arg7 : memref<10000xi32, #tpu.memory_space<vmem>>)
      tpu.yield
    }) : () -> ()
    "tpu.region"() ({
      %run_scoped3A = tpu.sem_alloc : memref<!tpu.dma_semaphore, #tpu.memory_space<semaphore_mem>>
      %dma_start3A = arith.constant 0 : i32
      %dma_start3A_43 = arith.constant 0 : i32
      %dma_start3A_44 = tpu.memref_slice %arg4[%add3A, %dma_start3A, %dma_start3A_43] : memref<32x125x80xi32, #tpu.memory_space<hbm>> -> memref<1x125x80xi32, #tpu.memory_space<hbm>>
      %dma_start3A_45 = tpu.memref_squeeze %dma_start3A_44 : memref<1x125x80xi32, #tpu.memory_space<hbm>> -> memref<125x80xi32, #tpu.memory_space<hbm>>
      %dma_start3A_46 = arith.constant 0 : i32
      %dma_start3A_47 = arith.constant 0 : i32
      %dma_start3A_48 = tpu.memref_slice %arg4[%add3A, %dma_start3A_46, %dma_start3A_47] : memref<32x125x80xi32, #tpu.memory_space<hbm>> -> memref<1x125x80xi32, #tpu.memory_space<hbm>>
      %dma_start3A_49 = tpu.memref_squeeze %dma_start3A_48 : memref<1x125x80xi32, #tpu.memory_space<hbm>> -> memref<125x80xi32, #tpu.memory_space<hbm>>
      tpu.enqueue_dma source(%dma_start3A_49 : memref<125x80xi32, #tpu.memory_space<hbm>>) target(%arg8 : memref<125x80xi32, #tpu.memory_space<vmem>>) target_semaphore(%run_scoped3A : memref<!tpu.dma_semaphore, #tpu.memory_space<semaphore_mem>>)
      %dma_wait3A = arith.constant 0 : i32
      %dma_wait3A_50 = arith.constant 0 : i32
      %dma_wait3A_51 = tpu.memref_slice %arg4[%add3A, %dma_wait3A, %dma_wait3A_50] : memref<32x125x80xi32, #tpu.memory_space<hbm>> -> memref<1x125x80xi32, #tpu.memory_space<hbm>>
      %dma_wait3A_52 = tpu.memref_squeeze %dma_wait3A_51 : memref<1x125x80xi32, #tpu.memory_space<hbm>> -> memref<125x80xi32, #tpu.memory_space<hbm>>
      %dma_wait3A_53 = arith.constant 0 : i32
      %dma_wait3A_54 = arith.constant 0 : i32
      %dma_wait3A_55 = tpu.memref_slice %arg4[%add3A, %dma_wait3A_53, %dma_wait3A_54] : memref<32x125x80xi32, #tpu.memory_space<hbm>> -> memref<1x125x80xi32, #tpu.memory_space<hbm>>
      %dma_wait3A_56 = tpu.memref_squeeze %dma_wait3A_55 : memref<1x125x80xi32, #tpu.memory_space<hbm>> -> memref<125x80xi32, #tpu.memory_space<hbm>>
      tpu.wait_dma2 semaphore(%run_scoped3A : memref<!tpu.dma_semaphore, #tpu.memory_space<semaphore_mem>>) src(%dma_wait3A_56 : memref<125x80xi32, #tpu.memory_space<hbm>>) dst(%arg8 : memref<125x80xi32, #tpu.memory_space<vmem>>)
      tpu.yield
    }) : () -> ()
    "tpu.region"() ({
      %run_scoped3A = tpu.sem_alloc : memref<!tpu.dma_semaphore, #tpu.memory_space<semaphore_mem>>
      tpu.enqueue_dma source(%arg5 : memref<80x128xf32, #tpu.memory_space<hbm>>) target(%arg10 : memref<80x128xf32, #tpu.memory_space<vmem>>) target_semaphore(%run_scoped3A : memref<!tpu.dma_semaphore, #tpu.memory_space<semaphore_mem>>)
      tpu.wait_dma2 semaphore(%run_scoped3A : memref<!tpu.dma_semaphore, #tpu.memory_space<semaphore_mem>>) src(%arg5 : memref<80x128xf32, #tpu.memory_space<hbm>>) dst(%arg10 : memref<80x128xf32, #tpu.memory_space<vmem>>)
      tpu.yield
    }) : () -> ()
    %add3A_5 = arith.constant 0 : i32
    %add3A_6 = arith.addi %mul3A_4, %add3A_5 : i32
    "tpu.region"() ({
      %run_scoped3A = tpu.sem_alloc : memref<!tpu.dma_semaphore, #tpu.memory_space<semaphore_mem>>
      %dma_start3A = arith.constant 0 : i32
      %dma_start3A_43 = tpu.memref_slice %arg11[%add3A_6, %dma_start3A] : memref<10240x128xf32, #tpu.memory_space<vmem_shared>> -> memref<80x128xf32, #tpu.memory_space<vmem_shared>>
      %dma_start3A_44 = arith.constant 0 : i32
      %dma_start3A_45 = tpu.memref_slice %arg11[%add3A_6, %dma_start3A_44] : memref<10240x128xf32, #tpu.memory_space<vmem_shared>> -> memref<80x128xf32, #tpu.memory_space<vmem_shared>>
      tpu.enqueue_dma source(%arg10 : memref<80x128xf32, #tpu.memory_space<vmem>>) target(%dma_start3A_45 : memref<80x128xf32, #tpu.memory_space<vmem_shared>>) target_semaphore(%run_scoped3A : memref<!tpu.dma_semaphore, #tpu.memory_space<semaphore_mem>>)
      %dma_wait3A = arith.constant 0 : i32
      %dma_wait3A_46 = tpu.memref_slice %arg11[%add3A_6, %dma_wait3A] : memref<10240x128xf32, #tpu.memory_space<vmem_shared>> -> memref<80x128xf32, #tpu.memory_space<vmem_shared>>
      %dma_wait3A_47 = arith.constant 0 : i32
      %dma_wait3A_48 = tpu.memref_slice %arg11[%add3A_6, %dma_wait3A_47] : memref<10240x128xf32, #tpu.memory_space<vmem_shared>> -> memref<80x128xf32, #tpu.memory_space<vmem_shared>>
      tpu.wait_dma2 semaphore(%run_scoped3A : memref<!tpu.dma_semaphore, #tpu.memory_space<semaphore_mem>>) src(%arg10 : memref<80x128xf32, #tpu.memory_space<vmem>>) dst(%dma_wait3A_48 : memref<80x128xf32, #tpu.memory_space<vmem_shared>>)
      tpu.yield
    }) : () -> ()
    %add3A_7 = arith.constant 80 : i32
    %add3A_8 = arith.addi %mul3A_4, %add3A_7 : i32
    "tpu.region"() ({
      %run_scoped3A = tpu.sem_alloc : memref<!tpu.dma_semaphore, #tpu.memory_space<semaphore_mem>>
      %dma_start3A = arith.constant 0 : i32
      %dma_start3A_43 = tpu.memref_slice %arg11[%add3A_8, %dma_start3A] : memref<10240x128xf32, #tpu.memory_space<vmem_shared>> -> memref<80x128xf32, #tpu.memory_space<vmem_shared>>
      %dma_start3A_44 = arith.constant 0 : i32
      %dma_start3A_45 = tpu.memref_slice %arg11[%add3A_8, %dma_start3A_44] : memref<10240x128xf32, #tpu.memory_space<vmem_shared>> -> memref<80x128xf32, #tpu.memory_space<vmem_shared>>
      tpu.enqueue_dma source(%arg10 : memref<80x128xf32, #tpu.memory_space<vmem>>) target(%dma_start3A_45 : memref<80x128xf32, #tpu.memory_space<vmem_shared>>) target_semaphore(%run_scoped3A : memref<!tpu.dma_semaphore, #tpu.memory_space<semaphore_mem>>)
      %dma_wait3A = arith.constant 0 : i32
      %dma_wait3A_46 = tpu.memref_slice %arg11[%add3A_8, %dma_wait3A] : memref<10240x128xf32, #tpu.memory_space<vmem_shared>> -> memref<80x128xf32, #tpu.memory_space<vmem_shared>>
      %dma_wait3A_47 = arith.constant 0 : i32
      %dma_wait3A_48 = tpu.memref_slice %arg11[%add3A_8, %dma_wait3A_47] : memref<10240x128xf32, #tpu.memory_space<vmem_shared>> -> memref<80x128xf32, #tpu.memory_space<vmem_shared>>
      tpu.wait_dma2 semaphore(%run_scoped3A : memref<!tpu.dma_semaphore, #tpu.memory_space<semaphore_mem>>) src(%arg10 : memref<80x128xf32, #tpu.memory_space<vmem>>) dst(%dma_wait3A_48 : memref<80x128xf32, #tpu.memory_space<vmem_shared>>)
      tpu.yield
    }) : () -> ()
    %add3A_9 = arith.constant 160 : i32
    %add3A_10 = arith.addi %mul3A_4, %add3A_9 : i32
    "tpu.region"() ({
      %run_scoped3A = tpu.sem_alloc : memref<!tpu.dma_semaphore, #tpu.memory_space<semaphore_mem>>
      %dma_start3A = arith.constant 0 : i32
      %dma_start3A_43 = tpu.memref_slice %arg11[%add3A_10, %dma_start3A] : memref<10240x128xf32, #tpu.memory_space<vmem_shared>> -> memref<80x128xf32, #tpu.memory_space<vmem_shared>>
      %dma_start3A_44 = arith.constant 0 : i32
      %dma_start3A_45 = tpu.memref_slice %arg11[%add3A_10, %dma_start3A_44] : memref<10240x128xf32, #tpu.memory_space<vmem_shared>> -> memref<80x128xf32, #tpu.memory_space<vmem_shared>>
      tpu.enqueue_dma source(%arg10 : memref<80x128xf32, #tpu.memory_space<vmem>>) target(%dma_start3A_45 : memref<80x128xf32, #tpu.memory_space<vmem_shared>>) target_semaphore(%run_scoped3A : memref<!tpu.dma_semaphore, #tpu.memory_space<semaphore_mem>>)
      %dma_wait3A = arith.constant 0 : i32
      %dma_wait3A_46 = tpu.memref_slice %arg11[%add3A_10, %dma_wait3A] : memref<10240x128xf32, #tpu.memory_space<vmem_shared>> -> memref<80x128xf32, #tpu.memory_space<vmem_shared>>
      %dma_wait3A_47 = arith.constant 0 : i32
      %dma_wait3A_48 = tpu.memref_slice %arg11[%add3A_10, %dma_wait3A_47] : memref<10240x128xf32, #tpu.memory_space<vmem_shared>> -> memref<80x128xf32, #tpu.memory_space<vmem_shared>>
      tpu.wait_dma2 semaphore(%run_scoped3A : memref<!tpu.dma_semaphore, #tpu.memory_space<semaphore_mem>>) src(%arg10 : memref<80x128xf32, #tpu.memory_space<vmem>>) dst(%dma_wait3A_48 : memref<80x128xf32, #tpu.memory_space<vmem_shared>>)
      tpu.yield
    }) : () -> ()
    %add3A_11 = arith.constant 240 : i32
    %add3A_12 = arith.addi %mul3A_4, %add3A_11 : i32
    "tpu.region"() ({
      %run_scoped3A = tpu.sem_alloc : memref<!tpu.dma_semaphore, #tpu.memory_space<semaphore_mem>>
      %dma_start3A = arith.constant 0 : i32
      %dma_start3A_43 = tpu.memref_slice %arg11[%add3A_12, %dma_start3A] : memref<10240x128xf32, #tpu.memory_space<vmem_shared>> -> memref<80x128xf32, #tpu.memory_space<vmem_shared>>
      %dma_start3A_44 = arith.constant 0 : i32
      %dma_start3A_45 = tpu.memref_slice %arg11[%add3A_12, %dma_start3A_44] : memref<10240x128xf32, #tpu.memory_space<vmem_shared>> -> memref<80x128xf32, #tpu.memory_space<vmem_shared>>
      tpu.enqueue_dma source(%arg10 : memref<80x128xf32, #tpu.memory_space<vmem>>) target(%dma_start3A_45 : memref<80x128xf32, #tpu.memory_space<vmem_shared>>) target_semaphore(%run_scoped3A : memref<!tpu.dma_semaphore, #tpu.memory_space<semaphore_mem>>)
      %dma_wait3A = arith.constant 0 : i32
      %dma_wait3A_46 = tpu.memref_slice %arg11[%add3A_12, %dma_wait3A] : memref<10240x128xf32, #tpu.memory_space<vmem_shared>> -> memref<80x128xf32, #tpu.memory_space<vmem_shared>>
      %dma_wait3A_47 = arith.constant 0 : i32
      %dma_wait3A_48 = tpu.memref_slice %arg11[%add3A_12, %dma_wait3A_47] : memref<10240x128xf32, #tpu.memory_space<vmem_shared>> -> memref<80x128xf32, #tpu.memory_space<vmem_shared>>
      tpu.wait_dma2 semaphore(%run_scoped3A : memref<!tpu.dma_semaphore, #tpu.memory_space<semaphore_mem>>) src(%arg10 : memref<80x128xf32, #tpu.memory_space<vmem>>) dst(%dma_wait3A_48 : memref<80x128xf32, #tpu.memory_space<vmem_shared>>)
      tpu.yield
    }) : () -> ()
    %add3A_13 = arith.constant 320 : i32
    %add3A_14 = arith.addi %mul3A_4, %add3A_13 : i32
    "tpu.region"() ({
      %run_scoped3A = tpu.sem_alloc : memref<!tpu.dma_semaphore, #tpu.memory_space<semaphore_mem>>
      %dma_start3A = arith.constant 0 : i32
      %dma_start3A_43 = tpu.memref_slice %arg11[%add3A_14, %dma_start3A] : memref<10240x128xf32, #tpu.memory_space<vmem_shared>> -> memref<80x128xf32, #tpu.memory_space<vmem_shared>>
      %dma_start3A_44 = arith.constant 0 : i32
      %dma_start3A_45 = tpu.memref_slice %arg11[%add3A_14, %dma_start3A_44] : memref<10240x128xf32, #tpu.memory_space<vmem_shared>> -> memref<80x128xf32, #tpu.memory_space<vmem_shared>>
      tpu.enqueue_dma source(%arg10 : memref<80x128xf32, #tpu.memory_space<vmem>>) target(%dma_start3A_45 : memref<80x128xf32, #tpu.memory_space<vmem_shared>>) target_semaphore(%run_scoped3A : memref<!tpu.dma_semaphore, #tpu.memory_space<semaphore_mem>>)
      %dma_wait3A = arith.constant 0 : i32
      %dma_wait3A_46 = tpu.memref_slice %arg11[%add3A_14, %dma_wait3A] : memref<10240x128xf32, #tpu.memory_space<vmem_shared>> -> memref<80x128xf32, #tpu.memory_space<vmem_shared>>
      %dma_wait3A_47 = arith.constant 0 : i32
      %dma_wait3A_48 = tpu.memref_slice %arg11[%add3A_14, %dma_wait3A_47] : memref<10240x128xf32, #tpu.memory_space<vmem_shared>> -> memref<80x128xf32, #tpu.memory_space<vmem_shared>>
      tpu.wait_dma2 semaphore(%run_scoped3A : memref<!tpu.dma_semaphore, #tpu.memory_space<semaphore_mem>>) src(%arg10 : memref<80x128xf32, #tpu.memory_space<vmem>>) dst(%dma_wait3A_48 : memref<80x128xf32, #tpu.memory_space<vmem_shared>>)
      tpu.yield
    }) : () -> ()
    %add3A_15 = arith.constant 400 : i32
    %add3A_16 = arith.addi %mul3A_4, %add3A_15 : i32
    "tpu.region"() ({
      %run_scoped3A = tpu.sem_alloc : memref<!tpu.dma_semaphore, #tpu.memory_space<semaphore_mem>>
      %dma_start3A = arith.constant 0 : i32
      %dma_start3A_43 = tpu.memref_slice %arg11[%add3A_16, %dma_start3A] : memref<10240x128xf32, #tpu.memory_space<vmem_shared>> -> memref<80x128xf32, #tpu.memory_space<vmem_shared>>
      %dma_start3A_44 = arith.constant 0 : i32
      %dma_start3A_45 = tpu.memref_slice %arg11[%add3A_16, %dma_start3A_44] : memref<10240x128xf32, #tpu.memory_space<vmem_shared>> -> memref<80x128xf32, #tpu.memory_space<vmem_shared>>
      tpu.enqueue_dma source(%arg10 : memref<80x128xf32, #tpu.memory_space<vmem>>) target(%dma_start3A_45 : memref<80x128xf32, #tpu.memory_space<vmem_shared>>) target_semaphore(%run_scoped3A : memref<!tpu.dma_semaphore, #tpu.memory_space<semaphore_mem>>)
      %dma_wait3A = arith.constant 0 : i32
      %dma_wait3A_46 = tpu.memref_slice %arg11[%add3A_16, %dma_wait3A] : memref<10240x128xf32, #tpu.memory_space<vmem_shared>> -> memref<80x128xf32, #tpu.memory_space<vmem_shared>>
      %dma_wait3A_47 = arith.constant 0 : i32
      %dma_wait3A_48 = tpu.memref_slice %arg11[%add3A_16, %dma_wait3A_47] : memref<10240x128xf32, #tpu.memory_space<vmem_shared>> -> memref<80x128xf32, #tpu.memory_space<vmem_shared>>
      tpu.wait_dma2 semaphore(%run_scoped3A : memref<!tpu.dma_semaphore, #tpu.memory_space<semaphore_mem>>) src(%arg10 : memref<80x128xf32, #tpu.memory_space<vmem>>) dst(%dma_wait3A_48 : memref<80x128xf32, #tpu.memory_space<vmem_shared>>)
      tpu.yield
    }) : () -> ()
    %add3A_17 = arith.constant 480 : i32
    %add3A_18 = arith.addi %mul3A_4, %add3A_17 : i32
    "tpu.region"() ({
      %run_scoped3A = tpu.sem_alloc : memref<!tpu.dma_semaphore, #tpu.memory_space<semaphore_mem>>
      %dma_start3A = arith.constant 0 : i32
      %dma_start3A_43 = tpu.memref_slice %arg11[%add3A_18, %dma_start3A] : memref<10240x128xf32, #tpu.memory_space<vmem_shared>> -> memref<80x128xf32, #tpu.memory_space<vmem_shared>>
      %dma_start3A_44 = arith.constant 0 : i32
      %dma_start3A_45 = tpu.memref_slice %arg11[%add3A_18, %dma_start3A_44] : memref<10240x128xf32, #tpu.memory_space<vmem_shared>> -> memref<80x128xf32, #tpu.memory_space<vmem_shared>>
      tpu.enqueue_dma source(%arg10 : memref<80x128xf32, #tpu.memory_space<vmem>>) target(%dma_start3A_45 : memref<80x128xf32, #tpu.memory_space<vmem_shared>>) target_semaphore(%run_scoped3A : memref<!tpu.dma_semaphore, #tpu.memory_space<semaphore_mem>>)
      %dma_wait3A = arith.constant 0 : i32
      %dma_wait3A_46 = tpu.memref_slice %arg11[%add3A_18, %dma_wait3A] : memref<10240x128xf32, #tpu.memory_space<vmem_shared>> -> memref<80x128xf32, #tpu.memory_space<vmem_shared>>
      %dma_wait3A_47 = arith.constant 0 : i32
      %dma_wait3A_48 = tpu.memref_slice %arg11[%add3A_18, %dma_wait3A_47] : memref<10240x128xf32, #tpu.memory_space<vmem_shared>> -> memref<80x128xf32, #tpu.memory_space<vmem_shared>>
      tpu.wait_dma2 semaphore(%run_scoped3A : memref<!tpu.dma_semaphore, #tpu.memory_space<semaphore_mem>>) src(%arg10 : memref<80x128xf32, #tpu.memory_space<vmem>>) dst(%dma_wait3A_48 : memref<80x128xf32, #tpu.memory_space<vmem_shared>>)
      tpu.yield
    }) : () -> ()
    %add3A_19 = arith.constant 560 : i32
    %add3A_20 = arith.addi %mul3A_4, %add3A_19 : i32
    "tpu.region"() ({
      %run_scoped3A = tpu.sem_alloc : memref<!tpu.dma_semaphore, #tpu.memory_space<semaphore_mem>>
      %dma_start3A = arith.constant 0 : i32
      %dma_start3A_43 = tpu.memref_slice %arg11[%add3A_20, %dma_start3A] : memref<10240x128xf32, #tpu.memory_space<vmem_shared>> -> memref<80x128xf32, #tpu.memory_space<vmem_shared>>
      %dma_start3A_44 = arith.constant 0 : i32
      %dma_start3A_45 = tpu.memref_slice %arg11[%add3A_20, %dma_start3A_44] : memref<10240x128xf32, #tpu.memory_space<vmem_shared>> -> memref<80x128xf32, #tpu.memory_space<vmem_shared>>
      tpu.enqueue_dma source(%arg10 : memref<80x128xf32, #tpu.memory_space<vmem>>) target(%dma_start3A_45 : memref<80x128xf32, #tpu.memory_space<vmem_shared>>) target_semaphore(%run_scoped3A : memref<!tpu.dma_semaphore, #tpu.memory_space<semaphore_mem>>)
      %dma_wait3A = arith.constant 0 : i32
      %dma_wait3A_46 = tpu.memref_slice %arg11[%add3A_20, %dma_wait3A] : memref<10240x128xf32, #tpu.memory_space<vmem_shared>> -> memref<80x128xf32, #tpu.memory_space<vmem_shared>>
      %dma_wait3A_47 = arith.constant 0 : i32
      %dma_wait3A_48 = tpu.memref_slice %arg11[%add3A_20, %dma_wait3A_47] : memref<10240x128xf32, #tpu.memory_space<vmem_shared>> -> memref<80x128xf32, #tpu.memory_space<vmem_shared>>
      tpu.wait_dma2 semaphore(%run_scoped3A : memref<!tpu.dma_semaphore, #tpu.memory_space<semaphore_mem>>) src(%arg10 : memref<80x128xf32, #tpu.memory_space<vmem>>) dst(%dma_wait3A_48 : memref<80x128xf32, #tpu.memory_space<vmem_shared>>)
      tpu.yield
    }) : () -> ()
    %barrier3A = arith.constant 0 : index
    tpu.barrier barrier_id(%barrier3A)
    %scan3A = arith.constant 0 : i32
    %scan3A_21 = arith.constant 0 : i32
    %scan3A_22 = arith.constant 125 : i32
    %scan3A_23 = arith.addi %scan3A_21, %scan3A_22 : i32
    %scan3A_24 = arith.constant 1 : i32
    scf.for %scan3A_43 = %scan3A_21 to %scan3A_23 step %scan3A_24  : i32 {
      %mul3A_44 = arith.constant 80 : i32
      %mul3A_45 = arith.muli %scan3A_43, %mul3A_44 : i32
      %dma_start3A = tpu.memref_slice %arg7[%mul3A_45] : memref<10000xi32, #tpu.memory_space<vmem>> -> memref<80xi32, #tpu.memory_space<vmem>>
      %dma_start3A_46 = arith.constant 0 : i32
      %dma_start3A_47 = arith.constant 0 : i32
      %dma_start3A_48 = tpu.memref_slice %arg2[%dma_start3A_46, %dma_start3A_47] : memref<10000x128xf32, #tpu.memory_space<hbm>> -> memref<10000x128xf32, #tpu.memory_space<hbm>>
      tpu.enqueue_indirect_dma source(%dma_start3A_48 : memref<10000x128xf32, #tpu.memory_space<hbm>>) target(%arg9 : memref<80x128xf32, #tpu.memory_space<vmem>>) offsets(%dma_start3A : memref<80xi32, #tpu.memory_space<vmem>>) semaphore(%arg12 : memref<!tpu.dma_semaphore, #tpu.memory_space<semaphore_mem>>)
      %dma_wait3A = tpu.memref_slice %arg7[%mul3A_45] : memref<10000xi32, #tpu.memory_space<vmem>> -> memref<80xi32, #tpu.memory_space<vmem>>
      %dma_wait3A_49 = arith.constant 0 : i32
      %dma_wait3A_50 = arith.constant 0 : i32
      %dma_wait3A_51 = tpu.memref_slice %arg2[%dma_wait3A_49, %dma_wait3A_50] : memref<10000x128xf32, #tpu.memory_space<hbm>> -> memref<10000x128xf32, #tpu.memory_space<hbm>>
      tpu.wait_indirect_dma semaphore(%arg12 : memref<!tpu.dma_semaphore, #tpu.memory_space<semaphore_mem>>) src(%dma_wait3A_51 : memref<10000x128xf32, #tpu.memory_space<hbm>>) dst(%arg9 : memref<80x128xf32, #tpu.memory_space<vmem>>)
      "tpu.region"() ({
        %run_scoped3A = tpu.sem_alloc : memref<!tpu.dma_semaphore, #tpu.memory_space<semaphore_mem>>
        %dma_start3A_52 = arith.constant 0 : i32
        %dma_start3A_53 = tpu.memref_slice %arg8[%scan3A_43, %dma_start3A_52] : memref<125x80xi32, #tpu.memory_space<vmem>> -> memref<1x80xi32, #tpu.memory_space<vmem>>
        %dma_start3A_54 = tpu.memref_squeeze %dma_start3A_53 : memref<1x80xi32, #tpu.memory_space<vmem>> -> memref<80xi32, #tpu.memory_space<vmem>>
        %dma_start3A_55 = arith.constant 0 : i32
        %dma_start3A_56 = arith.constant 0 : i32
        %dma_start3A_57 = tpu.memref_slice %arg11[%dma_start3A_55, %dma_start3A_56] : memref<10240x128xf32, #tpu.memory_space<vmem_shared>> -> memref<10240x128xf32, #tpu.memory_space<vmem_shared>>
        tpu.enqueue_indirect_dma source(%arg9 : memref<80x128xf32, #tpu.memory_space<vmem>>) target(%dma_start3A_57 : memref<10240x128xf32, #tpu.memory_space<vmem_shared>>) offsets(%dma_start3A_54 : memref<80xi32, #tpu.memory_space<vmem>>) semaphore(%run_scoped3A : memref<!tpu.dma_semaphore, #tpu.memory_space<semaphore_mem>>) {add = true}
        %dma_wait3A_58 = arith.constant 0 : i32
        %dma_wait3A_59 = tpu.memref_slice %arg8[%scan3A_43, %dma_wait3A_58] : memref<125x80xi32, #tpu.memory_space<vmem>> -> memref<1x80xi32, #tpu.memory_space<vmem>>
        %dma_wait3A_60 = tpu.memref_squeeze %dma_wait3A_59 : memref<1x80xi32, #tpu.memory_space<vmem>> -> memref<80xi32, #tpu.memory_space<vmem>>
        %dma_wait3A_61 = arith.constant 0 : i32
        %dma_wait3A_62 = arith.constant 0 : i32
        %dma_wait3A_63 = tpu.memref_slice %arg11[%dma_wait3A_61, %dma_wait3A_62] : memref<10240x128xf32, #tpu.memory_space<vmem_shared>> -> memref<10240x128xf32, #tpu.memory_space<vmem_shared>>
        tpu.wait_indirect_dma semaphore(%run_scoped3A : memref<!tpu.dma_semaphore, #tpu.memory_space<semaphore_mem>>) src(%arg9 : memref<80x128xf32, #tpu.memory_space<vmem>>) dst(%dma_wait3A_63 : memref<10240x128xf32, #tpu.memory_space<vmem_shared>>)
        tpu.yield
      }) : () -> ()
    }
    %scan3A_25 = arith.constant 125 : i32
    %barrier3A_26 = arith.constant 0 : index
    tpu.barrier barrier_id(%barrier3A_26)
    %add3A_27 = arith.constant 0 : i32
    %add3A_28 = arith.addi %mul3A_4, %add3A_27 : i32
    "tpu.region"() ({
      %run_scoped3A = tpu.sem_alloc : memref<!tpu.dma_semaphore, #tpu.memory_space<semaphore_mem>>
      %dma_start3A = arith.constant 0 : i32
      %dma_start3A_43 = tpu.memref_slice %arg11[%add3A_28, %dma_start3A] : memref<10240x128xf32, #tpu.memory_space<vmem_shared>> -> memref<80x128xf32, #tpu.memory_space<vmem_shared>>
      %dma_start3A_44 = arith.constant 0 : i32
      %dma_start3A_45 = tpu.memref_slice %arg11[%add3A_28, %dma_start3A_44] : memref<10240x128xf32, #tpu.memory_space<vmem_shared>> -> memref<80x128xf32, #tpu.memory_space<vmem_shared>>
      tpu.enqueue_dma source(%dma_start3A_45 : memref<80x128xf32, #tpu.memory_space<vmem_shared>>) target(%arg10 : memref<80x128xf32, #tpu.memory_space<vmem>>) target_semaphore(%run_scoped3A : memref<!tpu.dma_semaphore, #tpu.memory_space<semaphore_mem>>)
      %dma_wait3A = arith.constant 0 : i32
      %dma_wait3A_46 = tpu.memref_slice %arg11[%add3A_28, %dma_wait3A] : memref<10240x128xf32, #tpu.memory_space<vmem_shared>> -> memref<80x128xf32, #tpu.memory_space<vmem_shared>>
      %dma_wait3A_47 = arith.constant 0 : i32
      %dma_wait3A_48 = tpu.memref_slice %arg11[%add3A_28, %dma_wait3A_47] : memref<10240x128xf32, #tpu.memory_space<vmem_shared>> -> memref<80x128xf32, #tpu.memory_space<vmem_shared>>
      tpu.wait_dma2 semaphore(%run_scoped3A : memref<!tpu.dma_semaphore, #tpu.memory_space<semaphore_mem>>) src(%dma_wait3A_48 : memref<80x128xf32, #tpu.memory_space<vmem_shared>>) dst(%arg10 : memref<80x128xf32, #tpu.memory_space<vmem>>)
      tpu.yield
    }) : () -> ()
    "tpu.region"() ({
      %run_scoped3A = tpu.sem_alloc : memref<!tpu.dma_semaphore, #tpu.memory_space<semaphore_mem>>
      %dma_start3A = arith.constant 0 : i32
      %dma_start3A_43 = tpu.memref_slice %arg6[%arg0, %add3A_28, %dma_start3A] : memref<2x10240x128xf32, #tpu.memory_space<hbm>> -> memref<1x80x128xf32, #tpu.memory_space<hbm>>
      %dma_start3A_44 = tpu.memref_squeeze %dma_start3A_43 : memref<1x80x128xf32, #tpu.memory_space<hbm>> -> memref<80x128xf32, #tpu.memory_space<hbm>>
      %dma_start3A_45 = arith.constant 0 : i32
      %dma_start3A_46 = tpu.memref_slice %arg6[%arg0, %add3A_28, %dma_start3A_45] : memref<2x10240x128xf32, #tpu.memory_space<hbm>> -> memref<1x80x128xf32, #tpu.memory_space<hbm>>
      %dma_start3A_47 = tpu.memref_squeeze %dma_start3A_46 : memref<1x80x128xf32, #tpu.memory_space<hbm>> -> memref<80x128xf32, #tpu.memory_space<hbm>>
      tpu.enqueue_dma source(%arg10 : memref<80x128xf32, #tpu.memory_space<vmem>>) target(%dma_start3A_47 : memref<80x128xf32, #tpu.memory_space<hbm>>) target_semaphore(%run_scoped3A : memref<!tpu.dma_semaphore, #tpu.memory_space<semaphore_mem>>)
      %dma_wait3A = arith.constant 0 : i32
      %dma_wait3A_48 = tpu.memref_slice %arg6[%arg0, %add3A_28, %dma_wait3A] : memref<2x10240x128xf32, #tpu.memory_space<hbm>> -> memref<1x80x128xf32, #tpu.memory_space<hbm>>
      %dma_wait3A_49 = tpu.memref_squeeze %dma_wait3A_48 : memref<1x80x128xf32, #tpu.memory_space<hbm>> -> memref<80x128xf32, #tpu.memory_space<hbm>>
      %dma_wait3A_50 = arith.constant 0 : i32
      %dma_wait3A_51 = tpu.memref_slice %arg6[%arg0, %add3A_28, %dma_wait3A_50] : memref<2x10240x128xf32, #tpu.memory_space<hbm>> -> memref<1x80x128xf32, #tpu.memory_space<hbm>>
      %dma_wait3A_52 = tpu.memref_squeeze %dma_wait3A_51 : memref<1x80x128xf32, #tpu.memory_space<hbm>> -> memref<80x128xf32, #tpu.memory_space<hbm>>
      tpu.wait_dma2 semaphore(%run_scoped3A : memref<!tpu.dma_semaphore, #tpu.memory_space<semaphore_mem>>) src(%arg10 : memref<80x128xf32, #tpu.memory_space<vmem>>) dst(%dma_wait3A_52 : memref<80x128xf32, #tpu.memory_space<hbm>>)
      tpu.yield
    }) : () -> ()
    %add3A_29 = arith.constant 80 : i32
    %add3A_30 = arith.addi %mul3A_4, %add3A_29 : i32
    "tpu.region"() ({
      %run_scoped3A = tpu.sem_alloc : memref<!tpu.dma_semaphore, #tpu.memory_space<semaphore_mem>>
      %dma_start3A = arith.constant 0 : i32
      %dma_start3A_43 = tpu.memref_slice %arg11[%add3A_30, %dma_start3A] : memref<10240x128xf32, #tpu.memory_space<vmem_shared>> -> memref<80x128xf32, #tpu.memory_space<vmem_shared>>
      %dma_start3A_44 = arith.constant 0 : i32
      %dma_start3A_45 = tpu.memref_slice %arg11[%add3A_30, %dma_start3A_44] : memref<10240x128xf32, #tpu.memory_space<vmem_shared>> -> memref<80x128xf32, #tpu.memory_space<vmem_shared>>
      tpu.enqueue_dma source(%dma_start3A_45 : memref<80x128xf32, #tpu.memory_space<vmem_shared>>) target(%arg10 : memref<80x128xf32, #tpu.memory_space<vmem>>) target_semaphore(%run_scoped3A : memref<!tpu.dma_semaphore, #tpu.memory_space<semaphore_mem>>)
      %dma_wait3A = arith.constant 0 : i32
      %dma_wait3A_46 = tpu.memref_slice %arg11[%add3A_30, %dma_wait3A] : memref<10240x128xf32, #tpu.memory_space<vmem_shared>> -> memref<80x128xf32, #tpu.memory_space<vmem_shared>>
      %dma_wait3A_47 = arith.constant 0 : i32
      %dma_wait3A_48 = tpu.memref_slice %arg11[%add3A_30, %dma_wait3A_47] : memref<10240x128xf32, #tpu.memory_space<vmem_shared>> -> memref<80x128xf32, #tpu.memory_space<vmem_shared>>
      tpu.wait_dma2 semaphore(%run_scoped3A : memref<!tpu.dma_semaphore, #tpu.memory_space<semaphore_mem>>) src(%dma_wait3A_48 : memref<80x128xf32, #tpu.memory_space<vmem_shared>>) dst(%arg10 : memref<80x128xf32, #tpu.memory_space<vmem>>)
      tpu.yield
    }) : () -> ()
    "tpu.region"() ({
      %run_scoped3A = tpu.sem_alloc : memref<!tpu.dma_semaphore, #tpu.memory_space<semaphore_mem>>
      %dma_start3A = arith.constant 0 : i32
      %dma_start3A_43 = tpu.memref_slice %arg6[%arg0, %add3A_30, %dma_start3A] : memref<2x10240x128xf32, #tpu.memory_space<hbm>> -> memref<1x80x128xf32, #tpu.memory_space<hbm>>
      %dma_start3A_44 = tpu.memref_squeeze %dma_start3A_43 : memref<1x80x128xf32, #tpu.memory_space<hbm>> -> memref<80x128xf32, #tpu.memory_space<hbm>>
      %dma_start3A_45 = arith.constant 0 : i32
      %dma_start3A_46 = tpu.memref_slice %arg6[%arg0, %add3A_30, %dma_start3A_45] : memref<2x10240x128xf32, #tpu.memory_space<hbm>> -> memref<1x80x128xf32, #tpu.memory_space<hbm>>
      %dma_start3A_47 = tpu.memref_squeeze %dma_start3A_46 : memref<1x80x128xf32, #tpu.memory_space<hbm>> -> memref<80x128xf32, #tpu.memory_space<hbm>>
      tpu.enqueue_dma source(%arg10 : memref<80x128xf32, #tpu.memory_space<vmem>>) target(%dma_start3A_47 : memref<80x128xf32, #tpu.memory_space<hbm>>) target_semaphore(%run_scoped3A : memref<!tpu.dma_semaphore, #tpu.memory_space<semaphore_mem>>)
      %dma_wait3A = arith.constant 0 : i32
      %dma_wait3A_48 = tpu.memref_slice %arg6[%arg0, %add3A_30, %dma_wait3A] : memref<2x10240x128xf32, #tpu.memory_space<hbm>> -> memref<1x80x128xf32, #tpu.memory_space<hbm>>
      %dma_wait3A_49 = tpu.memref_squeeze %dma_wait3A_48 : memref<1x80x128xf32, #tpu.memory_space<hbm>> -> memref<80x128xf32, #tpu.memory_space<hbm>>
      %dma_wait3A_50 = arith.constant 0 : i32
      %dma_wait3A_51 = tpu.memref_slice %arg6[%arg0, %add3A_30, %dma_wait3A_50] : memref<2x10240x128xf32, #tpu.memory_space<hbm>> -> memref<1x80x128xf32, #tpu.memory_space<hbm>>
      %dma_wait3A_52 = tpu.memref_squeeze %dma_wait3A_51 : memref<1x80x128xf32, #tpu.memory_space<hbm>> -> memref<80x128xf32, #tpu.memory_space<hbm>>
      tpu.wait_dma2 semaphore(%run_scoped3A : memref<!tpu.dma_semaphore, #tpu.memory_space<semaphore_mem>>) src(%arg10 : memref<80x128xf32, #tpu.memory_space<vmem>>) dst(%dma_wait3A_52 : memref<80x128xf32, #tpu.memory_space<hbm>>)
      tpu.yield
    }) : () -> ()
    %add3A_31 = arith.constant 160 : i32
    %add3A_32 = arith.addi %mul3A_4, %add3A_31 : i32
    "tpu.region"() ({
      %run_scoped3A = tpu.sem_alloc : memref<!tpu.dma_semaphore, #tpu.memory_space<semaphore_mem>>
      %dma_start3A = arith.constant 0 : i32
      %dma_start3A_43 = tpu.memref_slice %arg11[%add3A_32, %dma_start3A] : memref<10240x128xf32, #tpu.memory_space<vmem_shared>> -> memref<80x128xf32, #tpu.memory_space<vmem_shared>>
      %dma_start3A_44 = arith.constant 0 : i32
      %dma_start3A_45 = tpu.memref_slice %arg11[%add3A_32, %dma_start3A_44] : memref<10240x128xf32, #tpu.memory_space<vmem_shared>> -> memref<80x128xf32, #tpu.memory_space<vmem_shared>>
      tpu.enqueue_dma source(%dma_start3A_45 : memref<80x128xf32, #tpu.memory_space<vmem_shared>>) target(%arg10 : memref<80x128xf32, #tpu.memory_space<vmem>>) target_semaphore(%run_scoped3A : memref<!tpu.dma_semaphore, #tpu.memory_space<semaphore_mem>>)
      %dma_wait3A = arith.constant 0 : i32
      %dma_wait3A_46 = tpu.memref_slice %arg11[%add3A_32, %dma_wait3A] : memref<10240x128xf32, #tpu.memory_space<vmem_shared>> -> memref<80x128xf32, #tpu.memory_space<vmem_shared>>
      %dma_wait3A_47 = arith.constant 0 : i32
      %dma_wait3A_48 = tpu.memref_slice %arg11[%add3A_32, %dma_wait3A_47] : memref<10240x128xf32, #tpu.memory_space<vmem_shared>> -> memref<80x128xf32, #tpu.memory_space<vmem_shared>>
      tpu.wait_dma2 semaphore(%run_scoped3A : memref<!tpu.dma_semaphore, #tpu.memory_space<semaphore_mem>>) src(%dma_wait3A_48 : memref<80x128xf32, #tpu.memory_space<vmem_shared>>) dst(%arg10 : memref<80x128xf32, #tpu.memory_space<vmem>>)
      tpu.yield
    }) : () -> ()
    "tpu.region"() ({
      %run_scoped3A = tpu.sem_alloc : memref<!tpu.dma_semaphore, #tpu.memory_space<semaphore_mem>>
      %dma_start3A = arith.constant 0 : i32
      %dma_start3A_43 = tpu.memref_slice %arg6[%arg0, %add3A_32, %dma_start3A] : memref<2x10240x128xf32, #tpu.memory_space<hbm>> -> memref<1x80x128xf32, #tpu.memory_space<hbm>>
      %dma_start3A_44 = tpu.memref_squeeze %dma_start3A_43 : memref<1x80x128xf32, #tpu.memory_space<hbm>> -> memref<80x128xf32, #tpu.memory_space<hbm>>
      %dma_start3A_45 = arith.constant 0 : i32
      %dma_start3A_46 = tpu.memref_slice %arg6[%arg0, %add3A_32, %dma_start3A_45] : memref<2x10240x128xf32, #tpu.memory_space<hbm>> -> memref<1x80x128xf32, #tpu.memory_space<hbm>>
      %dma_start3A_47 = tpu.memref_squeeze %dma_start3A_46 : memref<1x80x128xf32, #tpu.memory_space<hbm>> -> memref<80x128xf32, #tpu.memory_space<hbm>>
      tpu.enqueue_dma source(%arg10 : memref<80x128xf32, #tpu.memory_space<vmem>>) target(%dma_start3A_47 : memref<80x128xf32, #tpu.memory_space<hbm>>) target_semaphore(%run_scoped3A : memref<!tpu.dma_semaphore, #tpu.memory_space<semaphore_mem>>)
      %dma_wait3A = arith.constant 0 : i32
      %dma_wait3A_48 = tpu.memref_slice %arg6[%arg0, %add3A_32, %dma_wait3A] : memref<2x10240x128xf32, #tpu.memory_space<hbm>> -> memref<1x80x128xf32, #tpu.memory_space<hbm>>
      %dma_wait3A_49 = tpu.memref_squeeze %dma_wait3A_48 : memref<1x80x128xf32, #tpu.memory_space<hbm>> -> memref<80x128xf32, #tpu.memory_space<hbm>>
      %dma_wait3A_50 = arith.constant 0 : i32
      %dma_wait3A_51 = tpu.memref_slice %arg6[%arg0, %add3A_32, %dma_wait3A_50] : memref<2x10240x128xf32, #tpu.memory_space<hbm>> -> memref<1x80x128xf32, #tpu.memory_space<hbm>>
      %dma_wait3A_52 = tpu.memref_squeeze %dma_wait3A_51 : memref<1x80x128xf32, #tpu.memory_space<hbm>> -> memref<80x128xf32, #tpu.memory_space<hbm>>
      tpu.wait_dma2 semaphore(%run_scoped3A : memref<!tpu.dma_semaphore, #tpu.memory_space<semaphore_mem>>) src(%arg10 : memref<80x128xf32, #tpu.memory_space<vmem>>) dst(%dma_wait3A_52 : memref<80x128xf32, #tpu.memory_space<hbm>>)
      tpu.yield
    }) : () -> ()
    %add3A_33 = arith.constant 240 : i32
    %add3A_34 = arith.addi %mul3A_4, %add3A_33 : i32
    "tpu.region"() ({
      %run_scoped3A = tpu.sem_alloc : memref<!tpu.dma_semaphore, #tpu.memory_space<semaphore_mem>>
      %dma_start3A = arith.constant 0 : i32
      %dma_start3A_43 = tpu.memref_slice %arg11[%add3A_34, %dma_start3A] : memref<10240x128xf32, #tpu.memory_space<vmem_shared>> -> memref<80x128xf32, #tpu.memory_space<vmem_shared>>
      %dma_start3A_44 = arith.constant 0 : i32
      %dma_start3A_45 = tpu.memref_slice %arg11[%add3A_34, %dma_start3A_44] : memref<10240x128xf32, #tpu.memory_space<vmem_shared>> -> memref<80x128xf32, #tpu.memory_space<vmem_shared>>
      tpu.enqueue_dma source(%dma_start3A_45 : memref<80x128xf32, #tpu.memory_space<vmem_shared>>) target(%arg10 : memref<80x128xf32, #tpu.memory_space<vmem>>) target_semaphore(%run_scoped3A : memref<!tpu.dma_semaphore, #tpu.memory_space<semaphore_mem>>)
      %dma_wait3A = arith.constant 0 : i32
      %dma_wait3A_46 = tpu.memref_slice %arg11[%add3A_34, %dma_wait3A] : memref<10240x128xf32, #tpu.memory_space<vmem_shared>> -> memref<80x128xf32, #tpu.memory_space<vmem_shared>>
      %dma_wait3A_47 = arith.constant 0 : i32
      %dma_wait3A_48 = tpu.memref_slice %arg11[%add3A_34, %dma_wait3A_47] : memref<10240x128xf32, #tpu.memory_space<vmem_shared>> -> memref<80x128xf32, #tpu.memory_space<vmem_shared>>
      tpu.wait_dma2 semaphore(%run_scoped3A : memref<!tpu.dma_semaphore, #tpu.memory_space<semaphore_mem>>) src(%dma_wait3A_48 : memref<80x128xf32, #tpu.memory_space<vmem_shared>>) dst(%arg10 : memref<80x128xf32, #tpu.memory_space<vmem>>)
      tpu.yield
    }) : () -> ()
    "tpu.region"() ({
      %run_scoped3A = tpu.sem_alloc : memref<!tpu.dma_semaphore, #tpu.memory_space<semaphore_mem>>
      %dma_start3A = arith.constant 0 : i32
      %dma_start3A_43 = tpu.memref_slice %arg6[%arg0, %add3A_34, %dma_start3A] : memref<2x10240x128xf32, #tpu.memory_space<hbm>> -> memref<1x80x128xf32, #tpu.memory_space<hbm>>
      %dma_start3A_44 = tpu.memref_squeeze %dma_start3A_43 : memref<1x80x128xf32, #tpu.memory_space<hbm>> -> memref<80x128xf32, #tpu.memory_space<hbm>>
      %dma_start3A_45 = arith.constant 0 : i32
      %dma_start3A_46 = tpu.memref_slice %arg6[%arg0, %add3A_34, %dma_start3A_45] : memref<2x10240x128xf32, #tpu.memory_space<hbm>> -> memref<1x80x128xf32, #tpu.memory_space<hbm>>
      %dma_start3A_47 = tpu.memref_squeeze %dma_start3A_46 : memref<1x80x128xf32, #tpu.memory_space<hbm>> -> memref<80x128xf32, #tpu.memory_space<hbm>>
      tpu.enqueue_dma source(%arg10 : memref<80x128xf32, #tpu.memory_space<vmem>>) target(%dma_start3A_47 : memref<80x128xf32, #tpu.memory_space<hbm>>) target_semaphore(%run_scoped3A : memref<!tpu.dma_semaphore, #tpu.memory_space<semaphore_mem>>)
      %dma_wait3A = arith.constant 0 : i32
      %dma_wait3A_48 = tpu.memref_slice %arg6[%arg0, %add3A_34, %dma_wait3A] : memref<2x10240x128xf32, #tpu.memory_space<hbm>> -> memref<1x80x128xf32, #tpu.memory_space<hbm>>
      %dma_wait3A_49 = tpu.memref_squeeze %dma_wait3A_48 : memref<1x80x128xf32, #tpu.memory_space<hbm>> -> memref<80x128xf32, #tpu.memory_space<hbm>>
      %dma_wait3A_50 = arith.constant 0 : i32
      %dma_wait3A_51 = tpu.memref_slice %arg6[%arg0, %add3A_34, %dma_wait3A_50] : memref<2x10240x128xf32, #tpu.memory_space<hbm>> -> memref<1x80x128xf32, #tpu.memory_space<hbm>>
      %dma_wait3A_52 = tpu.memref_squeeze %dma_wait3A_51 : memref<1x80x128xf32, #tpu.memory_space<hbm>> -> memref<80x128xf32, #tpu.memory_space<hbm>>
      tpu.wait_dma2 semaphore(%run_scoped3A : memref<!tpu.dma_semaphore, #tpu.memory_space<semaphore_mem>>) src(%arg10 : memref<80x128xf32, #tpu.memory_space<vmem>>) dst(%dma_wait3A_52 : memref<80x128xf32, #tpu.memory_space<hbm>>)
      tpu.yield
    }) : () -> ()
    %add3A_35 = arith.constant 320 : i32
    %add3A_36 = arith.addi %mul3A_4, %add3A_35 : i32
    "tpu.region"() ({
      %run_scoped3A = tpu.sem_alloc : memref<!tpu.dma_semaphore, #tpu.memory_space<semaphore_mem>>
      %dma_start3A = arith.constant 0 : i32
      %dma_start3A_43 = tpu.memref_slice %arg11[%add3A_36, %dma_start3A] : memref<10240x128xf32, #tpu.memory_space<vmem_shared>> -> memref<80x128xf32, #tpu.memory_space<vmem_shared>>
      %dma_start3A_44 = arith.constant 0 : i32
      %dma_start3A_45 = tpu.memref_slice %arg11[%add3A_36, %dma_start3A_44] : memref<10240x128xf32, #tpu.memory_space<vmem_shared>> -> memref<80x128xf32, #tpu.memory_space<vmem_shared>>
      tpu.enqueue_dma source(%dma_start3A_45 : memref<80x128xf32, #tpu.memory_space<vmem_shared>>) target(%arg10 : memref<80x128xf32, #tpu.memory_space<vmem>>) target_semaphore(%run_scoped3A : memref<!tpu.dma_semaphore, #tpu.memory_space<semaphore_mem>>)
      %dma_wait3A = arith.constant 0 : i32
      %dma_wait3A_46 = tpu.memref_slice %arg11[%add3A_36, %dma_wait3A] : memref<10240x128xf32, #tpu.memory_space<vmem_shared>> -> memref<80x128xf32, #tpu.memory_space<vmem_shared>>
      %dma_wait3A_47 = arith.constant 0 : i32
      %dma_wait3A_48 = tpu.memref_slice %arg11[%add3A_36, %dma_wait3A_47] : memref<10240x128xf32, #tpu.memory_space<vmem_shared>> -> memref<80x128xf32, #tpu.memory_space<vmem_shared>>
      tpu.wait_dma2 semaphore(%run_scoped3A : memref<!tpu.dma_semaphore, #tpu.memory_space<semaphore_mem>>) src(%dma_wait3A_48 : memref<80x128xf32, #tpu.memory_space<vmem_shared>>) dst(%arg10 : memref<80x128xf32, #tpu.memory_space<vmem>>)
      tpu.yield
    }) : () -> ()
    "tpu.region"() ({
      %run_scoped3A = tpu.sem_alloc : memref<!tpu.dma_semaphore, #tpu.memory_space<semaphore_mem>>
      %dma_start3A = arith.constant 0 : i32
      %dma_start3A_43 = tpu.memref_slice %arg6[%arg0, %add3A_36, %dma_start3A] : memref<2x10240x128xf32, #tpu.memory_space<hbm>> -> memref<1x80x128xf32, #tpu.memory_space<hbm>>
      %dma_start3A_44 = tpu.memref_squeeze %dma_start3A_43 : memref<1x80x128xf32, #tpu.memory_space<hbm>> -> memref<80x128xf32, #tpu.memory_space<hbm>>
      %dma_start3A_45 = arith.constant 0 : i32
      %dma_start3A_46 = tpu.memref_slice %arg6[%arg0, %add3A_36, %dma_start3A_45] : memref<2x10240x128xf32, #tpu.memory_space<hbm>> -> memref<1x80x128xf32, #tpu.memory_space<hbm>>
      %dma_start3A_47 = tpu.memref_squeeze %dma_start3A_46 : memref<1x80x128xf32, #tpu.memory_space<hbm>> -> memref<80x128xf32, #tpu.memory_space<hbm>>
      tpu.enqueue_dma source(%arg10 : memref<80x128xf32, #tpu.memory_space<vmem>>) target(%dma_start3A_47 : memref<80x128xf32, #tpu.memory_space<hbm>>) target_semaphore(%run_scoped3A : memref<!tpu.dma_semaphore, #tpu.memory_space<semaphore_mem>>)
      %dma_wait3A = arith.constant 0 : i32
      %dma_wait3A_48 = tpu.memref_slice %arg6[%arg0, %add3A_36, %dma_wait3A] : memref<2x10240x128xf32, #tpu.memory_space<hbm>> -> memref<1x80x128xf32, #tpu.memory_space<hbm>>
      %dma_wait3A_49 = tpu.memref_squeeze %dma_wait3A_48 : memref<1x80x128xf32, #tpu.memory_space<hbm>> -> memref<80x128xf32, #tpu.memory_space<hbm>>
      %dma_wait3A_50 = arith.constant 0 : i32
      %dma_wait3A_51 = tpu.memref_slice %arg6[%arg0, %add3A_36, %dma_wait3A_50] : memref<2x10240x128xf32, #tpu.memory_space<hbm>> -> memref<1x80x128xf32, #tpu.memory_space<hbm>>
      %dma_wait3A_52 = tpu.memref_squeeze %dma_wait3A_51 : memref<1x80x128xf32, #tpu.memory_space<hbm>> -> memref<80x128xf32, #tpu.memory_space<hbm>>
      tpu.wait_dma2 semaphore(%run_scoped3A : memref<!tpu.dma_semaphore, #tpu.memory_space<semaphore_mem>>) src(%arg10 : memref<80x128xf32, #tpu.memory_space<vmem>>) dst(%dma_wait3A_52 : memref<80x128xf32, #tpu.memory_space<hbm>>)
      tpu.yield
    }) : () -> ()
    %add3A_37 = arith.constant 400 : i32
    %add3A_38 = arith.addi %mul3A_4, %add3A_37 : i32
    "tpu.region"() ({
      %run_scoped3A = tpu.sem_alloc : memref<!tpu.dma_semaphore, #tpu.memory_space<semaphore_mem>>
      %dma_start3A = arith.constant 0 : i32
      %dma_start3A_43 = tpu.memref_slice %arg11[%add3A_38, %dma_start3A] : memref<10240x128xf32, #tpu.memory_space<vmem_shared>> -> memref<80x128xf32, #tpu.memory_space<vmem_shared>>
      %dma_start3A_44 = arith.constant 0 : i32
      %dma_start3A_45 = tpu.memref_slice %arg11[%add3A_38, %dma_start3A_44] : memref<10240x128xf32, #tpu.memory_space<vmem_shared>> -> memref<80x128xf32, #tpu.memory_space<vmem_shared>>
      tpu.enqueue_dma source(%dma_start3A_45 : memref<80x128xf32, #tpu.memory_space<vmem_shared>>) target(%arg10 : memref<80x128xf32, #tpu.memory_space<vmem>>) target_semaphore(%run_scoped3A : memref<!tpu.dma_semaphore, #tpu.memory_space<semaphore_mem>>)
      %dma_wait3A = arith.constant 0 : i32
      %dma_wait3A_46 = tpu.memref_slice %arg11[%add3A_38, %dma_wait3A] : memref<10240x128xf32, #tpu.memory_space<vmem_shared>> -> memref<80x128xf32, #tpu.memory_space<vmem_shared>>
      %dma_wait3A_47 = arith.constant 0 : i32
      %dma_wait3A_48 = tpu.memref_slice %arg11[%add3A_38, %dma_wait3A_47] : memref<10240x128xf32, #tpu.memory_space<vmem_shared>> -> memref<80x128xf32, #tpu.memory_space<vmem_shared>>
      tpu.wait_dma2 semaphore(%run_scoped3A : memref<!tpu.dma_semaphore, #tpu.memory_space<semaphore_mem>>) src(%dma_wait3A_48 : memref<80x128xf32, #tpu.memory_space<vmem_shared>>) dst(%arg10 : memref<80x128xf32, #tpu.memory_space<vmem>>)
      tpu.yield
    }) : () -> ()
    "tpu.region"() ({
      %run_scoped3A = tpu.sem_alloc : memref<!tpu.dma_semaphore, #tpu.memory_space<semaphore_mem>>
      %dma_start3A = arith.constant 0 : i32
      %dma_start3A_43 = tpu.memref_slice %arg6[%arg0, %add3A_38, %dma_start3A] : memref<2x10240x128xf32, #tpu.memory_space<hbm>> -> memref<1x80x128xf32, #tpu.memory_space<hbm>>
      %dma_start3A_44 = tpu.memref_squeeze %dma_start3A_43 : memref<1x80x128xf32, #tpu.memory_space<hbm>> -> memref<80x128xf32, #tpu.memory_space<hbm>>
      %dma_start3A_45 = arith.constant 0 : i32
      %dma_start3A_46 = tpu.memref_slice %arg6[%arg0, %add3A_38, %dma_start3A_45] : memref<2x10240x128xf32, #tpu.memory_space<hbm>> -> memref<1x80x128xf32, #tpu.memory_space<hbm>>
      %dma_start3A_47 = tpu.memref_squeeze %dma_start3A_46 : memref<1x80x128xf32, #tpu.memory_space<hbm>> -> memref<80x128xf32, #tpu.memory_space<hbm>>
      tpu.enqueue_dma source(%arg10 : memref<80x128xf32, #tpu.memory_space<vmem>>) target(%dma_start3A_47 : memref<80x128xf32, #tpu.memory_space<hbm>>) target_semaphore(%run_scoped3A : memref<!tpu.dma_semaphore, #tpu.memory_space<semaphore_mem>>)
      %dma_wait3A = arith.constant 0 : i32
      %dma_wait3A_48 = tpu.memref_slice %arg6[%arg0, %add3A_38, %dma_wait3A] : memref<2x10240x128xf32, #tpu.memory_space<hbm>> -> memref<1x80x128xf32, #tpu.memory_space<hbm>>
      %dma_wait3A_49 = tpu.memref_squeeze %dma_wait3A_48 : memref<1x80x128xf32, #tpu.memory_space<hbm>> -> memref<80x128xf32, #tpu.memory_space<hbm>>
      %dma_wait3A_50 = arith.constant 0 : i32
      %dma_wait3A_51 = tpu.memref_slice %arg6[%arg0, %add3A_38, %dma_wait3A_50] : memref<2x10240x128xf32, #tpu.memory_space<hbm>> -> memref<1x80x128xf32, #tpu.memory_space<hbm>>
      %dma_wait3A_52 = tpu.memref_squeeze %dma_wait3A_51 : memref<1x80x128xf32, #tpu.memory_space<hbm>> -> memref<80x128xf32, #tpu.memory_space<hbm>>
      tpu.wait_dma2 semaphore(%run_scoped3A : memref<!tpu.dma_semaphore, #tpu.memory_space<semaphore_mem>>) src(%arg10 : memref<80x128xf32, #tpu.memory_space<vmem>>) dst(%dma_wait3A_52 : memref<80x128xf32, #tpu.memory_space<hbm>>)
      tpu.yield
    }) : () -> ()
    %add3A_39 = arith.constant 480 : i32
    %add3A_40 = arith.addi %mul3A_4, %add3A_39 : i32
    "tpu.region"() ({
      %run_scoped3A = tpu.sem_alloc : memref<!tpu.dma_semaphore, #tpu.memory_space<semaphore_mem>>
      %dma_start3A = arith.constant 0 : i32
      %dma_start3A_43 = tpu.memref_slice %arg11[%add3A_40, %dma_start3A] : memref<10240x128xf32, #tpu.memory_space<vmem_shared>> -> memref<80x128xf32, #tpu.memory_space<vmem_shared>>
      %dma_start3A_44 = arith.constant 0 : i32
      %dma_start3A_45 = tpu.memref_slice %arg11[%add3A_40, %dma_start3A_44] : memref<10240x128xf32, #tpu.memory_space<vmem_shared>> -> memref<80x128xf32, #tpu.memory_space<vmem_shared>>
      tpu.enqueue_dma source(%dma_start3A_45 : memref<80x128xf32, #tpu.memory_space<vmem_shared>>) target(%arg10 : memref<80x128xf32, #tpu.memory_space<vmem>>) target_semaphore(%run_scoped3A : memref<!tpu.dma_semaphore, #tpu.memory_space<semaphore_mem>>)
      %dma_wait3A = arith.constant 0 : i32
      %dma_wait3A_46 = tpu.memref_slice %arg11[%add3A_40, %dma_wait3A] : memref<10240x128xf32, #tpu.memory_space<vmem_shared>> -> memref<80x128xf32, #tpu.memory_space<vmem_shared>>
      %dma_wait3A_47 = arith.constant 0 : i32
      %dma_wait3A_48 = tpu.memref_slice %arg11[%add3A_40, %dma_wait3A_47] : memref<10240x128xf32, #tpu.memory_space<vmem_shared>> -> memref<80x128xf32, #tpu.memory_space<vmem_shared>>
      tpu.wait_dma2 semaphore(%run_scoped3A : memref<!tpu.dma_semaphore, #tpu.memory_space<semaphore_mem>>) src(%dma_wait3A_48 : memref<80x128xf32, #tpu.memory_space<vmem_shared>>) dst(%arg10 : memref<80x128xf32, #tpu.memory_space<vmem>>)
      tpu.yield
    }) : () -> ()
    "tpu.region"() ({
      %run_scoped3A = tpu.sem_alloc : memref<!tpu.dma_semaphore, #tpu.memory_space<semaphore_mem>>
      %dma_start3A = arith.constant 0 : i32
      %dma_start3A_43 = tpu.memref_slice %arg6[%arg0, %add3A_40, %dma_start3A] : memref<2x10240x128xf32, #tpu.memory_space<hbm>> -> memref<1x80x128xf32, #tpu.memory_space<hbm>>
      %dma_start3A_44 = tpu.memref_squeeze %dma_start3A_43 : memref<1x80x128xf32, #tpu.memory_space<hbm>> -> memref<80x128xf32, #tpu.memory_space<hbm>>
      %dma_start3A_45 = arith.constant 0 : i32
      %dma_start3A_46 = tpu.memref_slice %arg6[%arg0, %add3A_40, %dma_start3A_45] : memref<2x10240x128xf32, #tpu.memory_space<hbm>> -> memref<1x80x128xf32, #tpu.memory_space<hbm>>
      %dma_start3A_47 = tpu.memref_squeeze %dma_start3A_46 : memref<1x80x128xf32, #tpu.memory_space<hbm>> -> memref<80x128xf32, #tpu.memory_space<hbm>>
      tpu.enqueue_dma source(%arg10 : memref<80x128xf32, #tpu.memory_space<vmem>>) target(%dma_start3A_47 : memref<80x128xf32, #tpu.memory_space<hbm>>) target_semaphore(%run_scoped3A : memref<!tpu.dma_semaphore, #tpu.memory_space<semaphore_mem>>)
      %dma_wait3A = arith.constant 0 : i32
      %dma_wait3A_48 = tpu.memref_slice %arg6[%arg0, %add3A_40, %dma_wait3A] : memref<2x10240x128xf32, #tpu.memory_space<hbm>> -> memref<1x80x128xf32, #tpu.memory_space<hbm>>
      %dma_wait3A_49 = tpu.memref_squeeze %dma_wait3A_48 : memref<1x80x128xf32, #tpu.memory_space<hbm>> -> memref<80x128xf32, #tpu.memory_space<hbm>>
      %dma_wait3A_50 = arith.constant 0 : i32
      %dma_wait3A_51 = tpu.memref_slice %arg6[%arg0, %add3A_40, %dma_wait3A_50] : memref<2x10240x128xf32, #tpu.memory_space<hbm>> -> memref<1x80x128xf32, #tpu.memory_space<hbm>>
      %dma_wait3A_52 = tpu.memref_squeeze %dma_wait3A_51 : memref<1x80x128xf32, #tpu.memory_space<hbm>> -> memref<80x128xf32, #tpu.memory_space<hbm>>
      tpu.wait_dma2 semaphore(%run_scoped3A : memref<!tpu.dma_semaphore, #tpu.memory_space<semaphore_mem>>) src(%arg10 : memref<80x128xf32, #tpu.memory_space<vmem>>) dst(%dma_wait3A_52 : memref<80x128xf32, #tpu.memory_space<hbm>>)
      tpu.yield
    }) : () -> ()
    %add3A_41 = arith.constant 560 : i32
    %add3A_42 = arith.addi %mul3A_4, %add3A_41 : i32
    "tpu.region"() ({
      %run_scoped3A = tpu.sem_alloc : memref<!tpu.dma_semaphore, #tpu.memory_space<semaphore_mem>>
      %dma_start3A = arith.constant 0 : i32
      %dma_start3A_43 = tpu.memref_slice %arg11[%add3A_42, %dma_start3A] : memref<10240x128xf32, #tpu.memory_space<vmem_shared>> -> memref<80x128xf32, #tpu.memory_space<vmem_shared>>
      %dma_start3A_44 = arith.constant 0 : i32
      %dma_start3A_45 = tpu.memref_slice %arg11[%add3A_42, %dma_start3A_44] : memref<10240x128xf32, #tpu.memory_space<vmem_shared>> -> memref<80x128xf32, #tpu.memory_space<vmem_shared>>
      tpu.enqueue_dma source(%dma_start3A_45 : memref<80x128xf32, #tpu.memory_space<vmem_shared>>) target(%arg10 : memref<80x128xf32, #tpu.memory_space<vmem>>) target_semaphore(%run_scoped3A : memref<!tpu.dma_semaphore, #tpu.memory_space<semaphore_mem>>)
      %dma_wait3A = arith.constant 0 : i32
      %dma_wait3A_46 = tpu.memref_slice %arg11[%add3A_42, %dma_wait3A] : memref<10240x128xf32, #tpu.memory_space<vmem_shared>> -> memref<80x128xf32, #tpu.memory_space<vmem_shared>>
      %dma_wait3A_47 = arith.constant 0 : i32
      %dma_wait3A_48 = tpu.memref_slice %arg11[%add3A_42, %dma_wait3A_47] : memref<10240x128xf32, #tpu.memory_space<vmem_shared>> -> memref<80x128xf32, #tpu.memory_space<vmem_shared>>
      tpu.wait_dma2 semaphore(%run_scoped3A : memref<!tpu.dma_semaphore, #tpu.memory_space<semaphore_mem>>) src(%dma_wait3A_48 : memref<80x128xf32, #tpu.memory_space<vmem_shared>>) dst(%arg10 : memref<80x128xf32, #tpu.memory_space<vmem>>)
      tpu.yield
    }) : () -> ()
    "tpu.region"() ({
      %run_scoped3A = tpu.sem_alloc : memref<!tpu.dma_semaphore, #tpu.memory_space<semaphore_mem>>
      %dma_start3A = arith.constant 0 : i32
      %dma_start3A_43 = tpu.memref_slice %arg6[%arg0, %add3A_42, %dma_start3A] : memref<2x10240x128xf32, #tpu.memory_space<hbm>> -> memref<1x80x128xf32, #tpu.memory_space<hbm>>
      %dma_start3A_44 = tpu.memref_squeeze %dma_start3A_43 : memref<1x80x128xf32, #tpu.memory_space<hbm>> -> memref<80x128xf32, #tpu.memory_space<hbm>>
      %dma_start3A_45 = arith.constant 0 : i32
      %dma_start3A_46 = tpu.memref_slice %arg6[%arg0, %add3A_42, %dma_start3A_45] : memref<2x10240x128xf32, #tpu.memory_space<hbm>> -> memref<1x80x128xf32, #tpu.memory_space<hbm>>
      %dma_start3A_47 = tpu.memref_squeeze %dma_start3A_46 : memref<1x80x128xf32, #tpu.memory_space<hbm>> -> memref<80x128xf32, #tpu.memory_space<hbm>>
      tpu.enqueue_dma source(%arg10 : memref<80x128xf32, #tpu.memory_space<vmem>>) target(%dma_start3A_47 : memref<80x128xf32, #tpu.memory_space<hbm>>) target_semaphore(%run_scoped3A : memref<!tpu.dma_semaphore, #tpu.memory_space<semaphore_mem>>)
      %dma_wait3A = arith.constant 0 : i32
      %dma_wait3A_48 = tpu.memref_slice %arg6[%arg0, %add3A_42, %dma_wait3A] : memref<2x10240x128xf32, #tpu.memory_space<hbm>> -> memref<1x80x128xf32, #tpu.memory_space<hbm>>
      %dma_wait3A_49 = tpu.memref_squeeze %dma_wait3A_48 : memref<1x80x128xf32, #tpu.memory_space<hbm>> -> memref<80x128xf32, #tpu.memory_space<hbm>>
      %dma_wait3A_50 = arith.constant 0 : i32
      %dma_wait3A_51 = tpu.memref_slice %arg6[%arg0, %add3A_42, %dma_wait3A_50] : memref<2x10240x128xf32, #tpu.memory_space<hbm>> -> memref<1x80x128xf32, #tpu.memory_space<hbm>>
      %dma_wait3A_52 = tpu.memref_squeeze %dma_wait3A_51 : memref<1x80x128xf32, #tpu.memory_space<hbm>> -> memref<80x128xf32, #tpu.memory_space<hbm>>
      tpu.wait_dma2 semaphore(%run_scoped3A : memref<!tpu.dma_semaphore, #tpu.memory_space<semaphore_mem>>) src(%arg10 : memref<80x128xf32, #tpu.memory_space<vmem>>) dst(%dma_wait3A_52 : memref<80x128xf32, #tpu.memory_space<hbm>>)
      tpu.yield
    }) : () -> ()
    return
  }
}

#map = affine_map<(d0, d1) -> (0, 0)>
#map1 = affine_map<(d0, d1) -> (0, 0, 0)>
module attributes {stable_mosaic.version = 14 : i64} {
  func.func @sage_agg_w128(%arg0: i32, %arg1: i32, %arg2: memref<10000x128xf32, #tpu.memory_space<hbm>>, %arg3: memref<32x10000xi32, #tpu.memory_space<hbm>>, %arg4: memref<32x125x80xi32, #tpu.memory_space<hbm>>, %arg5: memref<80x128xf32, #tpu.memory_space<hbm>>, %arg6: memref<2x10240x128xf32, #tpu.memory_space<hbm>>, %arg7: memref<10000xi32, #tpu.memory_space<vmem>>, %arg8: memref<125x80xi32, #tpu.memory_space<vmem>>, %arg9: memref<80x128xf32, #tpu.memory_space<vmem>>, %arg10: memref<80x128xf32, #tpu.memory_space<vmem>>, %arg11: memref<10240x128xf32, #tpu.memory_space<vmem_shared>>, %arg12: memref<!tpu.dma_semaphore, #tpu.memory_space<semaphore_mem>>) attributes {dimension_semantics = [#tpu.dimension_semantics<core_parallel>, #tpu.dimension_semantics<subcore_parallel>], iteration_bounds = array<i64: 2, 16>, scalar_prefetch = 0 : i64, scratch_operands = 6 : i64, tpu.core_type = #tpu.core_type<sc_vector_subcore>, window_params = [{transform_indices = #map}, {transform_indices = #map}, {transform_indices = #map1}, {transform_indices = #map}, {transform_indices = #map1}]} {
    %mul3A = arith.constant 2 : i32
    %mul3A_0 = arith.muli %arg1, %mul3A : i32
    %add3A = arith.addi %mul3A_0, %arg0 : i32
    %mul3A_1 = arith.constant 8 : i32
    %mul3A_2 = arith.muli %arg1, %mul3A_1 : i32
    %mul3A_3 = arith.constant 80 : i32
    %mul3A_4 = arith.muli %mul3A_2, %mul3A_3 : i32
    "tpu.region"() ({
      %run_scoped3A = tpu.sem_alloc : memref<!tpu.dma_semaphore, #tpu.memory_space<semaphore_mem>>
      %dma_start3A = arith.constant 0 : i32
      %dma_start3A_43 = tpu.memref_slice %arg3[%add3A, %dma_start3A] : memref<32x10000xi32, #tpu.memory_space<hbm>> -> memref<1x10000xi32, #tpu.memory_space<hbm>>
      %dma_start3A_44 = tpu.memref_squeeze %dma_start3A_43 : memref<1x10000xi32, #tpu.memory_space<hbm>> -> memref<10000xi32, #tpu.memory_space<hbm>>
      %dma_start3A_45 = arith.constant 0 : i32
      %dma_start3A_46 = tpu.memref_slice %arg3[%add3A, %dma_start3A_45] : memref<32x10000xi32, #tpu.memory_space<hbm>> -> memref<1x10000xi32, #tpu.memory_space<hbm>>
      %dma_start3A_47 = tpu.memref_squeeze %dma_start3A_46 : memref<1x10000xi32, #tpu.memory_space<hbm>> -> memref<10000xi32, #tpu.memory_space<hbm>>
      tpu.enqueue_dma source(%dma_start3A_47 : memref<10000xi32, #tpu.memory_space<hbm>>) target(%arg7 : memref<10000xi32, #tpu.memory_space<vmem>>) target_semaphore(%run_scoped3A : memref<!tpu.dma_semaphore, #tpu.memory_space<semaphore_mem>>)
      %dma_wait3A = arith.constant 0 : i32
      %dma_wait3A_48 = tpu.memref_slice %arg3[%add3A, %dma_wait3A] : memref<32x10000xi32, #tpu.memory_space<hbm>> -> memref<1x10000xi32, #tpu.memory_space<hbm>>
      %dma_wait3A_49 = tpu.memref_squeeze %dma_wait3A_48 : memref<1x10000xi32, #tpu.memory_space<hbm>> -> memref<10000xi32, #tpu.memory_space<hbm>>
      %dma_wait3A_50 = arith.constant 0 : i32
      %dma_wait3A_51 = tpu.memref_slice %arg3[%add3A, %dma_wait3A_50] : memref<32x10000xi32, #tpu.memory_space<hbm>> -> memref<1x10000xi32, #tpu.memory_space<hbm>>
      %dma_wait3A_52 = tpu.memref_squeeze %dma_wait3A_51 : memref<1x10000xi32, #tpu.memory_space<hbm>> -> memref<10000xi32, #tpu.memory_space<hbm>>
      tpu.wait_dma2 semaphore(%run_scoped3A : memref<!tpu.dma_semaphore, #tpu.memory_space<semaphore_mem>>) src(%dma_wait3A_52 : memref<10000xi32, #tpu.memory_space<hbm>>) dst(%arg7 : memref<10000xi32, #tpu.memory_space<vmem>>)
      tpu.yield
    }) : () -> ()
    "tpu.region"() ({
      %run_scoped3A = tpu.sem_alloc : memref<!tpu.dma_semaphore, #tpu.memory_space<semaphore_mem>>
      %dma_start3A = arith.constant 0 : i32
      %dma_start3A_43 = arith.constant 0 : i32
      %dma_start3A_44 = tpu.memref_slice %arg4[%add3A, %dma_start3A, %dma_start3A_43] : memref<32x125x80xi32, #tpu.memory_space<hbm>> -> memref<1x125x80xi32, #tpu.memory_space<hbm>>
      %dma_start3A_45 = tpu.memref_squeeze %dma_start3A_44 : memref<1x125x80xi32, #tpu.memory_space<hbm>> -> memref<125x80xi32, #tpu.memory_space<hbm>>
      %dma_start3A_46 = arith.constant 0 : i32
      %dma_start3A_47 = arith.constant 0 : i32
      %dma_start3A_48 = tpu.memref_slice %arg4[%add3A, %dma_start3A_46, %dma_start3A_47] : memref<32x125x80xi32, #tpu.memory_space<hbm>> -> memref<1x125x80xi32, #tpu.memory_space<hbm>>
      %dma_start3A_49 = tpu.memref_squeeze %dma_start3A_48 : memref<1x125x80xi32, #tpu.memory_space<hbm>> -> memref<125x80xi32, #tpu.memory_space<hbm>>
      tpu.enqueue_dma source(%dma_start3A_49 : memref<125x80xi32, #tpu.memory_space<hbm>>) target(%arg8 : memref<125x80xi32, #tpu.memory_space<vmem>>) target_semaphore(%run_scoped3A : memref<!tpu.dma_semaphore, #tpu.memory_space<semaphore_mem>>)
      %dma_wait3A = arith.constant 0 : i32
      %dma_wait3A_50 = arith.constant 0 : i32
      %dma_wait3A_51 = tpu.memref_slice %arg4[%add3A, %dma_wait3A, %dma_wait3A_50] : memref<32x125x80xi32, #tpu.memory_space<hbm>> -> memref<1x125x80xi32, #tpu.memory_space<hbm>>
      %dma_wait3A_52 = tpu.memref_squeeze %dma_wait3A_51 : memref<1x125x80xi32, #tpu.memory_space<hbm>> -> memref<125x80xi32, #tpu.memory_space<hbm>>
      %dma_wait3A_53 = arith.constant 0 : i32
      %dma_wait3A_54 = arith.constant 0 : i32
      %dma_wait3A_55 = tpu.memref_slice %arg4[%add3A, %dma_wait3A_53, %dma_wait3A_54] : memref<32x125x80xi32, #tpu.memory_space<hbm>> -> memref<1x125x80xi32, #tpu.memory_space<hbm>>
      %dma_wait3A_56 = tpu.memref_squeeze %dma_wait3A_55 : memref<1x125x80xi32, #tpu.memory_space<hbm>> -> memref<125x80xi32, #tpu.memory_space<hbm>>
      tpu.wait_dma2 semaphore(%run_scoped3A : memref<!tpu.dma_semaphore, #tpu.memory_space<semaphore_mem>>) src(%dma_wait3A_56 : memref<125x80xi32, #tpu.memory_space<hbm>>) dst(%arg8 : memref<125x80xi32, #tpu.memory_space<vmem>>)
      tpu.yield
    }) : () -> ()
    "tpu.region"() ({
      %run_scoped3A = tpu.sem_alloc : memref<!tpu.dma_semaphore, #tpu.memory_space<semaphore_mem>>
      tpu.enqueue_dma source(%arg5 : memref<80x128xf32, #tpu.memory_space<hbm>>) target(%arg10 : memref<80x128xf32, #tpu.memory_space<vmem>>) target_semaphore(%run_scoped3A : memref<!tpu.dma_semaphore, #tpu.memory_space<semaphore_mem>>)
      tpu.wait_dma2 semaphore(%run_scoped3A : memref<!tpu.dma_semaphore, #tpu.memory_space<semaphore_mem>>) src(%arg5 : memref<80x128xf32, #tpu.memory_space<hbm>>) dst(%arg10 : memref<80x128xf32, #tpu.memory_space<vmem>>)
      tpu.yield
    }) : () -> ()
    %add3A_5 = arith.constant 0 : i32
    %add3A_6 = arith.addi %mul3A_4, %add3A_5 : i32
    "tpu.region"() ({
      %run_scoped3A = tpu.sem_alloc : memref<!tpu.dma_semaphore, #tpu.memory_space<semaphore_mem>>
      %dma_start3A = arith.constant 0 : i32
      %dma_start3A_43 = tpu.memref_slice %arg11[%add3A_6, %dma_start3A] : memref<10240x128xf32, #tpu.memory_space<vmem_shared>> -> memref<80x128xf32, #tpu.memory_space<vmem_shared>>
      %dma_start3A_44 = arith.constant 0 : i32
      %dma_start3A_45 = tpu.memref_slice %arg11[%add3A_6, %dma_start3A_44] : memref<10240x128xf32, #tpu.memory_space<vmem_shared>> -> memref<80x128xf32, #tpu.memory_space<vmem_shared>>
      tpu.enqueue_dma source(%arg10 : memref<80x128xf32, #tpu.memory_space<vmem>>) target(%dma_start3A_45 : memref<80x128xf32, #tpu.memory_space<vmem_shared>>) target_semaphore(%run_scoped3A : memref<!tpu.dma_semaphore, #tpu.memory_space<semaphore_mem>>)
      %dma_wait3A = arith.constant 0 : i32
      %dma_wait3A_46 = tpu.memref_slice %arg11[%add3A_6, %dma_wait3A] : memref<10240x128xf32, #tpu.memory_space<vmem_shared>> -> memref<80x128xf32, #tpu.memory_space<vmem_shared>>
      %dma_wait3A_47 = arith.constant 0 : i32
      %dma_wait3A_48 = tpu.memref_slice %arg11[%add3A_6, %dma_wait3A_47] : memref<10240x128xf32, #tpu.memory_space<vmem_shared>> -> memref<80x128xf32, #tpu.memory_space<vmem_shared>>
      tpu.wait_dma2 semaphore(%run_scoped3A : memref<!tpu.dma_semaphore, #tpu.memory_space<semaphore_mem>>) src(%arg10 : memref<80x128xf32, #tpu.memory_space<vmem>>) dst(%dma_wait3A_48 : memref<80x128xf32, #tpu.memory_space<vmem_shared>>)
      tpu.yield
    }) : () -> ()
    %add3A_7 = arith.constant 80 : i32
    %add3A_8 = arith.addi %mul3A_4, %add3A_7 : i32
    "tpu.region"() ({
      %run_scoped3A = tpu.sem_alloc : memref<!tpu.dma_semaphore, #tpu.memory_space<semaphore_mem>>
      %dma_start3A = arith.constant 0 : i32
      %dma_start3A_43 = tpu.memref_slice %arg11[%add3A_8, %dma_start3A] : memref<10240x128xf32, #tpu.memory_space<vmem_shared>> -> memref<80x128xf32, #tpu.memory_space<vmem_shared>>
      %dma_start3A_44 = arith.constant 0 : i32
      %dma_start3A_45 = tpu.memref_slice %arg11[%add3A_8, %dma_start3A_44] : memref<10240x128xf32, #tpu.memory_space<vmem_shared>> -> memref<80x128xf32, #tpu.memory_space<vmem_shared>>
      tpu.enqueue_dma source(%arg10 : memref<80x128xf32, #tpu.memory_space<vmem>>) target(%dma_start3A_45 : memref<80x128xf32, #tpu.memory_space<vmem_shared>>) target_semaphore(%run_scoped3A : memref<!tpu.dma_semaphore, #tpu.memory_space<semaphore_mem>>)
      %dma_wait3A = arith.constant 0 : i32
      %dma_wait3A_46 = tpu.memref_slice %arg11[%add3A_8, %dma_wait3A] : memref<10240x128xf32, #tpu.memory_space<vmem_shared>> -> memref<80x128xf32, #tpu.memory_space<vmem_shared>>
      %dma_wait3A_47 = arith.constant 0 : i32
      %dma_wait3A_48 = tpu.memref_slice %arg11[%add3A_8, %dma_wait3A_47] : memref<10240x128xf32, #tpu.memory_space<vmem_shared>> -> memref<80x128xf32, #tpu.memory_space<vmem_shared>>
      tpu.wait_dma2 semaphore(%run_scoped3A : memref<!tpu.dma_semaphore, #tpu.memory_space<semaphore_mem>>) src(%arg10 : memref<80x128xf32, #tpu.memory_space<vmem>>) dst(%dma_wait3A_48 : memref<80x128xf32, #tpu.memory_space<vmem_shared>>)
      tpu.yield
    }) : () -> ()
    %add3A_9 = arith.constant 160 : i32
    %add3A_10 = arith.addi %mul3A_4, %add3A_9 : i32
    "tpu.region"() ({
      %run_scoped3A = tpu.sem_alloc : memref<!tpu.dma_semaphore, #tpu.memory_space<semaphore_mem>>
      %dma_start3A = arith.constant 0 : i32
      %dma_start3A_43 = tpu.memref_slice %arg11[%add3A_10, %dma_start3A] : memref<10240x128xf32, #tpu.memory_space<vmem_shared>> -> memref<80x128xf32, #tpu.memory_space<vmem_shared>>
      %dma_start3A_44 = arith.constant 0 : i32
      %dma_start3A_45 = tpu.memref_slice %arg11[%add3A_10, %dma_start3A_44] : memref<10240x128xf32, #tpu.memory_space<vmem_shared>> -> memref<80x128xf32, #tpu.memory_space<vmem_shared>>
      tpu.enqueue_dma source(%arg10 : memref<80x128xf32, #tpu.memory_space<vmem>>) target(%dma_start3A_45 : memref<80x128xf32, #tpu.memory_space<vmem_shared>>) target_semaphore(%run_scoped3A : memref<!tpu.dma_semaphore, #tpu.memory_space<semaphore_mem>>)
      %dma_wait3A = arith.constant 0 : i32
      %dma_wait3A_46 = tpu.memref_slice %arg11[%add3A_10, %dma_wait3A] : memref<10240x128xf32, #tpu.memory_space<vmem_shared>> -> memref<80x128xf32, #tpu.memory_space<vmem_shared>>
      %dma_wait3A_47 = arith.constant 0 : i32
      %dma_wait3A_48 = tpu.memref_slice %arg11[%add3A_10, %dma_wait3A_47] : memref<10240x128xf32, #tpu.memory_space<vmem_shared>> -> memref<80x128xf32, #tpu.memory_space<vmem_shared>>
      tpu.wait_dma2 semaphore(%run_scoped3A : memref<!tpu.dma_semaphore, #tpu.memory_space<semaphore_mem>>) src(%arg10 : memref<80x128xf32, #tpu.memory_space<vmem>>) dst(%dma_wait3A_48 : memref<80x128xf32, #tpu.memory_space<vmem_shared>>)
      tpu.yield
    }) : () -> ()
    %add3A_11 = arith.constant 240 : i32
    %add3A_12 = arith.addi %mul3A_4, %add3A_11 : i32
    "tpu.region"() ({
      %run_scoped3A = tpu.sem_alloc : memref<!tpu.dma_semaphore, #tpu.memory_space<semaphore_mem>>
      %dma_start3A = arith.constant 0 : i32
      %dma_start3A_43 = tpu.memref_slice %arg11[%add3A_12, %dma_start3A] : memref<10240x128xf32, #tpu.memory_space<vmem_shared>> -> memref<80x128xf32, #tpu.memory_space<vmem_shared>>
      %dma_start3A_44 = arith.constant 0 : i32
      %dma_start3A_45 = tpu.memref_slice %arg11[%add3A_12, %dma_start3A_44] : memref<10240x128xf32, #tpu.memory_space<vmem_shared>> -> memref<80x128xf32, #tpu.memory_space<vmem_shared>>
      tpu.enqueue_dma source(%arg10 : memref<80x128xf32, #tpu.memory_space<vmem>>) target(%dma_start3A_45 : memref<80x128xf32, #tpu.memory_space<vmem_shared>>) target_semaphore(%run_scoped3A : memref<!tpu.dma_semaphore, #tpu.memory_space<semaphore_mem>>)
      %dma_wait3A = arith.constant 0 : i32
      %dma_wait3A_46 = tpu.memref_slice %arg11[%add3A_12, %dma_wait3A] : memref<10240x128xf32, #tpu.memory_space<vmem_shared>> -> memref<80x128xf32, #tpu.memory_space<vmem_shared>>
      %dma_wait3A_47 = arith.constant 0 : i32
      %dma_wait3A_48 = tpu.memref_slice %arg11[%add3A_12, %dma_wait3A_47] : memref<10240x128xf32, #tpu.memory_space<vmem_shared>> -> memref<80x128xf32, #tpu.memory_space<vmem_shared>>
      tpu.wait_dma2 semaphore(%run_scoped3A : memref<!tpu.dma_semaphore, #tpu.memory_space<semaphore_mem>>) src(%arg10 : memref<80x128xf32, #tpu.memory_space<vmem>>) dst(%dma_wait3A_48 : memref<80x128xf32, #tpu.memory_space<vmem_shared>>)
      tpu.yield
    }) : () -> ()
    %add3A_13 = arith.constant 320 : i32
    %add3A_14 = arith.addi %mul3A_4, %add3A_13 : i32
    "tpu.region"() ({
      %run_scoped3A = tpu.sem_alloc : memref<!tpu.dma_semaphore, #tpu.memory_space<semaphore_mem>>
      %dma_start3A = arith.constant 0 : i32
      %dma_start3A_43 = tpu.memref_slice %arg11[%add3A_14, %dma_start3A] : memref<10240x128xf32, #tpu.memory_space<vmem_shared>> -> memref<80x128xf32, #tpu.memory_space<vmem_shared>>
      %dma_start3A_44 = arith.constant 0 : i32
      %dma_start3A_45 = tpu.memref_slice %arg11[%add3A_14, %dma_start3A_44] : memref<10240x128xf32, #tpu.memory_space<vmem_shared>> -> memref<80x128xf32, #tpu.memory_space<vmem_shared>>
      tpu.enqueue_dma source(%arg10 : memref<80x128xf32, #tpu.memory_space<vmem>>) target(%dma_start3A_45 : memref<80x128xf32, #tpu.memory_space<vmem_shared>>) target_semaphore(%run_scoped3A : memref<!tpu.dma_semaphore, #tpu.memory_space<semaphore_mem>>)
      %dma_wait3A = arith.constant 0 : i32
      %dma_wait3A_46 = tpu.memref_slice %arg11[%add3A_14, %dma_wait3A] : memref<10240x128xf32, #tpu.memory_space<vmem_shared>> -> memref<80x128xf32, #tpu.memory_space<vmem_shared>>
      %dma_wait3A_47 = arith.constant 0 : i32
      %dma_wait3A_48 = tpu.memref_slice %arg11[%add3A_14, %dma_wait3A_47] : memref<10240x128xf32, #tpu.memory_space<vmem_shared>> -> memref<80x128xf32, #tpu.memory_space<vmem_shared>>
      tpu.wait_dma2 semaphore(%run_scoped3A : memref<!tpu.dma_semaphore, #tpu.memory_space<semaphore_mem>>) src(%arg10 : memref<80x128xf32, #tpu.memory_space<vmem>>) dst(%dma_wait3A_48 : memref<80x128xf32, #tpu.memory_space<vmem_shared>>)
      tpu.yield
    }) : () -> ()
    %add3A_15 = arith.constant 400 : i32
    %add3A_16 = arith.addi %mul3A_4, %add3A_15 : i32
    "tpu.region"() ({
      %run_scoped3A = tpu.sem_alloc : memref<!tpu.dma_semaphore, #tpu.memory_space<semaphore_mem>>
      %dma_start3A = arith.constant 0 : i32
      %dma_start3A_43 = tpu.memref_slice %arg11[%add3A_16, %dma_start3A] : memref<10240x128xf32, #tpu.memory_space<vmem_shared>> -> memref<80x128xf32, #tpu.memory_space<vmem_shared>>
      %dma_start3A_44 = arith.constant 0 : i32
      %dma_start3A_45 = tpu.memref_slice %arg11[%add3A_16, %dma_start3A_44] : memref<10240x128xf32, #tpu.memory_space<vmem_shared>> -> memref<80x128xf32, #tpu.memory_space<vmem_shared>>
      tpu.enqueue_dma source(%arg10 : memref<80x128xf32, #tpu.memory_space<vmem>>) target(%dma_start3A_45 : memref<80x128xf32, #tpu.memory_space<vmem_shared>>) target_semaphore(%run_scoped3A : memref<!tpu.dma_semaphore, #tpu.memory_space<semaphore_mem>>)
      %dma_wait3A = arith.constant 0 : i32
      %dma_wait3A_46 = tpu.memref_slice %arg11[%add3A_16, %dma_wait3A] : memref<10240x128xf32, #tpu.memory_space<vmem_shared>> -> memref<80x128xf32, #tpu.memory_space<vmem_shared>>
      %dma_wait3A_47 = arith.constant 0 : i32
      %dma_wait3A_48 = tpu.memref_slice %arg11[%add3A_16, %dma_wait3A_47] : memref<10240x128xf32, #tpu.memory_space<vmem_shared>> -> memref<80x128xf32, #tpu.memory_space<vmem_shared>>
      tpu.wait_dma2 semaphore(%run_scoped3A : memref<!tpu.dma_semaphore, #tpu.memory_space<semaphore_mem>>) src(%arg10 : memref<80x128xf32, #tpu.memory_space<vmem>>) dst(%dma_wait3A_48 : memref<80x128xf32, #tpu.memory_space<vmem_shared>>)
      tpu.yield
    }) : () -> ()
    %add3A_17 = arith.constant 480 : i32
    %add3A_18 = arith.addi %mul3A_4, %add3A_17 : i32
    "tpu.region"() ({
      %run_scoped3A = tpu.sem_alloc : memref<!tpu.dma_semaphore, #tpu.memory_space<semaphore_mem>>
      %dma_start3A = arith.constant 0 : i32
      %dma_start3A_43 = tpu.memref_slice %arg11[%add3A_18, %dma_start3A] : memref<10240x128xf32, #tpu.memory_space<vmem_shared>> -> memref<80x128xf32, #tpu.memory_space<vmem_shared>>
      %dma_start3A_44 = arith.constant 0 : i32
      %dma_start3A_45 = tpu.memref_slice %arg11[%add3A_18, %dma_start3A_44] : memref<10240x128xf32, #tpu.memory_space<vmem_shared>> -> memref<80x128xf32, #tpu.memory_space<vmem_shared>>
      tpu.enqueue_dma source(%arg10 : memref<80x128xf32, #tpu.memory_space<vmem>>) target(%dma_start3A_45 : memref<80x128xf32, #tpu.memory_space<vmem_shared>>) target_semaphore(%run_scoped3A : memref<!tpu.dma_semaphore, #tpu.memory_space<semaphore_mem>>)
      %dma_wait3A = arith.constant 0 : i32
      %dma_wait3A_46 = tpu.memref_slice %arg11[%add3A_18, %dma_wait3A] : memref<10240x128xf32, #tpu.memory_space<vmem_shared>> -> memref<80x128xf32, #tpu.memory_space<vmem_shared>>
      %dma_wait3A_47 = arith.constant 0 : i32
      %dma_wait3A_48 = tpu.memref_slice %arg11[%add3A_18, %dma_wait3A_47] : memref<10240x128xf32, #tpu.memory_space<vmem_shared>> -> memref<80x128xf32, #tpu.memory_space<vmem_shared>>
      tpu.wait_dma2 semaphore(%run_scoped3A : memref<!tpu.dma_semaphore, #tpu.memory_space<semaphore_mem>>) src(%arg10 : memref<80x128xf32, #tpu.memory_space<vmem>>) dst(%dma_wait3A_48 : memref<80x128xf32, #tpu.memory_space<vmem_shared>>)
      tpu.yield
    }) : () -> ()
    %add3A_19 = arith.constant 560 : i32
    %add3A_20 = arith.addi %mul3A_4, %add3A_19 : i32
    "tpu.region"() ({
      %run_scoped3A = tpu.sem_alloc : memref<!tpu.dma_semaphore, #tpu.memory_space<semaphore_mem>>
      %dma_start3A = arith.constant 0 : i32
      %dma_start3A_43 = tpu.memref_slice %arg11[%add3A_20, %dma_start3A] : memref<10240x128xf32, #tpu.memory_space<vmem_shared>> -> memref<80x128xf32, #tpu.memory_space<vmem_shared>>
      %dma_start3A_44 = arith.constant 0 : i32
      %dma_start3A_45 = tpu.memref_slice %arg11[%add3A_20, %dma_start3A_44] : memref<10240x128xf32, #tpu.memory_space<vmem_shared>> -> memref<80x128xf32, #tpu.memory_space<vmem_shared>>
      tpu.enqueue_dma source(%arg10 : memref<80x128xf32, #tpu.memory_space<vmem>>) target(%dma_start3A_45 : memref<80x128xf32, #tpu.memory_space<vmem_shared>>) target_semaphore(%run_scoped3A : memref<!tpu.dma_semaphore, #tpu.memory_space<semaphore_mem>>)
      %dma_wait3A = arith.constant 0 : i32
      %dma_wait3A_46 = tpu.memref_slice %arg11[%add3A_20, %dma_wait3A] : memref<10240x128xf32, #tpu.memory_space<vmem_shared>> -> memref<80x128xf32, #tpu.memory_space<vmem_shared>>
      %dma_wait3A_47 = arith.constant 0 : i32
      %dma_wait3A_48 = tpu.memref_slice %arg11[%add3A_20, %dma_wait3A_47] : memref<10240x128xf32, #tpu.memory_space<vmem_shared>> -> memref<80x128xf32, #tpu.memory_space<vmem_shared>>
      tpu.wait_dma2 semaphore(%run_scoped3A : memref<!tpu.dma_semaphore, #tpu.memory_space<semaphore_mem>>) src(%arg10 : memref<80x128xf32, #tpu.memory_space<vmem>>) dst(%dma_wait3A_48 : memref<80x128xf32, #tpu.memory_space<vmem_shared>>)
      tpu.yield
    }) : () -> ()
    %barrier3A = arith.constant 0 : index
    tpu.barrier barrier_id(%barrier3A)
    %scan3A = arith.constant 0 : i32
    %scan3A_21 = arith.constant 0 : i32
    %scan3A_22 = arith.constant 125 : i32
    %scan3A_23 = arith.addi %scan3A_21, %scan3A_22 : i32
    %scan3A_24 = arith.constant 1 : i32
    scf.for %scan3A_43 = %scan3A_21 to %scan3A_23 step %scan3A_24  : i32 {
      %mul3A_44 = arith.constant 80 : i32
      %mul3A_45 = arith.muli %scan3A_43, %mul3A_44 : i32
      %dma_start3A = tpu.memref_slice %arg7[%mul3A_45] : memref<10000xi32, #tpu.memory_space<vmem>> -> memref<80xi32, #tpu.memory_space<vmem>>
      %dma_start3A_46 = arith.constant 0 : i32
      %dma_start3A_47 = arith.constant 0 : i32
      %dma_start3A_48 = tpu.memref_slice %arg2[%dma_start3A_46, %dma_start3A_47] : memref<10000x128xf32, #tpu.memory_space<hbm>> -> memref<10000x128xf32, #tpu.memory_space<hbm>>
      tpu.enqueue_indirect_dma source(%dma_start3A_48 : memref<10000x128xf32, #tpu.memory_space<hbm>>) target(%arg9 : memref<80x128xf32, #tpu.memory_space<vmem>>) offsets(%dma_start3A : memref<80xi32, #tpu.memory_space<vmem>>) semaphore(%arg12 : memref<!tpu.dma_semaphore, #tpu.memory_space<semaphore_mem>>)
      %dma_wait3A = tpu.memref_slice %arg7[%mul3A_45] : memref<10000xi32, #tpu.memory_space<vmem>> -> memref<80xi32, #tpu.memory_space<vmem>>
      %dma_wait3A_49 = arith.constant 0 : i32
      %dma_wait3A_50 = arith.constant 0 : i32
      %dma_wait3A_51 = tpu.memref_slice %arg2[%dma_wait3A_49, %dma_wait3A_50] : memref<10000x128xf32, #tpu.memory_space<hbm>> -> memref<10000x128xf32, #tpu.memory_space<hbm>>
      tpu.wait_indirect_dma semaphore(%arg12 : memref<!tpu.dma_semaphore, #tpu.memory_space<semaphore_mem>>) src(%dma_wait3A_51 : memref<10000x128xf32, #tpu.memory_space<hbm>>) dst(%arg9 : memref<80x128xf32, #tpu.memory_space<vmem>>)
      "tpu.region"() ({
        %run_scoped3A = tpu.sem_alloc : memref<!tpu.dma_semaphore, #tpu.memory_space<semaphore_mem>>
        %dma_start3A_52 = arith.constant 0 : i32
        %dma_start3A_53 = tpu.memref_slice %arg8[%scan3A_43, %dma_start3A_52] : memref<125x80xi32, #tpu.memory_space<vmem>> -> memref<1x80xi32, #tpu.memory_space<vmem>>
        %dma_start3A_54 = tpu.memref_squeeze %dma_start3A_53 : memref<1x80xi32, #tpu.memory_space<vmem>> -> memref<80xi32, #tpu.memory_space<vmem>>
        %dma_start3A_55 = arith.constant 0 : i32
        %dma_start3A_56 = arith.constant 0 : i32
        %dma_start3A_57 = tpu.memref_slice %arg11[%dma_start3A_55, %dma_start3A_56] : memref<10240x128xf32, #tpu.memory_space<vmem_shared>> -> memref<10240x128xf32, #tpu.memory_space<vmem_shared>>
        tpu.enqueue_indirect_dma source(%arg9 : memref<80x128xf32, #tpu.memory_space<vmem>>) target(%dma_start3A_57 : memref<10240x128xf32, #tpu.memory_space<vmem_shared>>) offsets(%dma_start3A_54 : memref<80xi32, #tpu.memory_space<vmem>>) semaphore(%run_scoped3A : memref<!tpu.dma_semaphore, #tpu.memory_space<semaphore_mem>>) {add = true}
        %dma_wait3A_58 = arith.constant 0 : i32
        %dma_wait3A_59 = tpu.memref_slice %arg8[%scan3A_43, %dma_wait3A_58] : memref<125x80xi32, #tpu.memory_space<vmem>> -> memref<1x80xi32, #tpu.memory_space<vmem>>
        %dma_wait3A_60 = tpu.memref_squeeze %dma_wait3A_59 : memref<1x80xi32, #tpu.memory_space<vmem>> -> memref<80xi32, #tpu.memory_space<vmem>>
        %dma_wait3A_61 = arith.constant 0 : i32
        %dma_wait3A_62 = arith.constant 0 : i32
        %dma_wait3A_63 = tpu.memref_slice %arg11[%dma_wait3A_61, %dma_wait3A_62] : memref<10240x128xf32, #tpu.memory_space<vmem_shared>> -> memref<10240x128xf32, #tpu.memory_space<vmem_shared>>
        tpu.wait_indirect_dma semaphore(%run_scoped3A : memref<!tpu.dma_semaphore, #tpu.memory_space<semaphore_mem>>) src(%arg9 : memref<80x128xf32, #tpu.memory_space<vmem>>) dst(%dma_wait3A_63 : memref<10240x128xf32, #tpu.memory_space<vmem_shared>>)
        tpu.yield
      }) : () -> ()
    }
    %scan3A_25 = arith.constant 125 : i32
    %barrier3A_26 = arith.constant 0 : index
    tpu.barrier barrier_id(%barrier3A_26)
    %add3A_27 = arith.constant 0 : i32
    %add3A_28 = arith.addi %mul3A_4, %add3A_27 : i32
    "tpu.region"() ({
      %run_scoped3A = tpu.sem_alloc : memref<!tpu.dma_semaphore, #tpu.memory_space<semaphore_mem>>
      %dma_start3A = arith.constant 0 : i32
      %dma_start3A_43 = tpu.memref_slice %arg11[%add3A_28, %dma_start3A] : memref<10240x128xf32, #tpu.memory_space<vmem_shared>> -> memref<80x128xf32, #tpu.memory_space<vmem_shared>>
      %dma_start3A_44 = arith.constant 0 : i32
      %dma_start3A_45 = tpu.memref_slice %arg11[%add3A_28, %dma_start3A_44] : memref<10240x128xf32, #tpu.memory_space<vmem_shared>> -> memref<80x128xf32, #tpu.memory_space<vmem_shared>>
      tpu.enqueue_dma source(%dma_start3A_45 : memref<80x128xf32, #tpu.memory_space<vmem_shared>>) target(%arg10 : memref<80x128xf32, #tpu.memory_space<vmem>>) target_semaphore(%run_scoped3A : memref<!tpu.dma_semaphore, #tpu.memory_space<semaphore_mem>>)
      %dma_wait3A = arith.constant 0 : i32
      %dma_wait3A_46 = tpu.memref_slice %arg11[%add3A_28, %dma_wait3A] : memref<10240x128xf32, #tpu.memory_space<vmem_shared>> -> memref<80x128xf32, #tpu.memory_space<vmem_shared>>
      %dma_wait3A_47 = arith.constant 0 : i32
      %dma_wait3A_48 = tpu.memref_slice %arg11[%add3A_28, %dma_wait3A_47] : memref<10240x128xf32, #tpu.memory_space<vmem_shared>> -> memref<80x128xf32, #tpu.memory_space<vmem_shared>>
      tpu.wait_dma2 semaphore(%run_scoped3A : memref<!tpu.dma_semaphore, #tpu.memory_space<semaphore_mem>>) src(%dma_wait3A_48 : memref<80x128xf32, #tpu.memory_space<vmem_shared>>) dst(%arg10 : memref<80x128xf32, #tpu.memory_space<vmem>>)
      tpu.yield
    }) : () -> ()
    "tpu.region"() ({
      %run_scoped3A = tpu.sem_alloc : memref<!tpu.dma_semaphore, #tpu.memory_space<semaphore_mem>>
      %dma_start3A = arith.constant 0 : i32
      %dma_start3A_43 = tpu.memref_slice %arg6[%arg0, %add3A_28, %dma_start3A] : memref<2x10240x128xf32, #tpu.memory_space<hbm>> -> memref<1x80x128xf32, #tpu.memory_space<hbm>>
      %dma_start3A_44 = tpu.memref_squeeze %dma_start3A_43 : memref<1x80x128xf32, #tpu.memory_space<hbm>> -> memref<80x128xf32, #tpu.memory_space<hbm>>
      %dma_start3A_45 = arith.constant 0 : i32
      %dma_start3A_46 = tpu.memref_slice %arg6[%arg0, %add3A_28, %dma_start3A_45] : memref<2x10240x128xf32, #tpu.memory_space<hbm>> -> memref<1x80x128xf32, #tpu.memory_space<hbm>>
      %dma_start3A_47 = tpu.memref_squeeze %dma_start3A_46 : memref<1x80x128xf32, #tpu.memory_space<hbm>> -> memref<80x128xf32, #tpu.memory_space<hbm>>
      tpu.enqueue_dma source(%arg10 : memref<80x128xf32, #tpu.memory_space<vmem>>) target(%dma_start3A_47 : memref<80x128xf32, #tpu.memory_space<hbm>>) target_semaphore(%run_scoped3A : memref<!tpu.dma_semaphore, #tpu.memory_space<semaphore_mem>>)
      %dma_wait3A = arith.constant 0 : i32
      %dma_wait3A_48 = tpu.memref_slice %arg6[%arg0, %add3A_28, %dma_wait3A] : memref<2x10240x128xf32, #tpu.memory_space<hbm>> -> memref<1x80x128xf32, #tpu.memory_space<hbm>>
      %dma_wait3A_49 = tpu.memref_squeeze %dma_wait3A_48 : memref<1x80x128xf32, #tpu.memory_space<hbm>> -> memref<80x128xf32, #tpu.memory_space<hbm>>
      %dma_wait3A_50 = arith.constant 0 : i32
      %dma_wait3A_51 = tpu.memref_slice %arg6[%arg0, %add3A_28, %dma_wait3A_50] : memref<2x10240x128xf32, #tpu.memory_space<hbm>> -> memref<1x80x128xf32, #tpu.memory_space<hbm>>
      %dma_wait3A_52 = tpu.memref_squeeze %dma_wait3A_51 : memref<1x80x128xf32, #tpu.memory_space<hbm>> -> memref<80x128xf32, #tpu.memory_space<hbm>>
      tpu.wait_dma2 semaphore(%run_scoped3A : memref<!tpu.dma_semaphore, #tpu.memory_space<semaphore_mem>>) src(%arg10 : memref<80x128xf32, #tpu.memory_space<vmem>>) dst(%dma_wait3A_52 : memref<80x128xf32, #tpu.memory_space<hbm>>)
      tpu.yield
    }) : () -> ()
    %add3A_29 = arith.constant 80 : i32
    %add3A_30 = arith.addi %mul3A_4, %add3A_29 : i32
    "tpu.region"() ({
      %run_scoped3A = tpu.sem_alloc : memref<!tpu.dma_semaphore, #tpu.memory_space<semaphore_mem>>
      %dma_start3A = arith.constant 0 : i32
      %dma_start3A_43 = tpu.memref_slice %arg11[%add3A_30, %dma_start3A] : memref<10240x128xf32, #tpu.memory_space<vmem_shared>> -> memref<80x128xf32, #tpu.memory_space<vmem_shared>>
      %dma_start3A_44 = arith.constant 0 : i32
      %dma_start3A_45 = tpu.memref_slice %arg11[%add3A_30, %dma_start3A_44] : memref<10240x128xf32, #tpu.memory_space<vmem_shared>> -> memref<80x128xf32, #tpu.memory_space<vmem_shared>>
      tpu.enqueue_dma source(%dma_start3A_45 : memref<80x128xf32, #tpu.memory_space<vmem_shared>>) target(%arg10 : memref<80x128xf32, #tpu.memory_space<vmem>>) target_semaphore(%run_scoped3A : memref<!tpu.dma_semaphore, #tpu.memory_space<semaphore_mem>>)
      %dma_wait3A = arith.constant 0 : i32
      %dma_wait3A_46 = tpu.memref_slice %arg11[%add3A_30, %dma_wait3A] : memref<10240x128xf32, #tpu.memory_space<vmem_shared>> -> memref<80x128xf32, #tpu.memory_space<vmem_shared>>
      %dma_wait3A_47 = arith.constant 0 : i32
      %dma_wait3A_48 = tpu.memref_slice %arg11[%add3A_30, %dma_wait3A_47] : memref<10240x128xf32, #tpu.memory_space<vmem_shared>> -> memref<80x128xf32, #tpu.memory_space<vmem_shared>>
      tpu.wait_dma2 semaphore(%run_scoped3A : memref<!tpu.dma_semaphore, #tpu.memory_space<semaphore_mem>>) src(%dma_wait3A_48 : memref<80x128xf32, #tpu.memory_space<vmem_shared>>) dst(%arg10 : memref<80x128xf32, #tpu.memory_space<vmem>>)
      tpu.yield
    }) : () -> ()
    "tpu.region"() ({
      %run_scoped3A = tpu.sem_alloc : memref<!tpu.dma_semaphore, #tpu.memory_space<semaphore_mem>>
      %dma_start3A = arith.constant 0 : i32
      %dma_start3A_43 = tpu.memref_slice %arg6[%arg0, %add3A_30, %dma_start3A] : memref<2x10240x128xf32, #tpu.memory_space<hbm>> -> memref<1x80x128xf32, #tpu.memory_space<hbm>>
      %dma_start3A_44 = tpu.memref_squeeze %dma_start3A_43 : memref<1x80x128xf32, #tpu.memory_space<hbm>> -> memref<80x128xf32, #tpu.memory_space<hbm>>
      %dma_start3A_45 = arith.constant 0 : i32
      %dma_start3A_46 = tpu.memref_slice %arg6[%arg0, %add3A_30, %dma_start3A_45] : memref<2x10240x128xf32, #tpu.memory_space<hbm>> -> memref<1x80x128xf32, #tpu.memory_space<hbm>>
      %dma_start3A_47 = tpu.memref_squeeze %dma_start3A_46 : memref<1x80x128xf32, #tpu.memory_space<hbm>> -> memref<80x128xf32, #tpu.memory_space<hbm>>
      tpu.enqueue_dma source(%arg10 : memref<80x128xf32, #tpu.memory_space<vmem>>) target(%dma_start3A_47 : memref<80x128xf32, #tpu.memory_space<hbm>>) target_semaphore(%run_scoped3A : memref<!tpu.dma_semaphore, #tpu.memory_space<semaphore_mem>>)
      %dma_wait3A = arith.constant 0 : i32
      %dma_wait3A_48 = tpu.memref_slice %arg6[%arg0, %add3A_30, %dma_wait3A] : memref<2x10240x128xf32, #tpu.memory_space<hbm>> -> memref<1x80x128xf32, #tpu.memory_space<hbm>>
      %dma_wait3A_49 = tpu.memref_squeeze %dma_wait3A_48 : memref<1x80x128xf32, #tpu.memory_space<hbm>> -> memref<80x128xf32, #tpu.memory_space<hbm>>
      %dma_wait3A_50 = arith.constant 0 : i32
      %dma_wait3A_51 = tpu.memref_slice %arg6[%arg0, %add3A_30, %dma_wait3A_50] : memref<2x10240x128xf32, #tpu.memory_space<hbm>> -> memref<1x80x128xf32, #tpu.memory_space<hbm>>
      %dma_wait3A_52 = tpu.memref_squeeze %dma_wait3A_51 : memref<1x80x128xf32, #tpu.memory_space<hbm>> -> memref<80x128xf32, #tpu.memory_space<hbm>>
      tpu.wait_dma2 semaphore(%run_scoped3A : memref<!tpu.dma_semaphore, #tpu.memory_space<semaphore_mem>>) src(%arg10 : memref<80x128xf32, #tpu.memory_space<vmem>>) dst(%dma_wait3A_52 : memref<80x128xf32, #tpu.memory_space<hbm>>)
      tpu.yield
    }) : () -> ()
    %add3A_31 = arith.constant 160 : i32
    %add3A_32 = arith.addi %mul3A_4, %add3A_31 : i32
    "tpu.region"() ({
      %run_scoped3A = tpu.sem_alloc : memref<!tpu.dma_semaphore, #tpu.memory_space<semaphore_mem>>
      %dma_start3A = arith.constant 0 : i32
      %dma_start3A_43 = tpu.memref_slice %arg11[%add3A_32, %dma_start3A] : memref<10240x128xf32, #tpu.memory_space<vmem_shared>> -> memref<80x128xf32, #tpu.memory_space<vmem_shared>>
      %dma_start3A_44 = arith.constant 0 : i32
      %dma_start3A_45 = tpu.memref_slice %arg11[%add3A_32, %dma_start3A_44] : memref<10240x128xf32, #tpu.memory_space<vmem_shared>> -> memref<80x128xf32, #tpu.memory_space<vmem_shared>>
      tpu.enqueue_dma source(%dma_start3A_45 : memref<80x128xf32, #tpu.memory_space<vmem_shared>>) target(%arg10 : memref<80x128xf32, #tpu.memory_space<vmem>>) target_semaphore(%run_scoped3A : memref<!tpu.dma_semaphore, #tpu.memory_space<semaphore_mem>>)
      %dma_wait3A = arith.constant 0 : i32
      %dma_wait3A_46 = tpu.memref_slice %arg11[%add3A_32, %dma_wait3A] : memref<10240x128xf32, #tpu.memory_space<vmem_shared>> -> memref<80x128xf32, #tpu.memory_space<vmem_shared>>
      %dma_wait3A_47 = arith.constant 0 : i32
      %dma_wait3A_48 = tpu.memref_slice %arg11[%add3A_32, %dma_wait3A_47] : memref<10240x128xf32, #tpu.memory_space<vmem_shared>> -> memref<80x128xf32, #tpu.memory_space<vmem_shared>>
      tpu.wait_dma2 semaphore(%run_scoped3A : memref<!tpu.dma_semaphore, #tpu.memory_space<semaphore_mem>>) src(%dma_wait3A_48 : memref<80x128xf32, #tpu.memory_space<vmem_shared>>) dst(%arg10 : memref<80x128xf32, #tpu.memory_space<vmem>>)
      tpu.yield
    }) : () -> ()
    "tpu.region"() ({
      %run_scoped3A = tpu.sem_alloc : memref<!tpu.dma_semaphore, #tpu.memory_space<semaphore_mem>>
      %dma_start3A = arith.constant 0 : i32
      %dma_start3A_43 = tpu.memref_slice %arg6[%arg0, %add3A_32, %dma_start3A] : memref<2x10240x128xf32, #tpu.memory_space<hbm>> -> memref<1x80x128xf32, #tpu.memory_space<hbm>>
      %dma_start3A_44 = tpu.memref_squeeze %dma_start3A_43 : memref<1x80x128xf32, #tpu.memory_space<hbm>> -> memref<80x128xf32, #tpu.memory_space<hbm>>
      %dma_start3A_45 = arith.constant 0 : i32
      %dma_start3A_46 = tpu.memref_slice %arg6[%arg0, %add3A_32, %dma_start3A_45] : memref<2x10240x128xf32, #tpu.memory_space<hbm>> -> memref<1x80x128xf32, #tpu.memory_space<hbm>>
      %dma_start3A_47 = tpu.memref_squeeze %dma_start3A_46 : memref<1x80x128xf32, #tpu.memory_space<hbm>> -> memref<80x128xf32, #tpu.memory_space<hbm>>
      tpu.enqueue_dma source(%arg10 : memref<80x128xf32, #tpu.memory_space<vmem>>) target(%dma_start3A_47 : memref<80x128xf32, #tpu.memory_space<hbm>>) target_semaphore(%run_scoped3A : memref<!tpu.dma_semaphore, #tpu.memory_space<semaphore_mem>>)
      %dma_wait3A = arith.constant 0 : i32
      %dma_wait3A_48 = tpu.memref_slice %arg6[%arg0, %add3A_32, %dma_wait3A] : memref<2x10240x128xf32, #tpu.memory_space<hbm>> -> memref<1x80x128xf32, #tpu.memory_space<hbm>>
      %dma_wait3A_49 = tpu.memref_squeeze %dma_wait3A_48 : memref<1x80x128xf32, #tpu.memory_space<hbm>> -> memref<80x128xf32, #tpu.memory_space<hbm>>
      %dma_wait3A_50 = arith.constant 0 : i32
      %dma_wait3A_51 = tpu.memref_slice %arg6[%arg0, %add3A_32, %dma_wait3A_50] : memref<2x10240x128xf32, #tpu.memory_space<hbm>> -> memref<1x80x128xf32, #tpu.memory_space<hbm>>
      %dma_wait3A_52 = tpu.memref_squeeze %dma_wait3A_51 : memref<1x80x128xf32, #tpu.memory_space<hbm>> -> memref<80x128xf32, #tpu.memory_space<hbm>>
      tpu.wait_dma2 semaphore(%run_scoped3A : memref<!tpu.dma_semaphore, #tpu.memory_space<semaphore_mem>>) src(%arg10 : memref<80x128xf32, #tpu.memory_space<vmem>>) dst(%dma_wait3A_52 : memref<80x128xf32, #tpu.memory_space<hbm>>)
      tpu.yield
    }) : () -> ()
    %add3A_33 = arith.constant 240 : i32
    %add3A_34 = arith.addi %mul3A_4, %add3A_33 : i32
    "tpu.region"() ({
      %run_scoped3A = tpu.sem_alloc : memref<!tpu.dma_semaphore, #tpu.memory_space<semaphore_mem>>
      %dma_start3A = arith.constant 0 : i32
      %dma_start3A_43 = tpu.memref_slice %arg11[%add3A_34, %dma_start3A] : memref<10240x128xf32, #tpu.memory_space<vmem_shared>> -> memref<80x128xf32, #tpu.memory_space<vmem_shared>>
      %dma_start3A_44 = arith.constant 0 : i32
      %dma_start3A_45 = tpu.memref_slice %arg11[%add3A_34, %dma_start3A_44] : memref<10240x128xf32, #tpu.memory_space<vmem_shared>> -> memref<80x128xf32, #tpu.memory_space<vmem_shared>>
      tpu.enqueue_dma source(%dma_start3A_45 : memref<80x128xf32, #tpu.memory_space<vmem_shared>>) target(%arg10 : memref<80x128xf32, #tpu.memory_space<vmem>>) target_semaphore(%run_scoped3A : memref<!tpu.dma_semaphore, #tpu.memory_space<semaphore_mem>>)
      %dma_wait3A = arith.constant 0 : i32
      %dma_wait3A_46 = tpu.memref_slice %arg11[%add3A_34, %dma_wait3A] : memref<10240x128xf32, #tpu.memory_space<vmem_shared>> -> memref<80x128xf32, #tpu.memory_space<vmem_shared>>
      %dma_wait3A_47 = arith.constant 0 : i32
      %dma_wait3A_48 = tpu.memref_slice %arg11[%add3A_34, %dma_wait3A_47] : memref<10240x128xf32, #tpu.memory_space<vmem_shared>> -> memref<80x128xf32, #tpu.memory_space<vmem_shared>>
      tpu.wait_dma2 semaphore(%run_scoped3A : memref<!tpu.dma_semaphore, #tpu.memory_space<semaphore_mem>>) src(%dma_wait3A_48 : memref<80x128xf32, #tpu.memory_space<vmem_shared>>) dst(%arg10 : memref<80x128xf32, #tpu.memory_space<vmem>>)
      tpu.yield
    }) : () -> ()
    "tpu.region"() ({
      %run_scoped3A = tpu.sem_alloc : memref<!tpu.dma_semaphore, #tpu.memory_space<semaphore_mem>>
      %dma_start3A = arith.constant 0 : i32
      %dma_start3A_43 = tpu.memref_slice %arg6[%arg0, %add3A_34, %dma_start3A] : memref<2x10240x128xf32, #tpu.memory_space<hbm>> -> memref<1x80x128xf32, #tpu.memory_space<hbm>>
      %dma_start3A_44 = tpu.memref_squeeze %dma_start3A_43 : memref<1x80x128xf32, #tpu.memory_space<hbm>> -> memref<80x128xf32, #tpu.memory_space<hbm>>
      %dma_start3A_45 = arith.constant 0 : i32
      %dma_start3A_46 = tpu.memref_slice %arg6[%arg0, %add3A_34, %dma_start3A_45] : memref<2x10240x128xf32, #tpu.memory_space<hbm>> -> memref<1x80x128xf32, #tpu.memory_space<hbm>>
      %dma_start3A_47 = tpu.memref_squeeze %dma_start3A_46 : memref<1x80x128xf32, #tpu.memory_space<hbm>> -> memref<80x128xf32, #tpu.memory_space<hbm>>
      tpu.enqueue_dma source(%arg10 : memref<80x128xf32, #tpu.memory_space<vmem>>) target(%dma_start3A_47 : memref<80x128xf32, #tpu.memory_space<hbm>>) target_semaphore(%run_scoped3A : memref<!tpu.dma_semaphore, #tpu.memory_space<semaphore_mem>>)
      %dma_wait3A = arith.constant 0 : i32
      %dma_wait3A_48 = tpu.memref_slice %arg6[%arg0, %add3A_34, %dma_wait3A] : memref<2x10240x128xf32, #tpu.memory_space<hbm>> -> memref<1x80x128xf32, #tpu.memory_space<hbm>>
      %dma_wait3A_49 = tpu.memref_squeeze %dma_wait3A_48 : memref<1x80x128xf32, #tpu.memory_space<hbm>> -> memref<80x128xf32, #tpu.memory_space<hbm>>
      %dma_wait3A_50 = arith.constant 0 : i32
      %dma_wait3A_51 = tpu.memref_slice %arg6[%arg0, %add3A_34, %dma_wait3A_50] : memref<2x10240x128xf32, #tpu.memory_space<hbm>> -> memref<1x80x128xf32, #tpu.memory_space<hbm>>
      %dma_wait3A_52 = tpu.memref_squeeze %dma_wait3A_51 : memref<1x80x128xf32, #tpu.memory_space<hbm>> -> memref<80x128xf32, #tpu.memory_space<hbm>>
      tpu.wait_dma2 semaphore(%run_scoped3A : memref<!tpu.dma_semaphore, #tpu.memory_space<semaphore_mem>>) src(%arg10 : memref<80x128xf32, #tpu.memory_space<vmem>>) dst(%dma_wait3A_52 : memref<80x128xf32, #tpu.memory_space<hbm>>)
      tpu.yield
    }) : () -> ()
    %add3A_35 = arith.constant 320 : i32
    %add3A_36 = arith.addi %mul3A_4, %add3A_35 : i32
    "tpu.region"() ({
      %run_scoped3A = tpu.sem_alloc : memref<!tpu.dma_semaphore, #tpu.memory_space<semaphore_mem>>
      %dma_start3A = arith.constant 0 : i32
      %dma_start3A_43 = tpu.memref_slice %arg11[%add3A_36, %dma_start3A] : memref<10240x128xf32, #tpu.memory_space<vmem_shared>> -> memref<80x128xf32, #tpu.memory_space<vmem_shared>>
      %dma_start3A_44 = arith.constant 0 : i32
      %dma_start3A_45 = tpu.memref_slice %arg11[%add3A_36, %dma_start3A_44] : memref<10240x128xf32, #tpu.memory_space<vmem_shared>> -> memref<80x128xf32, #tpu.memory_space<vmem_shared>>
      tpu.enqueue_dma source(%dma_start3A_45 : memref<80x128xf32, #tpu.memory_space<vmem_shared>>) target(%arg10 : memref<80x128xf32, #tpu.memory_space<vmem>>) target_semaphore(%run_scoped3A : memref<!tpu.dma_semaphore, #tpu.memory_space<semaphore_mem>>)
      %dma_wait3A = arith.constant 0 : i32
      %dma_wait3A_46 = tpu.memref_slice %arg11[%add3A_36, %dma_wait3A] : memref<10240x128xf32, #tpu.memory_space<vmem_shared>> -> memref<80x128xf32, #tpu.memory_space<vmem_shared>>
      %dma_wait3A_47 = arith.constant 0 : i32
      %dma_wait3A_48 = tpu.memref_slice %arg11[%add3A_36, %dma_wait3A_47] : memref<10240x128xf32, #tpu.memory_space<vmem_shared>> -> memref<80x128xf32, #tpu.memory_space<vmem_shared>>
      tpu.wait_dma2 semaphore(%run_scoped3A : memref<!tpu.dma_semaphore, #tpu.memory_space<semaphore_mem>>) src(%dma_wait3A_48 : memref<80x128xf32, #tpu.memory_space<vmem_shared>>) dst(%arg10 : memref<80x128xf32, #tpu.memory_space<vmem>>)
      tpu.yield
    }) : () -> ()
    "tpu.region"() ({
      %run_scoped3A = tpu.sem_alloc : memref<!tpu.dma_semaphore, #tpu.memory_space<semaphore_mem>>
      %dma_start3A = arith.constant 0 : i32
      %dma_start3A_43 = tpu.memref_slice %arg6[%arg0, %add3A_36, %dma_start3A] : memref<2x10240x128xf32, #tpu.memory_space<hbm>> -> memref<1x80x128xf32, #tpu.memory_space<hbm>>
      %dma_start3A_44 = tpu.memref_squeeze %dma_start3A_43 : memref<1x80x128xf32, #tpu.memory_space<hbm>> -> memref<80x128xf32, #tpu.memory_space<hbm>>
      %dma_start3A_45 = arith.constant 0 : i32
      %dma_start3A_46 = tpu.memref_slice %arg6[%arg0, %add3A_36, %dma_start3A_45] : memref<2x10240x128xf32, #tpu.memory_space<hbm>> -> memref<1x80x128xf32, #tpu.memory_space<hbm>>
      %dma_start3A_47 = tpu.memref_squeeze %dma_start3A_46 : memref<1x80x128xf32, #tpu.memory_space<hbm>> -> memref<80x128xf32, #tpu.memory_space<hbm>>
      tpu.enqueue_dma source(%arg10 : memref<80x128xf32, #tpu.memory_space<vmem>>) target(%dma_start3A_47 : memref<80x128xf32, #tpu.memory_space<hbm>>) target_semaphore(%run_scoped3A : memref<!tpu.dma_semaphore, #tpu.memory_space<semaphore_mem>>)
      %dma_wait3A = arith.constant 0 : i32
      %dma_wait3A_48 = tpu.memref_slice %arg6[%arg0, %add3A_36, %dma_wait3A] : memref<2x10240x128xf32, #tpu.memory_space<hbm>> -> memref<1x80x128xf32, #tpu.memory_space<hbm>>
      %dma_wait3A_49 = tpu.memref_squeeze %dma_wait3A_48 : memref<1x80x128xf32, #tpu.memory_space<hbm>> -> memref<80x128xf32, #tpu.memory_space<hbm>>
      %dma_wait3A_50 = arith.constant 0 : i32
      %dma_wait3A_51 = tpu.memref_slice %arg6[%arg0, %add3A_36, %dma_wait3A_50] : memref<2x10240x128xf32, #tpu.memory_space<hbm>> -> memref<1x80x128xf32, #tpu.memory_space<hbm>>
      %dma_wait3A_52 = tpu.memref_squeeze %dma_wait3A_51 : memref<1x80x128xf32, #tpu.memory_space<hbm>> -> memref<80x128xf32, #tpu.memory_space<hbm>>
      tpu.wait_dma2 semaphore(%run_scoped3A : memref<!tpu.dma_semaphore, #tpu.memory_space<semaphore_mem>>) src(%arg10 : memref<80x128xf32, #tpu.memory_space<vmem>>) dst(%dma_wait3A_52 : memref<80x128xf32, #tpu.memory_space<hbm>>)
      tpu.yield
    }) : () -> ()
    %add3A_37 = arith.constant 400 : i32
    %add3A_38 = arith.addi %mul3A_4, %add3A_37 : i32
    "tpu.region"() ({
      %run_scoped3A = tpu.sem_alloc : memref<!tpu.dma_semaphore, #tpu.memory_space<semaphore_mem>>
      %dma_start3A = arith.constant 0 : i32
      %dma_start3A_43 = tpu.memref_slice %arg11[%add3A_38, %dma_start3A] : memref<10240x128xf32, #tpu.memory_space<vmem_shared>> -> memref<80x128xf32, #tpu.memory_space<vmem_shared>>
      %dma_start3A_44 = arith.constant 0 : i32
      %dma_start3A_45 = tpu.memref_slice %arg11[%add3A_38, %dma_start3A_44] : memref<10240x128xf32, #tpu.memory_space<vmem_shared>> -> memref<80x128xf32, #tpu.memory_space<vmem_shared>>
      tpu.enqueue_dma source(%dma_start3A_45 : memref<80x128xf32, #tpu.memory_space<vmem_shared>>) target(%arg10 : memref<80x128xf32, #tpu.memory_space<vmem>>) target_semaphore(%run_scoped3A : memref<!tpu.dma_semaphore, #tpu.memory_space<semaphore_mem>>)
      %dma_wait3A = arith.constant 0 : i32
      %dma_wait3A_46 = tpu.memref_slice %arg11[%add3A_38, %dma_wait3A] : memref<10240x128xf32, #tpu.memory_space<vmem_shared>> -> memref<80x128xf32, #tpu.memory_space<vmem_shared>>
      %dma_wait3A_47 = arith.constant 0 : i32
      %dma_wait3A_48 = tpu.memref_slice %arg11[%add3A_38, %dma_wait3A_47] : memref<10240x128xf32, #tpu.memory_space<vmem_shared>> -> memref<80x128xf32, #tpu.memory_space<vmem_shared>>
      tpu.wait_dma2 semaphore(%run_scoped3A : memref<!tpu.dma_semaphore, #tpu.memory_space<semaphore_mem>>) src(%dma_wait3A_48 : memref<80x128xf32, #tpu.memory_space<vmem_shared>>) dst(%arg10 : memref<80x128xf32, #tpu.memory_space<vmem>>)
      tpu.yield
    }) : () -> ()
    "tpu.region"() ({
      %run_scoped3A = tpu.sem_alloc : memref<!tpu.dma_semaphore, #tpu.memory_space<semaphore_mem>>
      %dma_start3A = arith.constant 0 : i32
      %dma_start3A_43 = tpu.memref_slice %arg6[%arg0, %add3A_38, %dma_start3A] : memref<2x10240x128xf32, #tpu.memory_space<hbm>> -> memref<1x80x128xf32, #tpu.memory_space<hbm>>
      %dma_start3A_44 = tpu.memref_squeeze %dma_start3A_43 : memref<1x80x128xf32, #tpu.memory_space<hbm>> -> memref<80x128xf32, #tpu.memory_space<hbm>>
      %dma_start3A_45 = arith.constant 0 : i32
      %dma_start3A_46 = tpu.memref_slice %arg6[%arg0, %add3A_38, %dma_start3A_45] : memref<2x10240x128xf32, #tpu.memory_space<hbm>> -> memref<1x80x128xf32, #tpu.memory_space<hbm>>
      %dma_start3A_47 = tpu.memref_squeeze %dma_start3A_46 : memref<1x80x128xf32, #tpu.memory_space<hbm>> -> memref<80x128xf32, #tpu.memory_space<hbm>>
      tpu.enqueue_dma source(%arg10 : memref<80x128xf32, #tpu.memory_space<vmem>>) target(%dma_start3A_47 : memref<80x128xf32, #tpu.memory_space<hbm>>) target_semaphore(%run_scoped3A : memref<!tpu.dma_semaphore, #tpu.memory_space<semaphore_mem>>)
      %dma_wait3A = arith.constant 0 : i32
      %dma_wait3A_48 = tpu.memref_slice %arg6[%arg0, %add3A_38, %dma_wait3A] : memref<2x10240x128xf32, #tpu.memory_space<hbm>> -> memref<1x80x128xf32, #tpu.memory_space<hbm>>
      %dma_wait3A_49 = tpu.memref_squeeze %dma_wait3A_48 : memref<1x80x128xf32, #tpu.memory_space<hbm>> -> memref<80x128xf32, #tpu.memory_space<hbm>>
      %dma_wait3A_50 = arith.constant 0 : i32
      %dma_wait3A_51 = tpu.memref_slice %arg6[%arg0, %add3A_38, %dma_wait3A_50] : memref<2x10240x128xf32, #tpu.memory_space<hbm>> -> memref<1x80x128xf32, #tpu.memory_space<hbm>>
      %dma_wait3A_52 = tpu.memref_squeeze %dma_wait3A_51 : memref<1x80x128xf32, #tpu.memory_space<hbm>> -> memref<80x128xf32, #tpu.memory_space<hbm>>
      tpu.wait_dma2 semaphore(%run_scoped3A : memref<!tpu.dma_semaphore, #tpu.memory_space<semaphore_mem>>) src(%arg10 : memref<80x128xf32, #tpu.memory_space<vmem>>) dst(%dma_wait3A_52 : memref<80x128xf32, #tpu.memory_space<hbm>>)
      tpu.yield
    }) : () -> ()
    %add3A_39 = arith.constant 480 : i32
    %add3A_40 = arith.addi %mul3A_4, %add3A_39 : i32
    "tpu.region"() ({
      %run_scoped3A = tpu.sem_alloc : memref<!tpu.dma_semaphore, #tpu.memory_space<semaphore_mem>>
      %dma_start3A = arith.constant 0 : i32
      %dma_start3A_43 = tpu.memref_slice %arg11[%add3A_40, %dma_start3A] : memref<10240x128xf32, #tpu.memory_space<vmem_shared>> -> memref<80x128xf32, #tpu.memory_space<vmem_shared>>
      %dma_start3A_44 = arith.constant 0 : i32
      %dma_start3A_45 = tpu.memref_slice %arg11[%add3A_40, %dma_start3A_44] : memref<10240x128xf32, #tpu.memory_space<vmem_shared>> -> memref<80x128xf32, #tpu.memory_space<vmem_shared>>
      tpu.enqueue_dma source(%dma_start3A_45 : memref<80x128xf32, #tpu.memory_space<vmem_shared>>) target(%arg10 : memref<80x128xf32, #tpu.memory_space<vmem>>) target_semaphore(%run_scoped3A : memref<!tpu.dma_semaphore, #tpu.memory_space<semaphore_mem>>)
      %dma_wait3A = arith.constant 0 : i32
      %dma_wait3A_46 = tpu.memref_slice %arg11[%add3A_40, %dma_wait3A] : memref<10240x128xf32, #tpu.memory_space<vmem_shared>> -> memref<80x128xf32, #tpu.memory_space<vmem_shared>>
      %dma_wait3A_47 = arith.constant 0 : i32
      %dma_wait3A_48 = tpu.memref_slice %arg11[%add3A_40, %dma_wait3A_47] : memref<10240x128xf32, #tpu.memory_space<vmem_shared>> -> memref<80x128xf32, #tpu.memory_space<vmem_shared>>
      tpu.wait_dma2 semaphore(%run_scoped3A : memref<!tpu.dma_semaphore, #tpu.memory_space<semaphore_mem>>) src(%dma_wait3A_48 : memref<80x128xf32, #tpu.memory_space<vmem_shared>>) dst(%arg10 : memref<80x128xf32, #tpu.memory_space<vmem>>)
      tpu.yield
    }) : () -> ()
    "tpu.region"() ({
      %run_scoped3A = tpu.sem_alloc : memref<!tpu.dma_semaphore, #tpu.memory_space<semaphore_mem>>
      %dma_start3A = arith.constant 0 : i32
      %dma_start3A_43 = tpu.memref_slice %arg6[%arg0, %add3A_40, %dma_start3A] : memref<2x10240x128xf32, #tpu.memory_space<hbm>> -> memref<1x80x128xf32, #tpu.memory_space<hbm>>
      %dma_start3A_44 = tpu.memref_squeeze %dma_start3A_43 : memref<1x80x128xf32, #tpu.memory_space<hbm>> -> memref<80x128xf32, #tpu.memory_space<hbm>>
      %dma_start3A_45 = arith.constant 0 : i32
      %dma_start3A_46 = tpu.memref_slice %arg6[%arg0, %add3A_40, %dma_start3A_45] : memref<2x10240x128xf32, #tpu.memory_space<hbm>> -> memref<1x80x128xf32, #tpu.memory_space<hbm>>
      %dma_start3A_47 = tpu.memref_squeeze %dma_start3A_46 : memref<1x80x128xf32, #tpu.memory_space<hbm>> -> memref<80x128xf32, #tpu.memory_space<hbm>>
      tpu.enqueue_dma source(%arg10 : memref<80x128xf32, #tpu.memory_space<vmem>>) target(%dma_start3A_47 : memref<80x128xf32, #tpu.memory_space<hbm>>) target_semaphore(%run_scoped3A : memref<!tpu.dma_semaphore, #tpu.memory_space<semaphore_mem>>)
      %dma_wait3A = arith.constant 0 : i32
      %dma_wait3A_48 = tpu.memref_slice %arg6[%arg0, %add3A_40, %dma_wait3A] : memref<2x10240x128xf32, #tpu.memory_space<hbm>> -> memref<1x80x128xf32, #tpu.memory_space<hbm>>
      %dma_wait3A_49 = tpu.memref_squeeze %dma_wait3A_48 : memref<1x80x128xf32, #tpu.memory_space<hbm>> -> memref<80x128xf32, #tpu.memory_space<hbm>>
      %dma_wait3A_50 = arith.constant 0 : i32
      %dma_wait3A_51 = tpu.memref_slice %arg6[%arg0, %add3A_40, %dma_wait3A_50] : memref<2x10240x128xf32, #tpu.memory_space<hbm>> -> memref<1x80x128xf32, #tpu.memory_space<hbm>>
      %dma_wait3A_52 = tpu.memref_squeeze %dma_wait3A_51 : memref<1x80x128xf32, #tpu.memory_space<hbm>> -> memref<80x128xf32, #tpu.memory_space<hbm>>
      tpu.wait_dma2 semaphore(%run_scoped3A : memref<!tpu.dma_semaphore, #tpu.memory_space<semaphore_mem>>) src(%arg10 : memref<80x128xf32, #tpu.memory_space<vmem>>) dst(%dma_wait3A_52 : memref<80x128xf32, #tpu.memory_space<hbm>>)
      tpu.yield
    }) : () -> ()
    %add3A_41 = arith.constant 560 : i32
    %add3A_42 = arith.addi %mul3A_4, %add3A_41 : i32
    "tpu.region"() ({
      %run_scoped3A = tpu.sem_alloc : memref<!tpu.dma_semaphore, #tpu.memory_space<semaphore_mem>>
      %dma_start3A = arith.constant 0 : i32
      %dma_start3A_43 = tpu.memref_slice %arg11[%add3A_42, %dma_start3A] : memref<10240x128xf32, #tpu.memory_space<vmem_shared>> -> memref<80x128xf32, #tpu.memory_space<vmem_shared>>
      %dma_start3A_44 = arith.constant 0 : i32
      %dma_start3A_45 = tpu.memref_slice %arg11[%add3A_42, %dma_start3A_44] : memref<10240x128xf32, #tpu.memory_space<vmem_shared>> -> memref<80x128xf32, #tpu.memory_space<vmem_shared>>
      tpu.enqueue_dma source(%dma_start3A_45 : memref<80x128xf32, #tpu.memory_space<vmem_shared>>) target(%arg10 : memref<80x128xf32, #tpu.memory_space<vmem>>) target_semaphore(%run_scoped3A : memref<!tpu.dma_semaphore, #tpu.memory_space<semaphore_mem>>)
      %dma_wait3A = arith.constant 0 : i32
      %dma_wait3A_46 = tpu.memref_slice %arg11[%add3A_42, %dma_wait3A] : memref<10240x128xf32, #tpu.memory_space<vmem_shared>> -> memref<80x128xf32, #tpu.memory_space<vmem_shared>>
      %dma_wait3A_47 = arith.constant 0 : i32
      %dma_wait3A_48 = tpu.memref_slice %arg11[%add3A_42, %dma_wait3A_47] : memref<10240x128xf32, #tpu.memory_space<vmem_shared>> -> memref<80x128xf32, #tpu.memory_space<vmem_shared>>
      tpu.wait_dma2 semaphore(%run_scoped3A : memref<!tpu.dma_semaphore, #tpu.memory_space<semaphore_mem>>) src(%dma_wait3A_48 : memref<80x128xf32, #tpu.memory_space<vmem_shared>>) dst(%arg10 : memref<80x128xf32, #tpu.memory_space<vmem>>)
      tpu.yield
    }) : () -> ()
    "tpu.region"() ({
      %run_scoped3A = tpu.sem_alloc : memref<!tpu.dma_semaphore, #tpu.memory_space<semaphore_mem>>
      %dma_start3A = arith.constant 0 : i32
      %dma_start3A_43 = tpu.memref_slice %arg6[%arg0, %add3A_42, %dma_start3A] : memref<2x10240x128xf32, #tpu.memory_space<hbm>> -> memref<1x80x128xf32, #tpu.memory_space<hbm>>
      %dma_start3A_44 = tpu.memref_squeeze %dma_start3A_43 : memref<1x80x128xf32, #tpu.memory_space<hbm>> -> memref<80x128xf32, #tpu.memory_space<hbm>>
      %dma_start3A_45 = arith.constant 0 : i32
      %dma_start3A_46 = tpu.memref_slice %arg6[%arg0, %add3A_42, %dma_start3A_45] : memref<2x10240x128xf32, #tpu.memory_space<hbm>> -> memref<1x80x128xf32, #tpu.memory_space<hbm>>
      %dma_start3A_47 = tpu.memref_squeeze %dma_start3A_46 : memref<1x80x128xf32, #tpu.memory_space<hbm>> -> memref<80x128xf32, #tpu.memory_space<hbm>>
      tpu.enqueue_dma source(%arg10 : memref<80x128xf32, #tpu.memory_space<vmem>>) target(%dma_start3A_47 : memref<80x128xf32, #tpu.memory_space<hbm>>) target_semaphore(%run_scoped3A : memref<!tpu.dma_semaphore, #tpu.memory_space<semaphore_mem>>)
      %dma_wait3A = arith.constant 0 : i32
      %dma_wait3A_48 = tpu.memref_slice %arg6[%arg0, %add3A_42, %dma_wait3A] : memref<2x10240x128xf32, #tpu.memory_space<hbm>> -> memref<1x80x128xf32, #tpu.memory_space<hbm>>
      %dma_wait3A_49 = tpu.memref_squeeze %dma_wait3A_48 : memref<1x80x128xf32, #tpu.memory_space<hbm>> -> memref<80x128xf32, #tpu.memory_space<hbm>>
      %dma_wait3A_50 = arith.constant 0 : i32
      %dma_wait3A_51 = tpu.memref_slice %arg6[%arg0, %add3A_42, %dma_wait3A_50] : memref<2x10240x128xf32, #tpu.memory_space<hbm>> -> memref<1x80x128xf32, #tpu.memory_space<hbm>>
      %dma_wait3A_52 = tpu.memref_squeeze %dma_wait3A_51 : memref<1x80x128xf32, #tpu.memory_space<hbm>> -> memref<80x128xf32, #tpu.memory_space<hbm>>
      tpu.wait_dma2 semaphore(%run_scoped3A : memref<!tpu.dma_semaphore, #tpu.memory_space<semaphore_mem>>) src(%arg10 : memref<80x128xf32, #tpu.memory_space<vmem>>) dst(%dma_wait3A_52 : memref<80x128xf32, #tpu.memory_space<hbm>>)
      tpu.yield
    }) : () -> ()
    return
  }
}

module attributes {stable_mosaic.version = 14 : i64} {
  func.func @sage_dense_bn_relu(%arg0: memref<10000x128xf32, #tpu.memory_space<vmem>>, %arg1: memref<2x10240x128xf32, #tpu.memory_space<vmem>>, %arg2: memref<2x10240x128xf32, #tpu.memory_space<vmem>>, %arg3: memref<128x128xf32, #tpu.memory_space<vmem>>, %arg4: memref<1x128xf32, #tpu.memory_space<vmem>>, %arg5: memref<128x128xf32, #tpu.memory_space<vmem>>, %arg6: memref<1x128xf32, #tpu.memory_space<vmem>>, %arg7: memref<1x128xf32, #tpu.memory_space<vmem>>, %arg8: memref<1x128xf32, #tpu.memory_space<vmem>>, %arg9: memref<10000x128xf32, #tpu.memory_space<vmem>>) attributes {dimension_semantics = [], scalar_prefetch = 0 : i64, scratch_operands = 0 : i64, tpu.core_type = #tpu.core_type<tc>} {
    %get3A = arith.constant 0 : index
    %get3A_0 = arith.constant 0 : index
    %get3A_1 = arith.constant 0 : index
    %get3A_2 = vector.load %arg2[%get3A, %get3A_0, %get3A_1] : memref<2x10240x128xf32, #tpu.memory_space<vmem>>, vector<1x10000x128xf32>
    %get3A_3 = vector.shape_cast %get3A_2 : vector<1x10000x128xf32> to vector<10000x128xf32>
    %get3A_4 = arith.constant 1 : index
    %get3A_5 = arith.constant 0 : index
    %get3A_6 = arith.constant 0 : index
    %get3A_7 = vector.load %arg2[%get3A_4, %get3A_5, %get3A_6] : memref<2x10240x128xf32, #tpu.memory_space<vmem>>, vector<1x10000x128xf32>
    %get3A_8 = vector.shape_cast %get3A_7 : vector<1x10000x128xf32> to vector<10000x128xf32>
    %add3A = arith.addf %get3A_3, %get3A_8 : vector<10000x128xf32>
    %slice3A = vector.extract_strided_slice %add3A {offsets = [0, 0], sizes = [10000, 1], strides = [1, 1]} : vector<10000x128xf32> to vector<10000x1xf32>
    %max3A = arith.constant 1.000000e+00 : f32
    %max3A_9 = vector.broadcast %max3A : f32 to vector<10000x1xf32>
    %max3A_10 = arith.maximumf %slice3A, %max3A_9 : vector<10000x1xf32>
    %div3A = arith.constant 1.000000e+00 : f32
    %div3A_11 = vector.broadcast %div3A : f32 to vector<10000x1xf32>
    %div3A_12 = arith.divf %div3A_11, %max3A_10 : vector<10000x1xf32>
    %get3A_13 = arith.constant 0 : index
    %get3A_14 = arith.constant 0 : index
    %get3A_15 = arith.constant 0 : index
    %get3A_16 = vector.load %arg1[%get3A_13, %get3A_14, %get3A_15] : memref<2x10240x128xf32, #tpu.memory_space<vmem>>, vector<1x10000x128xf32>
    %get3A_17 = vector.shape_cast %get3A_16 : vector<1x10000x128xf32> to vector<10000x128xf32>
    %get3A_18 = arith.constant 1 : index
    %get3A_19 = arith.constant 0 : index
    %get3A_20 = arith.constant 0 : index
    %get3A_21 = vector.load %arg1[%get3A_18, %get3A_19, %get3A_20] : memref<2x10240x128xf32, #tpu.memory_space<vmem>>, vector<1x10000x128xf32>
    %get3A_22 = vector.shape_cast %get3A_21 : vector<1x10000x128xf32> to vector<10000x128xf32>
    %add3A_23 = arith.addf %get3A_17, %get3A_22 : vector<10000x128xf32>
    %mul3A = vector.broadcast %div3A_12 : vector<10000x1xf32> to vector<10000x128xf32>
    %mul3A_24 = arith.mulf %add3A_23, %mul3A : vector<10000x128xf32>
    %get3A_25 = arith.constant 0 : index
    %get3A_26 = arith.constant 0 : index
    %get3A_27 = vector.load %arg0[%get3A_25, %get3A_26] : memref<10000x128xf32, #tpu.memory_space<vmem>>, vector<10000x128xf32>
    %get3A_28 = arith.constant 0 : index
    %get3A_29 = arith.constant 0 : index
    %get3A_30 = vector.load %arg3[%get3A_28, %get3A_29] : memref<128x128xf32, #tpu.memory_space<vmem>>, vector<128x128xf32>
    %dot_general3A = arith.constant dense<0.000000e+00> : vector<10000x128xf32>
    %dot_general3A_31 = tpu.matmul %get3A_27, %get3A_30, %dot_general3A {dimension_numbers = #tpu.dot_dimension_numbers<[1], [0], [0], [1], [0, 0, 1, 1], [], []>, transpose_lhs_hint = false} : vector<10000x128xf32>, vector<128x128xf32>, vector<10000x128xf32> -> vector<10000x128xf32>
    %get3A_32 = arith.constant 0 : index
    %get3A_33 = arith.constant 0 : index
    %get3A_34 = vector.load %arg5[%get3A_32, %get3A_33] : memref<128x128xf32, #tpu.memory_space<vmem>>, vector<128x128xf32>
    %dot_general3A_35 = arith.constant dense<0.000000e+00> : vector<10000x128xf32>
    %dot_general3A_36 = tpu.matmul %mul3A_24, %get3A_34, %dot_general3A_35 {dimension_numbers = #tpu.dot_dimension_numbers<[1], [0], [0], [1], [0, 0, 1, 1], [], []>, transpose_lhs_hint = false} : vector<10000x128xf32>, vector<128x128xf32>, vector<10000x128xf32> -> vector<10000x128xf32>
    %add3A_37 = arith.addf %dot_general3A_31, %dot_general3A_36 : vector<10000x128xf32>
    %get3A_38 = arith.constant 0 : index
    %get3A_39 = arith.constant 0 : index
    %get3A_40 = vector.load %arg4[%get3A_38, %get3A_39] : memref<1x128xf32, #tpu.memory_space<vmem>>, vector<1x128xf32>
    %add3A_41 = vector.broadcast %get3A_40 : vector<1x128xf32> to vector<10000x128xf32>
    %add3A_42 = arith.addf %add3A_37, %add3A_41 : vector<10000x128xf32>
    %get3A_43 = arith.constant 0 : index
    %get3A_44 = arith.constant 0 : index
    %get3A_45 = vector.load %arg6[%get3A_43, %get3A_44] : memref<1x128xf32, #tpu.memory_space<vmem>>, vector<1x128xf32>
    %add3A_46 = vector.broadcast %get3A_45 : vector<1x128xf32> to vector<10000x128xf32>
    %add3A_47 = arith.addf %add3A_42, %add3A_46 : vector<10000x128xf32>
    %reduce_sum3A = arith.constant dense<0.000000e+00> : vector<128xf32>
    %reduce_sum3A_48 = vector.multi_reduction <add>, %add3A_47, %reduce_sum3A [0] : vector<10000x128xf32> to vector<128xf32>
    %broadcast_in_dim3A = vector.shape_cast %reduce_sum3A_48 : vector<128xf32> to vector<1x128xf32>
    %div3A_49 = arith.constant 1.000000e+04 : f32
    %div3A_50 = vector.broadcast %div3A_49 : f32 to vector<1x128xf32>
    %div3A_51 = arith.divf %broadcast_in_dim3A, %div3A_50 : vector<1x128xf32>
    %sub3A = vector.broadcast %div3A_51 : vector<1x128xf32> to vector<10000x128xf32>
    %sub3A_52 = arith.subf %add3A_47, %sub3A : vector<10000x128xf32>
    %integer_pow3A = arith.mulf %sub3A_52, %sub3A_52 : vector<10000x128xf32>
    %reduce_sum3A_53 = arith.constant dense<0.000000e+00> : vector<128xf32>
    %reduce_sum3A_54 = vector.multi_reduction <add>, %integer_pow3A, %reduce_sum3A_53 [0] : vector<10000x128xf32> to vector<128xf32>
    %broadcast_in_dim3A_55 = vector.shape_cast %reduce_sum3A_54 : vector<128xf32> to vector<1x128xf32>
    %div3A_56 = arith.constant 1.000000e+04 : f32
    %div3A_57 = vector.broadcast %div3A_56 : f32 to vector<1x128xf32>
    %div3A_58 = arith.divf %broadcast_in_dim3A_55, %div3A_57 : vector<1x128xf32>
    %sub3A_59 = vector.broadcast %div3A_51 : vector<1x128xf32> to vector<10000x128xf32>
    %sub3A_60 = arith.subf %add3A_47, %sub3A_59 : vector<10000x128xf32>
    %add3A_61 = arith.constant 9.99999974E-6 : f32
    %add3A_62 = vector.broadcast %add3A_61 : f32 to vector<1x128xf32>
    %add3A_63 = arith.addf %div3A_58, %add3A_62 : vector<1x128xf32>
    %rsqrt3A = math.rsqrt %add3A_63 : vector<1x128xf32>
    %mul3A_64 = vector.broadcast %rsqrt3A : vector<1x128xf32> to vector<10000x128xf32>
    %mul3A_65 = arith.mulf %sub3A_60, %mul3A_64 : vector<10000x128xf32>
    %get3A_66 = arith.constant 0 : index
    %get3A_67 = arith.constant 0 : index
    %get3A_68 = vector.load %arg7[%get3A_66, %get3A_67] : memref<1x128xf32, #tpu.memory_space<vmem>>, vector<1x128xf32>
    %mul3A_69 = vector.broadcast %get3A_68 : vector<1x128xf32> to vector<10000x128xf32>
    %mul3A_70 = arith.mulf %mul3A_65, %mul3A_69 : vector<10000x128xf32>
    %get3A_71 = arith.constant 0 : index
    %get3A_72 = arith.constant 0 : index
    %get3A_73 = vector.load %arg8[%get3A_71, %get3A_72] : memref<1x128xf32, #tpu.memory_space<vmem>>, vector<1x128xf32>
    %add3A_74 = vector.broadcast %get3A_73 : vector<1x128xf32> to vector<10000x128xf32>
    %add3A_75 = arith.addf %mul3A_70, %add3A_74 : vector<10000x128xf32>
    %max3A_76 = arith.constant 0.000000e+00 : f32
    %max3A_77 = vector.broadcast %max3A_76 : f32 to vector<10000x128xf32>
    %max3A_78 = arith.maximumf %add3A_75, %max3A_77 : vector<10000x128xf32>
    %swap3A = arith.constant 0 : index
    %swap3A_79 = arith.constant 0 : index
    %swap3A_80 = vector.load %arg9[%swap3A, %swap3A_79] : memref<10000x128xf32, #tpu.memory_space<vmem>>, vector<10000x128xf32>
    tpu.vector_store %arg9[%swap3A, %swap3A_79], %max3A_78 {strides = array<i32>} : memref<10000x128xf32, #tpu.memory_space<vmem>>, vector<10000x128xf32>,
    return
  }
}

module attributes {stable_mosaic.version = 14 : i64} {
  func.func @sage_dense_final(%arg0: memref<10000x128xf32, #tpu.memory_space<vmem>>, %arg1: memref<2x10240x128xf32, #tpu.memory_space<vmem>>, %arg2: memref<2x10240x128xf32, #tpu.memory_space<vmem>>, %arg3: memref<128x40xf32, #tpu.memory_space<vmem>>, %arg4: memref<1x40xf32, #tpu.memory_space<vmem>>, %arg5: memref<128x40xf32, #tpu.memory_space<vmem>>, %arg6: memref<1x40xf32, #tpu.memory_space<vmem>>, %arg7: memref<10000x40xf32, #tpu.memory_space<vmem>>) attributes {dimension_semantics = [], scalar_prefetch = 0 : i64, scratch_operands = 0 : i64, tpu.core_type = #tpu.core_type<tc>} {
    %get3A = arith.constant 0 : index
    %get3A_0 = arith.constant 0 : index
    %get3A_1 = arith.constant 0 : index
    %get3A_2 = vector.load %arg2[%get3A, %get3A_0, %get3A_1] : memref<2x10240x128xf32, #tpu.memory_space<vmem>>, vector<1x10000x128xf32>
    %get3A_3 = vector.shape_cast %get3A_2 : vector<1x10000x128xf32> to vector<10000x128xf32>
    %get3A_4 = arith.constant 1 : index
    %get3A_5 = arith.constant 0 : index
    %get3A_6 = arith.constant 0 : index
    %get3A_7 = vector.load %arg2[%get3A_4, %get3A_5, %get3A_6] : memref<2x10240x128xf32, #tpu.memory_space<vmem>>, vector<1x10000x128xf32>
    %get3A_8 = vector.shape_cast %get3A_7 : vector<1x10000x128xf32> to vector<10000x128xf32>
    %add3A = arith.addf %get3A_3, %get3A_8 : vector<10000x128xf32>
    %slice3A = vector.extract_strided_slice %add3A {offsets = [0, 0], sizes = [10000, 1], strides = [1, 1]} : vector<10000x128xf32> to vector<10000x1xf32>
    %max3A = arith.constant 1.000000e+00 : f32
    %max3A_9 = vector.broadcast %max3A : f32 to vector<10000x1xf32>
    %max3A_10 = arith.maximumf %slice3A, %max3A_9 : vector<10000x1xf32>
    %div3A = arith.constant 1.000000e+00 : f32
    %div3A_11 = vector.broadcast %div3A : f32 to vector<10000x1xf32>
    %div3A_12 = arith.divf %div3A_11, %max3A_10 : vector<10000x1xf32>
    %get3A_13 = arith.constant 0 : index
    %get3A_14 = arith.constant 0 : index
    %get3A_15 = arith.constant 0 : index
    %get3A_16 = vector.load %arg1[%get3A_13, %get3A_14, %get3A_15] : memref<2x10240x128xf32, #tpu.memory_space<vmem>>, vector<1x10000x128xf32>
    %get3A_17 = vector.shape_cast %get3A_16 : vector<1x10000x128xf32> to vector<10000x128xf32>
    %get3A_18 = arith.constant 1 : index
    %get3A_19 = arith.constant 0 : index
    %get3A_20 = arith.constant 0 : index
    %get3A_21 = vector.load %arg1[%get3A_18, %get3A_19, %get3A_20] : memref<2x10240x128xf32, #tpu.memory_space<vmem>>, vector<1x10000x128xf32>
    %get3A_22 = vector.shape_cast %get3A_21 : vector<1x10000x128xf32> to vector<10000x128xf32>
    %add3A_23 = arith.addf %get3A_17, %get3A_22 : vector<10000x128xf32>
    %mul3A = vector.broadcast %div3A_12 : vector<10000x1xf32> to vector<10000x128xf32>
    %mul3A_24 = arith.mulf %add3A_23, %mul3A : vector<10000x128xf32>
    %get3A_25 = arith.constant 0 : index
    %get3A_26 = arith.constant 0 : index
    %get3A_27 = vector.load %arg0[%get3A_25, %get3A_26] : memref<10000x128xf32, #tpu.memory_space<vmem>>, vector<10000x128xf32>
    %get3A_28 = arith.constant 0 : index
    %get3A_29 = arith.constant 0 : index
    %get3A_30 = vector.load %arg3[%get3A_28, %get3A_29] : memref<128x40xf32, #tpu.memory_space<vmem>>, vector<128x40xf32>
    %dot_general3A = arith.constant dense<0.000000e+00> : vector<10000x40xf32>
    %dot_general3A_31 = tpu.matmul %get3A_27, %get3A_30, %dot_general3A {dimension_numbers = #tpu.dot_dimension_numbers<[1], [0], [0], [1], [0, 0, 1, 1], [], []>, transpose_lhs_hint = false} : vector<10000x128xf32>, vector<128x40xf32>, vector<10000x40xf32> -> vector<10000x40xf32>
    %get3A_32 = arith.constant 0 : index
    %get3A_33 = arith.constant 0 : index
    %get3A_34 = vector.load %arg5[%get3A_32, %get3A_33] : memref<128x40xf32, #tpu.memory_space<vmem>>, vector<128x40xf32>
    %dot_general3A_35 = arith.constant dense<0.000000e+00> : vector<10000x40xf32>
    %dot_general3A_36 = tpu.matmul %mul3A_24, %get3A_34, %dot_general3A_35 {dimension_numbers = #tpu.dot_dimension_numbers<[1], [0], [0], [1], [0, 0, 1, 1], [], []>, transpose_lhs_hint = false} : vector<10000x128xf32>, vector<128x40xf32>, vector<10000x40xf32> -> vector<10000x40xf32>
    %add3A_37 = arith.addf %dot_general3A_31, %dot_general3A_36 : vector<10000x40xf32>
    %get3A_38 = arith.constant 0 : index
    %get3A_39 = arith.constant 0 : index
    %get3A_40 = vector.load %arg4[%get3A_38, %get3A_39] : memref<1x40xf32, #tpu.memory_space<vmem>>, vector<1x40xf32>
    %add3A_41 = vector.broadcast %get3A_40 : vector<1x40xf32> to vector<10000x40xf32>
    %add3A_42 = arith.addf %add3A_37, %add3A_41 : vector<10000x40xf32>
    %get3A_43 = arith.constant 0 : index
    %get3A_44 = arith.constant 0 : index
    %get3A_45 = vector.load %arg6[%get3A_43, %get3A_44] : memref<1x40xf32, #tpu.memory_space<vmem>>, vector<1x40xf32>
    %add3A_46 = vector.broadcast %get3A_45 : vector<1x40xf32> to vector<10000x40xf32>
    %add3A_47 = arith.addf %add3A_42, %add3A_46 : vector<10000x40xf32>
    %swap3A = arith.constant 0 : index
    %swap3A_48 = arith.constant 0 : index
    %swap3A_49 = vector.load %arg7[%swap3A, %swap3A_48] : memref<10000x40xf32, #tpu.memory_space<vmem>>, vector<10000x40xf32>
    tpu.vector_store %arg7[%swap3A, %swap3A_48], %add3A_47 {strides = array<i32>} : memref<10000x40xf32, #tpu.memory_space<vmem>>, vector<10000x40xf32>,
    return
  }
}

</mosaic_0001>

<sc_bundles>
// kernel: sage_agg_w128.11.cloned.1.call-start
scs
__scs_entry_jumppad:
0x0: {  	(pc) =	sbr.rel $0x88, $3  }
0x1: {  	(tag) =	ssettag $0x0;
	lr =	simm.s32 $0x1  }
0x2: {  	[smem:$0x3F8F] =	sst lr;
	_ =	strace $0xD0000000  }
0x3: {  	_ = 	snop  }
0x4: {  	_ = 	snop  }
0x5: {  	_ = 	snop  }
0x6: {  	_ = 	snop  }
0x7: {  	_ = 	snop  }
__scs_overlays_trampoline_lowered:
0x8: {  	[smem:$0x3F9E] =	sst s0  }
0x9: {  	[smem:$0x3F9F] =	sst s1  }
0xa: {  	[smem:$0x3FA0] =	sst s2  }
0xb: {  	[smem:$0x3FA1] =	sst s3  }
0xc: {  	[smem:$0x3FA2] =	sst s4  }
0xd: {  	[smem:$0x3FA3] =	sst s5  }
0xe: {  	[smem:$0x3FA4] =	sst s6  }
0xf: {  	[smem:$0x3FA5] =	sst s7  }
0x10: {  	[smem:$0x3FA6] =	sst s8  }
0x11: {  	[smem:$0x3FA7] =	sst s9;
	s0 =	simm.s32 @!p0 $0x0  }
0x12: {  	s1 =	sld [smem:$0x3F8D];
	s0 =	simm.s32 @p0 $0x1  }
0x13: {  	[smem:$0x3FA8] =	sst s0;
	s0 =	simm.s32 @!p1 $0x0  }
0x14: {  	s2 =	sld [smem:$0x3F8C];
	s0 =	simm.s32 @p1 $0x1  }
0x15: {  	[smem:$0x3FA9] =	sst s0;
	s0 =	simm.s32 @!p2 $0x0  }
0x16: {  	s3 =	sld [smem:$0x3FDB];
	s0 =	simm.s32 @p2 $0x1  }
0x17: {  	s4 =	simm.s32 $0x1BF5;
	[smem:$0x3FAB] =	sst s0  }
0x18: {  	s0 =	sld [smem:$0x3F8E];
	_ =	swait.ge [sflag:s4], $0x0  }
0x19: {  	s7 =	sld [smem:$0x3F8F]  }
0x1a: {  	s8 =	sadd.s32 $0xFFFFE003, lr  }
0x1b: {  	s9 =	sadd.s32 $0xFFFFFEF7, lr;
	s5 =	simm.s32 $0xFFFFFFFF;
	p2 =	slt.u32 s8, $0xFFFFF086  }
0x1c: {  	p1 =	slt.u32 s9, $0xF7A;
	s5 =	simm.s32 @!p2 $0x0  }
0x1d: {  	s5 =	simm.s32 @p1 $0x1;
	p0 =	seq.s32 s7, s2  }
0x1e: {  	s7 =	smul.u32 @!p0 $0xF7A, s2;
	p2 =	seq.s32 @!p0 s5, $0x0  }
0x1f: {  	s9 =	smul.u32 $0xF7A, s1;
	s8 =	simm.s32 @!p0 $0x1BF5;
	p2 =	por !p2, p0  }
0x20: {  	[sflag:s8] =	ssyncset.s32 @!p0 $0xFFFFF086;
	s6 =	sadd.s32 @!p0 s3, s7;
	s7 =	simm.s32 @!p0 $0x108  }
0x21: {  	s3 =	sadd.s32 s3, s9;
	s6 =	sadd.s32 @!p0 $0x88, s6;
	s7 =	simm.s32 @p2 $0x1082  }
0x22: {  	[simem:s7], [sflag:s8] =	dma.local @!p0 [hbm:s6], $0xF7A  }
0x23: {  	s9 =	sor.u32 $0xD0000000, s2;
	s6 =	simm.s32 $0x108;
	_ =	swait.ge @!p0 [sflag:s8], $0x0  }
0x24: {  	s3 =	sadd.s32 $0x88, s3;
	s6 =	simm.s32 @!p1 $0x1082;
	[sflag:s4] =	ssyncset.s32 $0xFFFFF086  }
0x25: {  	[simem:s6], [sflag:s4] =	dma.local [hbm:s3], $0xF7A  }
0x26: {  	[smem:$0x3F8F] =	sst s1;
	(tag) =	ssettag s2;
	_ =	strace s9  }
0x27: {  	s1 =	sld [smem:$0x3F9F]  }
0x28: {  	s2 =	sld [smem:$0x3FA0]  }
0x29: {  	s4 =	sld [smem:$0x3FA2]  }
0x2a: {  	p0 =	seq.s32 s5, $0x0;
	s5 =	sld [smem:$0x3FA3]  }
0x2b: {  	s6 =	sld [smem:$0x3FA4]  }
0x2c: {  	s7 =	sld [smem:$0x3FA5]  }
0x2d: {  	s3 =	simm.s32 $0x108;
	s8 =	sld [smem:$0x3FA6]  }
0x2e: {  	s3 =	simm.s32 @!p0 $0x1082;
	s9 =	sld [smem:$0x3FA7]  }
0x2f: {  	lr =	sadd.s32 s0, s3;
	s0 =	sld [smem:$0x3F9E]  }
0x30: {  	s3 =	sld [smem:$0x3FA1]  }
0x31: {  	[smem:$0x3FAA] =	sst s10  }
0x32: {  	s10 =	sld [smem:$0x3FA8];
	_ =	sdelay $0x3  }
0x33: {  	p0 =	seq.s32 s10, $0x1;
	s10 =	sld [smem:$0x3FAA];
	_ =	sdelay $0x3  }
0x34: {  	[smem:$0x3FAA] =	sst s10  }
0x35: {  	s10 =	sld [smem:$0x3FA9];
	_ =	sdelay $0x3  }
0x36: {  	p1 =	seq.s32 s10, $0x1;
	s10 =	sld [smem:$0x3FAA];
	_ =	sdelay $0x3  }
0x37: {  	[smem:$0x3FAA] =	sst s10  }
0x38: {  	s10 =	sld [smem:$0x3FAB]  }
0x39: {  	_ = 	snop;
	(pc) =	sbr.ind lr, $3  }
0x3a: {  	_ = 	snop  }
0x3b: {  	_ = 	snop  }
0x3c: {  	p2 =	seq.s32 s10, $0x1;
	s10 =	sld [smem:$0x3FAA]  }
0x3d: {  	_ =	shalt  }
0x3e: {  	_ =	shalt  }
0x3f: {  	_ =	shalt  }
0x40: {  	_ =	shalt  }
0x41: {  	_ =	shalt  }
0x42: {  	_ =	shalt  }
0x43: {  	_ =	shalt  }
0x44: {  	_ =	shalt  }
0x45: {  	_ =	shalt  }
0x46: {  	_ =	shalt  }
0x47: {  	_ =	shalt  }
0x48: {  	_ =	shalt  }
0x49: {  	_ =	shalt  }
0x4a: {  	_ =	shalt  }
0x4b: {  	_ =	shalt  }
0x4c: {  	_ =	shalt  }
0x4d: {  	_ =	shalt  }
0x4e: {  	_ =	shalt  }
0x4f: {  	_ =	shalt  }
0x50: {  	_ =	shalt  }
0x51: {  	_ =	shalt  }
0x52: {  	_ =	shalt  }
0x53: {  	_ =	shalt  }
0x54: {  	_ =	shalt  }
0x55: {  	_ =	shalt  }
0x56: {  	_ =	shalt  }
0x57: {  	_ =	shalt  }
0x58: {  	_ =	shalt  }
0x59: {  	_ =	shalt  }
0x5a: {  	_ =	shalt  }
0x5b: {  	_ =	shalt  }
0x5c: {  	_ =	shalt  }
0x5d: {  	_ =	shalt  }
0x5e: {  	_ =	shalt  }
0x5f: {  	_ =	shalt  }
0x60: {  	_ =	shalt  }
0x61: {  	_ =	shalt  }
0x62: {  	_ =	shalt  }
0x63: {  	_ =	shalt  }
0x64: {  	_ =	shalt  }
0x65: {  	_ =	shalt  }
0x66: {  	_ =	shalt  }
0x67: {  	_ =	shalt  }
0x68: {  	_ =	shalt  }
0x69: {  	_ =	shalt  }
0x6a: {  	_ =	shalt  }
0x6b: {  	_ =	shalt  }
0x6c: {  	_ =	shalt  }
0x6d: {  	_ =	shalt  }
0x6e: {  	_ =	shalt  }
0x6f: {  	_ =	shalt  }
0x70: {  	_ =	shalt  }
0x71: {  	_ =	shalt  }
0x72: {  	_ =	shalt  }
0x73: {  	_ =	shalt  }
0x74: {  	_ =	shalt  }
0x75: {  	_ =	shalt  }
0x76: {  	_ =	shalt  }
0x77: {  	_ =	shalt  }
0x78: {  	_ =	shalt  }
0x79: {  	_ =	shalt  }
0x7a: {  	_ =	shalt  }
0x7b: {  	_ =	shalt  }
0x7c: {  	_ =	shalt  }
0x7d: {  	_ =	shalt  }
0x7e: {  	_ =	shalt  }
0x7f: {  	_ =	shalt  }
0x80: {  	_ =	shalt  }
0x81: {  	_ =	shalt  }
0x82: {  	_ =	shalt  }
0x83: {  	_ =	shalt  }
0x84: {  	_ =	shalt  }
0x85: {  	_ =	shalt  }
0x86: {  	_ =	shalt  }
0x87: {  	_ =	shalt  }
.Lfunc_end0:
.L_simem_size_0:
called_computation.3_lowered:
.L_overlay_start_0:
0x88: {  	s2 =	sld [smem:$0x3FD9]  }
0x89: {  	s3 =	sld [smem:$0x3FFE];
	_ =	sdelay $0x1  }
0x8a: {  	s1 =	srdreg.scid  }
0x8b: {  	s0 =	sand.u32 $0x1, s1  }
0x8c: {  	s17 =	sshll.u32 s0, $0xA;
	s2 =	sadd.s32 s3, s2  }
0x8d: {  	s2 =	sadd.s32 s2, s17  }
0x8e: {  	[smem:$0x3FB6] =	sst s2  }
0x8f: {  	_ = 	snop  }
0x90: {  	s2 =	sld [smem:$0x3FD0];
	(tm) =	ssettm $0x1  }
0x91: {  	s18 =	sld [smem:$0x3FFB];
	_ =	sdelay $0x3  }
0x92: {  	_ =	strace s18  }
0x93: {  	s3 =	sld [smem:$0x3FFC];
	_ =	sdelay $0x3  }
0x94: {  	_ =	strace s3  }
0x95: {  	s3 =	sld [smem:$0x3FFD];
	_ =	sdelay $0x3  }
0x96: {  	_ =	strace s3  }
0x97: {  	_ =	strace $0x8FFFFFFF  }
0x98: {  	s19 =	sld [smem:$0x3FDB];
	_ =	sdelay $0x1  }
0x99: {  	s4 =	simm.s32 $_scs_section_size  }
0x9a: {  	s5 =	simm.s32 $_size__tile_overlayer_lowered;
	s6 =	simm.s32 $_tile_overlayer_lowered  }
0x9b: {  	s22 =	simm.s32 $0x1BFF;
	s21 =	sshll.u32 s6, $0x1;
	s3 =	sadd.s32 s4, s19  }
0x9c: {  	s7 =	simm.s32 $0x0;
	s20 =	sshll.u32 s5, $0x1;
	s5 =	sadd.s32 s21, s3  }
0x9d: {  	[timem:s7], [sflag:s22] =	dma.local [hbm:s5], s20  }
0x9e: {  	_ =	swait.ge [sflag:s22], s20  }
0x9f: {  	s4 =	ssub.s32 $0x0, s20;
	[sflag:s22] =	ssyncset.done $0x0  }
0xa0: {  	[sflag:s22] =	ssyncadd.s32 s4;
	_ =	sdelay $0x1  }
0xa1: {  	s23 =	simm.s32 $0x1B8B  }
0xa2: {  	_ =	swait.ge [sflag:s23], $0x1  }
0xa3: {  	[sflag:s23] =	ssyncset.done $0x0  }
0xa4: {  	s25 =	simm.s32 $0x1B8E;
	s24 =	sld [smem:$0x3FFE];
	[sflag:s23] =	ssyncadd.s32 $0xFFFFFFFF  }
0xa5: {  	s26 =	simm.s32 $execute0_lowered;
	[smem:$0x3FD2] =	sst s25  }
0xa6: {  	s5 =	sshll.u32 s26, $0x1;
	_ =	strace $0x8000004F;
	[dreg:$0x1] =	wrdreg $0xFFFFFFFF  }
0xa7: {  	s28 =	simm.s32 $_size_execute0_lowered;
	s3 =	sadd.s32 s3, s5;
	[dreg:$0x0] =	wrdreg $0x0  }
0xa8: {  	s5 =	sshll.u32 s28, $0x1;
	[dreg:$0x2] =	wrdreg s3  }
0xa9: {  	[dreg:$0x3] =	wrdreg s5  }
0xaa: {  	[dreg:$0x4] =	wrdreg $0xC0  }
0xab: {  	_ =	task [dreg:s7], $0x5FFFF  }
0xac: {  	[dreg:$0x1] =	wrdreg $0xFFFFFFFF  }
0xad: {  	[dreg:$0x0] =	wrdreg $0x60  }
0xae: {  	[dreg:$0x2] =	wrdreg s24  }
0xaf: {  	[dreg:$0x3] =	wrdreg s2  }
0xb0: {  	[dreg:$0x4] =	wrdreg $0xB7800  }
0xb1: {  	[dreg:$0x5] =	wrdreg $0x9  }
0xb2: {  	_ =	task.clear_ibuf [dreg:s7], $0x6FFFF;
	_ =	strace $0x9000004F  }
0xb3: {  	s29 =	simm.s32 $0x9;
	_ =	strace $0x80000051  }
0xb4: {  	_ =	swait.ge [sflag:s29], $0x1  }
0xb5: {  	[sflag:s29] =	ssyncadd.s32 $0xFFFFFFFF  }
0xb6: {  	_ =	strace $0x90000051  }
0xb7: {  	_ =	sfence  }
0xb8: {  	s30 =	sld [smem:$0x0];
	_ =	sdelay $0x2  }
0xb9: {  	s31 =	sshll.u32 s1, $0xD;
	s1 =	sshrl.u32 s1, $0x2  }
0xba: {  	s3 =	sand.u32 $0x4000, s31;
	s1 =	sadd.s32 s1, s30  }
0xbb: {  	s0 =	sor.u32 s3, s0;
	s1 =	sshll.u32 s1, $0x11  }
0xbc: {  	s0 =	sor.u32 s1, s0  }
0xbd: {  	s0 =	sadd.s32 $0x8F2B, s0  }
0xbe: {  	[sflag:s0] =	ssyncadd.remote.s32 $0x1  }
0xbf: {  	_ =	sfence.sel $0xFFFF  }
0xc0: {  	[dreg:$0x0] =	wrdreg $0xFFFFFFFF;
	(pc) =	sbr.abs _section_cstart, $3  }
0xc1: {  	[dreg:$0x1] =	wrdreg $0xFFFFFFFF  }
0xc2: {  	_ =	task.clear_ibuf [dreg:s7], $0x2FFFF;
	_ =	strace $0x9FFFFFFF  }
0xc3: {  	(tm) =	ssettm $0x7FFFFFFF  }
tec
execute0_lowered:
.L_overlay_start_1:
0x0: {  	(tag) =	ssettag $0x1  }
0x1: {  	s0 =	rddreg [dreg:$0x0]  }
0x2: {  	s1 =	rddreg [dreg:$0x1]  }
0x3: {  	s2 =	rddreg [dreg:$0x2]  }
0x4: {  	s4 =	srdreg.scid;
	s12 =	stileid.u32  }
0x5: {  	s3 =	simm.s32 $0x0;
	s28 =	simm.s32 $0x2;
	s29 =	simm.s32 $0x8F80  }
0x6: {  	s30 =	simm.s32 $0x50;
	s31 =	simm.s32 $0x6780;
	s5 =	sand.u32 $0x1, s4  }
0x7: {  	s24 =	sshll.u32 s12, $0x1;
	[smem:$0x7FF] =	sst s3;
	s4 =	sadd.s32 $0x14400, s0  }
0x8: {  	s8 =	sadd.s32 $0x13E00, s0;
	s25 =	sshrl.u32 s12, $0x2;
	s11 =	smul.u32 $0x50000, s12  }
0x9: {  	s15 =	smul.u32 $0x14000, s12;
	s6 =	sor.u32 s5, s24;
	_ =	strace $0x80000050  }
0xa: {  	[dreg:$0x4] =	wrdreg s8;
	s9 =	ssub.s32 $0x2, s5;
	s8 =	smul.u32 $0x13C00, s25  }
0xb: {  	s5 =	smul.u32 $0x140000, s5;
	s7 =	sshll.u32 s6, $0xB;
	s6 =	sshll.u32 s6, $0x7  }
0xc: {  	s10 =	sshrl.u32 s9, $0x1;
	s26 =	sshrl.u32 s11, $0x2;
	s16 =	sadd.s32 $0x5000, s15  }
0xd: {  	s17 =	sadd.s32 $0x7800, s15;
	s18 =	sadd.s32 $0xA000, s15;
	s19 =	sadd.s32 $0xC800, s15  }
0xe: {  	s20 =	sadd.s32 $0xF000, s15;
	s7 =	sadd.s32 s7, s0;
	s6 =	sand.u32 $0x380, s6  }
0xf: {  	s0 =	sadd.s32 $0xB4A00, s0;
	s24 =	ssub.s32 s9, s10;
	s10 =	sadd.s32 s16, s2  }
0x10: {  	s11 =	sadd.s32 s17, s2;
	s12 =	sadd.s32 s18, s2;
	s13 =	sadd.s32 s19, s2  }
0x11: {  	s14 =	sadd.s32 s20, s2;
	s21 =	sadd.s32 s15, s5;
	s22 =	sadd.s32 s5, s16  }
0x12: {  	s23 =	sadd.s32 s5, s17;
	s18 =	sadd.s32 s5, s18;
	s25 =	sadd.s32 s5, s19  }
0x13: {  	s6 =	sor.u32 s8, s6;
	s8 =	sadd.s32 s26, s2;
	s21 =	sshrl.u32 s21, $0x3  }
0x14: {  	s26 =	sadd.s32 s5, s20;
	s25 =	sshrl.u32 s25, $0x3;
	s24 =	smax.u32 s24, $0x1  }
0x15: {  	s6 =	sshrl.u32 s6, $0x3;
	s16 =	sadd.s32 s0, s21;
	s21 =	sshrl.u32 s22, $0x3  }
0x16: {  	s22 =	sshrl.u32 s23, $0x3;
	s23 =	sshrl.u32 s18, $0x3;
	s26 =	sshrl.u32 s26, $0x3  }
0x17: {  	s1 =	sadd.s32 s1, s6;
	s6 =	sadd.s32 $0x3E00, s7;
	s7 =	sor.u32 $0x2800, s15  }
0x18: {  	s15 =	sadd.s32 $0x11800, s15;
	s18 =	sadd.s32 s0, s21;
	s19 =	sadd.s32 s0, s22  }
0x19: {  	s20 =	sadd.s32 s0, s23;
	s21 =	sadd.s32 s0, s25;
	[dreg:$0x5] =	wrdreg s1  }
0x1a: {  	s22 =	sadd.s32 s0, s26;
	[dreg:$0x6] =	wrdreg s6;
	s1 =	sadd.s32 s5, s7  }
0x1b: {  	s9 =	sadd.s32 s7, s2;
	s5 =	sadd.s32 s5, s15;
	s1 =	sshrl.u32 s1, $0x3  }
0x1c: {  	s15 =	sadd.s32 s15, s2;
	s5 =	sshrl.u32 s5, $0x3;
	s17 =	sadd.s32 s0, s1  }
0x1d: {  	s23 =	sadd.s32 s0, s5;
	s0 =	simm.s32 $0x1;
	s1 =	simm.s32 $0x0  }
.LBB2_1:
0x1e: {  	s5 =	rddreg [dreg:$0x5];
	s6 =	simm.s32 $0x80;
	s7 =	simm.s32 $0x400  }
0x1f: {  	[tilespmem:s3], [sflag:$0x2] =	stream.strided.gather [hbm4b:s5+s6], $0x2780, s7, s6, $0x38;
	[tilespmem:$0x1F780] =	vst v63  }
0x20: {  	_ =	swait.ge [sflag:s28], $0x2780  }
0x21: {  	[sflag:s28] =	ssyncset.done $0x0  }
0x22: {  	s7 =	simm.s32 $0x2780;
	s25 =	rddreg [dreg:$0x6];
	[sflag:s28] =	ssyncadd.s32 $0xFFFFD880  }
0x23: {  	[tilespmem:s7], [sflag:$0x2] =	stream.linear.gather [hbm4b:s25+s3], $0x3E80, $0x38;
	[tilespmem:$0x1F780] =	vst v63  }
0x24: {  	_ =	swait.ge [sflag:s28], $0x3E80  }
0x25: {  	[sflag:s28] =	ssyncset.done $0x0  }
0x26: {  	s26 =	rddreg [dreg:$0x4];
	[sflag:s28] =	ssyncadd.s32 $0xFFFFC180  }
0x27: {  	[tilespmem:s29], [sflag:$0x2] =	stream.linear.gather [hbm4b:s26+s3], $0x2800, $0x38;
	[tilespmem:$0x1F780] =	vst v63  }
0x28: {  	_ =	swait.ge [sflag:s28], $0x2800  }
0x29: {  	[sflag:s28] =	ssyncset.done $0x0  }
0x2a: {  	[sflag:s28] =	ssyncadd.s32 $0xFFFFD800  }
0x2b: {  	[spmem:s8] =	stream.linear.scatter [tilespmem:s29], [sflag:$0x2], $0x2800, $0x38;
	[tilespmem:$0x1F780] =	vst v63  }
0x2c: {  	_ =	swait.ge [sflag:s28], $0x2800  }
0x2d: {  	[sflag:s28] =	ssyncset.done $0x0  }
0x2e: {  	[sflag:s28] =	ssyncadd.s32 $0xFFFFD800  }
0x2f: {  	[spmem:s9] =	stream.linear.scatter [tilespmem:s29], [sflag:$0x2], $0x2800, $0x38;
	[tilespmem:$0x1F780] =	vst v63  }
0x30: {  	_ =	swait.ge [sflag:s28], $0x2800  }
0x31: {  	[sflag:s28] =	ssyncset.done $0x0  }
0x32: {  	[sflag:s28] =	ssyncadd.s32 $0xFFFFD800  }
0x33: {  	[spmem:s10] =	stream.linear.scatter [tilespmem:s29], [sflag:$0x2], $0x2800, $0x38;
	[tilespmem:$0x1F780] =	vst v63  }
0x34: {  	_ =	swait.ge [sflag:s28], $0x2800  }
0x35: {  	[sflag:s28] =	ssyncset.done $0x0  }
0x36: {  	[sflag:s28] =	ssyncadd.s32 $0xFFFFD800  }
0x37: {  	[spmem:s11] =	stream.linear.scatter [tilespmem:s29], [sflag:$0x2], $0x2800, $0x38;
	[tilespmem:$0x1F780] =	vst v63  }
0x38: {  	_ =	swait.ge [sflag:s28], $0x2800  }
0x39: {  	[sflag:s28] =	ssyncset.done $0x0  }
0x3a: {  	[sflag:s28] =	ssyncadd.s32 $0xFFFFD800  }
0x3b: {  	[spmem:s12] =	stream.linear.scatter [tilespmem:s29], [sflag:$0x2], $0x2800, $0x38;
	[tilespmem:$0x1F780] =	vst v63  }
0x3c: {  	_ =	swait.ge [sflag:s28], $0x2800  }
0x3d: {  	[sflag:s28] =	ssyncset.done $0x0  }
0x3e: {  	[sflag:s28] =	ssyncadd.s32 $0xFFFFD800  }
0x3f: {  	[spmem:s13] =	stream.linear.scatter [tilespmem:s29], [sflag:$0x2], $0x2800, $0x38;
	[tilespmem:$0x1F780] =	vst v63  }
0x40: {  	_ =	swait.ge [sflag:s28], $0x2800  }
0x41: {  	[sflag:s28] =	ssyncset.done $0x0  }
0x42: {  	[sflag:s28] =	ssyncadd.s32 $0xFFFFD800  }
0x43: {  	[spmem:s14] =	stream.linear.scatter [tilespmem:s29], [sflag:$0x2], $0x2800, $0x38;
	[tilespmem:$0x1F780] =	vst v63  }
0x44: {  	_ =	swait.ge [sflag:s28], $0x2800  }
0x45: {  	[sflag:s28] =	ssyncset.done $0x0  }
0x46: {  	[sflag:s28] =	ssyncadd.s32 $0xFFFFD800  }
0x47: {  	[spmem:s15] =	stream.linear.scatter [tilespmem:s29], [sflag:$0x2], $0x2800, $0x38;
	[tilespmem:$0x1F780] =	vst v63  }
0x48: {  	_ =	swait.ge [sflag:s28], $0x2800  }
0x49: {  	[sflag:s28] =	ssyncset.done $0x0  }
0x4a: {  	[sflag:s28] =	ssyncadd.s32 $0xFFFFD800  }
0x4b: {  	s25 =	simm.s32 $0x0;
	[bflag:$0x0] =	sbarrier.arrive $0xFFFF  }
0x4c: {  	[tilespmem:s31], [sflag:$0x1] =	stream.indirect.gather [hbm4b:s4+s30], $0x80, s25, s30, $0xb8;
	[tilespmem:$0x1F780] =	vst v63  }
0x4d: {  	_ =	swait.ge [sflag:s0], $0x2800  }
0x4e: {  	[sflag:s0] =	ssyncset.done $0x0  }
0x4f: {  	[sflag:s0] =	ssyncadd.s32 $0xFFFFD800  }
0x50: {  	[spmem:s2] =	stream.indirect.scatter.add.f32 [tilespmem:s31], [sflag:$0x2], $0x80, s7, s30, $0xb8;
	[tilespmem:$0x1F780] =	vst v63  }
0x51: {  	s5 =	simm.s32 $0x280;
	_ =	swait.ge [sflag:s28], $0x2800  }
0x52: {  	s26 =	simm.s32 $0x140;
	s25 =	simm.s32 $0x2800;
	[sflag:s28] =	ssyncset.done $0x0  }
.LBB2_2:
0x53: {  	s6 =	sshra.s32 s26, $0x2  }
0x54: {  	[sflag:s28] =	ssyncadd.s32 $0xFFFFD800;
	s26 =	smov.u32 s5;
	s7 =	sadd.s32 $0x140, s5  }
0x55: {  	[tilespmem:s31], [sflag:$0x1] =	stream.indirect.gather [hbm4b:s4+s30], $0x80, s6, s30, $0xb8;
	[tilespmem:$0x1F780] =	vst v63  }
0x56: {  	p0 =	sne.s32 s5, $0x9B00;
	_ =	swait.ge [sflag:s0], $0x2800  }
.Ltmp0:
0x57: {  	[sflag:s0] =	ssyncset.done $0x0;
	(pc) =	sbr.rel @p0 .LBB2_2-.Ltmp0, $4  }
0x58: {  	[sflag:s0] =	ssyncadd.s32 $0xFFFFD800  }
0x59: {  	[spmem:s2] =	stream.indirect.scatter.add.f32 [tilespmem:s31], [sflag:$0x2], $0x80, s25, s30, $0xb8;
	[tilespmem:$0x1F780] =	vst v63  }
0x5a: {  	_ =	swait.ge [sflag:s28], $0x2800  }
0x5b: {  	s5 =	smov.u32 s7;
	s25 =	sadd.s32 $0x80, s25;
	[sflag:s28] =	ssyncset.done $0x0  }
0x5c: {  	s5 =	sshra.s32 s26, $0x2;
	[sflag:s28] =	ssyncadd.s32 $0xFFFFD800  }
0x5d: {  	[tilespmem:s31], [sflag:$0x1] =	stream.indirect.gather [hbm4b:s4+s30], $0x80, s5, s30, $0xb8;
	[tilespmem:$0x1F780] =	vst v63  }
0x5e: {  	_ =	swait.ge [sflag:s0], $0x2800  }
0x5f: {  	[sflag:s0] =	ssyncset.done $0x0  }
0x60: {  	[sflag:s0] =	ssyncadd.s32 $0xFFFFD800  }
0x61: {  	[spmem:s2] =	stream.indirect.scatter.add.f32 [tilespmem:s31], [sflag:$0x2], $0x80, s25, s30, $0xb8;
	[tilespmem:$0x1F780] =	vst v63  }
0x62: {  	_ =	swait.ge [sflag:s28], $0x2800  }
0x63: {  	[sflag:s28] =	ssyncset.done $0x0  }
0x64: {  	[sflag:s28] =	ssyncadd.s32 $0xFFFFD800  }
0x65: {  	[bflag:$0x0] =	sbarrier.arrive $0xFFFF  }
0x66: {  	[tilespmem:s29], [sflag:$0x2] =	stream.linear.gather [spmem:s8], $0x2800, $0x38;
	[tilespmem:$0x1F780] =	vst v63  }
0x67: {  	_ =	swait.ge [sflag:s28], $0x2800  }
0x68: {  	[sflag:s28] =	ssyncset.done $0x0  }
0x69: {  	[sflag:s28] =	ssyncadd.s32 $0xFFFFD800  }
0x6a: {  	[hbm4b:s16+s3] =	stream.linear.scatter [tilespmem:s29], [sflag:$0x2], $0x2800, $0x38;
	[tilespmem:$0x1F780] =	vst v63  }
0x6b: {  	_ =	swait.ge [sflag:s28], $0x2800  }
0x6c: {  	[sflag:s28] =	ssyncset.done $0x0  }
0x6d: {  	[sflag:s28] =	ssyncadd.s32 $0xFFFFD800  }
0x6e: {  	[tilespmem:s29], [sflag:$0x2] =	stream.linear.gather [spmem:s9], $0x2800, $0x38;
	[tilespmem:$0x1F780] =	vst v63  }
0x6f: {  	_ =	swait.ge [sflag:s28], $0x2800  }
0x70: {  	[sflag:s28] =	ssyncset.done $0x0  }
0x71: {  	[sflag:s28] =	ssyncadd.s32 $0xFFFFD800  }
0x72: {  	[hbm4b:s17+s3] =	stream.linear.scatter [tilespmem:s29], [sflag:$0x2], $0x2800, $0x38;
	[tilespmem:$0x1F780] =	vst v63  }
0x73: {  	_ =	swait.ge [sflag:s28], $0x2800  }
0x74: {  	[sflag:s28] =	ssyncset.done $0x0  }
0x75: {  	[sflag:s28] =	ssyncadd.s32 $0xFFFFD800  }
0x76: {  	[tilespmem:s29], [sflag:$0x2] =	stream.linear.gather [spmem:s10], $0x2800, $0x38;
	[tilespmem:$0x1F780] =	vst v63  }
0x77: {  	_ =	swait.ge [sflag:s28], $0x2800  }
0x78: {  	[sflag:s28] =	ssyncset.done $0x0  }
0x79: {  	[sflag:s28] =	ssyncadd.s32 $0xFFFFD800  }
0x7a: {  	[hbm4b:s18+s3] =	stream.linear.scatter [tilespmem:s29], [sflag:$0x2], $0x2800, $0x38;
	[tilespmem:$0x1F780] =	vst v63  }
0x7b: {  	_ =	swait.ge [sflag:s28], $0x2800  }
0x7c: {  	[sflag:s28] =	ssyncset.done $0x0  }
0x7d: {  	[sflag:s28] =	ssyncadd.s32 $0xFFFFD800  }
0x7e: {  	[tilespmem:s29], [sflag:$0x2] =	stream.linear.gather [spmem:s11], $0x2800, $0x38;
	[tilespmem:$0x1F780] =	vst v63  }
0x7f: {  	_ =	swait.ge [sflag:s28], $0x2800  }
0x80: {  	[sflag:s28] =	ssyncset.done $0x0  }
0x81: {  	[sflag:s28] =	ssyncadd.s32 $0xFFFFD800  }
0x82: {  	[hbm4b:s19+s3] =	stream.linear.scatter [tilespmem:s29], [sflag:$0x2], $0x2800, $0x38;
	[tilespmem:$0x1F780] =	vst v63  }
0x83: {  	_ =	swait.ge [sflag:s28], $0x2800  }
0x84: {  	[sflag:s28] =	ssyncset.done $0x0  }
0x85: {  	[sflag:s28] =	ssyncadd.s32 $0xFFFFD800  }
0x86: {  	[tilespmem:s29], [sflag:$0x2] =	stream.linear.gather [spmem:s12], $0x2800, $0x38;
	[tilespmem:$0x1F780] =	vst v63  }
0x87: {  	_ =	swait.ge [sflag:s28], $0x2800  }
0x88: {  	[sflag:s28] =	ssyncset.done $0x0  }
0x89: {  	[sflag:s28] =	ssyncadd.s32 $0xFFFFD800  }
0x8a: {  	[hbm4b:s20+s3] =	stream.linear.scatter [tilespmem:s29], [sflag:$0x2], $0x2800, $0x38;
	[tilespmem:$0x1F780] =	vst v63  }
0x8b: {  	_ =	swait.ge [sflag:s28], $0x2800  }
0x8c: {  	[sflag:s28] =	ssyncset.done $0x0  }
0x8d: {  	[sflag:s28] =	ssyncadd.s32 $0xFFFFD800  }
0x8e: {  	[tilespmem:s29], [sflag:$0x2] =	stream.linear.gather [spmem:s13], $0x2800, $0x38;
	[tilespmem:$0x1F780] =	vst v63  }
0x8f: {  	_ =	swait.ge [sflag:s28], $0x2800  }
0x90: {  	[sflag:s28] =	ssyncset.done $0x0  }
0x91: {  	[sflag:s28] =	ssyncadd.s32 $0xFFFFD800  }
0x92: {  	[hbm4b:s21+s3] =	stream.linear.scatter [tilespmem:s29], [sflag:$0x2], $0x2800, $0x38;
	[tilespmem:$0x1F780] =	vst v63  }
0x93: {  	_ =	swait.ge [sflag:s28], $0x2800  }
0x94: {  	[sflag:s28] =	ssyncset.done $0x0  }
0x95: {  	[sflag:s28] =	ssyncadd.s32 $0xFFFFD800  }
0x96: {  	[tilespmem:s29], [sflag:$0x2] =	stream.linear.gather [spmem:s14], $0x2800, $0x38;
	[tilespmem:$0x1F780] =	vst v63  }
0x97: {  	_ =	swait.ge [sflag:s28], $0x2800  }
0x98: {  	[sflag:s28] =	ssyncset.done $0x0  }
0x99: {  	[sflag:s28] =	ssyncadd.s32 $0xFFFFD800  }
0x9a: {  	[hbm4b:s22+s3] =	stream.linear.scatter [tilespmem:s29], [sflag:$0x2], $0x2800, $0x38;
	[tilespmem:$0x1F780] =	vst v63  }
0x9b: {  	_ =	swait.ge [sflag:s28], $0x2800  }
0x9c: {  	[sflag:s28] =	ssyncset.done $0x0  }
0x9d: {  	[sflag:s28] =	ssyncadd.s32 $0xFFFFD800  }
0x9e: {  	[tilespmem:s29], [sflag:$0x2] =	stream.linear.gather [spmem:s15], $0x2800, $0x38;
	[tilespmem:$0x1F780] =	vst v63  }
0x9f: {  	s1 =	sadd.s32 $0x1, s1;
	_ =	swait.ge [sflag:s28], $0x2800  }
0xa0: {  	p0 =	sne.s32 s1, s24;
	[sflag:s28] =	ssyncset.done $0x0  }
.Ltmp1:
0xa1: {  	[sflag:s28] =	ssyncadd.s32 $0xFFFFD800;
	(pc) =	sbr.rel @p0 .LBB2_1-.Ltmp1, $4  }
0xa2: {  	[hbm4b:s23+s3] =	stream.linear.scatter [tilespmem:s29], [sflag:$0x2], $0x2800, $0x38;
	[tilespmem:$0x1F780] =	vst v63  }
0xa3: {  	_ =	swait.ge [sflag:s28], $0x2800  }
0xa4: {  	[sflag:s28] =	ssyncset.done $0x0  }
0xa5: {  	[sflag:s28] =	ssyncadd.s32 $0xFFFFD800  }
0xa6: {  	_ =	sfence.sel $0x180000  }
0xa7: {  	[bflag:$0x0] =	sbarrier.arrive $0xFFFF  }
0xa8: {  	_ =	strace $0x90000050  }
0xa9: {  	s0 =	stileid.u32;
	[bflag:$0x2] =	sbarrier.arrive $0xFFFF  }
0xaa: {  	p0 =	sne.s32 s0, $0x0;
	s0 =	rddreg [dreg:$0x3]  }
0xab: {  	s0 =	sadd.s32 @!p0 $0x100000, s0  }
0xac: {  	[sflag:s0] =	ssyncadd.tile.s32 @!p0 $0x1;
	_ =	shalt  }
.Lfunc_end2:
_tile_overlayer_lowered:
.L_overlay_start_2:
0xad: {  	(tag) =	ssettag $0x2  }
0xae: {  	s0 =	rddreg [dreg:$0x0];
	s2 =	stileid.u32  }
0xaf: {  	s1 =	rddreg [dreg:$0x1];
	p0 =	sne.s32 s2, $0x0  }
0xb0: {  	s3 =	rddreg [dreg:$0x2];
	[bflag:$0x3] =	sbarrier.arrive $0xFFFF;
	s2 =	simm.s32 @!p0 $0x1C02  }
0xb1: {  	[timem:s3], [sflag:s2] =	dma.local @!p0 [hbm:s0], s1  }
0xb2: {  	s0 =	simm.s32 @!p0 $0x2  }
0xb3: {  	_ =	swait.ge @!p0 [sflag:s0], s1  }
0xb4: {  	s1 =	ssub.s32 @!p0 $0x0, s1;
	[sflag:s0] =	ssyncset.done @!p0 $0x0  }
0xb5: {  	[sflag:s0] =	ssyncadd.s32 @!p0 s1  }
0xb6: {  	[bflag:$0x3] =	sbarrier.arrive $0xFFFF  }
0xb7: {  	_ =	shalt  }

// kernel: sage_agg_w128.5.cloned.1.call-start
scs
__scs_entry_jumppad:
0x0: {  	(pc) =	sbr.rel $0x88, $3  }
0x1: {  	(tag) =	ssettag $0x0;
	lr =	simm.s32 $0x1  }
0x2: {  	[smem:$0x3F8F] =	sst lr;
	_ =	strace $0xD0000000  }
0x3: {  	_ = 	snop  }
0x4: {  	_ = 	snop  }
0x5: {  	_ = 	snop  }
0x6: {  	_ = 	snop  }
0x7: {  	_ = 	snop  }
__scs_overlays_trampoline_lowered:
0x8: {  	[smem:$0x3F9E] =	sst s0  }
0x9: {  	[smem:$0x3F9F] =	sst s1  }
0xa: {  	[smem:$0x3FA0] =	sst s2  }
0xb: {  	[smem:$0x3FA1] =	sst s3  }
0xc: {  	[smem:$0x3FA2] =	sst s4  }
0xd: {  	[smem:$0x3FA3] =	sst s5  }
0xe: {  	[smem:$0x3FA4] =	sst s6  }
0xf: {  	[smem:$0x3FA5] =	sst s7  }
0x10: {  	[smem:$0x3FA6] =	sst s8  }
0x11: {  	[smem:$0x3FA7] =	sst s9;
	s0 =	simm.s32 @!p0 $0x0  }
0x12: {  	s1 =	sld [smem:$0x3F8D];
	s0 =	simm.s32 @p0 $0x1  }
0x13: {  	[smem:$0x3FA8] =	sst s0;
	s0 =	simm.s32 @!p1 $0x0  }
0x14: {  	s2 =	sld [smem:$0x3F8C];
	s0 =	simm.s32 @p1 $0x1  }
0x15: {  	[smem:$0x3FA9] =	sst s0;
	s0 =	simm.s32 @!p2 $0x0  }
0x16: {  	s3 =	sld [smem:$0x3FDB];
	s0 =	simm.s32 @p2 $0x1  }
0x17: {  	s4 =	simm.s32 $0x1BF5;
	[smem:$0x3FAB] =	sst s0  }
0x18: {  	s0 =	sld [smem:$0x3F8E];
	_ =	swait.ge [sflag:s4], $0x0  }
0x19: {  	s7 =	sld [smem:$0x3F8F]  }
0x1a: {  	s8 =	sadd.s32 $0xFFFFE003, lr  }
0x1b: {  	s9 =	sadd.s32 $0xFFFFFEF7, lr;
	s5 =	simm.s32 $0xFFFFFFFF;
	p2 =	slt.u32 s8, $0xFFFFF086  }
0x1c: {  	p1 =	slt.u32 s9, $0xF7A;
	s5 =	simm.s32 @!p2 $0x0  }
0x1d: {  	s5 =	simm.s32 @p1 $0x1;
	p0 =	seq.s32 s7, s2  }
0x1e: {  	s7 =	smul.u32 @!p0 $0xF7A, s2;
	p2 =	seq.s32 @!p0 s5, $0x0  }
0x1f: {  	s9 =	smul.u32 $0xF7A, s1;
	s8 =	simm.s32 @!p0 $0x1BF5;
	p2 =	por !p2, p0  }
0x20: {  	[sflag:s8] =	ssyncset.s32 @!p0 $0xFFFFF086;
	s6 =	sadd.s32 @!p0 s3, s7;
	s7 =	simm.s32 @!p0 $0x108  }
0x21: {  	s3 =	sadd.s32 s3, s9;
	s6 =	sadd.s32 @!p0 $0x88, s6;
	s7 =	simm.s32 @p2 $0x1082  }
0x22: {  	[simem:s7], [sflag:s8] =	dma.local @!p0 [hbm:s6], $0xF7A  }
0x23: {  	s9 =	sor.u32 $0xD0000000, s2;
	s6 =	simm.s32 $0x108;
	_ =	swait.ge @!p0 [sflag:s8], $0x0  }
0x24: {  	s3 =	sadd.s32 $0x88, s3;
	s6 =	simm.s32 @!p1 $0x1082;
	[sflag:s4] =	ssyncset.s32 $0xFFFFF086  }
0x25: {  	[simem:s6], [sflag:s4] =	dma.local [hbm:s3], $0xF7A  }
0x26: {  	[smem:$0x3F8F] =	sst s1;
	(tag) =	ssettag s2;
	_ =	strace s9  }
0x27: {  	s1 =	sld [smem:$0x3F9F]  }
0x28: {  	s2 =	sld [smem:$0x3FA0]  }
0x29: {  	s4 =	sld [smem:$0x3FA2]  }
0x2a: {  	p0 =	seq.s32 s5, $0x0;
	s5 =	sld [smem:$0x3FA3]  }
0x2b: {  	s6 =	sld [smem:$0x3FA4]  }
0x2c: {  	s7 =	sld [smem:$0x3FA5]  }
0x2d: {  	s3 =	simm.s32 $0x108;
	s8 =	sld [smem:$0x3FA6]  }
0x2e: {  	s3 =	simm.s32 @!p0 $0x1082;
	s9 =	sld [smem:$0x3FA7]  }
0x2f: {  	lr =	sadd.s32 s0, s3;
	s0 =	sld [smem:$0x3F9E]  }
0x30: {  	s3 =	sld [smem:$0x3FA1]  }
0x31: {  	[smem:$0x3FAA] =	sst s10  }
0x32: {  	s10 =	sld [smem:$0x3FA8];
	_ =	sdelay $0x3  }
0x33: {  	p0 =	seq.s32 s10, $0x1;
	s10 =	sld [smem:$0x3FAA];
	_ =	sdelay $0x3  }
0x34: {  	[smem:$0x3FAA] =	sst s10  }
0x35: {  	s10 =	sld [smem:$0x3FA9];
	_ =	sdelay $0x3  }
0x36: {  	p1 =	seq.s32 s10, $0x1;
	s10 =	sld [smem:$0x3FAA];
	_ =	sdelay $0x3  }
0x37: {  	[smem:$0x3FAA] =	sst s10  }
0x38: {  	s10 =	sld [smem:$0x3FAB]  }
0x39: {  	_ = 	snop;
	(pc) =	sbr.ind lr, $3  }
0x3a: {  	_ = 	snop  }
0x3b: {  	_ = 	snop  }
0x3c: {  	p2 =	seq.s32 s10, $0x1;
	s10 =	sld [smem:$0x3FAA]  }
0x3d: {  	_ =	shalt  }
0x3e: {  	_ =	shalt  }
0x3f: {  	_ =	shalt  }
0x40: {  	_ =	shalt  }
0x41: {  	_ =	shalt  }
0x42: {  	_ =	shalt  }
0x43: {  	_ =	shalt  }
0x44: {  	_ =	shalt  }
0x45: {  	_ =	shalt  }
0x46: {  	_ =	shalt  }
0x47: {  	_ =	shalt  }
0x48: {  	_ =	shalt  }
0x49: {  	_ =	shalt  }
0x4a: {  	_ =	shalt  }
0x4b: {  	_ =	shalt  }
0x4c: {  	_ =	shalt  }
0x4d: {  	_ =	shalt  }
0x4e: {  	_ =	shalt  }
0x4f: {  	_ =	shalt  }
0x50: {  	_ =	shalt  }
0x51: {  	_ =	shalt  }
0x52: {  	_ =	shalt  }
0x53: {  	_ =	shalt  }
0x54: {  	_ =	shalt  }
0x55: {  	_ =	shalt  }
0x56: {  	_ =	shalt  }
0x57: {  	_ =	shalt  }
0x58: {  	_ =	shalt  }
0x59: {  	_ =	shalt  }
0x5a: {  	_ =	shalt  }
0x5b: {  	_ =	shalt  }
0x5c: {  	_ =	shalt  }
0x5d: {  	_ =	shalt  }
0x5e: {  	_ =	shalt  }
0x5f: {  	_ =	shalt  }
0x60: {  	_ =	shalt  }
0x61: {  	_ =	shalt  }
0x62: {  	_ =	shalt  }
0x63: {  	_ =	shalt  }
0x64: {  	_ =	shalt  }
0x65: {  	_ =	shalt  }
0x66: {  	_ =	shalt  }
0x67: {  	_ =	shalt  }
0x68: {  	_ =	shalt  }
0x69: {  	_ =	shalt  }
0x6a: {  	_ =	shalt  }
0x6b: {  	_ =	shalt  }
0x6c: {  	_ =	shalt  }
0x6d: {  	_ =	shalt  }
0x6e: {  	_ =	shalt  }
0x6f: {  	_ =	shalt  }
0x70: {  	_ =	shalt  }
0x71: {  	_ =	shalt  }
0x72: {  	_ =	shalt  }
0x73: {  	_ =	shalt  }
0x74: {  	_ =	shalt  }
0x75: {  	_ =	shalt  }
0x76: {  	_ =	shalt  }
0x77: {  	_ =	shalt  }
0x78: {  	_ =	shalt  }
0x79: {  	_ =	shalt  }
0x7a: {  	_ =	shalt  }
0x7b: {  	_ =	shalt  }
0x7c: {  	_ =	shalt  }
0x7d: {  	_ =	shalt  }
0x7e: {  	_ =	shalt  }
0x7f: {  	_ =	shalt  }
0x80: {  	_ =	shalt  }
0x81: {  	_ =	shalt  }
0x82: {  	_ =	shalt  }
0x83: {  	_ =	shalt  }
0x84: {  	_ =	shalt  }
0x85: {  	_ =	shalt  }
0x86: {  	_ =	shalt  }
0x87: {  	_ =	shalt  }
.Lfunc_end0:
.L_simem_size_0:
called_computation.1_lowered:
.L_overlay_start_0:
0x88: {  	s2 =	sld [smem:$0x3FD9]  }
0x89: {  	s3 =	sld [smem:$0x3FFE];
	_ =	sdelay $0x1  }
0x8a: {  	s1 =	srdreg.scid  }
0x8b: {  	s0 =	sand.u32 $0x1, s1  }
0x8c: {  	s17 =	sshll.u32 s0, $0xA;
	s2 =	sadd.s32 s3, s2  }
0x8d: {  	s2 =	sadd.s32 s2, s17  }
0x8e: {  	[smem:$0x3FB6] =	sst s2  }
0x8f: {  	_ = 	snop  }
0x90: {  	s2 =	sld [smem:$0x3FC9]  }
0x91: {  	s18 =	sld [smem:$0x3FD0];
	(tm) =	ssettm $0x1  }
0x92: {  	s4 =	sld [smem:$0x3FFB];
	_ =	sdelay $0x3  }
0x93: {  	_ =	strace s4  }
0x94: {  	s4 =	sld [smem:$0x3FFC];
	_ =	sdelay $0x3  }
0x95: {  	_ =	strace s4  }
0x96: {  	s4 =	sld [smem:$0x3FFD];
	_ =	sdelay $0x3  }
0x97: {  	_ =	strace s4  }
0x98: {  	_ =	strace $0x8FFFFFFF  }
0x99: {  	s19 =	sld [smem:$0x3FDB];
	_ =	sdelay $0x1  }
0x9a: {  	s5 =	simm.s32 $_scs_section_size  }
0x9b: {  	s6 =	simm.s32 $_size__tile_overlayer_lowered;
	s7 =	simm.s32 $_tile_overlayer_lowered  }
0x9c: {  	s22 =	simm.s32 $0x1BFF;
	s21 =	sshll.u32 s7, $0x1;
	s4 =	sadd.s32 s5, s19  }
0x9d: {  	s8 =	simm.s32 $0x0;
	s20 =	sshll.u32 s6, $0x1;
	s6 =	sadd.s32 s21, s4  }
0x9e: {  	[timem:s8], [sflag:s22] =	dma.local [hbm:s6], s20  }
0x9f: {  	_ =	swait.ge [sflag:s22], s20  }
0xa0: {  	s5 =	ssub.s32 $0x0, s20;
	[sflag:s22] =	ssyncset.done $0x0  }
0xa1: {  	[sflag:s22] =	ssyncadd.s32 s5;
	_ =	sdelay $0x1  }
0xa2: {  	s23 =	simm.s32 $0x1B8B  }
0xa3: {  	_ =	swait.ge [sflag:s23], $0x1  }
0xa4: {  	[sflag:s23] =	ssyncset.done $0x0  }
0xa5: {  	s25 =	simm.s32 $0x1B8E;
	s24 =	sld [smem:$0x3FFE];
	[sflag:s23] =	ssyncadd.s32 $0xFFFFFFFF  }
0xa6: {  	s26 =	simm.s32 $execute0_lowered;
	[smem:$0x3FD2] =	sst s25  }
0xa7: {  	s6 =	sshll.u32 s26, $0x1;
	_ =	strace $0x80000046;
	[dreg:$0x1] =	wrdreg $0xFFFFFFFF  }
0xa8: {  	s28 =	simm.s32 $_size_execute0_lowered;
	s4 =	sadd.s32 s4, s6;
	[dreg:$0x0] =	wrdreg $0x0  }
0xa9: {  	s6 =	sshll.u32 s28, $0x1;
	[dreg:$0x2] =	wrdreg s4  }
0xaa: {  	[dreg:$0x3] =	wrdreg s6  }
0xab: {  	[dreg:$0x4] =	wrdreg $0xC0  }
0xac: {  	_ =	task [dreg:s8], $0x5FFFF  }
0xad: {  	[dreg:$0x1] =	wrdreg $0xFFFFFFFF  }
0xae: {  	[dreg:$0x0] =	wrdreg $0x60  }
0xaf: {  	[dreg:$0x2] =	wrdreg s2  }
0xb0: {  	[dreg:$0x3] =	wrdreg s18  }
0xb1: {  	[dreg:$0x4] =	wrdreg s24  }
0xb2: {  	[dreg:$0x5] =	wrdreg $0xB7800  }
0xb3: {  	[dreg:$0x6] =	wrdreg $0xA  }
0xb4: {  	_ =	task.clear_ibuf [dreg:s8], $0x7FFFF;
	_ =	strace $0x90000046  }
0xb5: {  	s29 =	simm.s32 $0xA;
	_ =	strace $0x80000048  }
0xb6: {  	_ =	swait.ge [sflag:s29], $0x1  }
0xb7: {  	[sflag:s29] =	ssyncadd.s32 $0xFFFFFFFF  }
0xb8: {  	_ =	strace $0x90000048  }
0xb9: {  	_ =	sfence  }
0xba: {  	s30 =	sld [smem:$0x0];
	_ =	sdelay $0x2  }
0xbb: {  	s31 =	sshll.u32 s1, $0xD;
	s1 =	sshrl.u32 s1, $0x2  }
0xbc: {  	s3 =	sand.u32 $0x4000, s31;
	s1 =	sadd.s32 s1, s30  }
0xbd: {  	s0 =	sor.u32 s3, s0;
	s1 =	sshll.u32 s1, $0x11  }
0xbe: {  	s0 =	sor.u32 s1, s0  }
0xbf: {  	s0 =	sadd.s32 $0x8F2B, s0  }
0xc0: {  	[sflag:s0] =	ssyncadd.remote.s32 $0x1  }
0xc1: {  	_ =	sfence.sel $0xFFFF  }
0xc2: {  	[dreg:$0x0] =	wrdreg $0xFFFFFFFF;
	(pc) =	sbr.abs _section_cstart, $3  }
0xc3: {  	[dreg:$0x1] =	wrdreg $0xFFFFFFFF  }
0xc4: {  	_ =	task.clear_ibuf [dreg:s8], $0x2FFFF;
	_ =	strace $0x9FFFFFFF  }
0xc5: {  	(tm) =	ssettm $0x7FFFFFFF  }
tec
execute0_lowered:
.L_overlay_start_1:
0x0: {  	(tag) =	ssettag $0x1  }
0x1: {  	s1 =	rddreg [dreg:$0x0]  }
0x2: {  	s0 =	rddreg [dreg:$0x1]  }
0x3: {  	s2 =	rddreg [dreg:$0x2]  }
0x4: {  	s3 =	rddreg [dreg:$0x3];
	s5 =	srdreg.scid  }
0x5: {  	s12 =	stileid.u32;
	s4 =	simm.s32 $0x0;
	s28 =	simm.s32 $0x2  }
0x6: {  	s29 =	simm.s32 $0x8F80;
	s30 =	simm.s32 $0x50;
	s31 =	simm.s32 $0x6780  }
0x7: {  	s5 =	sand.u32 $0x1, s5;
	s6 =	sshll.u32 s12, $0x1;
	[smem:$0x7FF] =	sst s4  }
0x8: {  	s8 =	sadd.s32 $0x13E00, s2;
	s25 =	sshrl.u32 s12, $0x2;
	s11 =	smul.u32 $0x50000, s12  }
0x9: {  	s15 =	smul.u32 $0x14000, s12;
	s6 =	sor.u32 s5, s6;
	_ =	strace $0x80000047  }
0xa: {  	[dreg:$0x5] =	wrdreg s8;
	s9 =	ssub.s32 $0x2, s5;
	s8 =	smul.u32 $0x13C00, s25  }
0xb: {  	s5 =	smul.u32 $0x140000, s5;
	s7 =	sshll.u32 s6, $0xB;
	s6 =	sshll.u32 s6, $0x7  }
0xc: {  	s10 =	sshrl.u32 s9, $0x1;
	s26 =	sshrl.u32 s11, $0x2;
	s16 =	sadd.s32 $0x5000, s15  }
0xd: {  	s17 =	sadd.s32 $0x7800, s15;
	s18 =	sadd.s32 $0xA000, s15;
	s19 =	sadd.s32 $0xC800, s15  }
0xe: {  	s20 =	sadd.s32 $0xF000, s15;
	s7 =	sadd.s32 s7, s2;
	s6 =	sand.u32 $0x380, s6  }
0xf: {  	s2 =	sadd.s32 $0x14400, s2;
	s24 =	ssub.s32 s9, s10;
	s10 =	sadd.s32 s16, s3  }
0x10: {  	s11 =	sadd.s32 s17, s3;
	s12 =	sadd.s32 s18, s3;
	s13 =	sadd.s32 s19, s3  }
0x11: {  	s14 =	sadd.s32 s20, s3;
	s21 =	sadd.s32 s15, s5;
	s22 =	sadd.s32 s5, s16  }
0x12: {  	s23 =	sadd.s32 s5, s17;
	s18 =	sadd.s32 s5, s18;
	s25 =	sadd.s32 s5, s19  }
0x13: {  	s6 =	sor.u32 s8, s6;
	s8 =	sadd.s32 s26, s3;
	s21 =	sshrl.u32 s21, $0x3  }
0x14: {  	s26 =	sadd.s32 s5, s20;
	s25 =	sshrl.u32 s25, $0x3;
	s24 =	smax.u32 s24, $0x1  }
0x15: {  	s6 =	sshrl.u32 s6, $0x3;
	s16 =	sadd.s32 s2, s21;
	s21 =	sshrl.u32 s22, $0x3  }
0x16: {  	s22 =	sshrl.u32 s23, $0x3;
	s23 =	sshrl.u32 s18, $0x3;
	s26 =	sshrl.u32 s26, $0x3  }
0x17: {  	s0 =	sadd.s32 s0, s6;
	s6 =	sadd.s32 $0x3E00, s7;
	s7 =	sor.u32 $0x2800, s15  }
0x18: {  	s15 =	sadd.s32 $0x11800, s15;
	s18 =	sadd.s32 s2, s21;
	s19 =	sadd.s32 s2, s22  }
0x19: {  	s20 =	sadd.s32 s2, s23;
	s21 =	sadd.s32 s2, s25;
	[dreg:$0x6] =	wrdreg s0  }
0x1a: {  	s22 =	sadd.s32 s2, s26;
	[dreg:$0x7] =	wrdreg s6;
	s0 =	sadd.s32 s5, s7  }
0x1b: {  	s9 =	sadd.s32 s7, s3;
	s5 =	sadd.s32 s5, s15;
	s0 =	sshrl.u32 s0, $0x3  }
0x1c: {  	s15 =	sadd.s32 s15, s3;
	s5 =	sshrl.u32 s5, $0x3;
	s17 =	sadd.s32 s2, s0  }
0x1d: {  	s23 =	sadd.s32 s2, s5;
	s0 =	simm.s32 $0x1;
	s2 =	simm.s32 $0x0  }
.LBB2_1:
0x1e: {  	s5 =	rddreg [dreg:$0x6];
	s6 =	simm.s32 $0x80;
	s7 =	simm.s32 $0x400  }
0x1f: {  	[tilespmem:s4], [sflag:$0x2] =	stream.strided.gather [hbm4b:s5+s6], $0x2780, s7, s6, $0x38;
	[tilespmem:$0x1F780] =	vst v63  }
0x20: {  	_ =	swait.ge [sflag:s28], $0x2780  }
0x21: {  	[sflag:s28] =	ssyncset.done $0x0  }
0x22: {  	s7 =	simm.s32 $0x2780;
	s25 =	rddreg [dreg:$0x7];
	[sflag:s28] =	ssyncadd.s32 $0xFFFFD880  }
0x23: {  	[tilespmem:s7], [sflag:$0x2] =	stream.linear.gather [hbm4b:s25+s4], $0x3E80, $0x38;
	[tilespmem:$0x1F780] =	vst v63  }
0x24: {  	_ =	swait.ge [sflag:s28], $0x3E80  }
0x25: {  	[sflag:s28] =	ssyncset.done $0x0  }
0x26: {  	s26 =	rddreg [dreg:$0x5];
	[sflag:s28] =	ssyncadd.s32 $0xFFFFC180  }
0x27: {  	[tilespmem:s29], [sflag:$0x2] =	stream.linear.gather [hbm4b:s26+s4], $0x2800, $0x38;
	[tilespmem:$0x1F780] =	vst v63  }
0x28: {  	_ =	swait.ge [sflag:s28], $0x2800  }
0x29: {  	[sflag:s28] =	ssyncset.done $0x0  }
0x2a: {  	[sflag:s28] =	ssyncadd.s32 $0xFFFFD800  }
0x2b: {  	[spmem:s8] =	stream.linear.scatter [tilespmem:s29], [sflag:$0x2], $0x2800, $0x38;
	[tilespmem:$0x1F780] =	vst v63  }
0x2c: {  	_ =	swait.ge [sflag:s28], $0x2800  }
0x2d: {  	[sflag:s28] =	ssyncset.done $0x0  }
0x2e: {  	[sflag:s28] =	ssyncadd.s32 $0xFFFFD800  }
0x2f: {  	[spmem:s9] =	stream.linear.scatter [tilespmem:s29], [sflag:$0x2], $0x2800, $0x38;
	[tilespmem:$0x1F780] =	vst v63  }
0x30: {  	_ =	swait.ge [sflag:s28], $0x2800  }
0x31: {  	[sflag:s28] =	ssyncset.done $0x0  }
0x32: {  	[sflag:s28] =	ssyncadd.s32 $0xFFFFD800  }
0x33: {  	[spmem:s10] =	stream.linear.scatter [tilespmem:s29], [sflag:$0x2], $0x2800, $0x38;
	[tilespmem:$0x1F780] =	vst v63  }
0x34: {  	_ =	swait.ge [sflag:s28], $0x2800  }
0x35: {  	[sflag:s28] =	ssyncset.done $0x0  }
0x36: {  	[sflag:s28] =	ssyncadd.s32 $0xFFFFD800  }
0x37: {  	[spmem:s11] =	stream.linear.scatter [tilespmem:s29], [sflag:$0x2], $0x2800, $0x38;
	[tilespmem:$0x1F780] =	vst v63  }
0x38: {  	_ =	swait.ge [sflag:s28], $0x2800  }
0x39: {  	[sflag:s28] =	ssyncset.done $0x0  }
0x3a: {  	[sflag:s28] =	ssyncadd.s32 $0xFFFFD800  }
0x3b: {  	[spmem:s12] =	stream.linear.scatter [tilespmem:s29], [sflag:$0x2], $0x2800, $0x38;
	[tilespmem:$0x1F780] =	vst v63  }
0x3c: {  	_ =	swait.ge [sflag:s28], $0x2800  }
0x3d: {  	[sflag:s28] =	ssyncset.done $0x0  }
0x3e: {  	[sflag:s28] =	ssyncadd.s32 $0xFFFFD800  }
0x3f: {  	[spmem:s13] =	stream.linear.scatter [tilespmem:s29], [sflag:$0x2], $0x2800, $0x38;
	[tilespmem:$0x1F780] =	vst v63  }
0x40: {  	_ =	swait.ge [sflag:s28], $0x2800  }
0x41: {  	[sflag:s28] =	ssyncset.done $0x0  }
0x42: {  	[sflag:s28] =	ssyncadd.s32 $0xFFFFD800  }
0x43: {  	[spmem:s14] =	stream.linear.scatter [tilespmem:s29], [sflag:$0x2], $0x2800, $0x38;
	[tilespmem:$0x1F780] =	vst v63  }
0x44: {  	_ =	swait.ge [sflag:s28], $0x2800  }
0x45: {  	[sflag:s28] =	ssyncset.done $0x0  }
0x46: {  	[sflag:s28] =	ssyncadd.s32 $0xFFFFD800  }
0x47: {  	[spmem:s15] =	stream.linear.scatter [tilespmem:s29], [sflag:$0x2], $0x2800, $0x38;
	[tilespmem:$0x1F780] =	vst v63  }
0x48: {  	_ =	swait.ge [sflag:s28], $0x2800  }
0x49: {  	[sflag:s28] =	ssyncset.done $0x0  }
0x4a: {  	[sflag:s28] =	ssyncadd.s32 $0xFFFFD800  }
0x4b: {  	s25 =	simm.s32 $0x0;
	[bflag:$0x0] =	sbarrier.arrive $0xFFFF  }
0x4c: {  	[tilespmem:s31], [sflag:$0x1] =	stream.indirect.gather [hbm4b:s1+s30], $0x80, s25, s30, $0xb8;
	[tilespmem:$0x1F780] =	vst v63  }
0x4d: {  	_ =	swait.ge [sflag:s0], $0x2800  }
0x4e: {  	[sflag:s0] =	ssyncset.done $0x0  }
0x4f: {  	[sflag:s0] =	ssyncadd.s32 $0xFFFFD800  }
0x50: {  	[spmem:s3] =	stream.indirect.scatter.add.f32 [tilespmem:s31], [sflag:$0x2], $0x80, s7, s30, $0xb8;
	[tilespmem:$0x1F780] =	vst v63  }
0x51: {  	s5 =	simm.s32 $0x280;
	_ =	swait.ge [sflag:s28], $0x2800  }
0x52: {  	s26 =	simm.s32 $0x140;
	s25 =	simm.s32 $0x2800;
	[sflag:s28] =	ssyncset.done $0x0  }
.LBB2_2:
0x53: {  	s6 =	sshra.s32 s26, $0x2  }
0x54: {  	[sflag:s28] =	ssyncadd.s32 $0xFFFFD800;
	s26 =	smov.u32 s5;
	s7 =	sadd.s32 $0x140, s5  }
0x55: {  	[tilespmem:s31], [sflag:$0x1] =	stream.indirect.gather [hbm4b:s1+s30], $0x80, s6, s30, $0xb8;
	[tilespmem:$0x1F780] =	vst v63  }
0x56: {  	p0 =	sne.s32 s5, $0x9B00;
	_ =	swait.ge [sflag:s0], $0x2800  }
.Ltmp0:
0x57: {  	[sflag:s0] =	ssyncset.done $0x0;
	(pc) =	sbr.rel @p0 .LBB2_2-.Ltmp0, $4  }
0x58: {  	[sflag:s0] =	ssyncadd.s32 $0xFFFFD800  }
0x59: {  	[spmem:s3] =	stream.indirect.scatter.add.f32 [tilespmem:s31], [sflag:$0x2], $0x80, s25, s30, $0xb8;
	[tilespmem:$0x1F780] =	vst v63  }
0x5a: {  	_ =	swait.ge [sflag:s28], $0x2800  }
0x5b: {  	s5 =	smov.u32 s7;
	s25 =	sadd.s32 $0x80, s25;
	[sflag:s28] =	ssyncset.done $0x0  }
0x5c: {  	s5 =	sshra.s32 s26, $0x2;
	[sflag:s28] =	ssyncadd.s32 $0xFFFFD800  }
0x5d: {  	[tilespmem:s31], [sflag:$0x1] =	stream.indirect.gather [hbm4b:s1+s30], $0x80, s5, s30, $0xb8;
	[tilespmem:$0x1F780] =	vst v63  }
0x5e: {  	_ =	swait.ge [sflag:s0], $0x2800  }
0x5f: {  	[sflag:s0] =	ssyncset.done $0x0  }
0x60: {  	[sflag:s0] =	ssyncadd.s32 $0xFFFFD800  }
0x61: {  	[spmem:s3] =	stream.indirect.scatter.add.f32 [tilespmem:s31], [sflag:$0x2], $0x80, s25, s30, $0xb8;
	[tilespmem:$0x1F780] =	vst v63  }
0x62: {  	_ =	swait.ge [sflag:s28], $0x2800  }
0x63: {  	[sflag:s28] =	ssyncset.done $0x0  }
0x64: {  	[sflag:s28] =	ssyncadd.s32 $0xFFFFD800  }
0x65: {  	[bflag:$0x0] =	sbarrier.arrive $0xFFFF  }
0x66: {  	[tilespmem:s29], [sflag:$0x2] =	stream.linear.gather [spmem:s8], $0x2800, $0x38;
	[tilespmem:$0x1F780] =	vst v63  }
0x67: {  	_ =	swait.ge [sflag:s28], $0x2800  }
0x68: {  	[sflag:s28] =	ssyncset.done $0x0  }
0x69: {  	[sflag:s28] =	ssyncadd.s32 $0xFFFFD800  }
0x6a: {  	[hbm4b:s16+s4] =	stream.linear.scatter [tilespmem:s29], [sflag:$0x2], $0x2800, $0x38;
	[tilespmem:$0x1F780] =	vst v63  }
0x6b: {  	_ =	swait.ge [sflag:s28], $0x2800  }
0x6c: {  	[sflag:s28] =	ssyncset.done $0x0  }
0x6d: {  	[sflag:s28] =	ssyncadd.s32 $0xFFFFD800  }
0x6e: {  	[tilespmem:s29], [sflag:$0x2] =	stream.linear.gather [spmem:s9], $0x2800, $0x38;
	[tilespmem:$0x1F780] =	vst v63  }
0x6f: {  	_ =	swait.ge [sflag:s28], $0x2800  }
0x70: {  	[sflag:s28] =	ssyncset.done $0x0  }
0x71: {  	[sflag:s28] =	ssyncadd.s32 $0xFFFFD800  }
0x72: {  	[hbm4b:s17+s4] =	stream.linear.scatter [tilespmem:s29], [sflag:$0x2], $0x2800, $0x38;
	[tilespmem:$0x1F780] =	vst v63  }
0x73: {  	_ =	swait.ge [sflag:s28], $0x2800  }
0x74: {  	[sflag:s28] =	ssyncset.done $0x0  }
0x75: {  	[sflag:s28] =	ssyncadd.s32 $0xFFFFD800  }
0x76: {  	[tilespmem:s29], [sflag:$0x2] =	stream.linear.gather [spmem:s10], $0x2800, $0x38;
	[tilespmem:$0x1F780] =	vst v63  }
0x77: {  	_ =	swait.ge [sflag:s28], $0x2800  }
0x78: {  	[sflag:s28] =	ssyncset.done $0x0  }
0x79: {  	[sflag:s28] =	ssyncadd.s32 $0xFFFFD800  }
0x7a: {  	[hbm4b:s18+s4] =	stream.linear.scatter [tilespmem:s29], [sflag:$0x2], $0x2800, $0x38;
	[tilespmem:$0x1F780] =	vst v63  }
0x7b: {  	_ =	swait.ge [sflag:s28], $0x2800  }
0x7c: {  	[sflag:s28] =	ssyncset.done $0x0  }
0x7d: {  	[sflag:s28] =	ssyncadd.s32 $0xFFFFD800  }
0x7e: {  	[tilespmem:s29], [sflag:$0x2] =	stream.linear.gather [spmem:s11], $0x2800, $0x38;
	[tilespmem:$0x1F780] =	vst v63  }
0x7f: {  	_ =	swait.ge [sflag:s28], $0x2800  }
0x80: {  	[sflag:s28] =	ssyncset.done $0x0  }
0x81: {  	[sflag:s28] =	ssyncadd.s32 $0xFFFFD800  }
0x82: {  	[hbm4b:s19+s4] =	stream.linear.scatter [tilespmem:s29], [sflag:$0x2], $0x2800, $0x38;
	[tilespmem:$0x1F780] =	vst v63  }
0x83: {  	_ =	swait.ge [sflag:s28], $0x2800  }
0x84: {  	[sflag:s28] =	ssyncset.done $0x0  }
0x85: {  	[sflag:s28] =	ssyncadd.s32 $0xFFFFD800  }
0x86: {  	[tilespmem:s29], [sflag:$0x2] =	stream.linear.gather [spmem:s12], $0x2800, $0x38;
	[tilespmem:$0x1F780] =	vst v63  }
0x87: {  	_ =	swait.ge [sflag:s28], $0x2800  }
0x88: {  	[sflag:s28] =	ssyncset.done $0x0  }
0x89: {  	[sflag:s28] =	ssyncadd.s32 $0xFFFFD800  }
0x8a: {  	[hbm4b:s20+s4] =	stream.linear.scatter [tilespmem:s29], [sflag:$0x2], $0x2800, $0x38;
	[tilespmem:$0x1F780] =	vst v63  }
0x8b: {  	_ =	swait.ge [sflag:s28], $0x2800  }
0x8c: {  	[sflag:s28] =	ssyncset.done $0x0  }
0x8d: {  	[sflag:s28] =	ssyncadd.s32 $0xFFFFD800  }
0x8e: {  	[tilespmem:s29], [sflag:$0x2] =	stream.linear.gather [spmem:s13], $0x2800, $0x38;
	[tilespmem:$0x1F780] =	vst v63  }
0x8f: {  	_ =	swait.ge [sflag:s28], $0x2800  }
0x90: {  	[sflag:s28] =	ssyncset.done $0x0  }
0x91: {  	[sflag:s28] =	ssyncadd.s32 $0xFFFFD800  }
0x92: {  	[hbm4b:s21+s4] =	stream.linear.scatter [tilespmem:s29], [sflag:$0x2], $0x2800, $0x38;
	[tilespmem:$0x1F780] =	vst v63  }
0x93: {  	_ =	swait.ge [sflag:s28], $0x2800  }
0x94: {  	[sflag:s28] =	ssyncset.done $0x0  }
0x95: {  	[sflag:s28] =	ssyncadd.s32 $0xFFFFD800  }
0x96: {  	[tilespmem:s29], [sflag:$0x2] =	stream.linear.gather [spmem:s14], $0x2800, $0x38;
	[tilespmem:$0x1F780] =	vst v63  }
0x97: {  	_ =	swait.ge [sflag:s28], $0x2800  }
0x98: {  	[sflag:s28] =	ssyncset.done $0x0  }
0x99: {  	[sflag:s28] =	ssyncadd.s32 $0xFFFFD800  }
0x9a: {  	[hbm4b:s22+s4] =	stream.linear.scatter [tilespmem:s29], [sflag:$0x2], $0x2800, $0x38;
	[tilespmem:$0x1F780] =	vst v63  }
0x9b: {  	_ =	swait.ge [sflag:s28], $0x2800  }
0x9c: {  	[sflag:s28] =	ssyncset.done $0x0  }
0x9d: {  	[sflag:s28] =	ssyncadd.s32 $0xFFFFD800  }
0x9e: {  	[tilespmem:s29], [sflag:$0x2] =	stream.linear.gather [spmem:s15], $0x2800, $0x38;
	[tilespmem:$0x1F780] =	vst v63  }
0x9f: {  	s2 =	sadd.s32 $0x1, s2;
	_ =	swait.ge [sflag:s28], $0x2800  }
0xa0: {  	p0 =	sne.s32 s2, s24;
	[sflag:s28] =	ssyncset.done $0x0  }
.Ltmp1:
0xa1: {  	[sflag:s28] =	ssyncadd.s32 $0xFFFFD800;
	(pc) =	sbr.rel @p0 .LBB2_1-.Ltmp1, $4  }
0xa2: {  	[hbm4b:s23+s4] =	stream.linear.scatter [tilespmem:s29], [sflag:$0x2], $0x2800, $0x38;
	[tilespmem:$0x1F780] =	vst v63  }
0xa3: {  	_ =	swait.ge [sflag:s28], $0x2800  }
0xa4: {  	[sflag:s28] =	ssyncset.done $0x0  }
0xa5: {  	[sflag:s28] =	ssyncadd.s32 $0xFFFFD800  }
0xa6: {  	_ =	sfence.sel $0x180000  }
0xa7: {  	[bflag:$0x0] =	sbarrier.arrive $0xFFFF  }
0xa8: {  	_ =	strace $0x90000047  }
0xa9: {  	s0 =	stileid.u32;
	[bflag:$0x2] =	sbarrier.arrive $0xFFFF  }
0xaa: {  	p0 =	sne.s32 s0, $0x0;
	s0 =	rddreg [dreg:$0x4]  }
0xab: {  	s0 =	sadd.s32 @!p0 $0x100000, s0  }
0xac: {  	[sflag:s0] =	ssyncadd.tile.s32 @!p0 $0x1;
	_ =	shalt  }
.Lfunc_end2:
_tile_overlayer_lowered:
.L_overlay_start_2:
0xad: {  	(tag) =	ssettag $0x2  }
0xae: {  	s0 =	rddreg [dreg:$0x0];
	s2 =	stileid.u32  }
0xaf: {  	s1 =	rddreg [dreg:$0x1];
	p0 =	sne.s32 s2, $0x0  }
0xb0: {  	s3 =	rddreg [dreg:$0x2];
	[bflag:$0x3] =	sbarrier.arrive $0xFFFF;
	s2 =	simm.s32 @!p0 $0x1C02  }
0xb1: {  	[timem:s3], [sflag:s2] =	dma.local @!p0 [hbm:s0], s1  }
0xb2: {  	s0 =	simm.s32 @!p0 $0x2  }
0xb3: {  	_ =	swait.ge @!p0 [sflag:s0], s1  }
0xb4: {  	s1 =	ssub.s32 @!p0 $0x0, s1;
	[sflag:s0] =	ssyncset.done @!p0 $0x0  }
0xb5: {  	[sflag:s0] =	ssyncadd.s32 @!p0 s1  }
0xb6: {  	[bflag:$0x3] =	sbarrier.arrive $0xFFFF  }
0xb7: {  	_ =	shalt  }

// kernel: sage_agg_w128.8.cloned.1.call-start
scs
__scs_entry_jumppad:
0x0: {  	(pc) =	sbr.rel $0x88, $3  }
0x1: {  	(tag) =	ssettag $0x0;
	lr =	simm.s32 $0x1  }
0x2: {  	[smem:$0x3F8F] =	sst lr;
	_ =	strace $0xD0000000  }
0x3: {  	_ = 	snop  }
0x4: {  	_ = 	snop  }
0x5: {  	_ = 	snop  }
0x6: {  	_ = 	snop  }
0x7: {  	_ = 	snop  }
__scs_overlays_trampoline_lowered:
0x8: {  	[smem:$0x3F9E] =	sst s0  }
0x9: {  	[smem:$0x3F9F] =	sst s1  }
0xa: {  	[smem:$0x3FA0] =	sst s2  }
0xb: {  	[smem:$0x3FA1] =	sst s3  }
0xc: {  	[smem:$0x3FA2] =	sst s4  }
0xd: {  	[smem:$0x3FA3] =	sst s5  }
0xe: {  	[smem:$0x3FA4] =	sst s6  }
0xf: {  	[smem:$0x3FA5] =	sst s7  }
0x10: {  	[smem:$0x3FA6] =	sst s8  }
0x11: {  	[smem:$0x3FA7] =	sst s9;
	s0 =	simm.s32 @!p0 $0x0  }
0x12: {  	s1 =	sld [smem:$0x3F8D];
	s0 =	simm.s32 @p0 $0x1  }
0x13: {  	[smem:$0x3FA8] =	sst s0;
	s0 =	simm.s32 @!p1 $0x0  }
0x14: {  	s2 =	sld [smem:$0x3F8C];
	s0 =	simm.s32 @p1 $0x1  }
0x15: {  	[smem:$0x3FA9] =	sst s0;
	s0 =	simm.s32 @!p2 $0x0  }
0x16: {  	s3 =	sld [smem:$0x3FDB];
	s0 =	simm.s32 @p2 $0x1  }
0x17: {  	s4 =	simm.s32 $0x1BF5;
	[smem:$0x3FAB] =	sst s0  }
0x18: {  	s0 =	sld [smem:$0x3F8E];
	_ =	swait.ge [sflag:s4], $0x0  }
0x19: {  	s7 =	sld [smem:$0x3F8F]  }
0x1a: {  	s8 =	sadd.s32 $0xFFFFE003, lr  }
0x1b: {  	s9 =	sadd.s32 $0xFFFFFEF7, lr;
	s5 =	simm.s32 $0xFFFFFFFF;
	p2 =	slt.u32 s8, $0xFFFFF086  }
0x1c: {  	p1 =	slt.u32 s9, $0xF7A;
	s5 =	simm.s32 @!p2 $0x0  }
0x1d: {  	s5 =	simm.s32 @p1 $0x1;
	p0 =	seq.s32 s7, s2  }
0x1e: {  	s7 =	smul.u32 @!p0 $0xF7A, s2;
	p2 =	seq.s32 @!p0 s5, $0x0  }
0x1f: {  	s9 =	smul.u32 $0xF7A, s1;
	s8 =	simm.s32 @!p0 $0x1BF5;
	p2 =	por !p2, p0  }
0x20: {  	[sflag:s8] =	ssyncset.s32 @!p0 $0xFFFFF086;
	s6 =	sadd.s32 @!p0 s3, s7;
	s7 =	simm.s32 @!p0 $0x108  }
0x21: {  	s3 =	sadd.s32 s3, s9;
	s6 =	sadd.s32 @!p0 $0x88, s6;
	s7 =	simm.s32 @p2 $0x1082  }
0x22: {  	[simem:s7], [sflag:s8] =	dma.local @!p0 [hbm:s6], $0xF7A  }
0x23: {  	s9 =	sor.u32 $0xD0000000, s2;
	s6 =	simm.s32 $0x108;
	_ =	swait.ge @!p0 [sflag:s8], $0x0  }
0x24: {  	s3 =	sadd.s32 $0x88, s3;
	s6 =	simm.s32 @!p1 $0x1082;
	[sflag:s4] =	ssyncset.s32 $0xFFFFF086  }
0x25: {  	[simem:s6], [sflag:s4] =	dma.local [hbm:s3], $0xF7A  }
0x26: {  	[smem:$0x3F8F] =	sst s1;
	(tag) =	ssettag s2;
	_ =	strace s9  }
0x27: {  	s1 =	sld [smem:$0x3F9F]  }
0x28: {  	s2 =	sld [smem:$0x3FA0]  }
0x29: {  	s4 =	sld [smem:$0x3FA2]  }
0x2a: {  	p0 =	seq.s32 s5, $0x0;
	s5 =	sld [smem:$0x3FA3]  }
0x2b: {  	s6 =	sld [smem:$0x3FA4]  }
0x2c: {  	s7 =	sld [smem:$0x3FA5]  }
0x2d: {  	s3 =	simm.s32 $0x108;
	s8 =	sld [smem:$0x3FA6]  }
0x2e: {  	s3 =	simm.s32 @!p0 $0x1082;
	s9 =	sld [smem:$0x3FA7]  }
0x2f: {  	lr =	sadd.s32 s0, s3;
	s0 =	sld [smem:$0x3F9E]  }
0x30: {  	s3 =	sld [smem:$0x3FA1]  }
0x31: {  	[smem:$0x3FAA] =	sst s10  }
0x32: {  	s10 =	sld [smem:$0x3FA8];
	_ =	sdelay $0x3  }
0x33: {  	p0 =	seq.s32 s10, $0x1;
	s10 =	sld [smem:$0x3FAA];
	_ =	sdelay $0x3  }
0x34: {  	[smem:$0x3FAA] =	sst s10  }
0x35: {  	s10 =	sld [smem:$0x3FA9];
	_ =	sdelay $0x3  }
0x36: {  	p1 =	seq.s32 s10, $0x1;
	s10 =	sld [smem:$0x3FAA];
	_ =	sdelay $0x3  }
0x37: {  	[smem:$0x3FAA] =	sst s10  }
0x38: {  	s10 =	sld [smem:$0x3FAB]  }
0x39: {  	_ = 	snop;
	(pc) =	sbr.ind lr, $3  }
0x3a: {  	_ = 	snop  }
0x3b: {  	_ = 	snop  }
0x3c: {  	p2 =	seq.s32 s10, $0x1;
	s10 =	sld [smem:$0x3FAA]  }
0x3d: {  	_ =	shalt  }
0x3e: {  	_ =	shalt  }
0x3f: {  	_ =	shalt  }
0x40: {  	_ =	shalt  }
0x41: {  	_ =	shalt  }
0x42: {  	_ =	shalt  }
0x43: {  	_ =	shalt  }
0x44: {  	_ =	shalt  }
0x45: {  	_ =	shalt  }
0x46: {  	_ =	shalt  }
0x47: {  	_ =	shalt  }
0x48: {  	_ =	shalt  }
0x49: {  	_ =	shalt  }
0x4a: {  	_ =	shalt  }
0x4b: {  	_ =	shalt  }
0x4c: {  	_ =	shalt  }
0x4d: {  	_ =	shalt  }
0x4e: {  	_ =	shalt  }
0x4f: {  	_ =	shalt  }
0x50: {  	_ =	shalt  }
0x51: {  	_ =	shalt  }
0x52: {  	_ =	shalt  }
0x53: {  	_ =	shalt  }
0x54: {  	_ =	shalt  }
0x55: {  	_ =	shalt  }
0x56: {  	_ =	shalt  }
0x57: {  	_ =	shalt  }
0x58: {  	_ =	shalt  }
0x59: {  	_ =	shalt  }
0x5a: {  	_ =	shalt  }
0x5b: {  	_ =	shalt  }
0x5c: {  	_ =	shalt  }
0x5d: {  	_ =	shalt  }
0x5e: {  	_ =	shalt  }
0x5f: {  	_ =	shalt  }
0x60: {  	_ =	shalt  }
0x61: {  	_ =	shalt  }
0x62: {  	_ =	shalt  }
0x63: {  	_ =	shalt  }
0x64: {  	_ =	shalt  }
0x65: {  	_ =	shalt  }
0x66: {  	_ =	shalt  }
0x67: {  	_ =	shalt  }
0x68: {  	_ =	shalt  }
0x69: {  	_ =	shalt  }
0x6a: {  	_ =	shalt  }
0x6b: {  	_ =	shalt  }
0x6c: {  	_ =	shalt  }
0x6d: {  	_ =	shalt  }
0x6e: {  	_ =	shalt  }
0x6f: {  	_ =	shalt  }
0x70: {  	_ =	shalt  }
0x71: {  	_ =	shalt  }
0x72: {  	_ =	shalt  }
0x73: {  	_ =	shalt  }
0x74: {  	_ =	shalt  }
0x75: {  	_ =	shalt  }
0x76: {  	_ =	shalt  }
0x77: {  	_ =	shalt  }
0x78: {  	_ =	shalt  }
0x79: {  	_ =	shalt  }
0x7a: {  	_ =	shalt  }
0x7b: {  	_ =	shalt  }
0x7c: {  	_ =	shalt  }
0x7d: {  	_ =	shalt  }
0x7e: {  	_ =	shalt  }
0x7f: {  	_ =	shalt  }
0x80: {  	_ =	shalt  }
0x81: {  	_ =	shalt  }
0x82: {  	_ =	shalt  }
0x83: {  	_ =	shalt  }
0x84: {  	_ =	shalt  }
0x85: {  	_ =	shalt  }
0x86: {  	_ =	shalt  }
0x87: {  	_ =	shalt  }
.Lfunc_end0:
.L_simem_size_0:
called_computation.2_lowered:
.L_overlay_start_0:
0x88: {  	s2 =	sld [smem:$0x3FD9]  }
0x89: {  	s3 =	sld [smem:$0x3FFE];
	_ =	sdelay $0x1  }
0x8a: {  	s1 =	srdreg.scid  }
0x8b: {  	s0 =	sand.u32 $0x1, s1  }
0x8c: {  	s17 =	sshll.u32 s0, $0xA;
	s2 =	sadd.s32 s3, s2  }
0x8d: {  	s2 =	sadd.s32 s2, s17  }
0x8e: {  	[smem:$0x3FB6] =	sst s2  }
0x8f: {  	_ = 	snop  }
0x90: {  	s2 =	sld [smem:$0x3FD0];
	(tm) =	ssettm $0x1  }
0x91: {  	s18 =	sld [smem:$0x3FFB];
	_ =	sdelay $0x3  }
0x92: {  	_ =	strace s18  }
0x93: {  	s3 =	sld [smem:$0x3FFC];
	_ =	sdelay $0x3  }
0x94: {  	_ =	strace s3  }
0x95: {  	s3 =	sld [smem:$0x3FFD];
	_ =	sdelay $0x3  }
0x96: {  	_ =	strace s3  }
0x97: {  	_ =	strace $0x8FFFFFFF  }
0x98: {  	s19 =	sld [smem:$0x3FDB];
	_ =	sdelay $0x1  }
0x99: {  	s4 =	simm.s32 $_scs_section_size  }
0x9a: {  	s5 =	simm.s32 $_size__tile_overlayer_lowered;
	s6 =	simm.s32 $_tile_overlayer_lowered  }
0x9b: {  	s22 =	simm.s32 $0x1BFF;
	s21 =	sshll.u32 s6, $0x1;
	s3 =	sadd.s32 s4, s19  }
0x9c: {  	s7 =	simm.s32 $0x0;
	s20 =	sshll.u32 s5, $0x1;
	s5 =	sadd.s32 s21, s3  }
0x9d: {  	[timem:s7], [sflag:s22] =	dma.local [hbm:s5], s20  }
0x9e: {  	_ =	swait.ge [sflag:s22], s20  }
0x9f: {  	s4 =	ssub.s32 $0x0, s20;
	[sflag:s22] =	ssyncset.done $0x0  }
0xa0: {  	[sflag:s22] =	ssyncadd.s32 s4;
	_ =	sdelay $0x1  }
0xa1: {  	s23 =	simm.s32 $0x1B8B  }
0xa2: {  	_ =	swait.ge [sflag:s23], $0x1  }
0xa3: {  	[sflag:s23] =	ssyncset.done $0x0  }
0xa4: {  	s25 =	simm.s32 $0x1B8E;
	s24 =	sld [smem:$0x3FFE];
	[sflag:s23] =	ssyncadd.s32 $0xFFFFFFFF  }
0xa5: {  	s26 =	simm.s32 $execute0_lowered;
	[smem:$0x3FD2] =	sst s25  }
0xa6: {  	s5 =	sshll.u32 s26, $0x1;
	_ =	strace $0x8000004C;
	[dreg:$0x1] =	wrdreg $0xFFFFFFFF  }
0xa7: {  	s28 =	simm.s32 $_size_execute0_lowered;
	s3 =	sadd.s32 s3, s5;
	[dreg:$0x0] =	wrdreg $0x0  }
0xa8: {  	s5 =	sshll.u32 s28, $0x1;
	[dreg:$0x2] =	wrdreg s3  }
0xa9: {  	[dreg:$0x3] =	wrdreg s5  }
0xaa: {  	[dreg:$0x4] =	wrdreg $0xC0  }
0xab: {  	_ =	task [dreg:s7], $0x5FFFF  }
0xac: {  	[dreg:$0x1] =	wrdreg $0xFFFFFFFF  }
0xad: {  	[dreg:$0x0] =	wrdreg $0x60  }
0xae: {  	[dreg:$0x2] =	wrdreg s24  }
0xaf: {  	[dreg:$0x3] =	wrdreg s2  }
0xb0: {  	[dreg:$0x4] =	wrdreg $0xB7800  }
0xb1: {  	[dreg:$0x5] =	wrdreg $0x9  }
0xb2: {  	_ =	task.clear_ibuf [dreg:s7], $0x6FFFF;
	_ =	strace $0x9000004C  }
0xb3: {  	s29 =	simm.s32 $0x9;
	_ =	strace $0x8000004E  }
0xb4: {  	_ =	swait.ge [sflag:s29], $0x1  }
0xb5: {  	[sflag:s29] =	ssyncadd.s32 $0xFFFFFFFF  }
0xb6: {  	_ =	strace $0x9000004E  }
0xb7: {  	_ =	sfence  }
0xb8: {  	s30 =	sld [smem:$0x0];
	_ =	sdelay $0x2  }
0xb9: {  	s31 =	sshll.u32 s1, $0xD;
	s1 =	sshrl.u32 s1, $0x2  }
0xba: {  	s3 =	sand.u32 $0x4000, s31;
	s1 =	sadd.s32 s1, s30  }
0xbb: {  	s0 =	sor.u32 s3, s0;
	s1 =	sshll.u32 s1, $0x11  }
0xbc: {  	s0 =	sor.u32 s1, s0  }
0xbd: {  	s0 =	sadd.s32 $0x8F2B, s0  }
0xbe: {  	[sflag:s0] =	ssyncadd.remote.s32 $0x1  }
0xbf: {  	_ =	sfence.sel $0xFFFF  }
0xc0: {  	[dreg:$0x0] =	wrdreg $0xFFFFFFFF;
	(pc) =	sbr.abs _section_cstart, $3  }
0xc1: {  	[dreg:$0x1] =	wrdreg $0xFFFFFFFF  }
0xc2: {  	_ =	task.clear_ibuf [dreg:s7], $0x2FFFF;
	_ =	strace $0x9FFFFFFF  }
0xc3: {  	(tm) =	ssettm $0x7FFFFFFF  }
tec
execute0_lowered:
.L_overlay_start_1:
0x0: {  	(tag) =	ssettag $0x1  }
0x1: {  	s0 =	rddreg [dreg:$0x0]  }
0x2: {  	s1 =	rddreg [dreg:$0x1]  }
0x3: {  	s2 =	rddreg [dreg:$0x2]  }
0x4: {  	s4 =	srdreg.scid;
	s12 =	stileid.u32  }
0x5: {  	s3 =	simm.s32 $0x0;
	s28 =	simm.s32 $0x2;
	s29 =	simm.s32 $0x8F80  }
0x6: {  	s30 =	simm.s32 $0x50;
	s31 =	simm.s32 $0x6780;
	s5 =	sand.u32 $0x1, s4  }
0x7: {  	s24 =	sshll.u32 s12, $0x1;
	[smem:$0x7FF] =	sst s3;
	s4 =	sadd.s32 $0x14400, s0  }
0x8: {  	s8 =	sadd.s32 $0x13E00, s0;
	s25 =	sshrl.u32 s12, $0x2;
	s11 =	smul.u32 $0x50000, s12  }
0x9: {  	s15 =	smul.u32 $0x14000, s12;
	s6 =	sor.u32 s5, s24;
	_ =	strace $0x8000004D  }
0xa: {  	[dreg:$0x4] =	wrdreg s8;
	s9 =	ssub.s32 $0x2, s5;
	s8 =	smul.u32 $0x13C00, s25  }
0xb: {  	s5 =	smul.u32 $0x140000, s5;
	s7 =	sshll.u32 s6, $0xB;
	s6 =	sshll.u32 s6, $0x7  }
0xc: {  	s10 =	sshrl.u32 s9, $0x1;
	s26 =	sshrl.u32 s11, $0x2;
	s16 =	sadd.s32 $0x5000, s15  }
0xd: {  	s17 =	sadd.s32 $0x7800, s15;
	s18 =	sadd.s32 $0xA000, s15;
	s19 =	sadd.s32 $0xC800, s15  }
0xe: {  	s20 =	sadd.s32 $0xF000, s15;
	s7 =	sadd.s32 s7, s0;
	s6 =	sand.u32 $0x380, s6  }
0xf: {  	s0 =	sadd.s32 $0xB4A00, s0;
	s24 =	ssub.s32 s9, s10;
	s10 =	sadd.s32 s16, s2  }
0x10: {  	s11 =	sadd.s32 s17, s2;
	s12 =	sadd.s32 s18, s2;
	s13 =	sadd.s32 s19, s2  }
0x11: {  	s14 =	sadd.s32 s20, s2;
	s21 =	sadd.s32 s15, s5;
	s22 =	sadd.s32 s5, s16  }
0x12: {  	s23 =	sadd.s32 s5, s17;
	s18 =	sadd.s32 s5, s18;
	s25 =	sadd.s32 s5, s19  }
0x13: {  	s6 =	sor.u32 s8, s6;
	s8 =	sadd.s32 s26, s2;
	s21 =	sshrl.u32 s21, $0x3  }
0x14: {  	s26 =	sadd.s32 s5, s20;
	s25 =	sshrl.u32 s25, $0x3;
	s24 =	smax.u32 s24, $0x1  }
0x15: {  	s6 =	sshrl.u32 s6, $0x3;
	s16 =	sadd.s32 s0, s21;
	s21 =	sshrl.u32 s22, $0x3  }
0x16: {  	s22 =	sshrl.u32 s23, $0x3;
	s23 =	sshrl.u32 s18, $0x3;
	s26 =	sshrl.u32 s26, $0x3  }
0x17: {  	s1 =	sadd.s32 s1, s6;
	s6 =	sadd.s32 $0x3E00, s7;
	s7 =	sor.u32 $0x2800, s15  }
0x18: {  	s15 =	sadd.s32 $0x11800, s15;
	s18 =	sadd.s32 s0, s21;
	s19 =	sadd.s32 s0, s22  }
0x19: {  	s20 =	sadd.s32 s0, s23;
	s21 =	sadd.s32 s0, s25;
	[dreg:$0x5] =	wrdreg s1  }
0x1a: {  	s22 =	sadd.s32 s0, s26;
	[dreg:$0x6] =	wrdreg s6;
	s1 =	sadd.s32 s5, s7  }
0x1b: {  	s9 =	sadd.s32 s7, s2;
	s5 =	sadd.s32 s5, s15;
	s1 =	sshrl.u32 s1, $0x3  }
0x1c: {  	s15 =	sadd.s32 s15, s2;
	s5 =	sshrl.u32 s5, $0x3;
	s17 =	sadd.s32 s0, s1  }
0x1d: {  	s23 =	sadd.s32 s0, s5;
	s0 =	simm.s32 $0x1;
	s1 =	simm.s32 $0x0  }
.LBB2_1:
0x1e: {  	s5 =	rddreg [dreg:$0x5];
	s6 =	simm.s32 $0x80;
	s7 =	simm.s32 $0x400  }
0x1f: {  	[tilespmem:s3], [sflag:$0x2] =	stream.strided.gather [hbm4b:s5+s6], $0x2780, s7, s6, $0x38;
	[tilespmem:$0x1F780] =	vst v63  }
0x20: {  	_ =	swait.ge [sflag:s28], $0x2780  }
0x21: {  	[sflag:s28] =	ssyncset.done $0x0  }
0x22: {  	s7 =	simm.s32 $0x2780;
	s25 =	rddreg [dreg:$0x6];
	[sflag:s28] =	ssyncadd.s32 $0xFFFFD880  }
0x23: {  	[tilespmem:s7], [sflag:$0x2] =	stream.linear.gather [hbm4b:s25+s3], $0x3E80, $0x38;
	[tilespmem:$0x1F780] =	vst v63  }
0x24: {  	_ =	swait.ge [sflag:s28], $0x3E80  }
0x25: {  	[sflag:s28] =	ssyncset.done $0x0  }
0x26: {  	s26 =	rddreg [dreg:$0x4];
	[sflag:s28] =	ssyncadd.s32 $0xFFFFC180  }
0x27: {  	[tilespmem:s29], [sflag:$0x2] =	stream.linear.gather [hbm4b:s26+s3], $0x2800, $0x38;
	[tilespmem:$0x1F780] =	vst v63  }
0x28: {  	_ =	swait.ge [sflag:s28], $0x2800  }
0x29: {  	[sflag:s28] =	ssyncset.done $0x0  }
0x2a: {  	[sflag:s28] =	ssyncadd.s32 $0xFFFFD800  }
0x2b: {  	[spmem:s8] =	stream.linear.scatter [tilespmem:s29], [sflag:$0x2], $0x2800, $0x38;
	[tilespmem:$0x1F780] =	vst v63  }
0x2c: {  	_ =	swait.ge [sflag:s28], $0x2800  }
0x2d: {  	[sflag:s28] =	ssyncset.done $0x0  }
0x2e: {  	[sflag:s28] =	ssyncadd.s32 $0xFFFFD800  }
0x2f: {  	[spmem:s9] =	stream.linear.scatter [tilespmem:s29], [sflag:$0x2], $0x2800, $0x38;
	[tilespmem:$0x1F780] =	vst v63  }
0x30: {  	_ =	swait.ge [sflag:s28], $0x2800  }
0x31: {  	[sflag:s28] =	ssyncset.done $0x0  }
0x32: {  	[sflag:s28] =	ssyncadd.s32 $0xFFFFD800  }
0x33: {  	[spmem:s10] =	stream.linear.scatter [tilespmem:s29], [sflag:$0x2], $0x2800, $0x38;
	[tilespmem:$0x1F780] =	vst v63  }
0x34: {  	_ =	swait.ge [sflag:s28], $0x2800  }
0x35: {  	[sflag:s28] =	ssyncset.done $0x0  }
0x36: {  	[sflag:s28] =	ssyncadd.s32 $0xFFFFD800  }
0x37: {  	[spmem:s11] =	stream.linear.scatter [tilespmem:s29], [sflag:$0x2], $0x2800, $0x38;
	[tilespmem:$0x1F780] =	vst v63  }
0x38: {  	_ =	swait.ge [sflag:s28], $0x2800  }
0x39: {  	[sflag:s28] =	ssyncset.done $0x0  }
0x3a: {  	[sflag:s28] =	ssyncadd.s32 $0xFFFFD800  }
0x3b: {  	[spmem:s12] =	stream.linear.scatter [tilespmem:s29], [sflag:$0x2], $0x2800, $0x38;
	[tilespmem:$0x1F780] =	vst v63  }
0x3c: {  	_ =	swait.ge [sflag:s28], $0x2800  }
0x3d: {  	[sflag:s28] =	ssyncset.done $0x0  }
0x3e: {  	[sflag:s28] =	ssyncadd.s32 $0xFFFFD800  }
0x3f: {  	[spmem:s13] =	stream.linear.scatter [tilespmem:s29], [sflag:$0x2], $0x2800, $0x38;
	[tilespmem:$0x1F780] =	vst v63  }
0x40: {  	_ =	swait.ge [sflag:s28], $0x2800  }
0x41: {  	[sflag:s28] =	ssyncset.done $0x0  }
0x42: {  	[sflag:s28] =	ssyncadd.s32 $0xFFFFD800  }
0x43: {  	[spmem:s14] =	stream.linear.scatter [tilespmem:s29], [sflag:$0x2], $0x2800, $0x38;
	[tilespmem:$0x1F780] =	vst v63  }
0x44: {  	_ =	swait.ge [sflag:s28], $0x2800  }
0x45: {  	[sflag:s28] =	ssyncset.done $0x0  }
0x46: {  	[sflag:s28] =	ssyncadd.s32 $0xFFFFD800  }
0x47: {  	[spmem:s15] =	stream.linear.scatter [tilespmem:s29], [sflag:$0x2], $0x2800, $0x38;
	[tilespmem:$0x1F780] =	vst v63  }
0x48: {  	_ =	swait.ge [sflag:s28], $0x2800  }
0x49: {  	[sflag:s28] =	ssyncset.done $0x0  }
0x4a: {  	[sflag:s28] =	ssyncadd.s32 $0xFFFFD800  }
0x4b: {  	s25 =	simm.s32 $0x0;
	[bflag:$0x0] =	sbarrier.arrive $0xFFFF  }
0x4c: {  	[tilespmem:s31], [sflag:$0x1] =	stream.indirect.gather [hbm4b:s4+s30], $0x80, s25, s30, $0xb8;
	[tilespmem:$0x1F780] =	vst v63  }
0x4d: {  	_ =	swait.ge [sflag:s0], $0x2800  }
0x4e: {  	[sflag:s0] =	ssyncset.done $0x0  }
0x4f: {  	[sflag:s0] =	ssyncadd.s32 $0xFFFFD800  }
0x50: {  	[spmem:s2] =	stream.indirect.scatter.add.f32 [tilespmem:s31], [sflag:$0x2], $0x80, s7, s30, $0xb8;
	[tilespmem:$0x1F780] =	vst v63  }
0x51: {  	s5 =	simm.s32 $0x280;
	_ =	swait.ge [sflag:s28], $0x2800  }
0x52: {  	s26 =	simm.s32 $0x140;
	s25 =	simm.s32 $0x2800;
	[sflag:s28] =	ssyncset.done $0x0  }
.LBB2_2:
0x53: {  	s6 =	sshra.s32 s26, $0x2  }
0x54: {  	[sflag:s28] =	ssyncadd.s32 $0xFFFFD800;
	s26 =	smov.u32 s5;
	s7 =	sadd.s32 $0x140, s5  }
0x55: {  	[tilespmem:s31], [sflag:$0x1] =	stream.indirect.gather [hbm4b:s4+s30], $0x80, s6, s30, $0xb8;
	[tilespmem:$0x1F780] =	vst v63  }
0x56: {  	p0 =	sne.s32 s5, $0x9B00;
	_ =	swait.ge [sflag:s0], $0x2800  }
.Ltmp0:
0x57: {  	[sflag:s0] =	ssyncset.done $0x0;
	(pc) =	sbr.rel @p0 .LBB2_2-.Ltmp0, $4  }
0x58: {  	[sflag:s0] =	ssyncadd.s32 $0xFFFFD800  }
0x59: {  	[spmem:s2] =	stream.indirect.scatter.add.f32 [tilespmem:s31], [sflag:$0x2], $0x80, s25, s30, $0xb8;
	[tilespmem:$0x1F780] =	vst v63  }
0x5a: {  	_ =	swait.ge [sflag:s28], $0x2800  }
0x5b: {  	s5 =	smov.u32 s7;
	s25 =	sadd.s32 $0x80, s25;
	[sflag:s28] =	ssyncset.done $0x0  }
0x5c: {  	s5 =	sshra.s32 s26, $0x2;
	[sflag:s28] =	ssyncadd.s32 $0xFFFFD800  }
0x5d: {  	[tilespmem:s31], [sflag:$0x1] =	stream.indirect.gather [hbm4b:s4+s30], $0x80, s5, s30, $0xb8;
	[tilespmem:$0x1F780] =	vst v63  }
0x5e: {  	_ =	swait.ge [sflag:s0], $0x2800  }
0x5f: {  	[sflag:s0] =	ssyncset.done $0x0  }
0x60: {  	[sflag:s0] =	ssyncadd.s32 $0xFFFFD800  }
0x61: {  	[spmem:s2] =	stream.indirect.scatter.add.f32 [tilespmem:s31], [sflag:$0x2], $0x80, s25, s30, $0xb8;
	[tilespmem:$0x1F780] =	vst v63  }
0x62: {  	_ =	swait.ge [sflag:s28], $0x2800  }
0x63: {  	[sflag:s28] =	ssyncset.done $0x0  }
0x64: {  	[sflag:s28] =	ssyncadd.s32 $0xFFFFD800  }
0x65: {  	[bflag:$0x0] =	sbarrier.arrive $0xFFFF  }
0x66: {  	[tilespmem:s29], [sflag:$0x2] =	stream.linear.gather [spmem:s8], $0x2800, $0x38;
	[tilespmem:$0x1F780] =	vst v63  }
0x67: {  	_ =	swait.ge [sflag:s28], $0x2800  }
0x68: {  	[sflag:s28] =	ssyncset.done $0x0  }
0x69: {  	[sflag:s28] =	ssyncadd.s32 $0xFFFFD800  }
0x6a: {  	[hbm4b:s16+s3] =	stream.linear.scatter [tilespmem:s29], [sflag:$0x2], $0x2800, $0x38;
	[tilespmem:$0x1F780] =	vst v63  }
0x6b: {  	_ =	swait.ge [sflag:s28], $0x2800  }
0x6c: {  	[sflag:s28] =	ssyncset.done $0x0  }
0x6d: {  	[sflag:s28] =	ssyncadd.s32 $0xFFFFD800  }
0x6e: {  	[tilespmem:s29], [sflag:$0x2] =	stream.linear.gather [spmem:s9], $0x2800, $0x38;
	[tilespmem:$0x1F780] =	vst v63  }
0x6f: {  	_ =	swait.ge [sflag:s28], $0x2800  }
0x70: {  	[sflag:s28] =	ssyncset.done $0x0  }
0x71: {  	[sflag:s28] =	ssyncadd.s32 $0xFFFFD800  }
0x72: {  	[hbm4b:s17+s3] =	stream.linear.scatter [tilespmem:s29], [sflag:$0x2], $0x2800, $0x38;
	[tilespmem:$0x1F780] =	vst v63  }
0x73: {  	_ =	swait.ge [sflag:s28], $0x2800  }
0x74: {  	[sflag:s28] =	ssyncset.done $0x0  }
0x75: {  	[sflag:s28] =	ssyncadd.s32 $0xFFFFD800  }
0x76: {  	[tilespmem:s29], [sflag:$0x2] =	stream.linear.gather [spmem:s10], $0x2800, $0x38;
	[tilespmem:$0x1F780] =	vst v63  }
0x77: {  	_ =	swait.ge [sflag:s28], $0x2800  }
0x78: {  	[sflag:s28] =	ssyncset.done $0x0  }
0x79: {  	[sflag:s28] =	ssyncadd.s32 $0xFFFFD800  }
0x7a: {  	[hbm4b:s18+s3] =	stream.linear.scatter [tilespmem:s29], [sflag:$0x2], $0x2800, $0x38;
	[tilespmem:$0x1F780] =	vst v63  }
0x7b: {  	_ =	swait.ge [sflag:s28], $0x2800  }
0x7c: {  	[sflag:s28] =	ssyncset.done $0x0  }
0x7d: {  	[sflag:s28] =	ssyncadd.s32 $0xFFFFD800  }
0x7e: {  	[tilespmem:s29], [sflag:$0x2] =	stream.linear.gather [spmem:s11], $0x2800, $0x38;
	[tilespmem:$0x1F780] =	vst v63  }
0x7f: {  	_ =	swait.ge [sflag:s28], $0x2800  }
0x80: {  	[sflag:s28] =	ssyncset.done $0x0  }
0x81: {  	[sflag:s28] =	ssyncadd.s32 $0xFFFFD800  }
0x82: {  	[hbm4b:s19+s3] =	stream.linear.scatter [tilespmem:s29], [sflag:$0x2], $0x2800, $0x38;
	[tilespmem:$0x1F780] =	vst v63  }
0x83: {  	_ =	swait.ge [sflag:s28], $0x2800  }
0x84: {  	[sflag:s28] =	ssyncset.done $0x0  }
0x85: {  	[sflag:s28] =	ssyncadd.s32 $0xFFFFD800  }
0x86: {  	[tilespmem:s29], [sflag:$0x2] =	stream.linear.gather [spmem:s12], $0x2800, $0x38;
	[tilespmem:$0x1F780] =	vst v63  }
0x87: {  	_ =	swait.ge [sflag:s28], $0x2800  }
0x88: {  	[sflag:s28] =	ssyncset.done $0x0  }
0x89: {  	[sflag:s28] =	ssyncadd.s32 $0xFFFFD800  }
0x8a: {  	[hbm4b:s20+s3] =	stream.linear.scatter [tilespmem:s29], [sflag:$0x2], $0x2800, $0x38;
	[tilespmem:$0x1F780] =	vst v63  }
0x8b: {  	_ =	swait.ge [sflag:s28], $0x2800  }
0x8c: {  	[sflag:s28] =	ssyncset.done $0x0  }
0x8d: {  	[sflag:s28] =	ssyncadd.s32 $0xFFFFD800  }
0x8e: {  	[tilespmem:s29], [sflag:$0x2] =	stream.linear.gather [spmem:s13], $0x2800, $0x38;
	[tilespmem:$0x1F780] =	vst v63  }
0x8f: {  	_ =	swait.ge [sflag:s28], $0x2800  }
0x90: {  	[sflag:s28] =	ssyncset.done $0x0  }
0x91: {  	[sflag:s28] =	ssyncadd.s32 $0xFFFFD800  }
0x92: {  	[hbm4b:s21+s3] =	stream.linear.scatter [tilespmem:s29], [sflag:$0x2], $0x2800, $0x38;
	[tilespmem:$0x1F780] =	vst v63  }
0x93: {  	_ =	swait.ge [sflag:s28], $0x2800  }
0x94: {  	[sflag:s28] =	ssyncset.done $0x0  }
0x95: {  	[sflag:s28] =	ssyncadd.s32 $0xFFFFD800  }
0x96: {  	[tilespmem:s29], [sflag:$0x2] =	stream.linear.gather [spmem:s14], $0x2800, $0x38;
	[tilespmem:$0x1F780] =	vst v63  }
0x97: {  	_ =	swait.ge [sflag:s28], $0x2800  }
0x98: {  	[sflag:s28] =	ssyncset.done $0x0  }
0x99: {  	[sflag:s28] =	ssyncadd.s32 $0xFFFFD800  }
0x9a: {  	[hbm4b:s22+s3] =	stream.linear.scatter [tilespmem:s29], [sflag:$0x2], $0x2800, $0x38;
	[tilespmem:$0x1F780] =	vst v63  }
0x9b: {  	_ =	swait.ge [sflag:s28], $0x2800  }
0x9c: {  	[sflag:s28] =	ssyncset.done $0x0  }
0x9d: {  	[sflag:s28] =	ssyncadd.s32 $0xFFFFD800  }
0x9e: {  	[tilespmem:s29], [sflag:$0x2] =	stream.linear.gather [spmem:s15], $0x2800, $0x38;
	[tilespmem:$0x1F780] =	vst v63  }
0x9f: {  	s1 =	sadd.s32 $0x1, s1;
	_ =	swait.ge [sflag:s28], $0x2800  }
0xa0: {  	p0 =	sne.s32 s1, s24;
	[sflag:s28] =	ssyncset.done $0x0  }
.Ltmp1:
0xa1: {  	[sflag:s28] =	ssyncadd.s32 $0xFFFFD800;
	(pc) =	sbr.rel @p0 .LBB2_1-.Ltmp1, $4  }
0xa2: {  	[hbm4b:s23+s3] =	stream.linear.scatter [tilespmem:s29], [sflag:$0x2], $0x2800, $0x38;
	[tilespmem:$0x1F780] =	vst v63  }
0xa3: {  	_ =	swait.ge [sflag:s28], $0x2800  }
0xa4: {  	[sflag:s28] =	ssyncset.done $0x0  }
0xa5: {  	[sflag:s28] =	ssyncadd.s32 $0xFFFFD800  }
0xa6: {  	_ =	sfence.sel $0x180000  }
0xa7: {  	[bflag:$0x0] =	sbarrier.arrive $0xFFFF  }
0xa8: {  	_ =	strace $0x9000004D  }
0xa9: {  	s0 =	stileid.u32;
	[bflag:$0x2] =	sbarrier.arrive $0xFFFF  }
0xaa: {  	p0 =	sne.s32 s0, $0x0;
	s0 =	rddreg [dreg:$0x3]  }
0xab: {  	s0 =	sadd.s32 @!p0 $0x100000, s0  }
0xac: {  	[sflag:s0] =	ssyncadd.tile.s32 @!p0 $0x1;
	_ =	shalt  }
.Lfunc_end2:
_tile_overlayer_lowered:
.L_overlay_start_2:
0xad: {  	(tag) =	ssettag $0x2  }
0xae: {  	s0 =	rddreg [dreg:$0x0];
	s2 =	stileid.u32  }
0xaf: {  	s1 =	rddreg [dreg:$0x1];
	p0 =	sne.s32 s2, $0x0  }
0xb0: {  	s3 =	rddreg [dreg:$0x2];
	[bflag:$0x3] =	sbarrier.arrive $0xFFFF;
	s2 =	simm.s32 @!p0 $0x1C02  }
0xb1: {  	[timem:s3], [sflag:s2] =	dma.local @!p0 [hbm:s0], s1  }
0xb2: {  	s0 =	simm.s32 @!p0 $0x2  }
0xb3: {  	_ =	swait.ge @!p0 [sflag:s0], s1  }
0xb4: {  	s1 =	ssub.s32 @!p0 $0x0, s1;
	[sflag:s0] =	ssyncset.done @!p0 $0x0  }
0xb5: {  	[sflag:s0] =	ssyncadd.s32 @!p0 s1  }
0xb6: {  	[bflag:$0x3] =	sbarrier.arrive $0xFFFF  }
0xb7: {  	_ =	shalt  }

// kernel: sage_deg.3.cloned.1.call-start
scs
__scs_entry_jumppad:
0x0: {  	(pc) =	sbr.rel $0x88, $3  }
0x1: {  	(tag) =	ssettag $0x0;
	lr =	simm.s32 $0x1  }
0x2: {  	[smem:$0x3F8F] =	sst lr;
	_ =	strace $0xD0000000  }
0x3: {  	_ = 	snop  }
0x4: {  	_ = 	snop  }
0x5: {  	_ = 	snop  }
0x6: {  	_ = 	snop  }
0x7: {  	_ = 	snop  }
__scs_overlays_trampoline_lowered:
0x8: {  	[smem:$0x3F9E] =	sst s0  }
0x9: {  	[smem:$0x3F9F] =	sst s1  }
0xa: {  	[smem:$0x3FA0] =	sst s2  }
0xb: {  	[smem:$0x3FA1] =	sst s3  }
0xc: {  	[smem:$0x3FA2] =	sst s4  }
0xd: {  	[smem:$0x3FA3] =	sst s5  }
0xe: {  	[smem:$0x3FA4] =	sst s6  }
0xf: {  	[smem:$0x3FA5] =	sst s7  }
0x10: {  	[smem:$0x3FA6] =	sst s8  }
0x11: {  	[smem:$0x3FA7] =	sst s9;
	s0 =	simm.s32 @!p0 $0x0  }
0x12: {  	s1 =	sld [smem:$0x3F8D];
	s0 =	simm.s32 @p0 $0x1  }
0x13: {  	[smem:$0x3FA8] =	sst s0;
	s0 =	simm.s32 @!p1 $0x0  }
0x14: {  	s2 =	sld [smem:$0x3F8C];
	s0 =	simm.s32 @p1 $0x1  }
0x15: {  	[smem:$0x3FA9] =	sst s0;
	s0 =	simm.s32 @!p2 $0x0  }
0x16: {  	s3 =	sld [smem:$0x3FDB];
	s0 =	simm.s32 @p2 $0x1  }
0x17: {  	s4 =	simm.s32 $0x1BF5;
	[smem:$0x3FAB] =	sst s0  }
0x18: {  	s0 =	sld [smem:$0x3F8E];
	_ =	swait.ge [sflag:s4], $0x0  }
0x19: {  	s7 =	sld [smem:$0x3F8F]  }
0x1a: {  	s8 =	sadd.s32 $0xFFFFE003, lr  }
0x1b: {  	s9 =	sadd.s32 $0xFFFFFEF7, lr;
	s5 =	simm.s32 $0xFFFFFFFF;
	p2 =	slt.u32 s8, $0xFFFFF086  }
0x1c: {  	p1 =	slt.u32 s9, $0xF7A;
	s5 =	simm.s32 @!p2 $0x0  }
0x1d: {  	s5 =	simm.s32 @p1 $0x1;
	p0 =	seq.s32 s7, s2  }
0x1e: {  	s7 =	smul.u32 @!p0 $0xF7A, s2;
	p2 =	seq.s32 @!p0 s5, $0x0  }
0x1f: {  	s9 =	smul.u32 $0xF7A, s1;
	s8 =	simm.s32 @!p0 $0x1BF5;
	p2 =	por !p2, p0  }
0x20: {  	[sflag:s8] =	ssyncset.s32 @!p0 $0xFFFFF086;
	s6 =	sadd.s32 @!p0 s3, s7;
	s7 =	simm.s32 @!p0 $0x108  }
0x21: {  	s3 =	sadd.s32 s3, s9;
	s6 =	sadd.s32 @!p0 $0x88, s6;
	s7 =	simm.s32 @p2 $0x1082  }
0x22: {  	[simem:s7], [sflag:s8] =	dma.local @!p0 [hbm:s6], $0xF7A  }
0x23: {  	s9 =	sor.u32 $0xD0000000, s2;
	s6 =	simm.s32 $0x108;
	_ =	swait.ge @!p0 [sflag:s8], $0x0  }
0x24: {  	s3 =	sadd.s32 $0x88, s3;
	s6 =	simm.s32 @!p1 $0x1082;
	[sflag:s4] =	ssyncset.s32 $0xFFFFF086  }
0x25: {  	[simem:s6], [sflag:s4] =	dma.local [hbm:s3], $0xF7A  }
0x26: {  	[smem:$0x3F8F] =	sst s1;
	(tag) =	ssettag s2;
	_ =	strace s9  }
0x27: {  	s1 =	sld [smem:$0x3F9F]  }
0x28: {  	s2 =	sld [smem:$0x3FA0]  }
0x29: {  	s4 =	sld [smem:$0x3FA2]  }
0x2a: {  	p0 =	seq.s32 s5, $0x0;
	s5 =	sld [smem:$0x3FA3]  }
0x2b: {  	s6 =	sld [smem:$0x3FA4]  }
0x2c: {  	s7 =	sld [smem:$0x3FA5]  }
0x2d: {  	s3 =	simm.s32 $0x108;
	s8 =	sld [smem:$0x3FA6]  }
0x2e: {  	s3 =	simm.s32 @!p0 $0x1082;
	s9 =	sld [smem:$0x3FA7]  }
0x2f: {  	lr =	sadd.s32 s0, s3;
	s0 =	sld [smem:$0x3F9E]  }
0x30: {  	s3 =	sld [smem:$0x3FA1]  }
0x31: {  	[smem:$0x3FAA] =	sst s10  }
0x32: {  	s10 =	sld [smem:$0x3FA8];
	_ =	sdelay $0x3  }
0x33: {  	p0 =	seq.s32 s10, $0x1;
	s10 =	sld [smem:$0x3FAA];
	_ =	sdelay $0x3  }
0x34: {  	[smem:$0x3FAA] =	sst s10  }
0x35: {  	s10 =	sld [smem:$0x3FA9];
	_ =	sdelay $0x3  }
0x36: {  	p1 =	seq.s32 s10, $0x1;
	s10 =	sld [smem:$0x3FAA];
	_ =	sdelay $0x3  }
0x37: {  	[smem:$0x3FAA] =	sst s10  }
0x38: {  	s10 =	sld [smem:$0x3FAB]  }
0x39: {  	_ = 	snop;
	(pc) =	sbr.ind lr, $3  }
0x3a: {  	_ = 	snop  }
0x3b: {  	_ = 	snop  }
0x3c: {  	p2 =	seq.s32 s10, $0x1;
	s10 =	sld [smem:$0x3FAA]  }
0x3d: {  	_ =	shalt  }
0x3e: {  	_ =	shalt  }
0x3f: {  	_ =	shalt  }
0x40: {  	_ =	shalt  }
0x41: {  	_ =	shalt  }
0x42: {  	_ =	shalt  }
0x43: {  	_ =	shalt  }
0x44: {  	_ =	shalt  }
0x45: {  	_ =	shalt  }
0x46: {  	_ =	shalt  }
0x47: {  	_ =	shalt  }
0x48: {  	_ =	shalt  }
0x49: {  	_ =	shalt  }
0x4a: {  	_ =	shalt  }
0x4b: {  	_ =	shalt  }
0x4c: {  	_ =	shalt  }
0x4d: {  	_ =	shalt  }
0x4e: {  	_ =	shalt  }
0x4f: {  	_ =	shalt  }
0x50: {  	_ =	shalt  }
0x51: {  	_ =	shalt  }
0x52: {  	_ =	shalt  }
0x53: {  	_ =	shalt  }
0x54: {  	_ =	shalt  }
0x55: {  	_ =	shalt  }
0x56: {  	_ =	shalt  }
0x57: {  	_ =	shalt  }
0x58: {  	_ =	shalt  }
0x59: {  	_ =	shalt  }
0x5a: {  	_ =	shalt  }
0x5b: {  	_ =	shalt  }
0x5c: {  	_ =	shalt  }
0x5d: {  	_ =	shalt  }
0x5e: {  	_ =	shalt  }
0x5f: {  	_ =	shalt  }
0x60: {  	_ =	shalt  }
0x61: {  	_ =	shalt  }
0x62: {  	_ =	shalt  }
0x63: {  	_ =	shalt  }
0x64: {  	_ =	shalt  }
0x65: {  	_ =	shalt  }
0x66: {  	_ =	shalt  }
0x67: {  	_ =	shalt  }
0x68: {  	_ =	shalt  }
0x69: {  	_ =	shalt  }
0x6a: {  	_ =	shalt  }
0x6b: {  	_ =	shalt  }
0x6c: {  	_ =	shalt  }
0x6d: {  	_ =	shalt  }
0x6e: {  	_ =	shalt  }
0x6f: {  	_ =	shalt  }
0x70: {  	_ =	shalt  }
0x71: {  	_ =	shalt  }
0x72: {  	_ =	shalt  }
0x73: {  	_ =	shalt  }
0x74: {  	_ =	shalt  }
0x75: {  	_ =	shalt  }
0x76: {  	_ =	shalt  }
0x77: {  	_ =	shalt  }
0x78: {  	_ =	shalt  }
0x79: {  	_ =	shalt  }
0x7a: {  	_ =	shalt  }
0x7b: {  	_ =	shalt  }
0x7c: {  	_ =	shalt  }
0x7d: {  	_ =	shalt  }
0x7e: {  	_ =	shalt  }
0x7f: {  	_ =	shalt  }
0x80: {  	_ =	shalt  }
0x81: {  	_ =	shalt  }
0x82: {  	_ =	shalt  }
0x83: {  	_ =	shalt  }
0x84: {  	_ =	shalt  }
0x85: {  	_ =	shalt  }
0x86: {  	_ =	shalt  }
0x87: {  	_ =	shalt  }
.Lfunc_end0:
.L_simem_size_0:
called_computation_lowered:
.L_overlay_start_0:
0x88: {  	s2 =	sld [smem:$0x3FD9]  }
0x89: {  	s3 =	sld [smem:$0x3FFE];
	_ =	sdelay $0x1  }
0x8a: {  	s1 =	srdreg.scid  }
0x8b: {  	s0 =	sand.u32 $0x1, s1  }
0x8c: {  	s17 =	sshll.u32 s0, $0xA;
	s2 =	sadd.s32 s3, s2  }
0x8d: {  	s2 =	sadd.s32 s2, s17  }
0x8e: {  	[smem:$0x3FB6] =	sst s2  }
0x8f: {  	_ = 	snop  }
0x90: {  	(tm) =	ssettm $0x1  }
0x91: {  	s18 =	sld [smem:$0x3FFB];
	_ =	sdelay $0x3  }
0x92: {  	_ =	strace s18  }
0x93: {  	s2 =	sld [smem:$0x3FFC];
	_ =	sdelay $0x3  }
0x94: {  	_ =	strace s2  }
0x95: {  	s2 =	sld [smem:$0x3FFD];
	_ =	sdelay $0x3  }
0x96: {  	_ =	strace s2  }
0x97: {  	_ =	strace $0x8FFFFFFF  }
0x98: {  	s19 =	sld [smem:$0x3FDB];
	_ =	sdelay $0x1  }
0x99: {  	s20 =	simm.s32 $_scs_section_size  }
0x9a: {  	s4 =	simm.s32 $_size__tile_overlayer_lowered;
	s5 =	simm.s32 $_tile_overlayer_lowered  }
0x9b: {  	s6 =	simm.s32 $0x1BFF;
	s21 =	sshll.u32 s5, $0x1;
	s3 =	sadd.s32 s20, s19  }
0x9c: {  	s22 =	simm.s32 $0x0;
	s4 =	sshll.u32 s4, $0x1;
	s5 =	sadd.s32 s21, s3  }
0x9d: {  	[timem:s22], [sflag:s6] =	dma.local [hbm:s5], s4  }
0x9e: {  	_ =	swait.ge [sflag:s6], s4  }
0x9f: {  	s4 =	ssub.s32 $0x0, s4;
	[sflag:s6] =	ssyncset.done $0x0  }
0xa0: {  	[sflag:s6] =	ssyncadd.s32 s4;
	_ =	sdelay $0x1  }
0xa1: {  	s23 =	simm.s32 $0x1B8B  }
0xa2: {  	_ =	swait.ge [sflag:s23], $0x1  }
0xa3: {  	[sflag:s23] =	ssyncset.done $0x0  }
0xa4: {  	[sflag:s23] =	ssyncadd.s32 $0xFFFFFFFF  }
0xa5: {  	s4 =	sld [smem:$0x0]  }
0xa6: {  	s5 =	sand.u32 $0xFFFFFFFE, s1  }
0xa7: {  	p0 =	sne.s32 s1, s5  }
0xa8: {  	s5 =	sshll.u32 @p0 s5, $0xE  }
0xa9: {  	s5 =	sadd.s32 @p0 $0x11B8D, s5;
	s6 =	sshll.u32 @p0 s4, $0x11  }
0xaa: {  	s5 =	sor.u32 @p0 s6, s5  }
0xab: {  	[sflag:s5] =	ssyncadd.remote.s32 @p0 $0x1;
	_ =	sdelay $0x1  }
0xac: {  	s5 =	simm.s32 @p0 $0x1B8D  }
0xad: {  	_ =	swait.eq @p0 [sflag:s5], $0x1  }
0xae: {  	[sflag:s5] =	ssyncadd.s32 @p0 $0xFFFFFFFF  }
0xaf: {  	s6 =	sshll.u32 @!p0 s1, $0xE  }
0xb0: {  	s6 =	sor.u32 @!p0 $0x4000, s6;
	s5 =	simm.s32 @!p0 $0x1B8D  }
0xb1: {  	s4 =	sshll.u32 @!p0 s4, $0x11;
	s6 =	sadd.s32 @!p0 $0x11B8D, s6;
	_ =	swait.eq @!p0 [sflag:s5], $0x1  }
0xb2: {  	s4 =	sor.u32 @!p0 s4, s6;
	[sflag:s5] =	ssyncadd.s32 @!p0 $0xFFFFFFFF  }
0xb3: {  	s25 =	simm.s32 $0x1B8E;
	s24 =	sld [smem:$0x3FFE];
	[sflag:s4] =	ssyncadd.remote.s32 @!p0 $0x1  }
0xb4: {  	s26 =	simm.s32 $execute0_lowered;
	[smem:$0x3FD2] =	sst s25  }
0xb5: {  	s5 =	sshll.u32 s26, $0x1;
	_ =	strace $0x80000049;
	[dreg:$0x1] =	wrdreg $0xFFFFFFFF  }
0xb6: {  	s28 =	simm.s32 $_size_execute0_lowered;
	s3 =	sadd.s32 s3, s5;
	[dreg:$0x0] =	wrdreg $0x0  }
0xb7: {  	s5 =	sshll.u32 s28, $0x1;
	[dreg:$0x2] =	wrdreg s3  }
0xb8: {  	[dreg:$0x3] =	wrdreg s5  }
0xb9: {  	[dreg:$0x4] =	wrdreg $0xC0  }
0xba: {  	_ =	task [dreg:s22], $0x5FFFF  }
0xbb: {  	[dreg:$0x1] =	wrdreg $0xFFFFFFFF  }
0xbc: {  	[dreg:$0x0] =	wrdreg $0x60  }
0xbd: {  	[dreg:$0x2] =	wrdreg s24  }
0xbe: {  	[dreg:$0x3] =	wrdreg $0x90000  }
0xbf: {  	[dreg:$0x4] =	wrdreg $0x9  }
0xc0: {  	_ =	task.clear_ibuf [dreg:s22], $0x5FFFF;
	_ =	strace $0x90000049  }
0xc1: {  	s29 =	simm.s32 $0x9;
	_ =	strace $0x8000004B  }
0xc2: {  	_ =	swait.ge [sflag:s29], $0x1  }
0xc3: {  	[sflag:s29] =	ssyncadd.s32 $0xFFFFFFFF  }
0xc4: {  	_ =	strace $0x9000004B  }
0xc5: {  	_ =	sfence  }
0xc6: {  	s30 =	sld [smem:$0x0];
	_ =	sdelay $0x2  }
0xc7: {  	s31 =	sshll.u32 s1, $0xD;
	s1 =	sshrl.u32 s1, $0x2  }
0xc8: {  	s4 =	sand.u32 $0x4000, s31;
	s1 =	sadd.s32 s1, s30  }
0xc9: {  	s0 =	sor.u32 s4, s0;
	s1 =	sshll.u32 s1, $0x11  }
0xca: {  	s0 =	sor.u32 s1, s0  }
0xcb: {  	s0 =	sadd.s32 $0x8F2B, s0  }
0xcc: {  	[sflag:s0] =	ssyncadd.remote.s32 $0x1  }
0xcd: {  	_ =	sfence.sel $0xFFFF  }
0xce: {  	[dreg:$0x0] =	wrdreg $0xFFFFFFFF;
	(pc) =	sbr.abs _section_cstart, $3  }
0xcf: {  	[dreg:$0x1] =	wrdreg $0xFFFFFFFF  }
0xd0: {  	_ =	task.clear_ibuf [dreg:s22], $0x2FFFF;
	_ =	strace $0x9FFFFFFF  }
0xd1: {  	(tm) =	ssettm $0x7FFFFFFF  }
tec
execute0_lowered:
.L_overlay_start_1:
0x0: {  	(tag) =	ssettag $0x1  }
0x1: {  	s6 =	rddreg [dreg:$0x0]  }
0x2: {  	s1 =	rddreg [dreg:$0x1]  }
0x3: {  	s0 =	rddreg [dreg:$0x2]  }
0x4: {  	s2 =	simm.s32 $0x0;
	s3 =	srdreg.scid;
	s28 =	simm.s32 $0x50  }
0x5: {  	s29 =	simm.s32 $0x0;
	[smem:$0x7FF] =	sst s2;
	s11 =	sand.u32 $0x1, s3  }
0x6: {  	s4 =	sadd.s32 $0x13E00, s6;
	s5 =	sadd.s32 $0x64400, s6;
	s22 =	sadd.s32 $0x64A00, s6  }
0x7: {  	_ =	strace $0x8000004A;
	s3 =	sshll.u32 s11, $0xB;
	s8 =	ssub.s32 $0x2, s11  }
0x8: {  	s21 =	smul.u32 $0x140000, s11;
	s7 =	sadd.s32 s3, s6;
	s3 =	stileid.u32  }
0x9: {  	s31 =	sshrl.u32 s8, $0x1;
	s9 =	smul.u32 $0x50000, s3;
	s10 =	sshll.u32 s3, $0xC  }
0xa: {  	s14 =	smul.u32 $0x14000, s3;
	s23 =	ssub.s32 s8, s31;
	s7 =	sadd.s32 s10, s7  }
0xb: {  	s23 =	smax.u32 s23, $0x1;
	s9 =	sshrl.u32 s9, $0x2;
	s6 =	sadd.s32 $0x3E00, s7  }
0xc: {  	s15 =	sor.u32 $0x2800, s14;
	s17 =	sadd.s32 $0x5000, s14;
	s18 =	sadd.s32 $0x7800, s14  }
0xd: {  	s19 =	sadd.s32 $0xA000, s14;
	s20 =	sadd.s32 $0xC800, s14;
	s24 =	sadd.s32 $0xF000, s14  }
0xe: {  	s16 =	sadd.s32 s14, s21;
	s25 =	sadd.s32 $0x11800, s14;
	s7 =	sadd.s32 s9, s1  }
0xf: {  	s8 =	sadd.s32 s15, s1;
	s9 =	sadd.s32 s17, s1;
	s10 =	sadd.s32 s18, s1  }
0x10: {  	s11 =	sadd.s32 s19, s1;
	s12 =	sadd.s32 s20, s1;
	s13 =	sadd.s32 s24, s1  }
0x11: {  	s15 =	sadd.s32 s21, s15;
	s16 =	sshrl.u32 s16, $0x3;
	s14 =	sadd.s32 s25, s1  }
0x12: {  	s17 =	sadd.s32 s21, s17;
	s18 =	sadd.s32 s21, s18;
	s19 =	sadd.s32 s21, s19  }
0x13: {  	s20 =	sadd.s32 s21, s20;
	s24 =	sadd.s32 s21, s24;
	s21 =	sadd.s32 s21, s25  }
0x14: {  	s26 =	sshrl.u32 s15, $0x3;
	s15 =	sadd.s32 s22, s16;
	s17 =	sshrl.u32 s17, $0x3  }
0x15: {  	s18 =	sshrl.u32 s18, $0x3;
	s19 =	sshrl.u32 s19, $0x3;
	s20 =	sshrl.u32 s20, $0x3  }
0x16: {  	s24 =	sshrl.u32 s24, $0x3;
	s25 =	sshrl.u32 s21, $0x3;
	s16 =	sadd.s32 s22, s26  }
0x17: {  	s17 =	sadd.s32 s22, s17;
	s18 =	sadd.s32 s22, s18;
	s19 =	sadd.s32 s22, s19  }
0x18: {  	s20 =	sadd.s32 s22, s20;
	s21 =	sadd.s32 s22, s24;
	s22 =	sadd.s32 s22, s25  }
0x19: {  	s24 =	simm.s32 $0x1;
	s25 =	simm.s32 $0x6800;
	s26 =	simm.s32 $0x4000  }
.LBB2_1:
0x1a: {  	[tilespmem:s2], [sflag:$0x1] =	stream.linear.gather [hbm4b:s6+s2], $0x3E80, $0x38;
	[tilespmem:$0x1D000] =	vst v63  }
0x1b: {  	_ =	swait.ge [sflag:s24], $0x3E80  }
0x1c: {  	[sflag:s24] =	ssyncset.done $0x0  }
0x1d: {  	[sflag:s24] =	ssyncadd.s32 $0xFFFFC180  }
0x1e: {  	[tilespmem:s25], [sflag:$0x1] =	stream.linear.gather [hbm4b:s4+s2], $0x2800, $0x38;
	[tilespmem:$0x1D000] =	vst v63  }
0x1f: {  	_ =	swait.ge [sflag:s24], $0x2800  }
0x20: {  	[sflag:s24] =	ssyncset.done $0x0  }
0x21: {  	[sflag:s24] =	ssyncadd.s32 $0xFFFFD800  }
0x22: {  	[tilespmem:s26], [sflag:$0x1] =	stream.linear.gather [hbm4b:s5+s2], $0x2800, $0x38;
	[tilespmem:$0x1D000] =	vst v63  }
0x23: {  	_ =	swait.ge [sflag:s24], $0x2800  }
0x24: {  	[sflag:s24] =	ssyncset.done $0x0  }
0x25: {  	[sflag:s24] =	ssyncadd.s32 $0xFFFFD800  }
0x26: {  	[spmem:s7] =	stream.linear.scatter [tilespmem:s25], [sflag:$0x1], $0x2800, $0x38;
	[tilespmem:$0x1D000] =	vst v63  }
0x27: {  	_ =	swait.ge [sflag:s24], $0x2800  }
0x28: {  	[sflag:s24] =	ssyncset.done $0x0  }
0x29: {  	[sflag:s24] =	ssyncadd.s32 $0xFFFFD800  }
0x2a: {  	[spmem:s8] =	stream.linear.scatter [tilespmem:s25], [sflag:$0x1], $0x2800, $0x38;
	[tilespmem:$0x1D000] =	vst v63  }
0x2b: {  	_ =	swait.ge [sflag:s24], $0x2800  }
0x2c: {  	[sflag:s24] =	ssyncset.done $0x0  }
0x2d: {  	[sflag:s24] =	ssyncadd.s32 $0xFFFFD800  }
0x2e: {  	[spmem:s9] =	stream.linear.scatter [tilespmem:s25], [sflag:$0x1], $0x2800, $0x38;
	[tilespmem:$0x1D000] =	vst v63  }
0x2f: {  	_ =	swait.ge [sflag:s24], $0x2800  }
0x30: {  	[sflag:s24] =	ssyncset.done $0x0  }
0x31: {  	[sflag:s24] =	ssyncadd.s32 $0xFFFFD800  }
0x32: {  	[spmem:s10] =	stream.linear.scatter [tilespmem:s25], [sflag:$0x1], $0x2800, $0x38;
	[tilespmem:$0x1D000] =	vst v63  }
0x33: {  	_ =	swait.ge [sflag:s24], $0x2800  }
0x34: {  	[sflag:s24] =	ssyncset.done $0x0  }
0x35: {  	[sflag:s24] =	ssyncadd.s32 $0xFFFFD800  }
0x36: {  	[spmem:s11] =	stream.linear.scatter [tilespmem:s25], [sflag:$0x1], $0x2800, $0x38;
	[tilespmem:$0x1D000] =	vst v63  }
0x37: {  	_ =	swait.ge [sflag:s24], $0x2800  }
0x38: {  	[sflag:s24] =	ssyncset.done $0x0  }
0x39: {  	[sflag:s24] =	ssyncadd.s32 $0xFFFFD800  }
0x3a: {  	[spmem:s12] =	stream.linear.scatter [tilespmem:s25], [sflag:$0x1], $0x2800, $0x38;
	[tilespmem:$0x1D000] =	vst v63  }
0x3b: {  	_ =	swait.ge [sflag:s24], $0x2800  }
0x3c: {  	[sflag:s24] =	ssyncset.done $0x0  }
0x3d: {  	[sflag:s24] =	ssyncadd.s32 $0xFFFFD800  }
0x3e: {  	[spmem:s13] =	stream.linear.scatter [tilespmem:s25], [sflag:$0x1], $0x2800, $0x38;
	[tilespmem:$0x1D000] =	vst v63  }
0x3f: {  	_ =	swait.ge [sflag:s24], $0x2800  }
0x40: {  	[sflag:s24] =	ssyncset.done $0x0  }
0x41: {  	[sflag:s24] =	ssyncadd.s32 $0xFFFFD800  }
0x42: {  	[spmem:s14] =	stream.linear.scatter [tilespmem:s25], [sflag:$0x1], $0x2800, $0x38;
	[tilespmem:$0x1D000] =	vst v63  }
0x43: {  	_ =	swait.ge [sflag:s24], $0x2800  }
0x44: {  	[sflag:s24] =	ssyncset.done $0x0  }
0x45: {  	[sflag:s24] =	ssyncadd.s32 $0xFFFFD800  }
0x46: {  	s30 =	simm.s32 $0x0;
	[bflag:$0x0] =	sbarrier.arrive $0xFFFF  }
0x47: {  	[spmem:s1] =	stream.indirect.scatter.add.f32 [tilespmem:s26], [sflag:$0x1], $0x80, s30, s28, $0xb8;
	[tilespmem:$0x1D000] =	vst v63  }
0x48: {  	_ =	swait.ge [sflag:s24], $0x2800  }
0x49: {  	s30 =	simm.s32 $0x200;
	[sflag:s24] =	ssyncset.done $0x0  }
.LBB2_2:
0x4a: {  	s31 =	sshra.s32 s30, $0x2;
	[sflag:s24] =	ssyncadd.s32 $0xFFFFD800;
	p0 =	sne.s32 s30, $0xF800  }
0x4b: {  	[spmem:s1] =	stream.indirect.scatter.add.f32 [tilespmem:s26], [sflag:$0x1], $0x80, s31, s28, $0xb8;
	[tilespmem:$0x1D000] =	vst v63  }
.Ltmp0:
0x4c: {  	_ = 	snop;
	(pc) =	sbr.rel @p0 .LBB2_2-.Ltmp0, $4  }
0x4d: {  	_ = 	snop  }
0x4e: {  	s30 =	sadd.s32 $0x200, s30  }
0x4f: {  	_ =	swait.ge [sflag:s24], $0x2800  }
0x50: {  	[sflag:s24] =	ssyncset.done $0x0  }
0x51: {  	[sflag:s24] =	ssyncadd.s32 $0xFFFFD800  }
0x52: {  	[bflag:$0x0] =	sbarrier.arrive $0xFFFF  }
0x53: {  	[tilespmem:s25], [sflag:$0x1] =	stream.linear.gather [spmem:s7], $0x2800, $0x38;
	[tilespmem:$0x1D000] =	vst v63  }
0x54: {  	_ =	swait.ge [sflag:s24], $0x2800  }
0x55: {  	[sflag:s24] =	ssyncset.done $0x0  }
0x56: {  	[sflag:s24] =	ssyncadd.s32 $0xFFFFD800  }
0x57: {  	[hbm4b:s15+s2] =	stream.linear.scatter [tilespmem:s25], [sflag:$0x1], $0x2800, $0x38;
	[tilespmem:$0x1D000] =	vst v63  }
0x58: {  	_ =	swait.ge [sflag:s24], $0x2800  }
0x59: {  	[sflag:s24] =	ssyncset.done $0x0  }
0x5a: {  	[sflag:s24] =	ssyncadd.s32 $0xFFFFD800  }
0x5b: {  	[tilespmem:s25], [sflag:$0x1] =	stream.linear.gather [spmem:s8], $0x2800, $0x38;
	[tilespmem:$0x1D000] =	vst v63  }
0x5c: {  	_ =	swait.ge [sflag:s24], $0x2800  }
0x5d: {  	[sflag:s24] =	ssyncset.done $0x0  }
0x5e: {  	[sflag:s24] =	ssyncadd.s32 $0xFFFFD800  }
0x5f: {  	[hbm4b:s16+s2] =	stream.linear.scatter [tilespmem:s25], [sflag:$0x1], $0x2800, $0x38;
	[tilespmem:$0x1D000] =	vst v63  }
0x60: {  	_ =	swait.ge [sflag:s24], $0x2800  }
0x61: {  	[sflag:s24] =	ssyncset.done $0x0  }
0x62: {  	[sflag:s24] =	ssyncadd.s32 $0xFFFFD800  }
0x63: {  	[tilespmem:s25], [sflag:$0x1] =	stream.linear.gather [spmem:s9], $0x2800, $0x38;
	[tilespmem:$0x1D000] =	vst v63  }
0x64: {  	_ =	swait.ge [sflag:s24], $0x2800  }
0x65: {  	[sflag:s24] =	ssyncset.done $0x0  }
0x66: {  	[sflag:s24] =	ssyncadd.s32 $0xFFFFD800  }
0x67: {  	[hbm4b:s17+s2] =	stream.linear.scatter [tilespmem:s25], [sflag:$0x1], $0x2800, $0x38;
	[tilespmem:$0x1D000] =	vst v63  }
0x68: {  	_ =	swait.ge [sflag:s24], $0x2800  }
0x69: {  	[sflag:s24] =	ssyncset.done $0x0  }
0x6a: {  	[sflag:s24] =	ssyncadd.s32 $0xFFFFD800  }
0x6b: {  	[tilespmem:s25], [sflag:$0x1] =	stream.linear.gather [spmem:s10], $0x2800, $0x38;
	[tilespmem:$0x1D000] =	vst v63  }
0x6c: {  	_ =	swait.ge [sflag:s24], $0x2800  }
0x6d: {  	[sflag:s24] =	ssyncset.done $0x0  }
0x6e: {  	[sflag:s24] =	ssyncadd.s32 $0xFFFFD800  }
0x6f: {  	[hbm4b:s18+s2] =	stream.linear.scatter [tilespmem:s25], [sflag:$0x1], $0x2800, $0x38;
	[tilespmem:$0x1D000] =	vst v63  }
0x70: {  	_ =	swait.ge [sflag:s24], $0x2800  }
0x71: {  	[sflag:s24] =	ssyncset.done $0x0  }
0x72: {  	[sflag:s24] =	ssyncadd.s32 $0xFFFFD800  }
0x73: {  	[tilespmem:s25], [sflag:$0x1] =	stream.linear.gather [spmem:s11], $0x2800, $0x38;
	[tilespmem:$0x1D000] =	vst v63  }
0x74: {  	_ =	swait.ge [sflag:s24], $0x2800  }
0x75: {  	[sflag:s24] =	ssyncset.done $0x0  }
0x76: {  	[sflag:s24] =	ssyncadd.s32 $0xFFFFD800  }
0x77: {  	[hbm4b:s19+s2] =	stream.linear.scatter [tilespmem:s25], [sflag:$0x1], $0x2800, $0x38;
	[tilespmem:$0x1D000] =	vst v63  }
0x78: {  	_ =	swait.ge [sflag:s24], $0x2800  }
0x79: {  	[sflag:s24] =	ssyncset.done $0x0  }
0x7a: {  	[sflag:s24] =	ssyncadd.s32 $0xFFFFD800  }
0x7b: {  	[tilespmem:s25], [sflag:$0x1] =	stream.linear.gather [spmem:s12], $0x2800, $0x38;
	[tilespmem:$0x1D000] =	vst v63  }
0x7c: {  	_ =	swait.ge [sflag:s24], $0x2800  }
0x7d: {  	[sflag:s24] =	ssyncset.done $0x0  }
0x7e: {  	[sflag:s24] =	ssyncadd.s32 $0xFFFFD800  }
0x7f: {  	[hbm4b:s20+s2] =	stream.linear.scatter [tilespmem:s25], [sflag:$0x1], $0x2800, $0x38;
	[tilespmem:$0x1D000] =	vst v63  }
0x80: {  	_ =	swait.ge [sflag:s24], $0x2800  }
0x81: {  	[sflag:s24] =	ssyncset.done $0x0  }
0x82: {  	[sflag:s24] =	ssyncadd.s32 $0xFFFFD800  }
0x83: {  	[tilespmem:s25], [sflag:$0x1] =	stream.linear.gather [spmem:s13], $0x2800, $0x38;
	[tilespmem:$0x1D000] =	vst v63  }
0x84: {  	_ =	swait.ge [sflag:s24], $0x2800  }
0x85: {  	[sflag:s24] =	ssyncset.done $0x0  }
0x86: {  	[sflag:s24] =	ssyncadd.s32 $0xFFFFD800  }
0x87: {  	[hbm4b:s21+s2] =	stream.linear.scatter [tilespmem:s25], [sflag:$0x1], $0x2800, $0x38;
	[tilespmem:$0x1D000] =	vst v63  }
0x88: {  	_ =	swait.ge [sflag:s24], $0x2800  }
0x89: {  	[sflag:s24] =	ssyncset.done $0x0  }
0x8a: {  	[sflag:s24] =	ssyncadd.s32 $0xFFFFD800  }
0x8b: {  	[tilespmem:s25], [sflag:$0x1] =	stream.linear.gather [spmem:s14], $0x2800, $0x38;
	[tilespmem:$0x1D000] =	vst v63  }
0x8c: {  	s29 =	sadd.s32 $0x1, s29;
	_ =	swait.ge [sflag:s24], $0x2800  }
0x8d: {  	p0 =	sne.s32 s29, s23;
	[sflag:s24] =	ssyncset.done $0x0  }
.Ltmp1:
0x8e: {  	[sflag:s24] =	ssyncadd.s32 $0xFFFFD800;
	(pc) =	sbr.rel @p0 .LBB2_1-.Ltmp1, $4  }
0x8f: {  	[hbm4b:s22+s2] =	stream.linear.scatter [tilespmem:s25], [sflag:$0x1], $0x2800, $0x38;
	[tilespmem:$0x1D000] =	vst v63  }
0x90: {  	_ =	swait.ge [sflag:s24], $0x2800  }
0x91: {  	[sflag:s24] =	ssyncset.done $0x0  }
0x92: {  	[sflag:s24] =	ssyncadd.s32 $0xFFFFD800  }
0x93: {  	_ =	sfence.sel $0x180000  }
0x94: {  	[bflag:$0x0] =	sbarrier.arrive $0xFFFF  }
0x95: {  	p0 =	sne.s32 s3, $0x0;
	_ =	strace $0x9000004A  }
0x96: {  	s0 =	sadd.s32 @!p0 $0x100000, s0;
	[bflag:$0x2] =	sbarrier.arrive $0xFFFF  }
0x97: {  	[sflag:s0] =	ssyncadd.tile.s32 @!p0 $0x1;
	_ =	shalt  }
.Lfunc_end2:
_tile_overlayer_lowered:
.L_overlay_start_2:
0x98: {  	(tag) =	ssettag $0x2  }
0x99: {  	s0 =	rddreg [dreg:$0x0];
	s2 =	stileid.u32  }
0x9a: {  	s1 =	rddreg [dreg:$0x1];
	p0 =	sne.s32 s2, $0x0  }
0x9b: {  	s3 =	rddreg [dreg:$0x2];
	[bflag:$0x3] =	sbarrier.arrive $0xFFFF;
	s2 =	simm.s32 @!p0 $0x1C01  }
0x9c: {  	[timem:s3], [sflag:s2] =	dma.local @!p0 [hbm:s0], s1  }
0x9d: {  	s0 =	simm.s32 @!p0 $0x1  }
0x9e: {  	_ =	swait.ge @!p0 [sflag:s0], s1  }
0x9f: {  	s1 =	ssub.s32 @!p0 $0x0, s1;
	[sflag:s0] =	ssyncset.done @!p0 $0x0  }
0xa0: {  	[sflag:s0] =	ssyncadd.s32 @!p0 s1  }
0xa1: {  	[bflag:$0x3] =	sbarrier.arrive $0xFFFF  }
0xa2: {  	_ =	shalt  }

</sc_bundles>
